<compile_context>
chip_gen: v7x
topology: tpu7x:2x2x1
jax: 0.10.2.dev20260603
libtpu: 0.0.44.dev20260713+nightly
codegen_flags: <defaults>
</compile_context>

<pallas_src>
import functools

import numpy as np
import jax
import jax.numpy as jnp
from jax import lax
from jax.experimental import pallas as pl
from jax.experimental.pallas import tpu as pltpu
from jax.experimental.pallas import tpu_sc as plsc

B = 8
P = 50000
M = 16
W = 16
CIN = 3
COUT = 16
RR = 0.5

_NC = 2
_NS = 16
_NW = _NC * _NS

_PH = P // 2
_PPAD = 25600
_EDGES = _PPAD * M
_EPW = _EDGES // _NW
_CH = 1280
_NCHUNK = _EPW // _CH
_GB = 128
_NGB = _CH // _GB

_FL = 32


def _sc_gather_build():
    mesh = plsc.VectorSubcoreMesh(core_axis_name="c", subcore_axis_name="s")

    @functools.partial(
        pl.kernel,
        mesh=mesh,
        compiler_params=pltpu.CompilerParams(use_tc_tiling_on_sc=False),
        out_type=jax.ShapeDtypeStruct((_EDGES, _FL), jnp.bfloat16),
        scratch_types=[
            pltpu.VMEM((_CH,), jnp.int32),
            pltpu.VMEM((_CH,), jnp.int32),
            pltpu.VMEM((_CH, _FL), jnp.bfloat16),
            pltpu.VMEM((_CH, _FL), jnp.bfloat16),
            pltpu.SemaphoreType.DMA,
            pltpu.SemaphoreType.DMA,
            pltpu.SemaphoreType.DMA,
        ],
    )
    def sc_gather(ids_hbm, feat_hbm, nb_hbm,
                  idx0, idx1, rows0, rows1, sem_a, sem_b, sem_s):
        wid = lax.axis_index("s") * _NC + lax.axis_index("c")
        base = wid * _EPW

        def pair(k, carry):
            off_a = base + (2 * k) * _CH
            off_b = off_a + _CH
            pltpu.sync_copy(ids_hbm.at[pl.ds(off_a, _CH)], idx0)
            des_a = [
                pltpu.async_copy(
                    feat_hbm.at[idx0.at[pl.ds(j * _GB, _GB)]],
                    rows0.at[pl.ds(j * _GB, _GB)],
                    sem_a,
                )
                for j in range(_NGB)
            ]
            pltpu.sync_copy(ids_hbm.at[pl.ds(off_b, _CH)], idx1)
            des_b = [
                pltpu.async_copy(
                    feat_hbm.at[idx1.at[pl.ds(j * _GB, _GB)]],
                    rows1.at[pl.ds(j * _GB, _GB)],
                    sem_b,
                )
                for j in range(_NGB)
            ]
            for d in des_a:
                d.wait()
            st_a = pltpu.async_copy(rows0, nb_hbm.at[pl.ds(off_a, _CH)], sem_s)
            for d in des_b:
                d.wait()
            st_b = pltpu.async_copy(rows1, nb_hbm.at[pl.ds(off_b, _CH)], sem_s)
            st_a.wait()
            st_b.wait()
            return carry

        lax.fori_loop(0, _NCHUNK // 2, pair, 0)

    return sc_gather


_sc_gather_cache = []


def _sc_gather(ids_pad, feat):
    if not _sc_gather_cache:
        _sc_gather_cache.append(_sc_gather_build())
    return _sc_gather_cache[0](ids_pad, feat)


_TP = 1000
_SQ_PC = float(np.sqrt(1.0 - RR))
_SQ_RES = float(np.sqrt(RR))

_PERM_IB = np.zeros((_FL, _FL), dtype=np.float32)
for _b in range(B):
    for _i in range(CIN):
        _PERM_IB[_b * CIN + _i, _i * B + _b] = 1.0

_REP8 = np.zeros((W, B * W), dtype=np.float32)
for _w in range(W):
    for _b in range(B):
        _REP8[_w, _w * B + _b] = 1.0
_T3 = np.zeros((_FL, CIN * B * W), dtype=np.float32)
for _i in range(CIN):
    for _b in range(B):
        for _w in range(W):
            _T3[_i * B + _b, _i * B * W + _w * B + _b] = 1.0


def _pack_body(in_ref, pref, fb_ref, ff_ref):
    cols = [in_ref[b] for b in range(B)]
    cols.append(jnp.zeros((_TP, _FL - B * CIN), jnp.float32))
    f24 = jnp.concatenate(cols, axis=1)
    f = jnp.dot(f24, pref[...], preferred_element_type=jnp.float32)
    fb_ref[...] = f.astype(jnp.bfloat16)
    ff_ref[...] = f


def _pack_feat(in_pc, interpret=False):
    return pl.pallas_call(
        _pack_body,
        grid=(P // _TP,),
        in_specs=[
            pl.BlockSpec((B, _TP, CIN), lambda t: (0, t, 0)),
            pl.BlockSpec((_FL, _FL), lambda t: (0, 0)),
        ],
        out_specs=[
            pl.BlockSpec((_TP, _FL), lambda t: (t, 0)),
            pl.BlockSpec((_TP, _FL), lambda t: (t, 0)),
        ],
        out_shape=[
            jax.ShapeDtypeStruct((P, _FL), jnp.bfloat16),
            jax.ShapeDtypeStruct((P, _FL), jnp.float32),
        ],
        interpret=interpret,
    )(in_pc, jnp.asarray(_PERM_IB))


def _tc_body(ww_ref, nb_ref, feat_ref, bias_ref, bdw_ref, r32_ref,
             rep8_ref, t3_ref, out_ref, acc0, acc1, acc2):
    accs = [acc0, acc1, acc2]
    for a in accs:
        a[...] = jnp.zeros((_TP, B * W), jnp.float32)
    for m in range(M):
        ww_m = ww_ref[:, m * W:(m + 1) * W].astype(jnp.bfloat16)
        wwe = jnp.dot(ww_m, rep8_ref[...],
                      preferred_element_type=jnp.float32)
        nb_m = nb_ref[:, m * _FL:(m + 1) * _FL]
        nbe3 = jnp.dot(nb_m, t3_ref[...],
                       preferred_element_type=jnp.float32)
        for i in range(CIN):
            accs[i][...] += wwe * nbe3[:, i * B * W:(i + 1) * B * W]
    pc = jnp.dot(accs[0][...].astype(jnp.bfloat16), bdw_ref[0],
                 preferred_element_type=jnp.float32)
    for i in range(1, CIN):
        pc = pc + jnp.dot(accs[i][...].astype(jnp.bfloat16), bdw_ref[i],
                          preferred_element_type=jnp.float32)
    pc = pc + jnp.tile(bias_ref[...], (1, B))
    pc = jnp.where(pc > 0.0, pc, jnp.exp(pc) - 1.0)
    res = jnp.dot(feat_ref[...], r32_ref[...], preferred_element_type=jnp.float32)
    out = pc * _SQ_PC + res * _SQ_RES
    for b in range(B):
        out_ref[b] = out[:, b * COUT:(b + 1) * COUT]


def _tc_forward(ww2, nbv, feat, bias, bdw, r32, half, interpret=False):
    grid = (_PH // _TP,)
    off = half * (_PH // _TP)
    return pl.pallas_call(
        _tc_body,
        grid=grid,
        in_specs=[
            pl.BlockSpec((_TP, M * W), lambda t: (t + off, 0)),
            pl.BlockSpec((_TP, M * _FL), lambda t: (t, 0)),
            pl.BlockSpec((_TP, _FL), lambda t: (t + off, 0)),
            pl.BlockSpec((_TP, COUT), lambda t: (t + off, 0)),
            pl.BlockSpec((CIN, B * W, B * COUT), lambda t: (0, 0, 0)),
            pl.BlockSpec((_FL, B * COUT), lambda t: (0, 0)),
            pl.BlockSpec((W, B * W), lambda t: (0, 0)),
            pl.BlockSpec((_FL, CIN * B * W), lambda t: (0, 0)),
        ],
        out_specs=pl.BlockSpec((B, _TP, COUT), lambda t: (0, t, 0)),
        out_shape=jax.ShapeDtypeStruct((B, _PH, COUT), jnp.float32),
        scratch_shapes=[pltpu.VMEM((_TP, B * W), jnp.float32)
                        for _ in range(CIN)],
        interpret=interpret,
    )(ww2, nbv, feat, bias, bdw, r32,
      jnp.asarray(_REP8, jnp.bfloat16), jnp.asarray(_T3, jnp.bfloat16))


def _prep_weights(weights, weight_res):
    eye8 = jnp.eye(B, dtype=jnp.float32)
    colperm = np.zeros(B * COUT, dtype=np.int32)
    for b in range(B):
        for o in range(COUT):
            colperm[b * COUT + o] = o * B + b
    cp = jnp.asarray(colperm)
    wmats = weights.reshape(W, COUT, CIN)
    bdws = []
    for i in range(CIN):
        k = jnp.kron(wmats[:, :, i], eye8)
        bdws.append(jnp.take(k, cp, axis=1))
    bdw = jnp.stack(bdws, axis=0).astype(jnp.bfloat16)
    r24 = jnp.take(jnp.kron(weight_res.T, eye8), cp, axis=1)
    r32 = jnp.concatenate(
        [r24, jnp.zeros((_FL - B * CIN, B * COUT), jnp.float32)], axis=0)
    return bdw, r32


def kernel(in_pc, neighbor_id_lstlst, weights, bias, w_weights, weight_res):
    feat_bf, feat_f32 = _pack_feat(in_pc)

    ids = neighbor_id_lstlst.reshape(P, M)
    zpad = jnp.zeros((_PPAD - _PH, M), jnp.int32)
    ids1 = jnp.concatenate([ids[:_PH], zpad], axis=0).reshape(_EDGES)
    ids2 = jnp.concatenate([ids[_PH:], zpad], axis=0).reshape(_EDGES)

    ww2 = w_weights.reshape(P, M * W)
    bdw, r32 = _prep_weights(weights, weight_res)

    nbv1 = _sc_gather(ids1, feat_bf).reshape(_PPAD, M * _FL)
    nbv2 = _sc_gather(ids2, feat_bf).reshape(_PPAD, M * _FL)
    out1 = _tc_forward(ww2, nbv1, feat_f32, bias, bdw, r32, 0)
    out2 = _tc_forward(ww2, nbv2, feat_f32, bias, bdw, r32, 1)
    return jnp.concatenate([out1, out2], axis=1)

# --- scband reference (transcript-rebuilt; emitter-appended) ---
"""Pipeline reference for scband-model-11673721110984 (READ-ONLY COPY).

The authoritative reference and input builder live on the scoring server;
editing this copy changes nothing except your own understanding.
"""

import jax, jax.numpy as jnp
import numpy as np

B = 8
P = 50000
M = 16
W = 16
CIN = 3
COUT = 16
RR = 0.5

def setup_inputs(seed: int = 0) -> dict:
    key = jax.random.key(seed)
    k1, k2, k3, k4, k5 = jax.random.split(key, 5)
    in_pc = jax.random.normal(k1, (B, P, CIN), dtype=jnp.float32)
    neighbor_id_lstlst = jax.random.randint(k2, (P, M), 0, P, dtype=jnp.int32)
    weights = jax.random.normal(k3, (W, COUT * CIN), dtype=jnp.float32)
    bias = jnp.zeros((P, COUT), dtype=jnp.float32)
    w_weights = jax.random.normal(k4, (P, M, W), dtype=jnp.float32) / float(M * W)
    weight_res = jax.random.normal(k5, (COUT, CIN), dtype=jnp.float32) / float(COUT)
    return {"in_pc": in_pc, "neighbor_id_lstlst": neighbor_id_lstlst, "weights": weights, "bias": bias, "w_weights": w_weights, "weight_res": weight_res}

def reference(in_pc, neighbor_id_lstlst, weights, bias, w_weights, weight_res):
    # pc_mask: 1 for valid point ids, 0 for the padding id (== P)
    pc_mask = jnp.ones((P + 1,), dtype=jnp.float32).at[P].set(0.0)
    neighbor_mask = pc_mask[neighbor_id_lstlst]                      # [P, M]
    # mask per-neighbor coefficients, then build per-(point,neighbor) conv matrices
    ww = w_weights * neighbor_mask[:, :, None]                        # [P, M, W]
    wpm = jnp.einsum('pmw,wc->pmc', ww, weights)                      # [P, M, COUT*CIN]
    wpm = wpm.reshape(P, M, COUT, CIN)                                # [P, M, COUT, CIN]
    # pad input point cloud with a zero point at index P, gather neighbors
    in_pad = jnp.concatenate([in_pc, jnp.zeros((B, 1, CIN), dtype=in_pc.dtype)], axis=1)
    neighbors = jnp.take(in_pad, neighbor_id_lstlst, axis=1)         # [B, P, M, CIN]
    # per-point per-neighbor linear transform + sum over neighbors, per-point bias
    out_pc = jnp.einsum('pmoi,bpmi->bpo', wpm, neighbors) + bias      # [B, P, COUT]
    out_pc = jax.nn.elu(out_pc)
    # residual branch (in_pn == out_pn, so no p_neighbors pooling; channel projection only)
    out_res = jnp.einsum('bpi,oi->bpo', in_pc, weight_res)           # [B, P, COUT]
    out = out_pc * np.sqrt(1.0 - RR) + out_res * np.sqrt(RR)
    return out

if __name__ == "__main__":
    import jax
    _d = setup_inputs()
    print(jax.jit(kernel)(*tuple(_d.values())))

</pallas_src>

<mosaic_0001>
#map = affine_map<(d0, d1) -> (0)>
#map1 = affine_map<(d0, d1) -> (0, 0)>
module attributes {stable_mosaic.version = 14 : i64} {
  func.func @sc_gather(%arg0: i32, %arg1: i32, %arg2: memref<409600xi32, #tpu.memory_space<hbm>>, %arg3: memref<50000x32xbf16, #tpu.memory_space<hbm>>, %arg4: memref<409600x32xbf16, #tpu.memory_space<hbm>>, %arg5: memref<1280xi32, #tpu.memory_space<vmem>>, %arg6: memref<1280xi32, #tpu.memory_space<vmem>>, %arg7: memref<1280x32xbf16, #tpu.memory_space<vmem>>, %arg8: memref<1280x32xbf16, #tpu.memory_space<vmem>>, %arg9: memref<!tpu.dma_semaphore, #tpu.memory_space<semaphore_mem>>, %arg10: memref<!tpu.dma_semaphore, #tpu.memory_space<semaphore_mem>>, %arg11: memref<!tpu.dma_semaphore, #tpu.memory_space<semaphore_mem>>) attributes {dimension_semantics = [#tpu.dimension_semantics<core_parallel>, #tpu.dimension_semantics<subcore_parallel>], iteration_bounds = array<i64: 2, 16>, scalar_prefetch = 0 : i64, scratch_operands = 7 : i64, tpu.core_type = #tpu.core_type<sc_vector_subcore>, window_params = [{transform_indices = #map}, {transform_indices = #map1}, {transform_indices = #map1}]} {
    %mul3A = arith.constant 2 : i32
    %mul3A_0 = arith.muli %arg1, %mul3A : i32
    %add3A = arith.addi %mul3A_0, %arg0 : i32
    %mul3A_1 = arith.constant 12800 : i32
    %mul3A_2 = arith.muli %add3A, %mul3A_1 : i32
    %scan3A = arith.constant 0 : i32
    %scan3A_3 = arith.constant 0 : i32
    %scan3A_4 = arith.constant 5 : i32
    %scan3A_5 = arith.addi %scan3A_3, %scan3A_4 : i32
    %scan3A_6 = arith.constant 1 : i32
    scf.for %scan3A_8 = %scan3A_3 to %scan3A_5 step %scan3A_6  : i32 {
      %mul3A_9 = arith.constant 2 : i32
      %mul3A_10 = arith.muli %mul3A_9, %scan3A_8 : i32
      %mul3A_11 = arith.constant 1280 : i32
      %mul3A_12 = arith.muli %mul3A_10, %mul3A_11 : i32
      %add3A_13 = arith.addi %mul3A_2, %mul3A_12 : i32
      %add3A_14 = arith.constant 1280 : i32
      %add3A_15 = arith.addi %add3A_13, %add3A_14 : i32
      "tpu.region"() ({
        %run_scoped3A = tpu.sem_alloc : memref<!tpu.dma_semaphore, #tpu.memory_space<semaphore_mem>>
        %dma_start3A_350 = tpu.memref_slice %arg2[%add3A_13] : memref<409600xi32, #tpu.memory_space<hbm>> -> memref<1280xi32, #tpu.memory_space<hbm>>
        %dma_start3A_351 = tpu.memref_slice %arg2[%add3A_13] : memref<409600xi32, #tpu.memory_space<hbm>> -> memref<1280xi32, #tpu.memory_space<hbm>>
        tpu.enqueue_dma source(%dma_start3A_351 : memref<1280xi32, #tpu.memory_space<hbm>>) target(%arg5 : memref<1280xi32, #tpu.memory_space<vmem>>) target_semaphore(%run_scoped3A : memref<!tpu.dma_semaphore, #tpu.memory_space<semaphore_mem>>)
        %dma_wait3A_352 = tpu.memref_slice %arg2[%add3A_13] : memref<409600xi32, #tpu.memory_space<hbm>> -> memref<1280xi32, #tpu.memory_space<hbm>>
        %dma_wait3A_353 = tpu.memref_slice %arg2[%add3A_13] : memref<409600xi32, #tpu.memory_space<hbm>> -> memref<1280xi32, #tpu.memory_space<hbm>>
        tpu.wait_dma2 semaphore(%run_scoped3A : memref<!tpu.dma_semaphore, #tpu.memory_space<semaphore_mem>>) src(%dma_wait3A_353 : memref<1280xi32, #tpu.memory_space<hbm>>) dst(%arg5 : memref<1280xi32, #tpu.memory_space<vmem>>)
        tpu.yield
      }) : () -> ()
      %dma_start3A = arith.constant 0 : i32
      %dma_start3A_16 = arith.constant 0 : i32
      %dma_start3A_17 = tpu.memref_slice %arg7[%dma_start3A, %dma_start3A_16] : memref<1280x32xbf16, #tpu.memory_space<vmem>> -> memref<128x32xbf16, #tpu.memory_space<vmem>>
      %dma_start3A_18 = arith.constant 0 : i32
      %dma_start3A_19 = tpu.memref_slice %arg5[%dma_start3A_18] : memref<1280xi32, #tpu.memory_space<vmem>> -> memref<128xi32, #tpu.memory_space<vmem>>
      %dma_start3A_20 = arith.constant 0 : i32
      %dma_start3A_21 = arith.constant 0 : i32
      %dma_start3A_22 = tpu.memref_slice %arg3[%dma_start3A_20, %dma_start3A_21] : memref<50000x32xbf16, #tpu.memory_space<hbm>> -> memref<50000x32xbf16, #tpu.memory_space<hbm>>
      tpu.enqueue_indirect_dma source(%dma_start3A_22 : memref<50000x32xbf16, #tpu.memory_space<hbm>>) target(%dma_start3A_17 : memref<128x32xbf16, #tpu.memory_space<vmem>>) offsets(%dma_start3A_19 : memref<128xi32, #tpu.memory_space<vmem>>) semaphore(%arg9 : memref<!tpu.dma_semaphore, #tpu.memory_space<semaphore_mem>>)
      %dma_start3A_23 = arith.constant 128 : i32
      %dma_start3A_24 = arith.constant 0 : i32
      %dma_start3A_25 = tpu.memref_slice %arg7[%dma_start3A_23, %dma_start3A_24] : memref<1280x32xbf16, #tpu.memory_space<vmem>> -> memref<128x32xbf16, #tpu.memory_space<vmem>>
      %dma_start3A_26 = arith.constant 128 : i32
      %dma_start3A_27 = tpu.memref_slice %arg5[%dma_start3A_26] : memref<1280xi32, #tpu.memory_space<vmem>> -> memref<128xi32, #tpu.memory_space<vmem>>
      %dma_start3A_28 = arith.constant 0 : i32
      %dma_start3A_29 = arith.constant 0 : i32
      %dma_start3A_30 = tpu.memref_slice %arg3[%dma_start3A_28, %dma_start3A_29] : memref<50000x32xbf16, #tpu.memory_space<hbm>> -> memref<50000x32xbf16, #tpu.memory_space<hbm>>
      tpu.enqueue_indirect_dma source(%dma_start3A_30 : memref<50000x32xbf16, #tpu.memory_space<hbm>>) target(%dma_start3A_25 : memref<128x32xbf16, #tpu.memory_space<vmem>>) offsets(%dma_start3A_27 : memref<128xi32, #tpu.memory_space<vmem>>) semaphore(%arg9 : memref<!tpu.dma_semaphore, #tpu.memory_space<semaphore_mem>>)
      %dma_start3A_31 = arith.constant 256 : i32
      %dma_start3A_32 = arith.constant 0 : i32
      %dma_start3A_33 = tpu.memref_slice %arg7[%dma_start3A_31, %dma_start3A_32] : memref<1280x32xbf16, #tpu.memory_space<vmem>> -> memref<128x32xbf16, #tpu.memory_space<vmem>>
      %dma_start3A_34 = arith.constant 256 : i32
      %dma_start3A_35 = tpu.memref_slice %arg5[%dma_start3A_34] : memref<1280xi32, #tpu.memory_space<vmem>> -> memref<128xi32, #tpu.memory_space<vmem>>
      %dma_start3A_36 = arith.constant 0 : i32
      %dma_start3A_37 = arith.constant 0 : i32
      %dma_start3A_38 = tpu.memref_slice %arg3[%dma_start3A_36, %dma_start3A_37] : memref<50000x32xbf16, #tpu.memory_space<hbm>> -> memref<50000x32xbf16, #tpu.memory_space<hbm>>
      tpu.enqueue_indirect_dma source(%dma_start3A_38 : memref<50000x32xbf16, #tpu.memory_space<hbm>>) target(%dma_start3A_33 : memref<128x32xbf16, #tpu.memory_space<vmem>>) offsets(%dma_start3A_35 : memref<128xi32, #tpu.memory_space<vmem>>) semaphore(%arg9 : memref<!tpu.dma_semaphore, #tpu.memory_space<semaphore_mem>>)
      %dma_start3A_39 = arith.constant 384 : i32
      %dma_start3A_40 = arith.constant 0 : i32
      %dma_start3A_41 = tpu.memref_slice %arg7[%dma_start3A_39, %dma_start3A_40] : memref<1280x32xbf16, #tpu.memory_space<vmem>> -> memref<128x32xbf16, #tpu.memory_space<vmem>>
      %dma_start3A_42 = arith.constant 384 : i32
      %dma_start3A_43 = tpu.memref_slice %arg5[%dma_start3A_42] : memref<1280xi32, #tpu.memory_space<vmem>> -> memref<128xi32, #tpu.memory_space<vmem>>
      %dma_start3A_44 = arith.constant 0 : i32
      %dma_start3A_45 = arith.constant 0 : i32
      %dma_start3A_46 = tpu.memref_slice %arg3[%dma_start3A_44, %dma_start3A_45] : memref<50000x32xbf16, #tpu.memory_space<hbm>> -> memref<50000x32xbf16, #tpu.memory_space<hbm>>
      tpu.enqueue_indirect_dma source(%dma_start3A_46 : memref<50000x32xbf16, #tpu.memory_space<hbm>>) target(%dma_start3A_41 : memref<128x32xbf16, #tpu.memory_space<vmem>>) offsets(%dma_start3A_43 : memref<128xi32, #tpu.memory_space<vmem>>) semaphore(%arg9 : memref<!tpu.dma_semaphore, #tpu.memory_space<semaphore_mem>>)
      %dma_start3A_47 = arith.constant 512 : i32
      %dma_start3A_48 = arith.constant 0 : i32
      %dma_start3A_49 = tpu.memref_slice %arg7[%dma_start3A_47, %dma_start3A_48] : memref<1280x32xbf16, #tpu.memory_space<vmem>> -> memref<128x32xbf16, #tpu.memory_space<vmem>>
      %dma_start3A_50 = arith.constant 512 : i32
      %dma_start3A_51 = tpu.memref_slice %arg5[%dma_start3A_50] : memref<1280xi32, #tpu.memory_space<vmem>> -> memref<128xi32, #tpu.memory_space<vmem>>
      %dma_start3A_52 = arith.constant 0 : i32
      %dma_start3A_53 = arith.constant 0 : i32
      %dma_start3A_54 = tpu.memref_slice %arg3[%dma_start3A_52, %dma_start3A_53] : memref<50000x32xbf16, #tpu.memory_space<hbm>> -> memref<50000x32xbf16, #tpu.memory_space<hbm>>
      tpu.enqueue_indirect_dma source(%dma_start3A_54 : memref<50000x32xbf16, #tpu.memory_space<hbm>>) target(%dma_start3A_49 : memref<128x32xbf16, #tpu.memory_space<vmem>>) offsets(%dma_start3A_51 : memref<128xi32, #tpu.memory_space<vmem>>) semaphore(%arg9 : memref<!tpu.dma_semaphore, #tpu.memory_space<semaphore_mem>>)
      %dma_start3A_55 = arith.constant 640 : i32
      %dma_start3A_56 = arith.constant 0 : i32
      %dma_start3A_57 = tpu.memref_slice %arg7[%dma_start3A_55, %dma_start3A_56] : memref<1280x32xbf16, #tpu.memory_space<vmem>> -> memref<128x32xbf16, #tpu.memory_space<vmem>>
      %dma_start3A_58 = arith.constant 640 : i32
      %dma_start3A_59 = tpu.memref_slice %arg5[%dma_start3A_58] : memref<1280xi32, #tpu.memory_space<vmem>> -> memref<128xi32, #tpu.memory_space<vmem>>
      %dma_start3A_60 = arith.constant 0 : i32
      %dma_start3A_61 = arith.constant 0 : i32
      %dma_start3A_62 = tpu.memref_slice %arg3[%dma_start3A_60, %dma_start3A_61] : memref<50000x32xbf16, #tpu.memory_space<hbm>> -> memref<50000x32xbf16, #tpu.memory_space<hbm>>
      tpu.enqueue_indirect_dma source(%dma_start3A_62 : memref<50000x32xbf16, #tpu.memory_space<hbm>>) target(%dma_start3A_57 : memref<128x32xbf16, #tpu.memory_space<vmem>>) offsets(%dma_start3A_59 : memref<128xi32, #tpu.memory_space<vmem>>) semaphore(%arg9 : memref<!tpu.dma_semaphore, #tpu.memory_space<semaphore_mem>>)
      %dma_start3A_63 = arith.constant 768 : i32
      %dma_start3A_64 = arith.constant 0 : i32
      %dma_start3A_65 = tpu.memref_slice %arg7[%dma_start3A_63, %dma_start3A_64] : memref<1280x32xbf16, #tpu.memory_space<vmem>> -> memref<128x32xbf16, #tpu.memory_space<vmem>>
      %dma_start3A_66 = arith.constant 768 : i32
      %dma_start3A_67 = tpu.memref_slice %arg5[%dma_start3A_66] : memref<1280xi32, #tpu.memory_space<vmem>> -> memref<128xi32, #tpu.memory_space<vmem>>
      %dma_start3A_68 = arith.constant 0 : i32
      %dma_start3A_69 = arith.constant 0 : i32
      %dma_start3A_70 = tpu.memref_slice %arg3[%dma_start3A_68, %dma_start3A_69] : memref<50000x32xbf16, #tpu.memory_space<hbm>> -> memref<50000x32xbf16, #tpu.memory_space<hbm>>
      tpu.enqueue_indirect_dma source(%dma_start3A_70 : memref<50000x32xbf16, #tpu.memory_space<hbm>>) target(%dma_start3A_65 : memref<128x32xbf16, #tpu.memory_space<vmem>>) offsets(%dma_start3A_67 : memref<128xi32, #tpu.memory_space<vmem>>) semaphore(%arg9 : memref<!tpu.dma_semaphore, #tpu.memory_space<semaphore_mem>>)
      %dma_start3A_71 = arith.constant 896 : i32
      %dma_start3A_72 = arith.constant 0 : i32
      %dma_start3A_73 = tpu.memref_slice %arg7[%dma_start3A_71, %dma_start3A_72] : memref<1280x32xbf16, #tpu.memory_space<vmem>> -> memref<128x32xbf16, #tpu.memory_space<vmem>>
      %dma_start3A_74 = arith.constant 896 : i32
      %dma_start3A_75 = tpu.memref_slice %arg5[%dma_start3A_74] : memref<1280xi32, #tpu.memory_space<vmem>> -> memref<128xi32, #tpu.memory_space<vmem>>
      %dma_start3A_76 = arith.constant 0 : i32
      %dma_start3A_77 = arith.constant 0 : i32
      %dma_start3A_78 = tpu.memref_slice %arg3[%dma_start3A_76, %dma_start3A_77] : memref<50000x32xbf16, #tpu.memory_space<hbm>> -> memref<50000x32xbf16, #tpu.memory_space<hbm>>
      tpu.enqueue_indirect_dma source(%dma_start3A_78 : memref<50000x32xbf16, #tpu.memory_space<hbm>>) target(%dma_start3A_73 : memref<128x32xbf16, #tpu.memory_space<vmem>>) offsets(%dma_start3A_75 : memref<128xi32, #tpu.memory_space<vmem>>) semaphore(%arg9 : memref<!tpu.dma_semaphore, #tpu.memory_space<semaphore_mem>>)
      %dma_start3A_79 = arith.constant 1024 : i32
      %dma_start3A_80 = arith.constant 0 : i32
      %dma_start3A_81 = tpu.memref_slice %arg7[%dma_start3A_79, %dma_start3A_80] : memref<1280x32xbf16, #tpu.memory_space<vmem>> -> memref<128x32xbf16, #tpu.memory_space<vmem>>
      %dma_start3A_82 = arith.constant 1024 : i32
      %dma_start3A_83 = tpu.memref_slice %arg5[%dma_start3A_82] : memref<1280xi32, #tpu.memory_space<vmem>> -> memref<128xi32, #tpu.memory_space<vmem>>
      %dma_start3A_84 = arith.constant 0 : i32
      %dma_start3A_85 = arith.constant 0 : i32
      %dma_start3A_86 = tpu.memref_slice %arg3[%dma_start3A_84, %dma_start3A_85] : memref<50000x32xbf16, #tpu.memory_space<hbm>> -> memref<50000x32xbf16, #tpu.memory_space<hbm>>
      tpu.enqueue_indirect_dma source(%dma_start3A_86 : memref<50000x32xbf16, #tpu.memory_space<hbm>>) target(%dma_start3A_81 : memref<128x32xbf16, #tpu.memory_space<vmem>>) offsets(%dma_start3A_83 : memref<128xi32, #tpu.memory_space<vmem>>) semaphore(%arg9 : memref<!tpu.dma_semaphore, #tpu.memory_space<semaphore_mem>>)
      %dma_start3A_87 = arith.constant 1152 : i32
      %dma_start3A_88 = arith.constant 0 : i32
      %dma_start3A_89 = tpu.memref_slice %arg7[%dma_start3A_87, %dma_start3A_88] : memref<1280x32xbf16, #tpu.memory_space<vmem>> -> memref<128x32xbf16, #tpu.memory_space<vmem>>
      %dma_start3A_90 = arith.constant 1152 : i32
      %dma_start3A_91 = tpu.memref_slice %arg5[%dma_start3A_90] : memref<1280xi32, #tpu.memory_space<vmem>> -> memref<128xi32, #tpu.memory_space<vmem>>
      %dma_start3A_92 = arith.constant 0 : i32
      %dma_start3A_93 = arith.constant 0 : i32
      %dma_start3A_94 = tpu.memref_slice %arg3[%dma_start3A_92, %dma_start3A_93] : memref<50000x32xbf16, #tpu.memory_space<hbm>> -> memref<50000x32xbf16, #tpu.memory_space<hbm>>
      tpu.enqueue_indirect_dma source(%dma_start3A_94 : memref<50000x32xbf16, #tpu.memory_space<hbm>>) target(%dma_start3A_89 : memref<128x32xbf16, #tpu.memory_space<vmem>>) offsets(%dma_start3A_91 : memref<128xi32, #tpu.memory_space<vmem>>) semaphore(%arg9 : memref<!tpu.dma_semaphore, #tpu.memory_space<semaphore_mem>>)
      "tpu.region"() ({
        %run_scoped3A = tpu.sem_alloc : memref<!tpu.dma_semaphore, #tpu.memory_space<semaphore_mem>>
        %dma_start3A_350 = tpu.memref_slice %arg2[%add3A_15] : memref<409600xi32, #tpu.memory_space<hbm>> -> memref<1280xi32, #tpu.memory_space<hbm>>
        %dma_start3A_351 = tpu.memref_slice %arg2[%add3A_15] : memref<409600xi32, #tpu.memory_space<hbm>> -> memref<1280xi32, #tpu.memory_space<hbm>>
        tpu.enqueue_dma source(%dma_start3A_351 : memref<1280xi32, #tpu.memory_space<hbm>>) target(%arg6 : memref<1280xi32, #tpu.memory_space<vmem>>) target_semaphore(%run_scoped3A : memref<!tpu.dma_semaphore, #tpu.memory_space<semaphore_mem>>)
        %dma_wait3A_352 = tpu.memref_slice %arg2[%add3A_15] : memref<409600xi32, #tpu.memory_space<hbm>> -> memref<1280xi32, #tpu.memory_space<hbm>>
        %dma_wait3A_353 = tpu.memref_slice %arg2[%add3A_15] : memref<409600xi32, #tpu.memory_space<hbm>> -> memref<1280xi32, #tpu.memory_space<hbm>>
        tpu.wait_dma2 semaphore(%run_scoped3A : memref<!tpu.dma_semaphore, #tpu.memory_space<semaphore_mem>>) src(%dma_wait3A_353 : memref<1280xi32, #tpu.memory_space<hbm>>) dst(%arg6 : memref<1280xi32, #tpu.memory_space<vmem>>)
        tpu.yield
      }) : () -> ()
      %dma_start3A_95 = arith.constant 0 : i32
      %dma_start3A_96 = arith.constant 0 : i32
      %dma_start3A_97 = tpu.memref_slice %arg8[%dma_start3A_95, %dma_start3A_96] : memref<1280x32xbf16, #tpu.memory_space<vmem>> -> memref<128x32xbf16, #tpu.memory_space<vmem>>
      %dma_start3A_98 = arith.constant 0 : i32
      %dma_start3A_99 = tpu.memref_slice %arg6[%dma_start3A_98] : memref<1280xi32, #tpu.memory_space<vmem>> -> memref<128xi32, #tpu.memory_space<vmem>>
      %dma_start3A_100 = arith.constant 0 : i32
      %dma_start3A_101 = arith.constant 0 : i32
      %dma_start3A_102 = tpu.memref_slice %arg3[%dma_start3A_100, %dma_start3A_101] : memref<50000x32xbf16, #tpu.memory_space<hbm>> -> memref<50000x32xbf16, #tpu.memory_space<hbm>>
      tpu.enqueue_indirect_dma source(%dma_start3A_102 : memref<50000x32xbf16, #tpu.memory_space<hbm>>) target(%dma_start3A_97 : memref<128x32xbf16, #tpu.memory_space<vmem>>) offsets(%dma_start3A_99 : memref<128xi32, #tpu.memory_space<vmem>>) semaphore(%arg10 : memref<!tpu.dma_semaphore, #tpu.memory_space<semaphore_mem>>)
      %dma_start3A_103 = arith.constant 128 : i32
      %dma_start3A_104 = arith.constant 0 : i32
      %dma_start3A_105 = tpu.memref_slice %arg8[%dma_start3A_103, %dma_start3A_104] : memref<1280x32xbf16, #tpu.memory_space<vmem>> -> memref<128x32xbf16, #tpu.memory_space<vmem>>
      %dma_start3A_106 = arith.constant 128 : i32
      %dma_start3A_107 = tpu.memref_slice %arg6[%dma_start3A_106] : memref<1280xi32, #tpu.memory_space<vmem>> -> memref<128xi32, #tpu.memory_space<vmem>>
      %dma_start3A_108 = arith.constant 0 : i32
      %dma_start3A_109 = arith.constant 0 : i32
      %dma_start3A_110 = tpu.memref_slice %arg3[%dma_start3A_108, %dma_start3A_109] : memref<50000x32xbf16, #tpu.memory_space<hbm>> -> memref<50000x32xbf16, #tpu.memory_space<hbm>>
      tpu.enqueue_indirect_dma source(%dma_start3A_110 : memref<50000x32xbf16, #tpu.memory_space<hbm>>) target(%dma_start3A_105 : memref<128x32xbf16, #tpu.memory_space<vmem>>) offsets(%dma_start3A_107 : memref<128xi32, #tpu.memory_space<vmem>>) semaphore(%arg10 : memref<!tpu.dma_semaphore, #tpu.memory_space<semaphore_mem>>)
      %dma_start3A_111 = arith.constant 256 : i32
      %dma_start3A_112 = arith.constant 0 : i32
      %dma_start3A_113 = tpu.memref_slice %arg8[%dma_start3A_111, %dma_start3A_112] : memref<1280x32xbf16, #tpu.memory_space<vmem>> -> memref<128x32xbf16, #tpu.memory_space<vmem>>
      %dma_start3A_114 = arith.constant 256 : i32
      %dma_start3A_115 = tpu.memref_slice %arg6[%dma_start3A_114] : memref<1280xi32, #tpu.memory_space<vmem>> -> memref<128xi32, #tpu.memory_space<vmem>>
      %dma_start3A_116 = arith.constant 0 : i32
      %dma_start3A_117 = arith.constant 0 : i32
      %dma_start3A_118 = tpu.memref_slice %arg3[%dma_start3A_116, %dma_start3A_117] : memref<50000x32xbf16, #tpu.memory_space<hbm>> -> memref<50000x32xbf16, #tpu.memory_space<hbm>>
      tpu.enqueue_indirect_dma source(%dma_start3A_118 : memref<50000x32xbf16, #tpu.memory_space<hbm>>) target(%dma_start3A_113 : memref<128x32xbf16, #tpu.memory_space<vmem>>) offsets(%dma_start3A_115 : memref<128xi32, #tpu.memory_space<vmem>>) semaphore(%arg10 : memref<!tpu.dma_semaphore, #tpu.memory_space<semaphore_mem>>)
      %dma_start3A_119 = arith.constant 384 : i32
      %dma_start3A_120 = arith.constant 0 : i32
      %dma_start3A_121 = tpu.memref_slice %arg8[%dma_start3A_119, %dma_start3A_120] : memref<1280x32xbf16, #tpu.memory_space<vmem>> -> memref<128x32xbf16, #tpu.memory_space<vmem>>
      %dma_start3A_122 = arith.constant 384 : i32
      %dma_start3A_123 = tpu.memref_slice %arg6[%dma_start3A_122] : memref<1280xi32, #tpu.memory_space<vmem>> -> memref<128xi32, #tpu.memory_space<vmem>>
      %dma_start3A_124 = arith.constant 0 : i32
      %dma_start3A_125 = arith.constant 0 : i32
      %dma_start3A_126 = tpu.memref_slice %arg3[%dma_start3A_124, %dma_start3A_125] : memref<50000x32xbf16, #tpu.memory_space<hbm>> -> memref<50000x32xbf16, #tpu.memory_space<hbm>>
      tpu.enqueue_indirect_dma source(%dma_start3A_126 : memref<50000x32xbf16, #tpu.memory_space<hbm>>) target(%dma_start3A_121 : memref<128x32xbf16, #tpu.memory_space<vmem>>) offsets(%dma_start3A_123 : memref<128xi32, #tpu.memory_space<vmem>>) semaphore(%arg10 : memref<!tpu.dma_semaphore, #tpu.memory_space<semaphore_mem>>)
      %dma_start3A_127 = arith.constant 512 : i32
      %dma_start3A_128 = arith.constant 0 : i32
      %dma_start3A_129 = tpu.memref_slice %arg8[%dma_start3A_127, %dma_start3A_128] : memref<1280x32xbf16, #tpu.memory_space<vmem>> -> memref<128x32xbf16, #tpu.memory_space<vmem>>
      %dma_start3A_130 = arith.constant 512 : i32
      %dma_start3A_131 = tpu.memref_slice %arg6[%dma_start3A_130] : memref<1280xi32, #tpu.memory_space<vmem>> -> memref<128xi32, #tpu.memory_space<vmem>>
      %dma_start3A_132 = arith.constant 0 : i32
      %dma_start3A_133 = arith.constant 0 : i32
      %dma_start3A_134 = tpu.memref_slice %arg3[%dma_start3A_132, %dma_start3A_133] : memref<50000x32xbf16, #tpu.memory_space<hbm>> -> memref<50000x32xbf16, #tpu.memory_space<hbm>>
      tpu.enqueue_indirect_dma source(%dma_start3A_134 : memref<50000x32xbf16, #tpu.memory_space<hbm>>) target(%dma_start3A_129 : memref<128x32xbf16, #tpu.memory_space<vmem>>) offsets(%dma_start3A_131 : memref<128xi32, #tpu.memory_space<vmem>>) semaphore(%arg10 : memref<!tpu.dma_semaphore, #tpu.memory_space<semaphore_mem>>)
      %dma_start3A_135 = arith.constant 640 : i32
      %dma_start3A_136 = arith.constant 0 : i32
      %dma_start3A_137 = tpu.memref_slice %arg8[%dma_start3A_135, %dma_start3A_136] : memref<1280x32xbf16, #tpu.memory_space<vmem>> -> memref<128x32xbf16, #tpu.memory_space<vmem>>
      %dma_start3A_138 = arith.constant 640 : i32
      %dma_start3A_139 = tpu.memref_slice %arg6[%dma_start3A_138] : memref<1280xi32, #tpu.memory_space<vmem>> -> memref<128xi32, #tpu.memory_space<vmem>>
      %dma_start3A_140 = arith.constant 0 : i32
      %dma_start3A_141 = arith.constant 0 : i32
      %dma_start3A_142 = tpu.memref_slice %arg3[%dma_start3A_140, %dma_start3A_141] : memref<50000x32xbf16, #tpu.memory_space<hbm>> -> memref<50000x32xbf16, #tpu.memory_space<hbm>>
      tpu.enqueue_indirect_dma source(%dma_start3A_142 : memref<50000x32xbf16, #tpu.memory_space<hbm>>) target(%dma_start3A_137 : memref<128x32xbf16, #tpu.memory_space<vmem>>) offsets(%dma_start3A_139 : memref<128xi32, #tpu.memory_space<vmem>>) semaphore(%arg10 : memref<!tpu.dma_semaphore, #tpu.memory_space<semaphore_mem>>)
      %dma_start3A_143 = arith.constant 768 : i32
      %dma_start3A_144 = arith.constant 0 : i32
      %dma_start3A_145 = tpu.memref_slice %arg8[%dma_start3A_143, %dma_start3A_144] : memref<1280x32xbf16, #tpu.memory_space<vmem>> -> memref<128x32xbf16, #tpu.memory_space<vmem>>
      %dma_start3A_146 = arith.constant 768 : i32
      %dma_start3A_147 = tpu.memref_slice %arg6[%dma_start3A_146] : memref<1280xi32, #tpu.memory_space<vmem>> -> memref<128xi32, #tpu.memory_space<vmem>>
      %dma_start3A_148 = arith.constant 0 : i32
      %dma_start3A_149 = arith.constant 0 : i32
      %dma_start3A_150 = tpu.memref_slice %arg3[%dma_start3A_148, %dma_start3A_149] : memref<50000x32xbf16, #tpu.memory_space<hbm>> -> memref<50000x32xbf16, #tpu.memory_space<hbm>>
      tpu.enqueue_indirect_dma source(%dma_start3A_150 : memref<50000x32xbf16, #tpu.memory_space<hbm>>) target(%dma_start3A_145 : memref<128x32xbf16, #tpu.memory_space<vmem>>) offsets(%dma_start3A_147 : memref<128xi32, #tpu.memory_space<vmem>>) semaphore(%arg10 : memref<!tpu.dma_semaphore, #tpu.memory_space<semaphore_mem>>)
      %dma_start3A_151 = arith.constant 896 : i32
      %dma_start3A_152 = arith.constant 0 : i32
      %dma_start3A_153 = tpu.memref_slice %arg8[%dma_start3A_151, %dma_start3A_152] : memref<1280x32xbf16, #tpu.memory_space<vmem>> -> memref<128x32xbf16, #tpu.memory_space<vmem>>
      %dma_start3A_154 = arith.constant 896 : i32
      %dma_start3A_155 = tpu.memref_slice %arg6[%dma_start3A_154] : memref<1280xi32, #tpu.memory_space<vmem>> -> memref<128xi32, #tpu.memory_space<vmem>>
      %dma_start3A_156 = arith.constant 0 : i32
      %dma_start3A_157 = arith.constant 0 : i32
      %dma_start3A_158 = tpu.memref_slice %arg3[%dma_start3A_156, %dma_start3A_157] : memref<50000x32xbf16, #tpu.memory_space<hbm>> -> memref<50000x32xbf16, #tpu.memory_space<hbm>>
      tpu.enqueue_indirect_dma source(%dma_start3A_158 : memref<50000x32xbf16, #tpu.memory_space<hbm>>) target(%dma_start3A_153 : memref<128x32xbf16, #tpu.memory_space<vmem>>) offsets(%dma_start3A_155 : memref<128xi32, #tpu.memory_space<vmem>>) semaphore(%arg10 : memref<!tpu.dma_semaphore, #tpu.memory_space<semaphore_mem>>)
      %dma_start3A_159 = arith.constant 1024 : i32
      %dma_start3A_160 = arith.constant 0 : i32
      %dma_start3A_161 = tpu.memref_slice %arg8[%dma_start3A_159, %dma_start3A_160] : memref<1280x32xbf16, #tpu.memory_space<vmem>> -> memref<128x32xbf16, #tpu.memory_space<vmem>>
      %dma_start3A_162 = arith.constant 1024 : i32
      %dma_start3A_163 = tpu.memref_slice %arg6[%dma_start3A_162] : memref<1280xi32, #tpu.memory_space<vmem>> -> memref<128xi32, #tpu.memory_space<vmem>>
      %dma_start3A_164 = arith.constant 0 : i32
      %dma_start3A_165 = arith.constant 0 : i32
      %dma_start3A_166 = tpu.memref_slice %arg3[%dma_start3A_164, %dma_start3A_165] : memref<50000x32xbf16, #tpu.memory_space<hbm>> -> memref<50000x32xbf16, #tpu.memory_space<hbm>>
      tpu.enqueue_indirect_dma source(%dma_start3A_166 : memref<50000x32xbf16, #tpu.memory_space<hbm>>) target(%dma_start3A_161 : memref<128x32xbf16, #tpu.memory_space<vmem>>) offsets(%dma_start3A_163 : memref<128xi32, #tpu.memory_space<vmem>>) semaphore(%arg10 : memref<!tpu.dma_semaphore, #tpu.memory_space<semaphore_mem>>)
      %dma_start3A_167 = arith.constant 1152 : i32
      %dma_start3A_168 = arith.constant 0 : i32
      %dma_start3A_169 = tpu.memref_slice %arg8[%dma_start3A_167, %dma_start3A_168] : memref<1280x32xbf16, #tpu.memory_space<vmem>> -> memref<128x32xbf16, #tpu.memory_space<vmem>>
      %dma_start3A_170 = arith.constant 1152 : i32
      %dma_start3A_171 = tpu.memref_slice %arg6[%dma_start3A_170] : memref<1280xi32, #tpu.memory_space<vmem>> -> memref<128xi32, #tpu.memory_space<vmem>>
      %dma_start3A_172 = arith.constant 0 : i32
      %dma_start3A_173 = arith.constant 0 : i32
      %dma_start3A_174 = tpu.memref_slice %arg3[%dma_start3A_172, %dma_start3A_173] : memref<50000x32xbf16, #tpu.memory_space<hbm>> -> memref<50000x32xbf16, #tpu.memory_space<hbm>>
      tpu.enqueue_indirect_dma source(%dma_start3A_174 : memref<50000x32xbf16, #tpu.memory_space<hbm>>) target(%dma_start3A_169 : memref<128x32xbf16, #tpu.memory_space<vmem>>) offsets(%dma_start3A_171 : memref<128xi32, #tpu.memory_space<vmem>>) semaphore(%arg10 : memref<!tpu.dma_semaphore, #tpu.memory_space<semaphore_mem>>)
      %dma_wait3A = arith.constant 0 : i32
      %dma_wait3A_175 = arith.constant 0 : i32
      %dma_wait3A_176 = tpu.memref_slice %arg7[%dma_wait3A, %dma_wait3A_175] : memref<1280x32xbf16, #tpu.memory_space<vmem>> -> memref<128x32xbf16, #tpu.memory_space<vmem>>
      %dma_wait3A_177 = arith.constant 0 : i32
      %dma_wait3A_178 = tpu.memref_slice %arg5[%dma_wait3A_177] : memref<1280xi32, #tpu.memory_space<vmem>> -> memref<128xi32, #tpu.memory_space<vmem>>
      %dma_wait3A_179 = arith.constant 0 : i32
      %dma_wait3A_180 = arith.constant 0 : i32
      %dma_wait3A_181 = tpu.memref_slice %arg3[%dma_wait3A_179, %dma_wait3A_180] : memref<50000x32xbf16, #tpu.memory_space<hbm>> -> memref<50000x32xbf16, #tpu.memory_space<hbm>>
      tpu.wait_indirect_dma semaphore(%arg9 : memref<!tpu.dma_semaphore, #tpu.memory_space<semaphore_mem>>) src(%dma_wait3A_181 : memref<50000x32xbf16, #tpu.memory_space<hbm>>) dst(%dma_wait3A_176 : memref<128x32xbf16, #tpu.memory_space<vmem>>)
      %dma_wait3A_182 = arith.constant 128 : i32
      %dma_wait3A_183 = arith.constant 0 : i32
      %dma_wait3A_184 = tpu.memref_slice %arg7[%dma_wait3A_182, %dma_wait3A_183] : memref<1280x32xbf16, #tpu.memory_space<vmem>> -> memref<128x32xbf16, #tpu.memory_space<vmem>>
      %dma_wait3A_185 = arith.constant 128 : i32
      %dma_wait3A_186 = tpu.memref_slice %arg5[%dma_wait3A_185] : memref<1280xi32, #tpu.memory_space<vmem>> -> memref<128xi32, #tpu.memory_space<vmem>>
      %dma_wait3A_187 = arith.constant 0 : i32
      %dma_wait3A_188 = arith.constant 0 : i32
      %dma_wait3A_189 = tpu.memref_slice %arg3[%dma_wait3A_187, %dma_wait3A_188] : memref<50000x32xbf16, #tpu.memory_space<hbm>> -> memref<50000x32xbf16, #tpu.memory_space<hbm>>
      tpu.wait_indirect_dma semaphore(%arg9 : memref<!tpu.dma_semaphore, #tpu.memory_space<semaphore_mem>>) src(%dma_wait3A_189 : memref<50000x32xbf16, #tpu.memory_space<hbm>>) dst(%dma_wait3A_184 : memref<128x32xbf16, #tpu.memory_space<vmem>>)
      %dma_wait3A_190 = arith.constant 256 : i32
      %dma_wait3A_191 = arith.constant 0 : i32
      %dma_wait3A_192 = tpu.memref_slice %arg7[%dma_wait3A_190, %dma_wait3A_191] : memref<1280x32xbf16, #tpu.memory_space<vmem>> -> memref<128x32xbf16, #tpu.memory_space<vmem>>
      %dma_wait3A_193 = arith.constant 256 : i32
      %dma_wait3A_194 = tpu.memref_slice %arg5[%dma_wait3A_193] : memref<1280xi32, #tpu.memory_space<vmem>> -> memref<128xi32, #tpu.memory_space<vmem>>
      %dma_wait3A_195 = arith.constant 0 : i32
      %dma_wait3A_196 = arith.constant 0 : i32
      %dma_wait3A_197 = tpu.memref_slice %arg3[%dma_wait3A_195, %dma_wait3A_196] : memref<50000x32xbf16, #tpu.memory_space<hbm>> -> memref<50000x32xbf16, #tpu.memory_space<hbm>>
      tpu.wait_indirect_dma semaphore(%arg9 : memref<!tpu.dma_semaphore, #tpu.memory_space<semaphore_mem>>) src(%dma_wait3A_197 : memref<50000x32xbf16, #tpu.memory_space<hbm>>) dst(%dma_wait3A_192 : memref<128x32xbf16, #tpu.memory_space<vmem>>)
      %dma_wait3A_198 = arith.constant 384 : i32
      %dma_wait3A_199 = arith.constant 0 : i32
      %dma_wait3A_200 = tpu.memref_slice %arg7[%dma_wait3A_198, %dma_wait3A_199] : memref<1280x32xbf16, #tpu.memory_space<vmem>> -> memref<128x32xbf16, #tpu.memory_space<vmem>>
      %dma_wait3A_201 = arith.constant 384 : i32
      %dma_wait3A_202 = tpu.memref_slice %arg5[%dma_wait3A_201] : memref<1280xi32, #tpu.memory_space<vmem>> -> memref<128xi32, #tpu.memory_space<vmem>>
      %dma_wait3A_203 = arith.constant 0 : i32
      %dma_wait3A_204 = arith.constant 0 : i32
      %dma_wait3A_205 = tpu.memref_slice %arg3[%dma_wait3A_203, %dma_wait3A_204] : memref<50000x32xbf16, #tpu.memory_space<hbm>> -> memref<50000x32xbf16, #tpu.memory_space<hbm>>
      tpu.wait_indirect_dma semaphore(%arg9 : memref<!tpu.dma_semaphore, #tpu.memory_space<semaphore_mem>>) src(%dma_wait3A_205 : memref<50000x32xbf16, #tpu.memory_space<hbm>>) dst(%dma_wait3A_200 : memref<128x32xbf16, #tpu.memory_space<vmem>>)
      %dma_wait3A_206 = arith.constant 512 : i32
      %dma_wait3A_207 = arith.constant 0 : i32
      %dma_wait3A_208 = tpu.memref_slice %arg7[%dma_wait3A_206, %dma_wait3A_207] : memref<1280x32xbf16, #tpu.memory_space<vmem>> -> memref<128x32xbf16, #tpu.memory_space<vmem>>
      %dma_wait3A_209 = arith.constant 512 : i32
      %dma_wait3A_210 = tpu.memref_slice %arg5[%dma_wait3A_209] : memref<1280xi32, #tpu.memory_space<vmem>> -> memref<128xi32, #tpu.memory_space<vmem>>
      %dma_wait3A_211 = arith.constant 0 : i32
      %dma_wait3A_212 = arith.constant 0 : i32
      %dma_wait3A_213 = tpu.memref_slice %arg3[%dma_wait3A_211, %dma_wait3A_212] : memref<50000x32xbf16, #tpu.memory_space<hbm>> -> memref<50000x32xbf16, #tpu.memory_space<hbm>>
      tpu.wait_indirect_dma semaphore(%arg9 : memref<!tpu.dma_semaphore, #tpu.memory_space<semaphore_mem>>) src(%dma_wait3A_213 : memref<50000x32xbf16, #tpu.memory_space<hbm>>) dst(%dma_wait3A_208 : memref<128x32xbf16, #tpu.memory_space<vmem>>)
      %dma_wait3A_214 = arith.constant 640 : i32
      %dma_wait3A_215 = arith.constant 0 : i32
      %dma_wait3A_216 = tpu.memref_slice %arg7[%dma_wait3A_214, %dma_wait3A_215] : memref<1280x32xbf16, #tpu.memory_space<vmem>> -> memref<128x32xbf16, #tpu.memory_space<vmem>>
      %dma_wait3A_217 = arith.constant 640 : i32
      %dma_wait3A_218 = tpu.memref_slice %arg5[%dma_wait3A_217] : memref<1280xi32, #tpu.memory_space<vmem>> -> memref<128xi32, #tpu.memory_space<vmem>>
      %dma_wait3A_219 = arith.constant 0 : i32
      %dma_wait3A_220 = arith.constant 0 : i32
      %dma_wait3A_221 = tpu.memref_slice %arg3[%dma_wait3A_219, %dma_wait3A_220] : memref<50000x32xbf16, #tpu.memory_space<hbm>> -> memref<50000x32xbf16, #tpu.memory_space<hbm>>
      tpu.wait_indirect_dma semaphore(%arg9 : memref<!tpu.dma_semaphore, #tpu.memory_space<semaphore_mem>>) src(%dma_wait3A_221 : memref<50000x32xbf16, #tpu.memory_space<hbm>>) dst(%dma_wait3A_216 : memref<128x32xbf16, #tpu.memory_space<vmem>>)
      %dma_wait3A_222 = arith.constant 768 : i32
      %dma_wait3A_223 = arith.constant 0 : i32
      %dma_wait3A_224 = tpu.memref_slice %arg7[%dma_wait3A_222, %dma_wait3A_223] : memref<1280x32xbf16, #tpu.memory_space<vmem>> -> memref<128x32xbf16, #tpu.memory_space<vmem>>
      %dma_wait3A_225 = arith.constant 768 : i32
      %dma_wait3A_226 = tpu.memref_slice %arg5[%dma_wait3A_225] : memref<1280xi32, #tpu.memory_space<vmem>> -> memref<128xi32, #tpu.memory_space<vmem>>
      %dma_wait3A_227 = arith.constant 0 : i32
      %dma_wait3A_228 = arith.constant 0 : i32
      %dma_wait3A_229 = tpu.memref_slice %arg3[%dma_wait3A_227, %dma_wait3A_228] : memref<50000x32xbf16, #tpu.memory_space<hbm>> -> memref<50000x32xbf16, #tpu.memory_space<hbm>>
      tpu.wait_indirect_dma semaphore(%arg9 : memref<!tpu.dma_semaphore, #tpu.memory_space<semaphore_mem>>) src(%dma_wait3A_229 : memref<50000x32xbf16, #tpu.memory_space<hbm>>) dst(%dma_wait3A_224 : memref<128x32xbf16, #tpu.memory_space<vmem>>)
      %dma_wait3A_230 = arith.constant 896 : i32
      %dma_wait3A_231 = arith.constant 0 : i32
      %dma_wait3A_232 = tpu.memref_slice %arg7[%dma_wait3A_230, %dma_wait3A_231] : memref<1280x32xbf16, #tpu.memory_space<vmem>> -> memref<128x32xbf16, #tpu.memory_space<vmem>>
      %dma_wait3A_233 = arith.constant 896 : i32
      %dma_wait3A_234 = tpu.memref_slice %arg5[%dma_wait3A_233] : memref<1280xi32, #tpu.memory_space<vmem>> -> memref<128xi32, #tpu.memory_space<vmem>>
      %dma_wait3A_235 = arith.constant 0 : i32
      %dma_wait3A_236 = arith.constant 0 : i32
      %dma_wait3A_237 = tpu.memref_slice %arg3[%dma_wait3A_235, %dma_wait3A_236] : memref<50000x32xbf16, #tpu.memory_space<hbm>> -> memref<50000x32xbf16, #tpu.memory_space<hbm>>
      tpu.wait_indirect_dma semaphore(%arg9 : memref<!tpu.dma_semaphore, #tpu.memory_space<semaphore_mem>>) src(%dma_wait3A_237 : memref<50000x32xbf16, #tpu.memory_space<hbm>>) dst(%dma_wait3A_232 : memref<128x32xbf16, #tpu.memory_space<vmem>>)
      %dma_wait3A_238 = arith.constant 1024 : i32
      %dma_wait3A_239 = arith.constant 0 : i32
      %dma_wait3A_240 = tpu.memref_slice %arg7[%dma_wait3A_238, %dma_wait3A_239] : memref<1280x32xbf16, #tpu.memory_space<vmem>> -> memref<128x32xbf16, #tpu.memory_space<vmem>>
      %dma_wait3A_241 = arith.constant 1024 : i32
      %dma_wait3A_242 = tpu.memref_slice %arg5[%dma_wait3A_241] : memref<1280xi32, #tpu.memory_space<vmem>> -> memref<128xi32, #tpu.memory_space<vmem>>
      %dma_wait3A_243 = arith.constant 0 : i32
      %dma_wait3A_244 = arith.constant 0 : i32
      %dma_wait3A_245 = tpu.memref_slice %arg3[%dma_wait3A_243, %dma_wait3A_244] : memref<50000x32xbf16, #tpu.memory_space<hbm>> -> memref<50000x32xbf16, #tpu.memory_space<hbm>>
      tpu.wait_indirect_dma semaphore(%arg9 : memref<!tpu.dma_semaphore, #tpu.memory_space<semaphore_mem>>) src(%dma_wait3A_245 : memref<50000x32xbf16, #tpu.memory_space<hbm>>) dst(%dma_wait3A_240 : memref<128x32xbf16, #tpu.memory_space<vmem>>)
      %dma_wait3A_246 = arith.constant 1152 : i32
      %dma_wait3A_247 = arith.constant 0 : i32
      %dma_wait3A_248 = tpu.memref_slice %arg7[%dma_wait3A_246, %dma_wait3A_247] : memref<1280x32xbf16, #tpu.memory_space<vmem>> -> memref<128x32xbf16, #tpu.memory_space<vmem>>
      %dma_wait3A_249 = arith.constant 1152 : i32
      %dma_wait3A_250 = tpu.memref_slice %arg5[%dma_wait3A_249] : memref<1280xi32, #tpu.memory_space<vmem>> -> memref<128xi32, #tpu.memory_space<vmem>>
      %dma_wait3A_251 = arith.constant 0 : i32
      %dma_wait3A_252 = arith.constant 0 : i32
      %dma_wait3A_253 = tpu.memref_slice %arg3[%dma_wait3A_251, %dma_wait3A_252] : memref<50000x32xbf16, #tpu.memory_space<hbm>> -> memref<50000x32xbf16, #tpu.memory_space<hbm>>
      tpu.wait_indirect_dma semaphore(%arg9 : memref<!tpu.dma_semaphore, #tpu.memory_space<semaphore_mem>>) src(%dma_wait3A_253 : memref<50000x32xbf16, #tpu.memory_space<hbm>>) dst(%dma_wait3A_248 : memref<128x32xbf16, #tpu.memory_space<vmem>>)
      %dma_start3A_254 = arith.constant 0 : i32
      %dma_start3A_255 = tpu.memref_slice %arg4[%add3A_13, %dma_start3A_254] : memref<409600x32xbf16, #tpu.memory_space<hbm>> -> memref<1280x32xbf16, #tpu.memory_space<hbm>>
      %dma_start3A_256 = arith.constant 0 : i32
      %dma_start3A_257 = tpu.memref_slice %arg4[%add3A_13, %dma_start3A_256] : memref<409600x32xbf16, #tpu.memory_space<hbm>> -> memref<1280x32xbf16, #tpu.memory_space<hbm>>
      tpu.enqueue_dma source(%arg7 : memref<1280x32xbf16, #tpu.memory_space<vmem>>) target(%dma_start3A_257 : memref<1280x32xbf16, #tpu.memory_space<hbm>>) target_semaphore(%arg11 : memref<!tpu.dma_semaphore, #tpu.memory_space<semaphore_mem>>)
      %dma_wait3A_258 = arith.constant 0 : i32
      %dma_wait3A_259 = arith.constant 0 : i32
      %dma_wait3A_260 = tpu.memref_slice %arg8[%dma_wait3A_258, %dma_wait3A_259] : memref<1280x32xbf16, #tpu.memory_space<vmem>> -> memref<128x32xbf16, #tpu.memory_space<vmem>>
      %dma_wait3A_261 = arith.constant 0 : i32
      %dma_wait3A_262 = tpu.memref_slice %arg6[%dma_wait3A_261] : memref<1280xi32, #tpu.memory_space<vmem>> -> memref<128xi32, #tpu.memory_space<vmem>>
      %dma_wait3A_263 = arith.constant 0 : i32
      %dma_wait3A_264 = arith.constant 0 : i32
      %dma_wait3A_265 = tpu.memref_slice %arg3[%dma_wait3A_263, %dma_wait3A_264] : memref<50000x32xbf16, #tpu.memory_space<hbm>> -> memref<50000x32xbf16, #tpu.memory_space<hbm>>
      tpu.wait_indirect_dma semaphore(%arg10 : memref<!tpu.dma_semaphore, #tpu.memory_space<semaphore_mem>>) src(%dma_wait3A_265 : memref<50000x32xbf16, #tpu.memory_space<hbm>>) dst(%dma_wait3A_260 : memref<128x32xbf16, #tpu.memory_space<vmem>>)
      %dma_wait3A_266 = arith.constant 128 : i32
      %dma_wait3A_267 = arith.constant 0 : i32
      %dma_wait3A_268 = tpu.memref_slice %arg8[%dma_wait3A_266, %dma_wait3A_267] : memref<1280x32xbf16, #tpu.memory_space<vmem>> -> memref<128x32xbf16, #tpu.memory_space<vmem>>
      %dma_wait3A_269 = arith.constant 128 : i32
      %dma_wait3A_270 = tpu.memref_slice %arg6[%dma_wait3A_269] : memref<1280xi32, #tpu.memory_space<vmem>> -> memref<128xi32, #tpu.memory_space<vmem>>
      %dma_wait3A_271 = arith.constant 0 : i32
      %dma_wait3A_272 = arith.constant 0 : i32
      %dma_wait3A_273 = tpu.memref_slice %arg3[%dma_wait3A_271, %dma_wait3A_272] : memref<50000x32xbf16, #tpu.memory_space<hbm>> -> memref<50000x32xbf16, #tpu.memory_space<hbm>>
      tpu.wait_indirect_dma semaphore(%arg10 : memref<!tpu.dma_semaphore, #tpu.memory_space<semaphore_mem>>) src(%dma_wait3A_273 : memref<50000x32xbf16, #tpu.memory_space<hbm>>) dst(%dma_wait3A_268 : memref<128x32xbf16, #tpu.memory_space<vmem>>)
      %dma_wait3A_274 = arith.constant 256 : i32
      %dma_wait3A_275 = arith.constant 0 : i32
      %dma_wait3A_276 = tpu.memref_slice %arg8[%dma_wait3A_274, %dma_wait3A_275] : memref<1280x32xbf16, #tpu.memory_space<vmem>> -> memref<128x32xbf16, #tpu.memory_space<vmem>>
      %dma_wait3A_277 = arith.constant 256 : i32
      %dma_wait3A_278 = tpu.memref_slice %arg6[%dma_wait3A_277] : memref<1280xi32, #tpu.memory_space<vmem>> -> memref<128xi32, #tpu.memory_space<vmem>>
      %dma_wait3A_279 = arith.constant 0 : i32
      %dma_wait3A_280 = arith.constant 0 : i32
      %dma_wait3A_281 = tpu.memref_slice %arg3[%dma_wait3A_279, %dma_wait3A_280] : memref<50000x32xbf16, #tpu.memory_space<hbm>> -> memref<50000x32xbf16, #tpu.memory_space<hbm>>
      tpu.wait_indirect_dma semaphore(%arg10 : memref<!tpu.dma_semaphore, #tpu.memory_space<semaphore_mem>>) src(%dma_wait3A_281 : memref<50000x32xbf16, #tpu.memory_space<hbm>>) dst(%dma_wait3A_276 : memref<128x32xbf16, #tpu.memory_space<vmem>>)
      %dma_wait3A_282 = arith.constant 384 : i32
      %dma_wait3A_283 = arith.constant 0 : i32
      %dma_wait3A_284 = tpu.memref_slice %arg8[%dma_wait3A_282, %dma_wait3A_283] : memref<1280x32xbf16, #tpu.memory_space<vmem>> -> memref<128x32xbf16, #tpu.memory_space<vmem>>
      %dma_wait3A_285 = arith.constant 384 : i32
      %dma_wait3A_286 = tpu.memref_slice %arg6[%dma_wait3A_285] : memref<1280xi32, #tpu.memory_space<vmem>> -> memref<128xi32, #tpu.memory_space<vmem>>
      %dma_wait3A_287 = arith.constant 0 : i32
      %dma_wait3A_288 = arith.constant 0 : i32
      %dma_wait3A_289 = tpu.memref_slice %arg3[%dma_wait3A_287, %dma_wait3A_288] : memref<50000x32xbf16, #tpu.memory_space<hbm>> -> memref<50000x32xbf16, #tpu.memory_space<hbm>>
      tpu.wait_indirect_dma semaphore(%arg10 : memref<!tpu.dma_semaphore, #tpu.memory_space<semaphore_mem>>) src(%dma_wait3A_289 : memref<50000x32xbf16, #tpu.memory_space<hbm>>) dst(%dma_wait3A_284 : memref<128x32xbf16, #tpu.memory_space<vmem>>)
      %dma_wait3A_290 = arith.constant 512 : i32
      %dma_wait3A_291 = arith.constant 0 : i32
      %dma_wait3A_292 = tpu.memref_slice %arg8[%dma_wait3A_290, %dma_wait3A_291] : memref<1280x32xbf16, #tpu.memory_space<vmem>> -> memref<128x32xbf16, #tpu.memory_space<vmem>>
      %dma_wait3A_293 = arith.constant 512 : i32
      %dma_wait3A_294 = tpu.memref_slice %arg6[%dma_wait3A_293] : memref<1280xi32, #tpu.memory_space<vmem>> -> memref<128xi32, #tpu.memory_space<vmem>>
      %dma_wait3A_295 = arith.constant 0 : i32
      %dma_wait3A_296 = arith.constant 0 : i32
      %dma_wait3A_297 = tpu.memref_slice %arg3[%dma_wait3A_295, %dma_wait3A_296] : memref<50000x32xbf16, #tpu.memory_space<hbm>> -> memref<50000x32xbf16, #tpu.memory_space<hbm>>
      tpu.wait_indirect_dma semaphore(%arg10 : memref<!tpu.dma_semaphore, #tpu.memory_space<semaphore_mem>>) src(%dma_wait3A_297 : memref<50000x32xbf16, #tpu.memory_space<hbm>>) dst(%dma_wait3A_292 : memref<128x32xbf16, #tpu.memory_space<vmem>>)
      %dma_wait3A_298 = arith.constant 640 : i32
      %dma_wait3A_299 = arith.constant 0 : i32
      %dma_wait3A_300 = tpu.memref_slice %arg8[%dma_wait3A_298, %dma_wait3A_299] : memref<1280x32xbf16, #tpu.memory_space<vmem>> -> memref<128x32xbf16, #tpu.memory_space<vmem>>
      %dma_wait3A_301 = arith.constant 640 : i32
      %dma_wait3A_302 = tpu.memref_slice %arg6[%dma_wait3A_301] : memref<1280xi32, #tpu.memory_space<vmem>> -> memref<128xi32, #tpu.memory_space<vmem>>
      %dma_wait3A_303 = arith.constant 0 : i32
      %dma_wait3A_304 = arith.constant 0 : i32
      %dma_wait3A_305 = tpu.memref_slice %arg3[%dma_wait3A_303, %dma_wait3A_304] : memref<50000x32xbf16, #tpu.memory_space<hbm>> -> memref<50000x32xbf16, #tpu.memory_space<hbm>>
      tpu.wait_indirect_dma semaphore(%arg10 : memref<!tpu.dma_semaphore, #tpu.memory_space<semaphore_mem>>) src(%dma_wait3A_305 : memref<50000x32xbf16, #tpu.memory_space<hbm>>) dst(%dma_wait3A_300 : memref<128x32xbf16, #tpu.memory_space<vmem>>)
      %dma_wait3A_306 = arith.constant 768 : i32
      %dma_wait3A_307 = arith.constant 0 : i32
      %dma_wait3A_308 = tpu.memref_slice %arg8[%dma_wait3A_306, %dma_wait3A_307] : memref<1280x32xbf16, #tpu.memory_space<vmem>> -> memref<128x32xbf16, #tpu.memory_space<vmem>>
      %dma_wait3A_309 = arith.constant 768 : i32
      %dma_wait3A_310 = tpu.memref_slice %arg6[%dma_wait3A_309] : memref<1280xi32, #tpu.memory_space<vmem>> -> memref<128xi32, #tpu.memory_space<vmem>>
      %dma_wait3A_311 = arith.constant 0 : i32
      %dma_wait3A_312 = arith.constant 0 : i32
      %dma_wait3A_313 = tpu.memref_slice %arg3[%dma_wait3A_311, %dma_wait3A_312] : memref<50000x32xbf16, #tpu.memory_space<hbm>> -> memref<50000x32xbf16, #tpu.memory_space<hbm>>
      tpu.wait_indirect_dma semaphore(%arg10 : memref<!tpu.dma_semaphore, #tpu.memory_space<semaphore_mem>>) src(%dma_wait3A_313 : memref<50000x32xbf16, #tpu.memory_space<hbm>>) dst(%dma_wait3A_308 : memref<128x32xbf16, #tpu.memory_space<vmem>>)
      %dma_wait3A_314 = arith.constant 896 : i32
      %dma_wait3A_315 = arith.constant 0 : i32
      %dma_wait3A_316 = tpu.memref_slice %arg8[%dma_wait3A_314, %dma_wait3A_315] : memref<1280x32xbf16, #tpu.memory_space<vmem>> -> memref<128x32xbf16, #tpu.memory_space<vmem>>
      %dma_wait3A_317 = arith.constant 896 : i32
      %dma_wait3A_318 = tpu.memref_slice %arg6[%dma_wait3A_317] : memref<1280xi32, #tpu.memory_space<vmem>> -> memref<128xi32, #tpu.memory_space<vmem>>
      %dma_wait3A_319 = arith.constant 0 : i32
      %dma_wait3A_320 = arith.constant 0 : i32
      %dma_wait3A_321 = tpu.memref_slice %arg3[%dma_wait3A_319, %dma_wait3A_320] : memref<50000x32xbf16, #tpu.memory_space<hbm>> -> memref<50000x32xbf16, #tpu.memory_space<hbm>>
      tpu.wait_indirect_dma semaphore(%arg10 : memref<!tpu.dma_semaphore, #tpu.memory_space<semaphore_mem>>) src(%dma_wait3A_321 : memref<50000x32xbf16, #tpu.memory_space<hbm>>) dst(%dma_wait3A_316 : memref<128x32xbf16, #tpu.memory_space<vmem>>)
      %dma_wait3A_322 = arith.constant 1024 : i32
      %dma_wait3A_323 = arith.constant 0 : i32
      %dma_wait3A_324 = tpu.memref_slice %arg8[%dma_wait3A_322, %dma_wait3A_323] : memref<1280x32xbf16, #tpu.memory_space<vmem>> -> memref<128x32xbf16, #tpu.memory_space<vmem>>
      %dma_wait3A_325 = arith.constant 1024 : i32
      %dma_wait3A_326 = tpu.memref_slice %arg6[%dma_wait3A_325] : memref<1280xi32, #tpu.memory_space<vmem>> -> memref<128xi32, #tpu.memory_space<vmem>>
      %dma_wait3A_327 = arith.constant 0 : i32
      %dma_wait3A_328 = arith.constant 0 : i32
      %dma_wait3A_329 = tpu.memref_slice %arg3[%dma_wait3A_327, %dma_wait3A_328] : memref<50000x32xbf16, #tpu.memory_space<hbm>> -> memref<50000x32xbf16, #tpu.memory_space<hbm>>
      tpu.wait_indirect_dma semaphore(%arg10 : memref<!tpu.dma_semaphore, #tpu.memory_space<semaphore_mem>>) src(%dma_wait3A_329 : memref<50000x32xbf16, #tpu.memory_space<hbm>>) dst(%dma_wait3A_324 : memref<128x32xbf16, #tpu.memory_space<vmem>>)
      %dma_wait3A_330 = arith.constant 1152 : i32
      %dma_wait3A_331 = arith.constant 0 : i32
      %dma_wait3A_332 = tpu.memref_slice %arg8[%dma_wait3A_330, %dma_wait3A_331] : memref<1280x32xbf16, #tpu.memory_space<vmem>> -> memref<128x32xbf16, #tpu.memory_space<vmem>>
      %dma_wait3A_333 = arith.constant 1152 : i32
      %dma_wait3A_334 = tpu.memref_slice %arg6[%dma_wait3A_333] : memref<1280xi32, #tpu.memory_space<vmem>> -> memref<128xi32, #tpu.memory_space<vmem>>
      %dma_wait3A_335 = arith.constant 0 : i32
      %dma_wait3A_336 = arith.constant 0 : i32
      %dma_wait3A_337 = tpu.memref_slice %arg3[%dma_wait3A_335, %dma_wait3A_336] : memref<50000x32xbf16, #tpu.memory_space<hbm>> -> memref<50000x32xbf16, #tpu.memory_space<hbm>>
      tpu.wait_indirect_dma semaphore(%arg10 : memref<!tpu.dma_semaphore, #tpu.memory_space<semaphore_mem>>) src(%dma_wait3A_337 : memref<50000x32xbf16, #tpu.memory_space<hbm>>) dst(%dma_wait3A_332 : memref<128x32xbf16, #tpu.memory_space<vmem>>)
      %dma_start3A_338 = arith.constant 0 : i32
      %dma_start3A_339 = tpu.memref_slice %arg4[%add3A_15, %dma_start3A_338] : memref<409600x32xbf16, #tpu.memory_space<hbm>> -> memref<1280x32xbf16, #tpu.memory_space<hbm>>
      %dma_start3A_340 = arith.constant 0 : i32
      %dma_start3A_341 = tpu.memref_slice %arg4[%add3A_15, %dma_start3A_340] : memref<409600x32xbf16, #tpu.memory_space<hbm>> -> memref<1280x32xbf16, #tpu.memory_space<hbm>>
      tpu.enqueue_dma source(%arg8 : memref<1280x32xbf16, #tpu.memory_space<vmem>>) target(%dma_start3A_341 : memref<1280x32xbf16, #tpu.memory_space<hbm>>) target_semaphore(%arg11 : memref<!tpu.dma_semaphore, #tpu.memory_space<semaphore_mem>>)
      %dma_wait3A_342 = arith.constant 0 : i32
      %dma_wait3A_343 = tpu.memref_slice %arg4[%add3A_13, %dma_wait3A_342] : memref<409600x32xbf16, #tpu.memory_space<hbm>> -> memref<1280x32xbf16, #tpu.memory_space<hbm>>
      %dma_wait3A_344 = arith.constant 0 : i32
      %dma_wait3A_345 = tpu.memref_slice %arg4[%add3A_13, %dma_wait3A_344] : memref<409600x32xbf16, #tpu.memory_space<hbm>> -> memref<1280x32xbf16, #tpu.memory_space<hbm>>
      tpu.wait_dma2 semaphore(%arg11 : memref<!tpu.dma_semaphore, #tpu.memory_space<semaphore_mem>>) src(%arg7 : memref<1280x32xbf16, #tpu.memory_space<vmem>>) dst(%dma_wait3A_345 : memref<1280x32xbf16, #tpu.memory_space<hbm>>)
      %dma_wait3A_346 = arith.constant 0 : i32
      %dma_wait3A_347 = tpu.memref_slice %arg4[%add3A_15, %dma_wait3A_346] : memref<409600x32xbf16, #tpu.memory_space<hbm>> -> memref<1280x32xbf16, #tpu.memory_space<hbm>>
      %dma_wait3A_348 = arith.constant 0 : i32
      %dma_wait3A_349 = tpu.memref_slice %arg4[%add3A_15, %dma_wait3A_348] : memref<409600x32xbf16, #tpu.memory_space<hbm>> -> memref<1280x32xbf16, #tpu.memory_space<hbm>>
      tpu.wait_dma2 semaphore(%arg11 : memref<!tpu.dma_semaphore, #tpu.memory_space<semaphore_mem>>) src(%arg8 : memref<1280x32xbf16, #tpu.memory_space<vmem>>) dst(%dma_wait3A_349 : memref<1280x32xbf16, #tpu.memory_space<hbm>>)
    }
    %scan3A_7 = arith.constant 5 : i32
    return
  }
}

#map = affine_map<(d0, d1) -> (0)>
#map1 = affine_map<(d0, d1) -> (0, 0)>
module attributes {stable_mosaic.version = 14 : i64} {
  func.func @sc_gather(%arg0: i32, %arg1: i32, %arg2: memref<409600xi32, #tpu.memory_space<hbm>>, %arg3: memref<50000x32xbf16, #tpu.memory_space<hbm>>, %arg4: memref<409600x32xbf16, #tpu.memory_space<hbm>>, %arg5: memref<1280xi32, #tpu.memory_space<vmem>>, %arg6: memref<1280xi32, #tpu.memory_space<vmem>>, %arg7: memref<1280x32xbf16, #tpu.memory_space<vmem>>, %arg8: memref<1280x32xbf16, #tpu.memory_space<vmem>>, %arg9: memref<!tpu.dma_semaphore, #tpu.memory_space<semaphore_mem>>, %arg10: memref<!tpu.dma_semaphore, #tpu.memory_space<semaphore_mem>>, %arg11: memref<!tpu.dma_semaphore, #tpu.memory_space<semaphore_mem>>) attributes {dimension_semantics = [#tpu.dimension_semantics<core_parallel>, #tpu.dimension_semantics<subcore_parallel>], iteration_bounds = array<i64: 2, 16>, scalar_prefetch = 0 : i64, scratch_operands = 7 : i64, tpu.core_type = #tpu.core_type<sc_vector_subcore>, window_params = [{transform_indices = #map}, {transform_indices = #map1}, {transform_indices = #map1}]} {
    %mul3A = arith.constant 2 : i32
    %mul3A_0 = arith.muli %arg1, %mul3A : i32
    %add3A = arith.addi %mul3A_0, %arg0 : i32
    %mul3A_1 = arith.constant 12800 : i32
    %mul3A_2 = arith.muli %add3A, %mul3A_1 : i32
    %scan3A = arith.constant 0 : i32
    %scan3A_3 = arith.constant 0 : i32
    %scan3A_4 = arith.constant 5 : i32
    %scan3A_5 = arith.addi %scan3A_3, %scan3A_4 : i32
    %scan3A_6 = arith.constant 1 : i32
    scf.for %scan3A_8 = %scan3A_3 to %scan3A_5 step %scan3A_6  : i32 {
      %mul3A_9 = arith.constant 2 : i32
      %mul3A_10 = arith.muli %mul3A_9, %scan3A_8 : i32
      %mul3A_11 = arith.constant 1280 : i32
      %mul3A_12 = arith.muli %mul3A_10, %mul3A_11 : i32
      %add3A_13 = arith.addi %mul3A_2, %mul3A_12 : i32
      %add3A_14 = arith.constant 1280 : i32
      %add3A_15 = arith.addi %add3A_13, %add3A_14 : i32
      "tpu.region"() ({
        %run_scoped3A = tpu.sem_alloc : memref<!tpu.dma_semaphore, #tpu.memory_space<semaphore_mem>>
        %dma_start3A_350 = tpu.memref_slice %arg2[%add3A_13] : memref<409600xi32, #tpu.memory_space<hbm>> -> memref<1280xi32, #tpu.memory_space<hbm>>
        %dma_start3A_351 = tpu.memref_slice %arg2[%add3A_13] : memref<409600xi32, #tpu.memory_space<hbm>> -> memref<1280xi32, #tpu.memory_space<hbm>>
        tpu.enqueue_dma source(%dma_start3A_351 : memref<1280xi32, #tpu.memory_space<hbm>>) target(%arg5 : memref<1280xi32, #tpu.memory_space<vmem>>) target_semaphore(%run_scoped3A : memref<!tpu.dma_semaphore, #tpu.memory_space<semaphore_mem>>)
        %dma_wait3A_352 = tpu.memref_slice %arg2[%add3A_13] : memref<409600xi32, #tpu.memory_space<hbm>> -> memref<1280xi32, #tpu.memory_space<hbm>>
        %dma_wait3A_353 = tpu.memref_slice %arg2[%add3A_13] : memref<409600xi32, #tpu.memory_space<hbm>> -> memref<1280xi32, #tpu.memory_space<hbm>>
        tpu.wait_dma2 semaphore(%run_scoped3A : memref<!tpu.dma_semaphore, #tpu.memory_space<semaphore_mem>>) src(%dma_wait3A_353 : memref<1280xi32, #tpu.memory_space<hbm>>) dst(%arg5 : memref<1280xi32, #tpu.memory_space<vmem>>)
        tpu.yield
      }) : () -> ()
      %dma_start3A = arith.constant 0 : i32
      %dma_start3A_16 = arith.constant 0 : i32
      %dma_start3A_17 = tpu.memref_slice %arg7[%dma_start3A, %dma_start3A_16] : memref<1280x32xbf16, #tpu.memory_space<vmem>> -> memref<128x32xbf16, #tpu.memory_space<vmem>>
      %dma_start3A_18 = arith.constant 0 : i32
      %dma_start3A_19 = tpu.memref_slice %arg5[%dma_start3A_18] : memref<1280xi32, #tpu.memory_space<vmem>> -> memref<128xi32, #tpu.memory_space<vmem>>
      %dma_start3A_20 = arith.constant 0 : i32
      %dma_start3A_21 = arith.constant 0 : i32
      %dma_start3A_22 = tpu.memref_slice %arg3[%dma_start3A_20, %dma_start3A_21] : memref<50000x32xbf16, #tpu.memory_space<hbm>> -> memref<50000x32xbf16, #tpu.memory_space<hbm>>
      tpu.enqueue_indirect_dma source(%dma_start3A_22 : memref<50000x32xbf16, #tpu.memory_space<hbm>>) target(%dma_start3A_17 : memref<128x32xbf16, #tpu.memory_space<vmem>>) offsets(%dma_start3A_19 : memref<128xi32, #tpu.memory_space<vmem>>) semaphore(%arg9 : memref<!tpu.dma_semaphore, #tpu.memory_space<semaphore_mem>>)
      %dma_start3A_23 = arith.constant 128 : i32
      %dma_start3A_24 = arith.constant 0 : i32
      %dma_start3A_25 = tpu.memref_slice %arg7[%dma_start3A_23, %dma_start3A_24] : memref<1280x32xbf16, #tpu.memory_space<vmem>> -> memref<128x32xbf16, #tpu.memory_space<vmem>>
      %dma_start3A_26 = arith.constant 128 : i32
      %dma_start3A_27 = tpu.memref_slice %arg5[%dma_start3A_26] : memref<1280xi32, #tpu.memory_space<vmem>> -> memref<128xi32, #tpu.memory_space<vmem>>
      %dma_start3A_28 = arith.constant 0 : i32
      %dma_start3A_29 = arith.constant 0 : i32
      %dma_start3A_30 = tpu.memref_slice %arg3[%dma_start3A_28, %dma_start3A_29] : memref<50000x32xbf16, #tpu.memory_space<hbm>> -> memref<50000x32xbf16, #tpu.memory_space<hbm>>
      tpu.enqueue_indirect_dma source(%dma_start3A_30 : memref<50000x32xbf16, #tpu.memory_space<hbm>>) target(%dma_start3A_25 : memref<128x32xbf16, #tpu.memory_space<vmem>>) offsets(%dma_start3A_27 : memref<128xi32, #tpu.memory_space<vmem>>) semaphore(%arg9 : memref<!tpu.dma_semaphore, #tpu.memory_space<semaphore_mem>>)
      %dma_start3A_31 = arith.constant 256 : i32
      %dma_start3A_32 = arith.constant 0 : i32
      %dma_start3A_33 = tpu.memref_slice %arg7[%dma_start3A_31, %dma_start3A_32] : memref<1280x32xbf16, #tpu.memory_space<vmem>> -> memref<128x32xbf16, #tpu.memory_space<vmem>>
      %dma_start3A_34 = arith.constant 256 : i32
      %dma_start3A_35 = tpu.memref_slice %arg5[%dma_start3A_34] : memref<1280xi32, #tpu.memory_space<vmem>> -> memref<128xi32, #tpu.memory_space<vmem>>
      %dma_start3A_36 = arith.constant 0 : i32
      %dma_start3A_37 = arith.constant 0 : i32
      %dma_start3A_38 = tpu.memref_slice %arg3[%dma_start3A_36, %dma_start3A_37] : memref<50000x32xbf16, #tpu.memory_space<hbm>> -> memref<50000x32xbf16, #tpu.memory_space<hbm>>
      tpu.enqueue_indirect_dma source(%dma_start3A_38 : memref<50000x32xbf16, #tpu.memory_space<hbm>>) target(%dma_start3A_33 : memref<128x32xbf16, #tpu.memory_space<vmem>>) offsets(%dma_start3A_35 : memref<128xi32, #tpu.memory_space<vmem>>) semaphore(%arg9 : memref<!tpu.dma_semaphore, #tpu.memory_space<semaphore_mem>>)
      %dma_start3A_39 = arith.constant 384 : i32
      %dma_start3A_40 = arith.constant 0 : i32
      %dma_start3A_41 = tpu.memref_slice %arg7[%dma_start3A_39, %dma_start3A_40] : memref<1280x32xbf16, #tpu.memory_space<vmem>> -> memref<128x32xbf16, #tpu.memory_space<vmem>>
      %dma_start3A_42 = arith.constant 384 : i32
      %dma_start3A_43 = tpu.memref_slice %arg5[%dma_start3A_42] : memref<1280xi32, #tpu.memory_space<vmem>> -> memref<128xi32, #tpu.memory_space<vmem>>
      %dma_start3A_44 = arith.constant 0 : i32
      %dma_start3A_45 = arith.constant 0 : i32
      %dma_start3A_46 = tpu.memref_slice %arg3[%dma_start3A_44, %dma_start3A_45] : memref<50000x32xbf16, #tpu.memory_space<hbm>> -> memref<50000x32xbf16, #tpu.memory_space<hbm>>
      tpu.enqueue_indirect_dma source(%dma_start3A_46 : memref<50000x32xbf16, #tpu.memory_space<hbm>>) target(%dma_start3A_41 : memref<128x32xbf16, #tpu.memory_space<vmem>>) offsets(%dma_start3A_43 : memref<128xi32, #tpu.memory_space<vmem>>) semaphore(%arg9 : memref<!tpu.dma_semaphore, #tpu.memory_space<semaphore_mem>>)
      %dma_start3A_47 = arith.constant 512 : i32
      %dma_start3A_48 = arith.constant 0 : i32
      %dma_start3A_49 = tpu.memref_slice %arg7[%dma_start3A_47, %dma_start3A_48] : memref<1280x32xbf16, #tpu.memory_space<vmem>> -> memref<128x32xbf16, #tpu.memory_space<vmem>>
      %dma_start3A_50 = arith.constant 512 : i32
      %dma_start3A_51 = tpu.memref_slice %arg5[%dma_start3A_50] : memref<1280xi32, #tpu.memory_space<vmem>> -> memref<128xi32, #tpu.memory_space<vmem>>
      %dma_start3A_52 = arith.constant 0 : i32
      %dma_start3A_53 = arith.constant 0 : i32
      %dma_start3A_54 = tpu.memref_slice %arg3[%dma_start3A_52, %dma_start3A_53] : memref<50000x32xbf16, #tpu.memory_space<hbm>> -> memref<50000x32xbf16, #tpu.memory_space<hbm>>
      tpu.enqueue_indirect_dma source(%dma_start3A_54 : memref<50000x32xbf16, #tpu.memory_space<hbm>>) target(%dma_start3A_49 : memref<128x32xbf16, #tpu.memory_space<vmem>>) offsets(%dma_start3A_51 : memref<128xi32, #tpu.memory_space<vmem>>) semaphore(%arg9 : memref<!tpu.dma_semaphore, #tpu.memory_space<semaphore_mem>>)
      %dma_start3A_55 = arith.constant 640 : i32
      %dma_start3A_56 = arith.constant 0 : i32
      %dma_start3A_57 = tpu.memref_slice %arg7[%dma_start3A_55, %dma_start3A_56] : memref<1280x32xbf16, #tpu.memory_space<vmem>> -> memref<128x32xbf16, #tpu.memory_space<vmem>>
      %dma_start3A_58 = arith.constant 640 : i32
      %dma_start3A_59 = tpu.memref_slice %arg5[%dma_start3A_58] : memref<1280xi32, #tpu.memory_space<vmem>> -> memref<128xi32, #tpu.memory_space<vmem>>
      %dma_start3A_60 = arith.constant 0 : i32
      %dma_start3A_61 = arith.constant 0 : i32
      %dma_start3A_62 = tpu.memref_slice %arg3[%dma_start3A_60, %dma_start3A_61] : memref<50000x32xbf16, #tpu.memory_space<hbm>> -> memref<50000x32xbf16, #tpu.memory_space<hbm>>
      tpu.enqueue_indirect_dma source(%dma_start3A_62 : memref<50000x32xbf16, #tpu.memory_space<hbm>>) target(%dma_start3A_57 : memref<128x32xbf16, #tpu.memory_space<vmem>>) offsets(%dma_start3A_59 : memref<128xi32, #tpu.memory_space<vmem>>) semaphore(%arg9 : memref<!tpu.dma_semaphore, #tpu.memory_space<semaphore_mem>>)
      %dma_start3A_63 = arith.constant 768 : i32
      %dma_start3A_64 = arith.constant 0 : i32
      %dma_start3A_65 = tpu.memref_slice %arg7[%dma_start3A_63, %dma_start3A_64] : memref<1280x32xbf16, #tpu.memory_space<vmem>> -> memref<128x32xbf16, #tpu.memory_space<vmem>>
      %dma_start3A_66 = arith.constant 768 : i32
      %dma_start3A_67 = tpu.memref_slice %arg5[%dma_start3A_66] : memref<1280xi32, #tpu.memory_space<vmem>> -> memref<128xi32, #tpu.memory_space<vmem>>
      %dma_start3A_68 = arith.constant 0 : i32
      %dma_start3A_69 = arith.constant 0 : i32
      %dma_start3A_70 = tpu.memref_slice %arg3[%dma_start3A_68, %dma_start3A_69] : memref<50000x32xbf16, #tpu.memory_space<hbm>> -> memref<50000x32xbf16, #tpu.memory_space<hbm>>
      tpu.enqueue_indirect_dma source(%dma_start3A_70 : memref<50000x32xbf16, #tpu.memory_space<hbm>>) target(%dma_start3A_65 : memref<128x32xbf16, #tpu.memory_space<vmem>>) offsets(%dma_start3A_67 : memref<128xi32, #tpu.memory_space<vmem>>) semaphore(%arg9 : memref<!tpu.dma_semaphore, #tpu.memory_space<semaphore_mem>>)
      %dma_start3A_71 = arith.constant 896 : i32
      %dma_start3A_72 = arith.constant 0 : i32
      %dma_start3A_73 = tpu.memref_slice %arg7[%dma_start3A_71, %dma_start3A_72] : memref<1280x32xbf16, #tpu.memory_space<vmem>> -> memref<128x32xbf16, #tpu.memory_space<vmem>>
      %dma_start3A_74 = arith.constant 896 : i32
      %dma_start3A_75 = tpu.memref_slice %arg5[%dma_start3A_74] : memref<1280xi32, #tpu.memory_space<vmem>> -> memref<128xi32, #tpu.memory_space<vmem>>
      %dma_start3A_76 = arith.constant 0 : i32
      %dma_start3A_77 = arith.constant 0 : i32
      %dma_start3A_78 = tpu.memref_slice %arg3[%dma_start3A_76, %dma_start3A_77] : memref<50000x32xbf16, #tpu.memory_space<hbm>> -> memref<50000x32xbf16, #tpu.memory_space<hbm>>
      tpu.enqueue_indirect_dma source(%dma_start3A_78 : memref<50000x32xbf16, #tpu.memory_space<hbm>>) target(%dma_start3A_73 : memref<128x32xbf16, #tpu.memory_space<vmem>>) offsets(%dma_start3A_75 : memref<128xi32, #tpu.memory_space<vmem>>) semaphore(%arg9 : memref<!tpu.dma_semaphore, #tpu.memory_space<semaphore_mem>>)
      %dma_start3A_79 = arith.constant 1024 : i32
      %dma_start3A_80 = arith.constant 0 : i32
      %dma_start3A_81 = tpu.memref_slice %arg7[%dma_start3A_79, %dma_start3A_80] : memref<1280x32xbf16, #tpu.memory_space<vmem>> -> memref<128x32xbf16, #tpu.memory_space<vmem>>
      %dma_start3A_82 = arith.constant 1024 : i32
      %dma_start3A_83 = tpu.memref_slice %arg5[%dma_start3A_82] : memref<1280xi32, #tpu.memory_space<vmem>> -> memref<128xi32, #tpu.memory_space<vmem>>
      %dma_start3A_84 = arith.constant 0 : i32
      %dma_start3A_85 = arith.constant 0 : i32
      %dma_start3A_86 = tpu.memref_slice %arg3[%dma_start3A_84, %dma_start3A_85] : memref<50000x32xbf16, #tpu.memory_space<hbm>> -> memref<50000x32xbf16, #tpu.memory_space<hbm>>
      tpu.enqueue_indirect_dma source(%dma_start3A_86 : memref<50000x32xbf16, #tpu.memory_space<hbm>>) target(%dma_start3A_81 : memref<128x32xbf16, #tpu.memory_space<vmem>>) offsets(%dma_start3A_83 : memref<128xi32, #tpu.memory_space<vmem>>) semaphore(%arg9 : memref<!tpu.dma_semaphore, #tpu.memory_space<semaphore_mem>>)
      %dma_start3A_87 = arith.constant 1152 : i32
      %dma_start3A_88 = arith.constant 0 : i32
      %dma_start3A_89 = tpu.memref_slice %arg7[%dma_start3A_87, %dma_start3A_88] : memref<1280x32xbf16, #tpu.memory_space<vmem>> -> memref<128x32xbf16, #tpu.memory_space<vmem>>
      %dma_start3A_90 = arith.constant 1152 : i32
      %dma_start3A_91 = tpu.memref_slice %arg5[%dma_start3A_90] : memref<1280xi32, #tpu.memory_space<vmem>> -> memref<128xi32, #tpu.memory_space<vmem>>
      %dma_start3A_92 = arith.constant 0 : i32
      %dma_start3A_93 = arith.constant 0 : i32
      %dma_start3A_94 = tpu.memref_slice %arg3[%dma_start3A_92, %dma_start3A_93] : memref<50000x32xbf16, #tpu.memory_space<hbm>> -> memref<50000x32xbf16, #tpu.memory_space<hbm>>
      tpu.enqueue_indirect_dma source(%dma_start3A_94 : memref<50000x32xbf16, #tpu.memory_space<hbm>>) target(%dma_start3A_89 : memref<128x32xbf16, #tpu.memory_space<vmem>>) offsets(%dma_start3A_91 : memref<128xi32, #tpu.memory_space<vmem>>) semaphore(%arg9 : memref<!tpu.dma_semaphore, #tpu.memory_space<semaphore_mem>>)
      "tpu.region"() ({
        %run_scoped3A = tpu.sem_alloc : memref<!tpu.dma_semaphore, #tpu.memory_space<semaphore_mem>>
        %dma_start3A_350 = tpu.memref_slice %arg2[%add3A_15] : memref<409600xi32, #tpu.memory_space<hbm>> -> memref<1280xi32, #tpu.memory_space<hbm>>
        %dma_start3A_351 = tpu.memref_slice %arg2[%add3A_15] : memref<409600xi32, #tpu.memory_space<hbm>> -> memref<1280xi32, #tpu.memory_space<hbm>>
        tpu.enqueue_dma source(%dma_start3A_351 : memref<1280xi32, #tpu.memory_space<hbm>>) target(%arg6 : memref<1280xi32, #tpu.memory_space<vmem>>) target_semaphore(%run_scoped3A : memref<!tpu.dma_semaphore, #tpu.memory_space<semaphore_mem>>)
        %dma_wait3A_352 = tpu.memref_slice %arg2[%add3A_15] : memref<409600xi32, #tpu.memory_space<hbm>> -> memref<1280xi32, #tpu.memory_space<hbm>>
        %dma_wait3A_353 = tpu.memref_slice %arg2[%add3A_15] : memref<409600xi32, #tpu.memory_space<hbm>> -> memref<1280xi32, #tpu.memory_space<hbm>>
        tpu.wait_dma2 semaphore(%run_scoped3A : memref<!tpu.dma_semaphore, #tpu.memory_space<semaphore_mem>>) src(%dma_wait3A_353 : memref<1280xi32, #tpu.memory_space<hbm>>) dst(%arg6 : memref<1280xi32, #tpu.memory_space<vmem>>)
        tpu.yield
      }) : () -> ()
      %dma_start3A_95 = arith.constant 0 : i32
      %dma_start3A_96 = arith.constant 0 : i32
      %dma_start3A_97 = tpu.memref_slice %arg8[%dma_start3A_95, %dma_start3A_96] : memref<1280x32xbf16, #tpu.memory_space<vmem>> -> memref<128x32xbf16, #tpu.memory_space<vmem>>
      %dma_start3A_98 = arith.constant 0 : i32
      %dma_start3A_99 = tpu.memref_slice %arg6[%dma_start3A_98] : memref<1280xi32, #tpu.memory_space<vmem>> -> memref<128xi32, #tpu.memory_space<vmem>>
      %dma_start3A_100 = arith.constant 0 : i32
      %dma_start3A_101 = arith.constant 0 : i32
      %dma_start3A_102 = tpu.memref_slice %arg3[%dma_start3A_100, %dma_start3A_101] : memref<50000x32xbf16, #tpu.memory_space<hbm>> -> memref<50000x32xbf16, #tpu.memory_space<hbm>>
      tpu.enqueue_indirect_dma source(%dma_start3A_102 : memref<50000x32xbf16, #tpu.memory_space<hbm>>) target(%dma_start3A_97 : memref<128x32xbf16, #tpu.memory_space<vmem>>) offsets(%dma_start3A_99 : memref<128xi32, #tpu.memory_space<vmem>>) semaphore(%arg10 : memref<!tpu.dma_semaphore, #tpu.memory_space<semaphore_mem>>)
      %dma_start3A_103 = arith.constant 128 : i32
      %dma_start3A_104 = arith.constant 0 : i32
      %dma_start3A_105 = tpu.memref_slice %arg8[%dma_start3A_103, %dma_start3A_104] : memref<1280x32xbf16, #tpu.memory_space<vmem>> -> memref<128x32xbf16, #tpu.memory_space<vmem>>
      %dma_start3A_106 = arith.constant 128 : i32
      %dma_start3A_107 = tpu.memref_slice %arg6[%dma_start3A_106] : memref<1280xi32, #tpu.memory_space<vmem>> -> memref<128xi32, #tpu.memory_space<vmem>>
      %dma_start3A_108 = arith.constant 0 : i32
      %dma_start3A_109 = arith.constant 0 : i32
      %dma_start3A_110 = tpu.memref_slice %arg3[%dma_start3A_108, %dma_start3A_109] : memref<50000x32xbf16, #tpu.memory_space<hbm>> -> memref<50000x32xbf16, #tpu.memory_space<hbm>>
      tpu.enqueue_indirect_dma source(%dma_start3A_110 : memref<50000x32xbf16, #tpu.memory_space<hbm>>) target(%dma_start3A_105 : memref<128x32xbf16, #tpu.memory_space<vmem>>) offsets(%dma_start3A_107 : memref<128xi32, #tpu.memory_space<vmem>>) semaphore(%arg10 : memref<!tpu.dma_semaphore, #tpu.memory_space<semaphore_mem>>)
      %dma_start3A_111 = arith.constant 256 : i32
      %dma_start3A_112 = arith.constant 0 : i32
      %dma_start3A_113 = tpu.memref_slice %arg8[%dma_start3A_111, %dma_start3A_112] : memref<1280x32xbf16, #tpu.memory_space<vmem>> -> memref<128x32xbf16, #tpu.memory_space<vmem>>
      %dma_start3A_114 = arith.constant 256 : i32
      %dma_start3A_115 = tpu.memref_slice %arg6[%dma_start3A_114] : memref<1280xi32, #tpu.memory_space<vmem>> -> memref<128xi32, #tpu.memory_space<vmem>>
      %dma_start3A_116 = arith.constant 0 : i32
      %dma_start3A_117 = arith.constant 0 : i32
      %dma_start3A_118 = tpu.memref_slice %arg3[%dma_start3A_116, %dma_start3A_117] : memref<50000x32xbf16, #tpu.memory_space<hbm>> -> memref<50000x32xbf16, #tpu.memory_space<hbm>>
      tpu.enqueue_indirect_dma source(%dma_start3A_118 : memref<50000x32xbf16, #tpu.memory_space<hbm>>) target(%dma_start3A_113 : memref<128x32xbf16, #tpu.memory_space<vmem>>) offsets(%dma_start3A_115 : memref<128xi32, #tpu.memory_space<vmem>>) semaphore(%arg10 : memref<!tpu.dma_semaphore, #tpu.memory_space<semaphore_mem>>)
      %dma_start3A_119 = arith.constant 384 : i32
      %dma_start3A_120 = arith.constant 0 : i32
      %dma_start3A_121 = tpu.memref_slice %arg8[%dma_start3A_119, %dma_start3A_120] : memref<1280x32xbf16, #tpu.memory_space<vmem>> -> memref<128x32xbf16, #tpu.memory_space<vmem>>
      %dma_start3A_122 = arith.constant 384 : i32
      %dma_start3A_123 = tpu.memref_slice %arg6[%dma_start3A_122] : memref<1280xi32, #tpu.memory_space<vmem>> -> memref<128xi32, #tpu.memory_space<vmem>>
      %dma_start3A_124 = arith.constant 0 : i32
      %dma_start3A_125 = arith.constant 0 : i32
      %dma_start3A_126 = tpu.memref_slice %arg3[%dma_start3A_124, %dma_start3A_125] : memref<50000x32xbf16, #tpu.memory_space<hbm>> -> memref<50000x32xbf16, #tpu.memory_space<hbm>>
      tpu.enqueue_indirect_dma source(%dma_start3A_126 : memref<50000x32xbf16, #tpu.memory_space<hbm>>) target(%dma_start3A_121 : memref<128x32xbf16, #tpu.memory_space<vmem>>) offsets(%dma_start3A_123 : memref<128xi32, #tpu.memory_space<vmem>>) semaphore(%arg10 : memref<!tpu.dma_semaphore, #tpu.memory_space<semaphore_mem>>)
      %dma_start3A_127 = arith.constant 512 : i32
      %dma_start3A_128 = arith.constant 0 : i32
      %dma_start3A_129 = tpu.memref_slice %arg8[%dma_start3A_127, %dma_start3A_128] : memref<1280x32xbf16, #tpu.memory_space<vmem>> -> memref<128x32xbf16, #tpu.memory_space<vmem>>
      %dma_start3A_130 = arith.constant 512 : i32
      %dma_start3A_131 = tpu.memref_slice %arg6[%dma_start3A_130] : memref<1280xi32, #tpu.memory_space<vmem>> -> memref<128xi32, #tpu.memory_space<vmem>>
      %dma_start3A_132 = arith.constant 0 : i32
      %dma_start3A_133 = arith.constant 0 : i32
      %dma_start3A_134 = tpu.memref_slice %arg3[%dma_start3A_132, %dma_start3A_133] : memref<50000x32xbf16, #tpu.memory_space<hbm>> -> memref<50000x32xbf16, #tpu.memory_space<hbm>>
      tpu.enqueue_indirect_dma source(%dma_start3A_134 : memref<50000x32xbf16, #tpu.memory_space<hbm>>) target(%dma_start3A_129 : memref<128x32xbf16, #tpu.memory_space<vmem>>) offsets(%dma_start3A_131 : memref<128xi32, #tpu.memory_space<vmem>>) semaphore(%arg10 : memref<!tpu.dma_semaphore, #tpu.memory_space<semaphore_mem>>)
      %dma_start3A_135 = arith.constant 640 : i32
      %dma_start3A_136 = arith.constant 0 : i32
      %dma_start3A_137 = tpu.memref_slice %arg8[%dma_start3A_135, %dma_start3A_136] : memref<1280x32xbf16, #tpu.memory_space<vmem>> -> memref<128x32xbf16, #tpu.memory_space<vmem>>
      %dma_start3A_138 = arith.constant 640 : i32
      %dma_start3A_139 = tpu.memref_slice %arg6[%dma_start3A_138] : memref<1280xi32, #tpu.memory_space<vmem>> -> memref<128xi32, #tpu.memory_space<vmem>>
      %dma_start3A_140 = arith.constant 0 : i32
      %dma_start3A_141 = arith.constant 0 : i32
      %dma_start3A_142 = tpu.memref_slice %arg3[%dma_start3A_140, %dma_start3A_141] : memref<50000x32xbf16, #tpu.memory_space<hbm>> -> memref<50000x32xbf16, #tpu.memory_space<hbm>>
      tpu.enqueue_indirect_dma source(%dma_start3A_142 : memref<50000x32xbf16, #tpu.memory_space<hbm>>) target(%dma_start3A_137 : memref<128x32xbf16, #tpu.memory_space<vmem>>) offsets(%dma_start3A_139 : memref<128xi32, #tpu.memory_space<vmem>>) semaphore(%arg10 : memref<!tpu.dma_semaphore, #tpu.memory_space<semaphore_mem>>)
      %dma_start3A_143 = arith.constant 768 : i32
      %dma_start3A_144 = arith.constant 0 : i32
      %dma_start3A_145 = tpu.memref_slice %arg8[%dma_start3A_143, %dma_start3A_144] : memref<1280x32xbf16, #tpu.memory_space<vmem>> -> memref<128x32xbf16, #tpu.memory_space<vmem>>
      %dma_start3A_146 = arith.constant 768 : i32
      %dma_start3A_147 = tpu.memref_slice %arg6[%dma_start3A_146] : memref<1280xi32, #tpu.memory_space<vmem>> -> memref<128xi32, #tpu.memory_space<vmem>>
      %dma_start3A_148 = arith.constant 0 : i32
      %dma_start3A_149 = arith.constant 0 : i32
      %dma_start3A_150 = tpu.memref_slice %arg3[%dma_start3A_148, %dma_start3A_149] : memref<50000x32xbf16, #tpu.memory_space<hbm>> -> memref<50000x32xbf16, #tpu.memory_space<hbm>>
      tpu.enqueue_indirect_dma source(%dma_start3A_150 : memref<50000x32xbf16, #tpu.memory_space<hbm>>) target(%dma_start3A_145 : memref<128x32xbf16, #tpu.memory_space<vmem>>) offsets(%dma_start3A_147 : memref<128xi32, #tpu.memory_space<vmem>>) semaphore(%arg10 : memref<!tpu.dma_semaphore, #tpu.memory_space<semaphore_mem>>)
      %dma_start3A_151 = arith.constant 896 : i32
      %dma_start3A_152 = arith.constant 0 : i32
      %dma_start3A_153 = tpu.memref_slice %arg8[%dma_start3A_151, %dma_start3A_152] : memref<1280x32xbf16, #tpu.memory_space<vmem>> -> memref<128x32xbf16, #tpu.memory_space<vmem>>
      %dma_start3A_154 = arith.constant 896 : i32
      %dma_start3A_155 = tpu.memref_slice %arg6[%dma_start3A_154] : memref<1280xi32, #tpu.memory_space<vmem>> -> memref<128xi32, #tpu.memory_space<vmem>>
      %dma_start3A_156 = arith.constant 0 : i32
      %dma_start3A_157 = arith.constant 0 : i32
      %dma_start3A_158 = tpu.memref_slice %arg3[%dma_start3A_156, %dma_start3A_157] : memref<50000x32xbf16, #tpu.memory_space<hbm>> -> memref<50000x32xbf16, #tpu.memory_space<hbm>>
      tpu.enqueue_indirect_dma source(%dma_start3A_158 : memref<50000x32xbf16, #tpu.memory_space<hbm>>) target(%dma_start3A_153 : memref<128x32xbf16, #tpu.memory_space<vmem>>) offsets(%dma_start3A_155 : memref<128xi32, #tpu.memory_space<vmem>>) semaphore(%arg10 : memref<!tpu.dma_semaphore, #tpu.memory_space<semaphore_mem>>)
      %dma_start3A_159 = arith.constant 1024 : i32
      %dma_start3A_160 = arith.constant 0 : i32
      %dma_start3A_161 = tpu.memref_slice %arg8[%dma_start3A_159, %dma_start3A_160] : memref<1280x32xbf16, #tpu.memory_space<vmem>> -> memref<128x32xbf16, #tpu.memory_space<vmem>>
      %dma_start3A_162 = arith.constant 1024 : i32
      %dma_start3A_163 = tpu.memref_slice %arg6[%dma_start3A_162] : memref<1280xi32, #tpu.memory_space<vmem>> -> memref<128xi32, #tpu.memory_space<vmem>>
      %dma_start3A_164 = arith.constant 0 : i32
      %dma_start3A_165 = arith.constant 0 : i32
      %dma_start3A_166 = tpu.memref_slice %arg3[%dma_start3A_164, %dma_start3A_165] : memref<50000x32xbf16, #tpu.memory_space<hbm>> -> memref<50000x32xbf16, #tpu.memory_space<hbm>>
      tpu.enqueue_indirect_dma source(%dma_start3A_166 : memref<50000x32xbf16, #tpu.memory_space<hbm>>) target(%dma_start3A_161 : memref<128x32xbf16, #tpu.memory_space<vmem>>) offsets(%dma_start3A_163 : memref<128xi32, #tpu.memory_space<vmem>>) semaphore(%arg10 : memref<!tpu.dma_semaphore, #tpu.memory_space<semaphore_mem>>)
      %dma_start3A_167 = arith.constant 1152 : i32
      %dma_start3A_168 = arith.constant 0 : i32
      %dma_start3A_169 = tpu.memref_slice %arg8[%dma_start3A_167, %dma_start3A_168] : memref<1280x32xbf16, #tpu.memory_space<vmem>> -> memref<128x32xbf16, #tpu.memory_space<vmem>>
      %dma_start3A_170 = arith.constant 1152 : i32
      %dma_start3A_171 = tpu.memref_slice %arg6[%dma_start3A_170] : memref<1280xi32, #tpu.memory_space<vmem>> -> memref<128xi32, #tpu.memory_space<vmem>>
      %dma_start3A_172 = arith.constant 0 : i32
      %dma_start3A_173 = arith.constant 0 : i32
      %dma_start3A_174 = tpu.memref_slice %arg3[%dma_start3A_172, %dma_start3A_173] : memref<50000x32xbf16, #tpu.memory_space<hbm>> -> memref<50000x32xbf16, #tpu.memory_space<hbm>>
      tpu.enqueue_indirect_dma source(%dma_start3A_174 : memref<50000x32xbf16, #tpu.memory_space<hbm>>) target(%dma_start3A_169 : memref<128x32xbf16, #tpu.memory_space<vmem>>) offsets(%dma_start3A_171 : memref<128xi32, #tpu.memory_space<vmem>>) semaphore(%arg10 : memref<!tpu.dma_semaphore, #tpu.memory_space<semaphore_mem>>)
      %dma_wait3A = arith.constant 0 : i32
      %dma_wait3A_175 = arith.constant 0 : i32
      %dma_wait3A_176 = tpu.memref_slice %arg7[%dma_wait3A, %dma_wait3A_175] : memref<1280x32xbf16, #tpu.memory_space<vmem>> -> memref<128x32xbf16, #tpu.memory_space<vmem>>
      %dma_wait3A_177 = arith.constant 0 : i32
      %dma_wait3A_178 = tpu.memref_slice %arg5[%dma_wait3A_177] : memref<1280xi32, #tpu.memory_space<vmem>> -> memref<128xi32, #tpu.memory_space<vmem>>
      %dma_wait3A_179 = arith.constant 0 : i32
      %dma_wait3A_180 = arith.constant 0 : i32
      %dma_wait3A_181 = tpu.memref_slice %arg3[%dma_wait3A_179, %dma_wait3A_180] : memref<50000x32xbf16, #tpu.memory_space<hbm>> -> memref<50000x32xbf16, #tpu.memory_space<hbm>>
      tpu.wait_indirect_dma semaphore(%arg9 : memref<!tpu.dma_semaphore, #tpu.memory_space<semaphore_mem>>) src(%dma_wait3A_181 : memref<50000x32xbf16, #tpu.memory_space<hbm>>) dst(%dma_wait3A_176 : memref<128x32xbf16, #tpu.memory_space<vmem>>)
      %dma_wait3A_182 = arith.constant 128 : i32
      %dma_wait3A_183 = arith.constant 0 : i32
      %dma_wait3A_184 = tpu.memref_slice %arg7[%dma_wait3A_182, %dma_wait3A_183] : memref<1280x32xbf16, #tpu.memory_space<vmem>> -> memref<128x32xbf16, #tpu.memory_space<vmem>>
      %dma_wait3A_185 = arith.constant 128 : i32
      %dma_wait3A_186 = tpu.memref_slice %arg5[%dma_wait3A_185] : memref<1280xi32, #tpu.memory_space<vmem>> -> memref<128xi32, #tpu.memory_space<vmem>>
      %dma_wait3A_187 = arith.constant 0 : i32
      %dma_wait3A_188 = arith.constant 0 : i32
      %dma_wait3A_189 = tpu.memref_slice %arg3[%dma_wait3A_187, %dma_wait3A_188] : memref<50000x32xbf16, #tpu.memory_space<hbm>> -> memref<50000x32xbf16, #tpu.memory_space<hbm>>
      tpu.wait_indirect_dma semaphore(%arg9 : memref<!tpu.dma_semaphore, #tpu.memory_space<semaphore_mem>>) src(%dma_wait3A_189 : memref<50000x32xbf16, #tpu.memory_space<hbm>>) dst(%dma_wait3A_184 : memref<128x32xbf16, #tpu.memory_space<vmem>>)
      %dma_wait3A_190 = arith.constant 256 : i32
      %dma_wait3A_191 = arith.constant 0 : i32
      %dma_wait3A_192 = tpu.memref_slice %arg7[%dma_wait3A_190, %dma_wait3A_191] : memref<1280x32xbf16, #tpu.memory_space<vmem>> -> memref<128x32xbf16, #tpu.memory_space<vmem>>
      %dma_wait3A_193 = arith.constant 256 : i32
      %dma_wait3A_194 = tpu.memref_slice %arg5[%dma_wait3A_193] : memref<1280xi32, #tpu.memory_space<vmem>> -> memref<128xi32, #tpu.memory_space<vmem>>
      %dma_wait3A_195 = arith.constant 0 : i32
      %dma_wait3A_196 = arith.constant 0 : i32
      %dma_wait3A_197 = tpu.memref_slice %arg3[%dma_wait3A_195, %dma_wait3A_196] : memref<50000x32xbf16, #tpu.memory_space<hbm>> -> memref<50000x32xbf16, #tpu.memory_space<hbm>>
      tpu.wait_indirect_dma semaphore(%arg9 : memref<!tpu.dma_semaphore, #tpu.memory_space<semaphore_mem>>) src(%dma_wait3A_197 : memref<50000x32xbf16, #tpu.memory_space<hbm>>) dst(%dma_wait3A_192 : memref<128x32xbf16, #tpu.memory_space<vmem>>)
      %dma_wait3A_198 = arith.constant 384 : i32
      %dma_wait3A_199 = arith.constant 0 : i32
      %dma_wait3A_200 = tpu.memref_slice %arg7[%dma_wait3A_198, %dma_wait3A_199] : memref<1280x32xbf16, #tpu.memory_space<vmem>> -> memref<128x32xbf16, #tpu.memory_space<vmem>>
      %dma_wait3A_201 = arith.constant 384 : i32
      %dma_wait3A_202 = tpu.memref_slice %arg5[%dma_wait3A_201] : memref<1280xi32, #tpu.memory_space<vmem>> -> memref<128xi32, #tpu.memory_space<vmem>>
      %dma_wait3A_203 = arith.constant 0 : i32
      %dma_wait3A_204 = arith.constant 0 : i32
      %dma_wait3A_205 = tpu.memref_slice %arg3[%dma_wait3A_203, %dma_wait3A_204] : memref<50000x32xbf16, #tpu.memory_space<hbm>> -> memref<50000x32xbf16, #tpu.memory_space<hbm>>
      tpu.wait_indirect_dma semaphore(%arg9 : memref<!tpu.dma_semaphore, #tpu.memory_space<semaphore_mem>>) src(%dma_wait3A_205 : memref<50000x32xbf16, #tpu.memory_space<hbm>>) dst(%dma_wait3A_200 : memref<128x32xbf16, #tpu.memory_space<vmem>>)
      %dma_wait3A_206 = arith.constant 512 : i32
      %dma_wait3A_207 = arith.constant 0 : i32
      %dma_wait3A_208 = tpu.memref_slice %arg7[%dma_wait3A_206, %dma_wait3A_207] : memref<1280x32xbf16, #tpu.memory_space<vmem>> -> memref<128x32xbf16, #tpu.memory_space<vmem>>
      %dma_wait3A_209 = arith.constant 512 : i32
      %dma_wait3A_210 = tpu.memref_slice %arg5[%dma_wait3A_209] : memref<1280xi32, #tpu.memory_space<vmem>> -> memref<128xi32, #tpu.memory_space<vmem>>
      %dma_wait3A_211 = arith.constant 0 : i32
      %dma_wait3A_212 = arith.constant 0 : i32
      %dma_wait3A_213 = tpu.memref_slice %arg3[%dma_wait3A_211, %dma_wait3A_212] : memref<50000x32xbf16, #tpu.memory_space<hbm>> -> memref<50000x32xbf16, #tpu.memory_space<hbm>>
      tpu.wait_indirect_dma semaphore(%arg9 : memref<!tpu.dma_semaphore, #tpu.memory_space<semaphore_mem>>) src(%dma_wait3A_213 : memref<50000x32xbf16, #tpu.memory_space<hbm>>) dst(%dma_wait3A_208 : memref<128x32xbf16, #tpu.memory_space<vmem>>)
      %dma_wait3A_214 = arith.constant 640 : i32
      %dma_wait3A_215 = arith.constant 0 : i32
      %dma_wait3A_216 = tpu.memref_slice %arg7[%dma_wait3A_214, %dma_wait3A_215] : memref<1280x32xbf16, #tpu.memory_space<vmem>> -> memref<128x32xbf16, #tpu.memory_space<vmem>>
      %dma_wait3A_217 = arith.constant 640 : i32
      %dma_wait3A_218 = tpu.memref_slice %arg5[%dma_wait3A_217] : memref<1280xi32, #tpu.memory_space<vmem>> -> memref<128xi32, #tpu.memory_space<vmem>>
      %dma_wait3A_219 = arith.constant 0 : i32
      %dma_wait3A_220 = arith.constant 0 : i32
      %dma_wait3A_221 = tpu.memref_slice %arg3[%dma_wait3A_219, %dma_wait3A_220] : memref<50000x32xbf16, #tpu.memory_space<hbm>> -> memref<50000x32xbf16, #tpu.memory_space<hbm>>
      tpu.wait_indirect_dma semaphore(%arg9 : memref<!tpu.dma_semaphore, #tpu.memory_space<semaphore_mem>>) src(%dma_wait3A_221 : memref<50000x32xbf16, #tpu.memory_space<hbm>>) dst(%dma_wait3A_216 : memref<128x32xbf16, #tpu.memory_space<vmem>>)
      %dma_wait3A_222 = arith.constant 768 : i32
      %dma_wait3A_223 = arith.constant 0 : i32
      %dma_wait3A_224 = tpu.memref_slice %arg7[%dma_wait3A_222, %dma_wait3A_223] : memref<1280x32xbf16, #tpu.memory_space<vmem>> -> memref<128x32xbf16, #tpu.memory_space<vmem>>
      %dma_wait3A_225 = arith.constant 768 : i32
      %dma_wait3A_226 = tpu.memref_slice %arg5[%dma_wait3A_225] : memref<1280xi32, #tpu.memory_space<vmem>> -> memref<128xi32, #tpu.memory_space<vmem>>
      %dma_wait3A_227 = arith.constant 0 : i32
      %dma_wait3A_228 = arith.constant 0 : i32
      %dma_wait3A_229 = tpu.memref_slice %arg3[%dma_wait3A_227, %dma_wait3A_228] : memref<50000x32xbf16, #tpu.memory_space<hbm>> -> memref<50000x32xbf16, #tpu.memory_space<hbm>>
      tpu.wait_indirect_dma semaphore(%arg9 : memref<!tpu.dma_semaphore, #tpu.memory_space<semaphore_mem>>) src(%dma_wait3A_229 : memref<50000x32xbf16, #tpu.memory_space<hbm>>) dst(%dma_wait3A_224 : memref<128x32xbf16, #tpu.memory_space<vmem>>)
      %dma_wait3A_230 = arith.constant 896 : i32
      %dma_wait3A_231 = arith.constant 0 : i32
      %dma_wait3A_232 = tpu.memref_slice %arg7[%dma_wait3A_230, %dma_wait3A_231] : memref<1280x32xbf16, #tpu.memory_space<vmem>> -> memref<128x32xbf16, #tpu.memory_space<vmem>>
      %dma_wait3A_233 = arith.constant 896 : i32
      %dma_wait3A_234 = tpu.memref_slice %arg5[%dma_wait3A_233] : memref<1280xi32, #tpu.memory_space<vmem>> -> memref<128xi32, #tpu.memory_space<vmem>>
      %dma_wait3A_235 = arith.constant 0 : i32
      %dma_wait3A_236 = arith.constant 0 : i32
      %dma_wait3A_237 = tpu.memref_slice %arg3[%dma_wait3A_235, %dma_wait3A_236] : memref<50000x32xbf16, #tpu.memory_space<hbm>> -> memref<50000x32xbf16, #tpu.memory_space<hbm>>
      tpu.wait_indirect_dma semaphore(%arg9 : memref<!tpu.dma_semaphore, #tpu.memory_space<semaphore_mem>>) src(%dma_wait3A_237 : memref<50000x32xbf16, #tpu.memory_space<hbm>>) dst(%dma_wait3A_232 : memref<128x32xbf16, #tpu.memory_space<vmem>>)
      %dma_wait3A_238 = arith.constant 1024 : i32
      %dma_wait3A_239 = arith.constant 0 : i32
      %dma_wait3A_240 = tpu.memref_slice %arg7[%dma_wait3A_238, %dma_wait3A_239] : memref<1280x32xbf16, #tpu.memory_space<vmem>> -> memref<128x32xbf16, #tpu.memory_space<vmem>>
      %dma_wait3A_241 = arith.constant 1024 : i32
      %dma_wait3A_242 = tpu.memref_slice %arg5[%dma_wait3A_241] : memref<1280xi32, #tpu.memory_space<vmem>> -> memref<128xi32, #tpu.memory_space<vmem>>
      %dma_wait3A_243 = arith.constant 0 : i32
      %dma_wait3A_244 = arith.constant 0 : i32
      %dma_wait3A_245 = tpu.memref_slice %arg3[%dma_wait3A_243, %dma_wait3A_244] : memref<50000x32xbf16, #tpu.memory_space<hbm>> -> memref<50000x32xbf16, #tpu.memory_space<hbm>>
      tpu.wait_indirect_dma semaphore(%arg9 : memref<!tpu.dma_semaphore, #tpu.memory_space<semaphore_mem>>) src(%dma_wait3A_245 : memref<50000x32xbf16, #tpu.memory_space<hbm>>) dst(%dma_wait3A_240 : memref<128x32xbf16, #tpu.memory_space<vmem>>)
      %dma_wait3A_246 = arith.constant 1152 : i32
      %dma_wait3A_247 = arith.constant 0 : i32
      %dma_wait3A_248 = tpu.memref_slice %arg7[%dma_wait3A_246, %dma_wait3A_247] : memref<1280x32xbf16, #tpu.memory_space<vmem>> -> memref<128x32xbf16, #tpu.memory_space<vmem>>
      %dma_wait3A_249 = arith.constant 1152 : i32
      %dma_wait3A_250 = tpu.memref_slice %arg5[%dma_wait3A_249] : memref<1280xi32, #tpu.memory_space<vmem>> -> memref<128xi32, #tpu.memory_space<vmem>>
      %dma_wait3A_251 = arith.constant 0 : i32
      %dma_wait3A_252 = arith.constant 0 : i32
      %dma_wait3A_253 = tpu.memref_slice %arg3[%dma_wait3A_251, %dma_wait3A_252] : memref<50000x32xbf16, #tpu.memory_space<hbm>> -> memref<50000x32xbf16, #tpu.memory_space<hbm>>
      tpu.wait_indirect_dma semaphore(%arg9 : memref<!tpu.dma_semaphore, #tpu.memory_space<semaphore_mem>>) src(%dma_wait3A_253 : memref<50000x32xbf16, #tpu.memory_space<hbm>>) dst(%dma_wait3A_248 : memref<128x32xbf16, #tpu.memory_space<vmem>>)
      %dma_start3A_254 = arith.constant 0 : i32
      %dma_start3A_255 = tpu.memref_slice %arg4[%add3A_13, %dma_start3A_254] : memref<409600x32xbf16, #tpu.memory_space<hbm>> -> memref<1280x32xbf16, #tpu.memory_space<hbm>>
      %dma_start3A_256 = arith.constant 0 : i32
      %dma_start3A_257 = tpu.memref_slice %arg4[%add3A_13, %dma_start3A_256] : memref<409600x32xbf16, #tpu.memory_space<hbm>> -> memref<1280x32xbf16, #tpu.memory_space<hbm>>
      tpu.enqueue_dma source(%arg7 : memref<1280x32xbf16, #tpu.memory_space<vmem>>) target(%dma_start3A_257 : memref<1280x32xbf16, #tpu.memory_space<hbm>>) target_semaphore(%arg11 : memref<!tpu.dma_semaphore, #tpu.memory_space<semaphore_mem>>)
      %dma_wait3A_258 = arith.constant 0 : i32
      %dma_wait3A_259 = arith.constant 0 : i32
      %dma_wait3A_260 = tpu.memref_slice %arg8[%dma_wait3A_258, %dma_wait3A_259] : memref<1280x32xbf16, #tpu.memory_space<vmem>> -> memref<128x32xbf16, #tpu.memory_space<vmem>>
      %dma_wait3A_261 = arith.constant 0 : i32
      %dma_wait3A_262 = tpu.memref_slice %arg6[%dma_wait3A_261] : memref<1280xi32, #tpu.memory_space<vmem>> -> memref<128xi32, #tpu.memory_space<vmem>>
      %dma_wait3A_263 = arith.constant 0 : i32
      %dma_wait3A_264 = arith.constant 0 : i32
      %dma_wait3A_265 = tpu.memref_slice %arg3[%dma_wait3A_263, %dma_wait3A_264] : memref<50000x32xbf16, #tpu.memory_space<hbm>> -> memref<50000x32xbf16, #tpu.memory_space<hbm>>
      tpu.wait_indirect_dma semaphore(%arg10 : memref<!tpu.dma_semaphore, #tpu.memory_space<semaphore_mem>>) src(%dma_wait3A_265 : memref<50000x32xbf16, #tpu.memory_space<hbm>>) dst(%dma_wait3A_260 : memref<128x32xbf16, #tpu.memory_space<vmem>>)
      %dma_wait3A_266 = arith.constant 128 : i32
      %dma_wait3A_267 = arith.constant 0 : i32
      %dma_wait3A_268 = tpu.memref_slice %arg8[%dma_wait3A_266, %dma_wait3A_267] : memref<1280x32xbf16, #tpu.memory_space<vmem>> -> memref<128x32xbf16, #tpu.memory_space<vmem>>
      %dma_wait3A_269 = arith.constant 128 : i32
      %dma_wait3A_270 = tpu.memref_slice %arg6[%dma_wait3A_269] : memref<1280xi32, #tpu.memory_space<vmem>> -> memref<128xi32, #tpu.memory_space<vmem>>
      %dma_wait3A_271 = arith.constant 0 : i32
      %dma_wait3A_272 = arith.constant 0 : i32
      %dma_wait3A_273 = tpu.memref_slice %arg3[%dma_wait3A_271, %dma_wait3A_272] : memref<50000x32xbf16, #tpu.memory_space<hbm>> -> memref<50000x32xbf16, #tpu.memory_space<hbm>>
      tpu.wait_indirect_dma semaphore(%arg10 : memref<!tpu.dma_semaphore, #tpu.memory_space<semaphore_mem>>) src(%dma_wait3A_273 : memref<50000x32xbf16, #tpu.memory_space<hbm>>) dst(%dma_wait3A_268 : memref<128x32xbf16, #tpu.memory_space<vmem>>)
      %dma_wait3A_274 = arith.constant 256 : i32
      %dma_wait3A_275 = arith.constant 0 : i32
      %dma_wait3A_276 = tpu.memref_slice %arg8[%dma_wait3A_274, %dma_wait3A_275] : memref<1280x32xbf16, #tpu.memory_space<vmem>> -> memref<128x32xbf16, #tpu.memory_space<vmem>>
      %dma_wait3A_277 = arith.constant 256 : i32
      %dma_wait3A_278 = tpu.memref_slice %arg6[%dma_wait3A_277] : memref<1280xi32, #tpu.memory_space<vmem>> -> memref<128xi32, #tpu.memory_space<vmem>>
      %dma_wait3A_279 = arith.constant 0 : i32
      %dma_wait3A_280 = arith.constant 0 : i32
      %dma_wait3A_281 = tpu.memref_slice %arg3[%dma_wait3A_279, %dma_wait3A_280] : memref<50000x32xbf16, #tpu.memory_space<hbm>> -> memref<50000x32xbf16, #tpu.memory_space<hbm>>
      tpu.wait_indirect_dma semaphore(%arg10 : memref<!tpu.dma_semaphore, #tpu.memory_space<semaphore_mem>>) src(%dma_wait3A_281 : memref<50000x32xbf16, #tpu.memory_space<hbm>>) dst(%dma_wait3A_276 : memref<128x32xbf16, #tpu.memory_space<vmem>>)
      %dma_wait3A_282 = arith.constant 384 : i32
      %dma_wait3A_283 = arith.constant 0 : i32
      %dma_wait3A_284 = tpu.memref_slice %arg8[%dma_wait3A_282, %dma_wait3A_283] : memref<1280x32xbf16, #tpu.memory_space<vmem>> -> memref<128x32xbf16, #tpu.memory_space<vmem>>
      %dma_wait3A_285 = arith.constant 384 : i32
      %dma_wait3A_286 = tpu.memref_slice %arg6[%dma_wait3A_285] : memref<1280xi32, #tpu.memory_space<vmem>> -> memref<128xi32, #tpu.memory_space<vmem>>
      %dma_wait3A_287 = arith.constant 0 : i32
      %dma_wait3A_288 = arith.constant 0 : i32
      %dma_wait3A_289 = tpu.memref_slice %arg3[%dma_wait3A_287, %dma_wait3A_288] : memref<50000x32xbf16, #tpu.memory_space<hbm>> -> memref<50000x32xbf16, #tpu.memory_space<hbm>>
      tpu.wait_indirect_dma semaphore(%arg10 : memref<!tpu.dma_semaphore, #tpu.memory_space<semaphore_mem>>) src(%dma_wait3A_289 : memref<50000x32xbf16, #tpu.memory_space<hbm>>) dst(%dma_wait3A_284 : memref<128x32xbf16, #tpu.memory_space<vmem>>)
      %dma_wait3A_290 = arith.constant 512 : i32
      %dma_wait3A_291 = arith.constant 0 : i32
      %dma_wait3A_292 = tpu.memref_slice %arg8[%dma_wait3A_290, %dma_wait3A_291] : memref<1280x32xbf16, #tpu.memory_space<vmem>> -> memref<128x32xbf16, #tpu.memory_space<vmem>>
      %dma_wait3A_293 = arith.constant 512 : i32
      %dma_wait3A_294 = tpu.memref_slice %arg6[%dma_wait3A_293] : memref<1280xi32, #tpu.memory_space<vmem>> -> memref<128xi32, #tpu.memory_space<vmem>>
      %dma_wait3A_295 = arith.constant 0 : i32
      %dma_wait3A_296 = arith.constant 0 : i32
      %dma_wait3A_297 = tpu.memref_slice %arg3[%dma_wait3A_295, %dma_wait3A_296] : memref<50000x32xbf16, #tpu.memory_space<hbm>> -> memref<50000x32xbf16, #tpu.memory_space<hbm>>
      tpu.wait_indirect_dma semaphore(%arg10 : memref<!tpu.dma_semaphore, #tpu.memory_space<semaphore_mem>>) src(%dma_wait3A_297 : memref<50000x32xbf16, #tpu.memory_space<hbm>>) dst(%dma_wait3A_292 : memref<128x32xbf16, #tpu.memory_space<vmem>>)
      %dma_wait3A_298 = arith.constant 640 : i32
      %dma_wait3A_299 = arith.constant 0 : i32
      %dma_wait3A_300 = tpu.memref_slice %arg8[%dma_wait3A_298, %dma_wait3A_299] : memref<1280x32xbf16, #tpu.memory_space<vmem>> -> memref<128x32xbf16, #tpu.memory_space<vmem>>
      %dma_wait3A_301 = arith.constant 640 : i32
      %dma_wait3A_302 = tpu.memref_slice %arg6[%dma_wait3A_301] : memref<1280xi32, #tpu.memory_space<vmem>> -> memref<128xi32, #tpu.memory_space<vmem>>
      %dma_wait3A_303 = arith.constant 0 : i32
      %dma_wait3A_304 = arith.constant 0 : i32
      %dma_wait3A_305 = tpu.memref_slice %arg3[%dma_wait3A_303, %dma_wait3A_304] : memref<50000x32xbf16, #tpu.memory_space<hbm>> -> memref<50000x32xbf16, #tpu.memory_space<hbm>>
      tpu.wait_indirect_dma semaphore(%arg10 : memref<!tpu.dma_semaphore, #tpu.memory_space<semaphore_mem>>) src(%dma_wait3A_305 : memref<50000x32xbf16, #tpu.memory_space<hbm>>) dst(%dma_wait3A_300 : memref<128x32xbf16, #tpu.memory_space<vmem>>)
      %dma_wait3A_306 = arith.constant 768 : i32
      %dma_wait3A_307 = arith.constant 0 : i32
      %dma_wait3A_308 = tpu.memref_slice %arg8[%dma_wait3A_306, %dma_wait3A_307] : memref<1280x32xbf16, #tpu.memory_space<vmem>> -> memref<128x32xbf16, #tpu.memory_space<vmem>>
      %dma_wait3A_309 = arith.constant 768 : i32
      %dma_wait3A_310 = tpu.memref_slice %arg6[%dma_wait3A_309] : memref<1280xi32, #tpu.memory_space<vmem>> -> memref<128xi32, #tpu.memory_space<vmem>>
      %dma_wait3A_311 = arith.constant 0 : i32
      %dma_wait3A_312 = arith.constant 0 : i32
      %dma_wait3A_313 = tpu.memref_slice %arg3[%dma_wait3A_311, %dma_wait3A_312] : memref<50000x32xbf16, #tpu.memory_space<hbm>> -> memref<50000x32xbf16, #tpu.memory_space<hbm>>
      tpu.wait_indirect_dma semaphore(%arg10 : memref<!tpu.dma_semaphore, #tpu.memory_space<semaphore_mem>>) src(%dma_wait3A_313 : memref<50000x32xbf16, #tpu.memory_space<hbm>>) dst(%dma_wait3A_308 : memref<128x32xbf16, #tpu.memory_space<vmem>>)
      %dma_wait3A_314 = arith.constant 896 : i32
      %dma_wait3A_315 = arith.constant 0 : i32
      %dma_wait3A_316 = tpu.memref_slice %arg8[%dma_wait3A_314, %dma_wait3A_315] : memref<1280x32xbf16, #tpu.memory_space<vmem>> -> memref<128x32xbf16, #tpu.memory_space<vmem>>
      %dma_wait3A_317 = arith.constant 896 : i32
      %dma_wait3A_318 = tpu.memref_slice %arg6[%dma_wait3A_317] : memref<1280xi32, #tpu.memory_space<vmem>> -> memref<128xi32, #tpu.memory_space<vmem>>
      %dma_wait3A_319 = arith.constant 0 : i32
      %dma_wait3A_320 = arith.constant 0 : i32
      %dma_wait3A_321 = tpu.memref_slice %arg3[%dma_wait3A_319, %dma_wait3A_320] : memref<50000x32xbf16, #tpu.memory_space<hbm>> -> memref<50000x32xbf16, #tpu.memory_space<hbm>>
      tpu.wait_indirect_dma semaphore(%arg10 : memref<!tpu.dma_semaphore, #tpu.memory_space<semaphore_mem>>) src(%dma_wait3A_321 : memref<50000x32xbf16, #tpu.memory_space<hbm>>) dst(%dma_wait3A_316 : memref<128x32xbf16, #tpu.memory_space<vmem>>)
      %dma_wait3A_322 = arith.constant 1024 : i32
      %dma_wait3A_323 = arith.constant 0 : i32
      %dma_wait3A_324 = tpu.memref_slice %arg8[%dma_wait3A_322, %dma_wait3A_323] : memref<1280x32xbf16, #tpu.memory_space<vmem>> -> memref<128x32xbf16, #tpu.memory_space<vmem>>
      %dma_wait3A_325 = arith.constant 1024 : i32
      %dma_wait3A_326 = tpu.memref_slice %arg6[%dma_wait3A_325] : memref<1280xi32, #tpu.memory_space<vmem>> -> memref<128xi32, #tpu.memory_space<vmem>>
      %dma_wait3A_327 = arith.constant 0 : i32
      %dma_wait3A_328 = arith.constant 0 : i32
      %dma_wait3A_329 = tpu.memref_slice %arg3[%dma_wait3A_327, %dma_wait3A_328] : memref<50000x32xbf16, #tpu.memory_space<hbm>> -> memref<50000x32xbf16, #tpu.memory_space<hbm>>
      tpu.wait_indirect_dma semaphore(%arg10 : memref<!tpu.dma_semaphore, #tpu.memory_space<semaphore_mem>>) src(%dma_wait3A_329 : memref<50000x32xbf16, #tpu.memory_space<hbm>>) dst(%dma_wait3A_324 : memref<128x32xbf16, #tpu.memory_space<vmem>>)
      %dma_wait3A_330 = arith.constant 1152 : i32
      %dma_wait3A_331 = arith.constant 0 : i32
      %dma_wait3A_332 = tpu.memref_slice %arg8[%dma_wait3A_330, %dma_wait3A_331] : memref<1280x32xbf16, #tpu.memory_space<vmem>> -> memref<128x32xbf16, #tpu.memory_space<vmem>>
      %dma_wait3A_333 = arith.constant 1152 : i32
      %dma_wait3A_334 = tpu.memref_slice %arg6[%dma_wait3A_333] : memref<1280xi32, #tpu.memory_space<vmem>> -> memref<128xi32, #tpu.memory_space<vmem>>
      %dma_wait3A_335 = arith.constant 0 : i32
      %dma_wait3A_336 = arith.constant 0 : i32
      %dma_wait3A_337 = tpu.memref_slice %arg3[%dma_wait3A_335, %dma_wait3A_336] : memref<50000x32xbf16, #tpu.memory_space<hbm>> -> memref<50000x32xbf16, #tpu.memory_space<hbm>>
      tpu.wait_indirect_dma semaphore(%arg10 : memref<!tpu.dma_semaphore, #tpu.memory_space<semaphore_mem>>) src(%dma_wait3A_337 : memref<50000x32xbf16, #tpu.memory_space<hbm>>) dst(%dma_wait3A_332 : memref<128x32xbf16, #tpu.memory_space<vmem>>)
      %dma_start3A_338 = arith.constant 0 : i32
      %dma_start3A_339 = tpu.memref_slice %arg4[%add3A_15, %dma_start3A_338] : memref<409600x32xbf16, #tpu.memory_space<hbm>> -> memref<1280x32xbf16, #tpu.memory_space<hbm>>
      %dma_start3A_340 = arith.constant 0 : i32
      %dma_start3A_341 = tpu.memref_slice %arg4[%add3A_15, %dma_start3A_340] : memref<409600x32xbf16, #tpu.memory_space<hbm>> -> memref<1280x32xbf16, #tpu.memory_space<hbm>>
      tpu.enqueue_dma source(%arg8 : memref<1280x32xbf16, #tpu.memory_space<vmem>>) target(%dma_start3A_341 : memref<1280x32xbf16, #tpu.memory_space<hbm>>) target_semaphore(%arg11 : memref<!tpu.dma_semaphore, #tpu.memory_space<semaphore_mem>>)
      %dma_wait3A_342 = arith.constant 0 : i32
      %dma_wait3A_343 = tpu.memref_slice %arg4[%add3A_13, %dma_wait3A_342] : memref<409600x32xbf16, #tpu.memory_space<hbm>> -> memref<1280x32xbf16, #tpu.memory_space<hbm>>
      %dma_wait3A_344 = arith.constant 0 : i32
      %dma_wait3A_345 = tpu.memref_slice %arg4[%add3A_13, %dma_wait3A_344] : memref<409600x32xbf16, #tpu.memory_space<hbm>> -> memref<1280x32xbf16, #tpu.memory_space<hbm>>
      tpu.wait_dma2 semaphore(%arg11 : memref<!tpu.dma_semaphore, #tpu.memory_space<semaphore_mem>>) src(%arg7 : memref<1280x32xbf16, #tpu.memory_space<vmem>>) dst(%dma_wait3A_345 : memref<1280x32xbf16, #tpu.memory_space<hbm>>)
      %dma_wait3A_346 = arith.constant 0 : i32
      %dma_wait3A_347 = tpu.memref_slice %arg4[%add3A_15, %dma_wait3A_346] : memref<409600x32xbf16, #tpu.memory_space<hbm>> -> memref<1280x32xbf16, #tpu.memory_space<hbm>>
      %dma_wait3A_348 = arith.constant 0 : i32
      %dma_wait3A_349 = tpu.memref_slice %arg4[%add3A_15, %dma_wait3A_348] : memref<409600x32xbf16, #tpu.memory_space<hbm>> -> memref<1280x32xbf16, #tpu.memory_space<hbm>>
      tpu.wait_dma2 semaphore(%arg11 : memref<!tpu.dma_semaphore, #tpu.memory_space<semaphore_mem>>) src(%arg8 : memref<1280x32xbf16, #tpu.memory_space<vmem>>) dst(%dma_wait3A_349 : memref<1280x32xbf16, #tpu.memory_space<hbm>>)
    }
    %scan3A_7 = arith.constant 5 : i32
    return
  }
}

module attributes {stable_mosaic.version = 14 : i64} {
  func.func @_pack_body(%arg0: i32, %arg1: memref<8x1000x3xf32, #tpu.memory_space<vmem>>, %arg2: memref<32x32xf32, #tpu.memory_space<vmem>>, %arg3: memref<1000x32xbf16, #tpu.memory_space<vmem>>, %arg4: memref<1000x32xf32, #tpu.memory_space<vmem>>) attributes {dimension_semantics = [#tpu.dimension_semantics<arbitrary>], iteration_bounds = array<i64: 50>, scalar_prefetch = 0 : i64, scratch_operands = 0 : i64, tpu.core_type = #tpu.core_type<tc>, window_params = [{transform_indices = @transform_0, window_bounds = array<i64: 8, 1000, 3>}, {pipeline_mode = #tpu.pipeline_mode<synchronous>, transform_indices = @transform_1, window_bounds = array<i64: 32, 32>}, {transform_indices = @transform_2, window_bounds = array<i64: 1000, 32>}, {transform_indices = @transform_3, window_bounds = array<i64: 1000, 32>}]} {
    %get3A = arith.constant 0 : index
    %get3A_0 = arith.constant 0 : index
    %get3A_1 = arith.constant 0 : index
    %get3A_2 = vector.load %arg1[%get3A, %get3A_0, %get3A_1] : memref<8x1000x3xf32, #tpu.memory_space<vmem>>, vector<1x1000x3xf32>
    %get3A_3 = vector.shape_cast %get3A_2 : vector<1x1000x3xf32> to vector<1000x3xf32>
    %get3A_4 = arith.constant 1 : index
    %get3A_5 = arith.constant 0 : index
    %get3A_6 = arith.constant 0 : index
    %get3A_7 = vector.load %arg1[%get3A_4, %get3A_5, %get3A_6] : memref<8x1000x3xf32, #tpu.memory_space<vmem>>, vector<1x1000x3xf32>
    %get3A_8 = vector.shape_cast %get3A_7 : vector<1x1000x3xf32> to vector<1000x3xf32>
    %get3A_9 = arith.constant 2 : index
    %get3A_10 = arith.constant 0 : index
    %get3A_11 = arith.constant 0 : index
    %get3A_12 = vector.load %arg1[%get3A_9, %get3A_10, %get3A_11] : memref<8x1000x3xf32, #tpu.memory_space<vmem>>, vector<1x1000x3xf32>
    %get3A_13 = vector.shape_cast %get3A_12 : vector<1x1000x3xf32> to vector<1000x3xf32>
    %get3A_14 = arith.constant 3 : index
    %get3A_15 = arith.constant 0 : index
    %get3A_16 = arith.constant 0 : index
    %get3A_17 = vector.load %arg1[%get3A_14, %get3A_15, %get3A_16] : memref<8x1000x3xf32, #tpu.memory_space<vmem>>, vector<1x1000x3xf32>
    %get3A_18 = vector.shape_cast %get3A_17 : vector<1x1000x3xf32> to vector<1000x3xf32>
    %get3A_19 = arith.constant 4 : index
    %get3A_20 = arith.constant 0 : index
    %get3A_21 = arith.constant 0 : index
    %get3A_22 = vector.load %arg1[%get3A_19, %get3A_20, %get3A_21] : memref<8x1000x3xf32, #tpu.memory_space<vmem>>, vector<1x1000x3xf32>
    %get3A_23 = vector.shape_cast %get3A_22 : vector<1x1000x3xf32> to vector<1000x3xf32>
    %get3A_24 = arith.constant 5 : index
    %get3A_25 = arith.constant 0 : index
    %get3A_26 = arith.constant 0 : index
    %get3A_27 = vector.load %arg1[%get3A_24, %get3A_25, %get3A_26] : memref<8x1000x3xf32, #tpu.memory_space<vmem>>, vector<1x1000x3xf32>
    %get3A_28 = vector.shape_cast %get3A_27 : vector<1x1000x3xf32> to vector<1000x3xf32>
    %get3A_29 = arith.constant 6 : index
    %get3A_30 = arith.constant 0 : index
    %get3A_31 = arith.constant 0 : index
    %get3A_32 = vector.load %arg1[%get3A_29, %get3A_30, %get3A_31] : memref<8x1000x3xf32, #tpu.memory_space<vmem>>, vector<1x1000x3xf32>
    %get3A_33 = vector.shape_cast %get3A_32 : vector<1x1000x3xf32> to vector<1000x3xf32>
    %get3A_34 = arith.constant 7 : index
    %get3A_35 = arith.constant 0 : index
    %get3A_36 = arith.constant 0 : index
    %get3A_37 = vector.load %arg1[%get3A_34, %get3A_35, %get3A_36] : memref<8x1000x3xf32, #tpu.memory_space<vmem>>, vector<1x1000x3xf32>
    %get3A_38 = vector.shape_cast %get3A_37 : vector<1x1000x3xf32> to vector<1000x3xf32>
    %broadcast_in_dim3A = arith.constant 0.000000e+00 : f32
    %broadcast_in_dim3A_39 = vector.broadcast %broadcast_in_dim3A : f32 to vector<1000x8xf32>
    %concatenate3A = tpu.concatenate %get3A_3, %get3A_8, %get3A_13, %get3A_18, %get3A_23, %get3A_28, %get3A_33, %get3A_38, %broadcast_in_dim3A_39 in 1 : vector<1000x3xf32>, vector<1000x3xf32>, vector<1000x3xf32>, vector<1000x3xf32>, vector<1000x3xf32>, vector<1000x3xf32>, vector<1000x3xf32>, vector<1000x3xf32>, vector<1000x8xf32> -> vector<1000x32xf32>
    %get3A_40 = arith.constant 0 : index
    %get3A_41 = arith.constant 0 : index
    %get3A_42 = vector.load %arg2[%get3A_40, %get3A_41] : memref<32x32xf32, #tpu.memory_space<vmem>>, vector<32x32xf32>
    %dot_general3A = arith.constant dense<0.000000e+00> : vector<1000x32xf32>
    %dot_general3A_43 = tpu.matmul %concatenate3A, %get3A_42, %dot_general3A {dimension_numbers = #tpu.dot_dimension_numbers<[1], [0], [0], [1], [0, 0, 1, 1], [], []>, transpose_lhs_hint = false} : vector<1000x32xf32>, vector<32x32xf32>, vector<1000x32xf32> -> vector<1000x32xf32>
    %convert_element_type3A = arith.truncf %dot_general3A_43 : vector<1000x32xf32> to vector<1000x32xbf16>
    %swap3A = arith.constant 0 : index
    %swap3A_44 = arith.constant 0 : index
    %swap3A_45 = vector.load %arg3[%swap3A, %swap3A_44] : memref<1000x32xbf16, #tpu.memory_space<vmem>>, vector<1000x32xbf16>
    tpu.vector_store %arg3[%swap3A, %swap3A_44], %convert_element_type3A {strides = array<i32>} : memref<1000x32xbf16, #tpu.memory_space<vmem>>, vector<1000x32xbf16>,
    %swap3A_46 = arith.constant 0 : index
    %swap3A_47 = arith.constant 0 : index
    %swap3A_48 = vector.load %arg4[%swap3A_46, %swap3A_47] : memref<1000x32xf32, #tpu.memory_space<vmem>>, vector<1000x32xf32>
    tpu.vector_store %arg4[%swap3A_46, %swap3A_47], %dot_general3A_43 {strides = array<i32>} : memref<1000x32xf32, #tpu.memory_space<vmem>>, vector<1000x32xf32>,
    return
  }
  func.func @transform_0(%arg0: i32) -> (i32, i32, i32) {
    %c0_i32 = arith.constant 0 : i32
    %c0_i32_0 = arith.constant 0 : i32
    %c0_i32_1 = arith.constant 0 : i32
    return %c0_i32, %arg0, %c0_i32_0 : i32, i32, i32
  }
  func.func @transform_1(%arg0: i32) -> (i32, i32) {
    %c0_i32 = arith.constant 0 : i32
    %c0_i32_0 = arith.constant 0 : i32
    %c0_i32_1 = arith.constant 0 : i32
    return %c0_i32, %c0_i32_0 : i32, i32
  }
  func.func @transform_2(%arg0: i32) -> (i32, i32) {
    %c0_i32 = arith.constant 0 : i32
    %c0_i32_0 = arith.constant 0 : i32
    return %arg0, %c0_i32 : i32, i32
  }
  func.func @transform_3(%arg0: i32) -> (i32, i32) {
    %c0_i32 = arith.constant 0 : i32
    %c0_i32_0 = arith.constant 0 : i32
    return %arg0, %c0_i32 : i32, i32
  }
}

module attributes {stable_mosaic.version = 14 : i64} {
  func.func @_tc_body(%arg0: i32, %arg1: memref<1000x256xf32, #tpu.memory_space<vmem>>, %arg2: memref<1000x512xbf16, #tpu.memory_space<vmem>>, %arg3: memref<1000x32xf32, #tpu.memory_space<vmem>>, %arg4: memref<1000x16xf32, #tpu.memory_space<vmem>>, %arg5: memref<3x128x128xbf16, #tpu.memory_space<vmem>>, %arg6: memref<32x128xf32, #tpu.memory_space<vmem>>, %arg7: memref<16x128xbf16, #tpu.memory_space<vmem>>, %arg8: memref<32x384xbf16, #tpu.memory_space<vmem>>, %arg9: memref<8x1000x16xf32, #tpu.memory_space<vmem>>, %arg10: memref<1000x128xf32, #tpu.memory_space<vmem>>, %arg11: memref<1000x128xf32, #tpu.memory_space<vmem>>, %arg12: memref<1000x128xf32, #tpu.memory_space<vmem>>) attributes {dimension_semantics = [#tpu.dimension_semantics<arbitrary>], iteration_bounds = array<i64: 25>, scalar_prefetch = 0 : i64, scratch_operands = 3 : i64, tpu.core_type = #tpu.core_type<tc>, window_params = [{transform_indices = @transform_0, window_bounds = array<i64: 1000, 256>}, {transform_indices = @transform_1, window_bounds = array<i64: 1000, 512>}, {transform_indices = @transform_2, window_bounds = array<i64: 1000, 32>}, {transform_indices = @transform_3, window_bounds = array<i64: 1000, 16>}, {pipeline_mode = #tpu.pipeline_mode<synchronous>, transform_indices = @transform_4, window_bounds = array<i64: 3, 128, 128>}, {pipeline_mode = #tpu.pipeline_mode<synchronous>, transform_indices = @transform_5, window_bounds = array<i64: 32, 128>}, {pipeline_mode = #tpu.pipeline_mode<synchronous>, transform_indices = @transform_6, window_bounds = array<i64: 16, 128>}, {pipeline_mode = #tpu.pipeline_mode<synchronous>, transform_indices = @transform_7, window_bounds = array<i64: 32, 384>}, {transform_indices = @transform_8, window_bounds = array<i64: 8, 1000, 16>}]} {
    %broadcast_in_dim3A = arith.constant 0.000000e+00 : f32
    %broadcast_in_dim3A_0 = vector.broadcast %broadcast_in_dim3A : f32 to vector<1000x128xf32>
    %swap3A = arith.constant 0 : index
    %swap3A_1 = arith.constant 0 : index
    %swap3A_2 = vector.load %arg10[%swap3A, %swap3A_1] : memref<1000x128xf32, #tpu.memory_space<vmem>>, vector<1000x128xf32>
    tpu.vector_store %arg10[%swap3A, %swap3A_1], %broadcast_in_dim3A_0 {strides = array<i32>} : memref<1000x128xf32, #tpu.memory_space<vmem>>, vector<1000x128xf32>,
    %broadcast_in_dim3A_3 = arith.constant 0.000000e+00 : f32
    %broadcast_in_dim3A_4 = vector.broadcast %broadcast_in_dim3A_3 : f32 to vector<1000x128xf32>
    %swap3A_5 = arith.constant 0 : index
    %swap3A_6 = arith.constant 0 : index
    %swap3A_7 = vector.load %arg11[%swap3A_5, %swap3A_6] : memref<1000x128xf32, #tpu.memory_space<vmem>>, vector<1000x128xf32>
    tpu.vector_store %arg11[%swap3A_5, %swap3A_6], %broadcast_in_dim3A_4 {strides = array<i32>} : memref<1000x128xf32, #tpu.memory_space<vmem>>, vector<1000x128xf32>,
    %broadcast_in_dim3A_8 = arith.constant 0.000000e+00 : f32
    %broadcast_in_dim3A_9 = vector.broadcast %broadcast_in_dim3A_8 : f32 to vector<1000x128xf32>
    %swap3A_10 = arith.constant 0 : index
    %swap3A_11 = arith.constant 0 : index
    %swap3A_12 = vector.load %arg12[%swap3A_10, %swap3A_11] : memref<1000x128xf32, #tpu.memory_space<vmem>>, vector<1000x128xf32>
    tpu.vector_store %arg12[%swap3A_10, %swap3A_11], %broadcast_in_dim3A_9 {strides = array<i32>} : memref<1000x128xf32, #tpu.memory_space<vmem>>, vector<1000x128xf32>,
    %get3A = arith.constant 0 : index
    %get3A_13 = arith.constant 0 : index
    %get3A_14 = vector.load %arg1[%get3A, %get3A_13] : memref<1000x256xf32, #tpu.memory_space<vmem>>, vector<1000x16xf32>
    %convert_element_type3A = arith.truncf %get3A_14 : vector<1000x16xf32> to vector<1000x16xbf16>
    %get3A_15 = arith.constant 0 : index
    %get3A_16 = arith.constant 0 : index
    %get3A_17 = vector.load %arg7[%get3A_15, %get3A_16] : memref<16x128xbf16, #tpu.memory_space<vmem>>, vector<16x128xbf16>
    %dot_general3A = arith.constant dense<0.000000e+00> : vector<1000x128xf32>
    %dot_general3A_18 = tpu.matmul %convert_element_type3A, %get3A_17, %dot_general3A {dimension_numbers = #tpu.dot_dimension_numbers<[1], [0], [0], [1], [0, 0, 1, 1], [], []>, transpose_lhs_hint = false} : vector<1000x16xbf16>, vector<16x128xbf16>, vector<1000x128xf32> -> vector<1000x128xf32>
    %get3A_19 = arith.constant 0 : index
    %get3A_20 = arith.constant 0 : index
    %get3A_21 = vector.load %arg2[%get3A_19, %get3A_20] : memref<1000x512xbf16, #tpu.memory_space<vmem>>, vector<1000x32xbf16>
    %get3A_22 = arith.constant 0 : index
    %get3A_23 = arith.constant 0 : index
    %get3A_24 = vector.load %arg8[%get3A_22, %get3A_23] : memref<32x384xbf16, #tpu.memory_space<vmem>>, vector<32x384xbf16>
    %dot_general3A_25 = arith.constant dense<0.000000e+00> : vector<1000x384xf32>
    %dot_general3A_26 = tpu.matmul %get3A_21, %get3A_24, %dot_general3A_25 {dimension_numbers = #tpu.dot_dimension_numbers<[1], [0], [0], [1], [0, 0, 1, 1], [], []>, transpose_lhs_hint = false} : vector<1000x32xbf16>, vector<32x384xbf16>, vector<1000x384xf32> -> vector<1000x384xf32>
    %get3A_27 = arith.constant 0 : index
    %get3A_28 = arith.constant 0 : index
    %get3A_29 = vector.load %arg10[%get3A_27, %get3A_28] : memref<1000x128xf32, #tpu.memory_space<vmem>>, vector<1000x128xf32>
    %slice3A = vector.extract_strided_slice %dot_general3A_26 {offsets = [0, 0], sizes = [1000, 128], strides = [1, 1]} : vector<1000x384xf32> to vector<1000x128xf32>
    %mul3A = arith.mulf %dot_general3A_18, %slice3A : vector<1000x128xf32>
    %add3A = arith.addf %get3A_29, %mul3A : vector<1000x128xf32>
    %swap3A_30 = arith.constant 0 : index
    %swap3A_31 = arith.constant 0 : index
    %swap3A_32 = vector.load %arg10[%swap3A_30, %swap3A_31] : memref<1000x128xf32, #tpu.memory_space<vmem>>, vector<1000x128xf32>
    tpu.vector_store %arg10[%swap3A_30, %swap3A_31], %add3A {strides = array<i32>} : memref<1000x128xf32, #tpu.memory_space<vmem>>, vector<1000x128xf32>,
    %get3A_33 = arith.constant 0 : index
    %get3A_34 = arith.constant 0 : index
    %get3A_35 = vector.load %arg11[%get3A_33, %get3A_34] : memref<1000x128xf32, #tpu.memory_space<vmem>>, vector<1000x128xf32>
    %slice3A_36 = vector.extract_strided_slice %dot_general3A_26 {offsets = [0, 128], sizes = [1000, 128], strides = [1, 1]} : vector<1000x384xf32> to vector<1000x128xf32>
    %mul3A_37 = arith.mulf %dot_general3A_18, %slice3A_36 : vector<1000x128xf32>
    %add3A_38 = arith.addf %get3A_35, %mul3A_37 : vector<1000x128xf32>
    %swap3A_39 = arith.constant 0 : index
    %swap3A_40 = arith.constant 0 : index
    %swap3A_41 = vector.load %arg11[%swap3A_39, %swap3A_40] : memref<1000x128xf32, #tpu.memory_space<vmem>>, vector<1000x128xf32>
    tpu.vector_store %arg11[%swap3A_39, %swap3A_40], %add3A_38 {strides = array<i32>} : memref<1000x128xf32, #tpu.memory_space<vmem>>, vector<1000x128xf32>,
    %get3A_42 = arith.constant 0 : index
    %get3A_43 = arith.constant 0 : index
    %get3A_44 = vector.load %arg12[%get3A_42, %get3A_43] : memref<1000x128xf32, #tpu.memory_space<vmem>>, vector<1000x128xf32>
    %slice3A_45 = vector.extract_strided_slice %dot_general3A_26 {offsets = [0, 256], sizes = [1000, 128], strides = [1, 1]} : vector<1000x384xf32> to vector<1000x128xf32>
    %mul3A_46 = arith.mulf %dot_general3A_18, %slice3A_45 : vector<1000x128xf32>
    %add3A_47 = arith.addf %get3A_44, %mul3A_46 : vector<1000x128xf32>
    %swap3A_48 = arith.constant 0 : index
    %swap3A_49 = arith.constant 0 : index
    %swap3A_50 = vector.load %arg12[%swap3A_48, %swap3A_49] : memref<1000x128xf32, #tpu.memory_space<vmem>>, vector<1000x128xf32>
    tpu.vector_store %arg12[%swap3A_48, %swap3A_49], %add3A_47 {strides = array<i32>} : memref<1000x128xf32, #tpu.memory_space<vmem>>, vector<1000x128xf32>,
    %get3A_51 = arith.constant 0 : index
    %get3A_52 = arith.constant 16 : index
    %get3A_53 = vector.load %arg1[%get3A_51, %get3A_52] : memref<1000x256xf32, #tpu.memory_space<vmem>>, vector<1000x16xf32>
    %convert_element_type3A_54 = arith.truncf %get3A_53 : vector<1000x16xf32> to vector<1000x16xbf16>
    %get3A_55 = arith.constant 0 : index
    %get3A_56 = arith.constant 0 : index
    %get3A_57 = vector.load %arg7[%get3A_55, %get3A_56] : memref<16x128xbf16, #tpu.memory_space<vmem>>, vector<16x128xbf16>
    %dot_general3A_58 = arith.constant dense<0.000000e+00> : vector<1000x128xf32>
    %dot_general3A_59 = tpu.matmul %convert_element_type3A_54, %get3A_57, %dot_general3A_58 {dimension_numbers = #tpu.dot_dimension_numbers<[1], [0], [0], [1], [0, 0, 1, 1], [], []>, transpose_lhs_hint = false} : vector<1000x16xbf16>, vector<16x128xbf16>, vector<1000x128xf32> -> vector<1000x128xf32>
    %get3A_60 = arith.constant 0 : index
    %get3A_61 = arith.constant 32 : index
    %get3A_62 = vector.load %arg2[%get3A_60, %get3A_61] : memref<1000x512xbf16, #tpu.memory_space<vmem>>, vector<1000x32xbf16>
    %get3A_63 = arith.constant 0 : index
    %get3A_64 = arith.constant 0 : index
    %get3A_65 = vector.load %arg8[%get3A_63, %get3A_64] : memref<32x384xbf16, #tpu.memory_space<vmem>>, vector<32x384xbf16>
    %dot_general3A_66 = arith.constant dense<0.000000e+00> : vector<1000x384xf32>
    %dot_general3A_67 = tpu.matmul %get3A_62, %get3A_65, %dot_general3A_66 {dimension_numbers = #tpu.dot_dimension_numbers<[1], [0], [0], [1], [0, 0, 1, 1], [], []>, transpose_lhs_hint = false} : vector<1000x32xbf16>, vector<32x384xbf16>, vector<1000x384xf32> -> vector<1000x384xf32>
    %get3A_68 = arith.constant 0 : index
    %get3A_69 = arith.constant 0 : index
    %get3A_70 = vector.load %arg10[%get3A_68, %get3A_69] : memref<1000x128xf32, #tpu.memory_space<vmem>>, vector<1000x128xf32>
    %slice3A_71 = vector.extract_strided_slice %dot_general3A_67 {offsets = [0, 0], sizes = [1000, 128], strides = [1, 1]} : vector<1000x384xf32> to vector<1000x128xf32>
    %mul3A_72 = arith.mulf %dot_general3A_59, %slice3A_71 : vector<1000x128xf32>
    %add3A_73 = arith.addf %get3A_70, %mul3A_72 : vector<1000x128xf32>
    %swap3A_74 = arith.constant 0 : index
    %swap3A_75 = arith.constant 0 : index
    %swap3A_76 = vector.load %arg10[%swap3A_74, %swap3A_75] : memref<1000x128xf32, #tpu.memory_space<vmem>>, vector<1000x128xf32>
    tpu.vector_store %arg10[%swap3A_74, %swap3A_75], %add3A_73 {strides = array<i32>} : memref<1000x128xf32, #tpu.memory_space<vmem>>, vector<1000x128xf32>,
    %get3A_77 = arith.constant 0 : index
    %get3A_78 = arith.constant 0 : index
    %get3A_79 = vector.load %arg11[%get3A_77, %get3A_78] : memref<1000x128xf32, #tpu.memory_space<vmem>>, vector<1000x128xf32>
    %slice3A_80 = vector.extract_strided_slice %dot_general3A_67 {offsets = [0, 128], sizes = [1000, 128], strides = [1, 1]} : vector<1000x384xf32> to vector<1000x128xf32>
    %mul3A_81 = arith.mulf %dot_general3A_59, %slice3A_80 : vector<1000x128xf32>
    %add3A_82 = arith.addf %get3A_79, %mul3A_81 : vector<1000x128xf32>
    %swap3A_83 = arith.constant 0 : index
    %swap3A_84 = arith.constant 0 : index
    %swap3A_85 = vector.load %arg11[%swap3A_83, %swap3A_84] : memref<1000x128xf32, #tpu.memory_space<vmem>>, vector<1000x128xf32>
    tpu.vector_store %arg11[%swap3A_83, %swap3A_84], %add3A_82 {strides = array<i32>} : memref<1000x128xf32, #tpu.memory_space<vmem>>, vector<1000x128xf32>,
    %get3A_86 = arith.constant 0 : index
    %get3A_87 = arith.constant 0 : index
    %get3A_88 = vector.load %arg12[%get3A_86, %get3A_87] : memref<1000x128xf32, #tpu.memory_space<vmem>>, vector<1000x128xf32>
    %slice3A_89 = vector.extract_strided_slice %dot_general3A_67 {offsets = [0, 256], sizes = [1000, 128], strides = [1, 1]} : vector<1000x384xf32> to vector<1000x128xf32>
    %mul3A_90 = arith.mulf %dot_general3A_59, %slice3A_89 : vector<1000x128xf32>
    %add3A_91 = arith.addf %get3A_88, %mul3A_90 : vector<1000x128xf32>
    %swap3A_92 = arith.constant 0 : index
    %swap3A_93 = arith.constant 0 : index
    %swap3A_94 = vector.load %arg12[%swap3A_92, %swap3A_93] : memref<1000x128xf32, #tpu.memory_space<vmem>>, vector<1000x128xf32>
    tpu.vector_store %arg12[%swap3A_92, %swap3A_93], %add3A_91 {strides = array<i32>} : memref<1000x128xf32, #tpu.memory_space<vmem>>, vector<1000x128xf32>,
    %get3A_95 = arith.constant 0 : index
    %get3A_96 = arith.constant 32 : index
    %get3A_97 = vector.load %arg1[%get3A_95, %get3A_96] : memref<1000x256xf32, #tpu.memory_space<vmem>>, vector<1000x16xf32>
    %convert_element_type3A_98 = arith.truncf %get3A_97 : vector<1000x16xf32> to vector<1000x16xbf16>
    %get3A_99 = arith.constant 0 : index
    %get3A_100 = arith.constant 0 : index
    %get3A_101 = vector.load %arg7[%get3A_99, %get3A_100] : memref<16x128xbf16, #tpu.memory_space<vmem>>, vector<16x128xbf16>
    %dot_general3A_102 = arith.constant dense<0.000000e+00> : vector<1000x128xf32>
    %dot_general3A_103 = tpu.matmul %convert_element_type3A_98, %get3A_101, %dot_general3A_102 {dimension_numbers = #tpu.dot_dimension_numbers<[1], [0], [0], [1], [0, 0, 1, 1], [], []>, transpose_lhs_hint = false} : vector<1000x16xbf16>, vector<16x128xbf16>, vector<1000x128xf32> -> vector<1000x128xf32>
    %get3A_104 = arith.constant 0 : index
    %get3A_105 = arith.constant 64 : index
    %get3A_106 = vector.load %arg2[%get3A_104, %get3A_105] : memref<1000x512xbf16, #tpu.memory_space<vmem>>, vector<1000x32xbf16>
    %get3A_107 = arith.constant 0 : index
    %get3A_108 = arith.constant 0 : index
    %get3A_109 = vector.load %arg8[%get3A_107, %get3A_108] : memref<32x384xbf16, #tpu.memory_space<vmem>>, vector<32x384xbf16>
    %dot_general3A_110 = arith.constant dense<0.000000e+00> : vector<1000x384xf32>
    %dot_general3A_111 = tpu.matmul %get3A_106, %get3A_109, %dot_general3A_110 {dimension_numbers = #tpu.dot_dimension_numbers<[1], [0], [0], [1], [0, 0, 1, 1], [], []>, transpose_lhs_hint = false} : vector<1000x32xbf16>, vector<32x384xbf16>, vector<1000x384xf32> -> vector<1000x384xf32>
    %get3A_112 = arith.constant 0 : index
    %get3A_113 = arith.constant 0 : index
    %get3A_114 = vector.load %arg10[%get3A_112, %get3A_113] : memref<1000x128xf32, #tpu.memory_space<vmem>>, vector<1000x128xf32>
    %slice3A_115 = vector.extract_strided_slice %dot_general3A_111 {offsets = [0, 0], sizes = [1000, 128], strides = [1, 1]} : vector<1000x384xf32> to vector<1000x128xf32>
    %mul3A_116 = arith.mulf %dot_general3A_103, %slice3A_115 : vector<1000x128xf32>
    %add3A_117 = arith.addf %get3A_114, %mul3A_116 : vector<1000x128xf32>
    %swap3A_118 = arith.constant 0 : index
    %swap3A_119 = arith.constant 0 : index
    %swap3A_120 = vector.load %arg10[%swap3A_118, %swap3A_119] : memref<1000x128xf32, #tpu.memory_space<vmem>>, vector<1000x128xf32>
    tpu.vector_store %arg10[%swap3A_118, %swap3A_119], %add3A_117 {strides = array<i32>} : memref<1000x128xf32, #tpu.memory_space<vmem>>, vector<1000x128xf32>,
    %get3A_121 = arith.constant 0 : index
    %get3A_122 = arith.constant 0 : index
    %get3A_123 = vector.load %arg11[%get3A_121, %get3A_122] : memref<1000x128xf32, #tpu.memory_space<vmem>>, vector<1000x128xf32>
    %slice3A_124 = vector.extract_strided_slice %dot_general3A_111 {offsets = [0, 128], sizes = [1000, 128], strides = [1, 1]} : vector<1000x384xf32> to vector<1000x128xf32>
    %mul3A_125 = arith.mulf %dot_general3A_103, %slice3A_124 : vector<1000x128xf32>
    %add3A_126 = arith.addf %get3A_123, %mul3A_125 : vector<1000x128xf32>
    %swap3A_127 = arith.constant 0 : index
    %swap3A_128 = arith.constant 0 : index
    %swap3A_129 = vector.load %arg11[%swap3A_127, %swap3A_128] : memref<1000x128xf32, #tpu.memory_space<vmem>>, vector<1000x128xf32>
    tpu.vector_store %arg11[%swap3A_127, %swap3A_128], %add3A_126 {strides = array<i32>} : memref<1000x128xf32, #tpu.memory_space<vmem>>, vector<1000x128xf32>,
    %get3A_130 = arith.constant 0 : index
    %get3A_131 = arith.constant 0 : index
    %get3A_132 = vector.load %arg12[%get3A_130, %get3A_131] : memref<1000x128xf32, #tpu.memory_space<vmem>>, vector<1000x128xf32>
    %slice3A_133 = vector.extract_strided_slice %dot_general3A_111 {offsets = [0, 256], sizes = [1000, 128], strides = [1, 1]} : vector<1000x384xf32> to vector<1000x128xf32>
    %mul3A_134 = arith.mulf %dot_general3A_103, %slice3A_133 : vector<1000x128xf32>
    %add3A_135 = arith.addf %get3A_132, %mul3A_134 : vector<1000x128xf32>
    %swap3A_136 = arith.constant 0 : index
    %swap3A_137 = arith.constant 0 : index
    %swap3A_138 = vector.load %arg12[%swap3A_136, %swap3A_137] : memref<1000x128xf32, #tpu.memory_space<vmem>>, vector<1000x128xf32>
    tpu.vector_store %arg12[%swap3A_136, %swap3A_137], %add3A_135 {strides = array<i32>} : memref<1000x128xf32, #tpu.memory_space<vmem>>, vector<1000x128xf32>,
    %get3A_139 = arith.constant 0 : index
    %get3A_140 = arith.constant 48 : index
    %get3A_141 = vector.load %arg1[%get3A_139, %get3A_140] : memref<1000x256xf32, #tpu.memory_space<vmem>>, vector<1000x16xf32>
    %convert_element_type3A_142 = arith.truncf %get3A_141 : vector<1000x16xf32> to vector<1000x16xbf16>
    %get3A_143 = arith.constant 0 : index
    %get3A_144 = arith.constant 0 : index
    %get3A_145 = vector.load %arg7[%get3A_143, %get3A_144] : memref<16x128xbf16, #tpu.memory_space<vmem>>, vector<16x128xbf16>
    %dot_general3A_146 = arith.constant dense<0.000000e+00> : vector<1000x128xf32>
    %dot_general3A_147 = tpu.matmul %convert_element_type3A_142, %get3A_145, %dot_general3A_146 {dimension_numbers = #tpu.dot_dimension_numbers<[1], [0], [0], [1], [0, 0, 1, 1], [], []>, transpose_lhs_hint = false} : vector<1000x16xbf16>, vector<16x128xbf16>, vector<1000x128xf32> -> vector<1000x128xf32>
    %get3A_148 = arith.constant 0 : index
    %get3A_149 = arith.constant 96 : index
    %get3A_150 = vector.load %arg2[%get3A_148, %get3A_149] : memref<1000x512xbf16, #tpu.memory_space<vmem>>, vector<1000x32xbf16>
    %get3A_151 = arith.constant 0 : index
    %get3A_152 = arith.constant 0 : index
    %get3A_153 = vector.load %arg8[%get3A_151, %get3A_152] : memref<32x384xbf16, #tpu.memory_space<vmem>>, vector<32x384xbf16>
    %dot_general3A_154 = arith.constant dense<0.000000e+00> : vector<1000x384xf32>
    %dot_general3A_155 = tpu.matmul %get3A_150, %get3A_153, %dot_general3A_154 {dimension_numbers = #tpu.dot_dimension_numbers<[1], [0], [0], [1], [0, 0, 1, 1], [], []>, transpose_lhs_hint = false} : vector<1000x32xbf16>, vector<32x384xbf16>, vector<1000x384xf32> -> vector<1000x384xf32>
    %get3A_156 = arith.constant 0 : index
    %get3A_157 = arith.constant 0 : index
    %get3A_158 = vector.load %arg10[%get3A_156, %get3A_157] : memref<1000x128xf32, #tpu.memory_space<vmem>>, vector<1000x128xf32>
    %slice3A_159 = vector.extract_strided_slice %dot_general3A_155 {offsets = [0, 0], sizes = [1000, 128], strides = [1, 1]} : vector<1000x384xf32> to vector<1000x128xf32>
    %mul3A_160 = arith.mulf %dot_general3A_147, %slice3A_159 : vector<1000x128xf32>
    %add3A_161 = arith.addf %get3A_158, %mul3A_160 : vector<1000x128xf32>
    %swap3A_162 = arith.constant 0 : index
    %swap3A_163 = arith.constant 0 : index
    %swap3A_164 = vector.load %arg10[%swap3A_162, %swap3A_163] : memref<1000x128xf32, #tpu.memory_space<vmem>>, vector<1000x128xf32>
    tpu.vector_store %arg10[%swap3A_162, %swap3A_163], %add3A_161 {strides = array<i32>} : memref<1000x128xf32, #tpu.memory_space<vmem>>, vector<1000x128xf32>,
    %get3A_165 = arith.constant 0 : index
    %get3A_166 = arith.constant 0 : index
    %get3A_167 = vector.load %arg11[%get3A_165, %get3A_166] : memref<1000x128xf32, #tpu.memory_space<vmem>>, vector<1000x128xf32>
    %slice3A_168 = vector.extract_strided_slice %dot_general3A_155 {offsets = [0, 128], sizes = [1000, 128], strides = [1, 1]} : vector<1000x384xf32> to vector<1000x128xf32>
    %mul3A_169 = arith.mulf %dot_general3A_147, %slice3A_168 : vector<1000x128xf32>
    %add3A_170 = arith.addf %get3A_167, %mul3A_169 : vector<1000x128xf32>
    %swap3A_171 = arith.constant 0 : index
    %swap3A_172 = arith.constant 0 : index
    %swap3A_173 = vector.load %arg11[%swap3A_171, %swap3A_172] : memref<1000x128xf32, #tpu.memory_space<vmem>>, vector<1000x128xf32>
    tpu.vector_store %arg11[%swap3A_171, %swap3A_172], %add3A_170 {strides = array<i32>} : memref<1000x128xf32, #tpu.memory_space<vmem>>, vector<1000x128xf32>,
    %get3A_174 = arith.constant 0 : index
    %get3A_175 = arith.constant 0 : index
    %get3A_176 = vector.load %arg12[%get3A_174, %get3A_175] : memref<1000x128xf32, #tpu.memory_space<vmem>>, vector<1000x128xf32>
    %slice3A_177 = vector.extract_strided_slice %dot_general3A_155 {offsets = [0, 256], sizes = [1000, 128], strides = [1, 1]} : vector<1000x384xf32> to vector<1000x128xf32>
    %mul3A_178 = arith.mulf %dot_general3A_147, %slice3A_177 : vector<1000x128xf32>
    %add3A_179 = arith.addf %get3A_176, %mul3A_178 : vector<1000x128xf32>
    %swap3A_180 = arith.constant 0 : index
    %swap3A_181 = arith.constant 0 : index
    %swap3A_182 = vector.load %arg12[%swap3A_180, %swap3A_181] : memref<1000x128xf32, #tpu.memory_space<vmem>>, vector<1000x128xf32>
    tpu.vector_store %arg12[%swap3A_180, %swap3A_181], %add3A_179 {strides = array<i32>} : memref<1000x128xf32, #tpu.memory_space<vmem>>, vector<1000x128xf32>,
    %get3A_183 = arith.constant 0 : index
    %get3A_184 = arith.constant 64 : index
    %get3A_185 = vector.load %arg1[%get3A_183, %get3A_184] : memref<1000x256xf32, #tpu.memory_space<vmem>>, vector<1000x16xf32>
    %convert_element_type3A_186 = arith.truncf %get3A_185 : vector<1000x16xf32> to vector<1000x16xbf16>
    %get3A_187 = arith.constant 0 : index
    %get3A_188 = arith.constant 0 : index
    %get3A_189 = vector.load %arg7[%get3A_187, %get3A_188] : memref<16x128xbf16, #tpu.memory_space<vmem>>, vector<16x128xbf16>
    %dot_general3A_190 = arith.constant dense<0.000000e+00> : vector<1000x128xf32>
    %dot_general3A_191 = tpu.matmul %convert_element_type3A_186, %get3A_189, %dot_general3A_190 {dimension_numbers = #tpu.dot_dimension_numbers<[1], [0], [0], [1], [0, 0, 1, 1], [], []>, transpose_lhs_hint = false} : vector<1000x16xbf16>, vector<16x128xbf16>, vector<1000x128xf32> -> vector<1000x128xf32>
    %get3A_192 = arith.constant 0 : index
    %get3A_193 = arith.constant 128 : index
    %get3A_194 = vector.load %arg2[%get3A_192, %get3A_193] : memref<1000x512xbf16, #tpu.memory_space<vmem>>, vector<1000x32xbf16>
    %get3A_195 = arith.constant 0 : index
    %get3A_196 = arith.constant 0 : index
    %get3A_197 = vector.load %arg8[%get3A_195, %get3A_196] : memref<32x384xbf16, #tpu.memory_space<vmem>>, vector<32x384xbf16>
    %dot_general3A_198 = arith.constant dense<0.000000e+00> : vector<1000x384xf32>
    %dot_general3A_199 = tpu.matmul %get3A_194, %get3A_197, %dot_general3A_198 {dimension_numbers = #tpu.dot_dimension_numbers<[1], [0], [0], [1], [0, 0, 1, 1], [], []>, transpose_lhs_hint = false} : vector<1000x32xbf16>, vector<32x384xbf16>, vector<1000x384xf32> -> vector<1000x384xf32>
    %get3A_200 = arith.constant 0 : index
    %get3A_201 = arith.constant 0 : index
    %get3A_202 = vector.load %arg10[%get3A_200, %get3A_201] : memref<1000x128xf32, #tpu.memory_space<vmem>>, vector<1000x128xf32>
    %slice3A_203 = vector.extract_strided_slice %dot_general3A_199 {offsets = [0, 0], sizes = [1000, 128], strides = [1, 1]} : vector<1000x384xf32> to vector<1000x128xf32>
    %mul3A_204 = arith.mulf %dot_general3A_191, %slice3A_203 : vector<1000x128xf32>
    %add3A_205 = arith.addf %get3A_202, %mul3A_204 : vector<1000x128xf32>
    %swap3A_206 = arith.constant 0 : index
    %swap3A_207 = arith.constant 0 : index
    %swap3A_208 = vector.load %arg10[%swap3A_206, %swap3A_207] : memref<1000x128xf32, #tpu.memory_space<vmem>>, vector<1000x128xf32>
    tpu.vector_store %arg10[%swap3A_206, %swap3A_207], %add3A_205 {strides = array<i32>} : memref<1000x128xf32, #tpu.memory_space<vmem>>, vector<1000x128xf32>,
    %get3A_209 = arith.constant 0 : index
    %get3A_210 = arith.constant 0 : index
    %get3A_211 = vector.load %arg11[%get3A_209, %get3A_210] : memref<1000x128xf32, #tpu.memory_space<vmem>>, vector<1000x128xf32>
    %slice3A_212 = vector.extract_strided_slice %dot_general3A_199 {offsets = [0, 128], sizes = [1000, 128], strides = [1, 1]} : vector<1000x384xf32> to vector<1000x128xf32>
    %mul3A_213 = arith.mulf %dot_general3A_191, %slice3A_212 : vector<1000x128xf32>
    %add3A_214 = arith.addf %get3A_211, %mul3A_213 : vector<1000x128xf32>
    %swap3A_215 = arith.constant 0 : index
    %swap3A_216 = arith.constant 0 : index
    %swap3A_217 = vector.load %arg11[%swap3A_215, %swap3A_216] : memref<1000x128xf32, #tpu.memory_space<vmem>>, vector<1000x128xf32>
    tpu.vector_store %arg11[%swap3A_215, %swap3A_216], %add3A_214 {strides = array<i32>} : memref<1000x128xf32, #tpu.memory_space<vmem>>, vector<1000x128xf32>,
    %get3A_218 = arith.constant 0 : index
    %get3A_219 = arith.constant 0 : index
    %get3A_220 = vector.load %arg12[%get3A_218, %get3A_219] : memref<1000x128xf32, #tpu.memory_space<vmem>>, vector<1000x128xf32>
    %slice3A_221 = vector.extract_strided_slice %dot_general3A_199 {offsets = [0, 256], sizes = [1000, 128], strides = [1, 1]} : vector<1000x384xf32> to vector<1000x128xf32>
    %mul3A_222 = arith.mulf %dot_general3A_191, %slice3A_221 : vector<1000x128xf32>
    %add3A_223 = arith.addf %get3A_220, %mul3A_222 : vector<1000x128xf32>
    %swap3A_224 = arith.constant 0 : index
    %swap3A_225 = arith.constant 0 : index
    %swap3A_226 = vector.load %arg12[%swap3A_224, %swap3A_225] : memref<1000x128xf32, #tpu.memory_space<vmem>>, vector<1000x128xf32>
    tpu.vector_store %arg12[%swap3A_224, %swap3A_225], %add3A_223 {strides = array<i32>} : memref<1000x128xf32, #tpu.memory_space<vmem>>, vector<1000x128xf32>,
    %get3A_227 = arith.constant 0 : index
    %get3A_228 = arith.constant 80 : index
    %get3A_229 = vector.load %arg1[%get3A_227, %get3A_228] : memref<1000x256xf32, #tpu.memory_space<vmem>>, vector<1000x16xf32>
    %convert_element_type3A_230 = arith.truncf %get3A_229 : vector<1000x16xf32> to vector<1000x16xbf16>
    %get3A_231 = arith.constant 0 : index
    %get3A_232 = arith.constant 0 : index
    %get3A_233 = vector.load %arg7[%get3A_231, %get3A_232] : memref<16x128xbf16, #tpu.memory_space<vmem>>, vector<16x128xbf16>
    %dot_general3A_234 = arith.constant dense<0.000000e+00> : vector<1000x128xf32>
    %dot_general3A_235 = tpu.matmul %convert_element_type3A_230, %get3A_233, %dot_general3A_234 {dimension_numbers = #tpu.dot_dimension_numbers<[1], [0], [0], [1], [0, 0, 1, 1], [], []>, transpose_lhs_hint = false} : vector<1000x16xbf16>, vector<16x128xbf16>, vector<1000x128xf32> -> vector<1000x128xf32>
    %get3A_236 = arith.constant 0 : index
    %get3A_237 = arith.constant 160 : index
    %get3A_238 = vector.load %arg2[%get3A_236, %get3A_237] : memref<1000x512xbf16, #tpu.memory_space<vmem>>, vector<1000x32xbf16>
    %get3A_239 = arith.constant 0 : index
    %get3A_240 = arith.constant 0 : index
    %get3A_241 = vector.load %arg8[%get3A_239, %get3A_240] : memref<32x384xbf16, #tpu.memory_space<vmem>>, vector<32x384xbf16>
    %dot_general3A_242 = arith.constant dense<0.000000e+00> : vector<1000x384xf32>
    %dot_general3A_243 = tpu.matmul %get3A_238, %get3A_241, %dot_general3A_242 {dimension_numbers = #tpu.dot_dimension_numbers<[1], [0], [0], [1], [0, 0, 1, 1], [], []>, transpose_lhs_hint = false} : vector<1000x32xbf16>, vector<32x384xbf16>, vector<1000x384xf32> -> vector<1000x384xf32>
    %get3A_244 = arith.constant 0 : index
    %get3A_245 = arith.constant 0 : index
    %get3A_246 = vector.load %arg10[%get3A_244, %get3A_245] : memref<1000x128xf32, #tpu.memory_space<vmem>>, vector<1000x128xf32>
    %slice3A_247 = vector.extract_strided_slice %dot_general3A_243 {offsets = [0, 0], sizes = [1000, 128], strides = [1, 1]} : vector<1000x384xf32> to vector<1000x128xf32>
    %mul3A_248 = arith.mulf %dot_general3A_235, %slice3A_247 : vector<1000x128xf32>
    %add3A_249 = arith.addf %get3A_246, %mul3A_248 : vector<1000x128xf32>
    %swap3A_250 = arith.constant 0 : index
    %swap3A_251 = arith.constant 0 : index
    %swap3A_252 = vector.load %arg10[%swap3A_250, %swap3A_251] : memref<1000x128xf32, #tpu.memory_space<vmem>>, vector<1000x128xf32>
    tpu.vector_store %arg10[%swap3A_250, %swap3A_251], %add3A_249 {strides = array<i32>} : memref<1000x128xf32, #tpu.memory_space<vmem>>, vector<1000x128xf32>,
    %get3A_253 = arith.constant 0 : index
    %get3A_254 = arith.constant 0 : index
    %get3A_255 = vector.load %arg11[%get3A_253, %get3A_254] : memref<1000x128xf32, #tpu.memory_space<vmem>>, vector<1000x128xf32>
    %slice3A_256 = vector.extract_strided_slice %dot_general3A_243 {offsets = [0, 128], sizes = [1000, 128], strides = [1, 1]} : vector<1000x384xf32> to vector<1000x128xf32>
    %mul3A_257 = arith.mulf %dot_general3A_235, %slice3A_256 : vector<1000x128xf32>
    %add3A_258 = arith.addf %get3A_255, %mul3A_257 : vector<1000x128xf32>
    %swap3A_259 = arith.constant 0 : index
    %swap3A_260 = arith.constant 0 : index
    %swap3A_261 = vector.load %arg11[%swap3A_259, %swap3A_260] : memref<1000x128xf32, #tpu.memory_space<vmem>>, vector<1000x128xf32>
    tpu.vector_store %arg11[%swap3A_259, %swap3A_260], %add3A_258 {strides = array<i32>} : memref<1000x128xf32, #tpu.memory_space<vmem>>, vector<1000x128xf32>,
    %get3A_262 = arith.constant 0 : index
    %get3A_263 = arith.constant 0 : index
    %get3A_264 = vector.load %arg12[%get3A_262, %get3A_263] : memref<1000x128xf32, #tpu.memory_space<vmem>>, vector<1000x128xf32>
    %slice3A_265 = vector.extract_strided_slice %dot_general3A_243 {offsets = [0, 256], sizes = [1000, 128], strides = [1, 1]} : vector<1000x384xf32> to vector<1000x128xf32>
    %mul3A_266 = arith.mulf %dot_general3A_235, %slice3A_265 : vector<1000x128xf32>
    %add3A_267 = arith.addf %get3A_264, %mul3A_266 : vector<1000x128xf32>
    %swap3A_268 = arith.constant 0 : index
    %swap3A_269 = arith.constant 0 : index
    %swap3A_270 = vector.load %arg12[%swap3A_268, %swap3A_269] : memref<1000x128xf32, #tpu.memory_space<vmem>>, vector<1000x128xf32>
    tpu.vector_store %arg12[%swap3A_268, %swap3A_269], %add3A_267 {strides = array<i32>} : memref<1000x128xf32, #tpu.memory_space<vmem>>, vector<1000x128xf32>,
    %get3A_271 = arith.constant 0 : index
    %get3A_272 = arith.constant 96 : index
    %get3A_273 = vector.load %arg1[%get3A_271, %get3A_272] : memref<1000x256xf32, #tpu.memory_space<vmem>>, vector<1000x16xf32>
    %convert_element_type3A_274 = arith.truncf %get3A_273 : vector<1000x16xf32> to vector<1000x16xbf16>
    %get3A_275 = arith.constant 0 : index
    %get3A_276 = arith.constant 0 : index
    %get3A_277 = vector.load %arg7[%get3A_275, %get3A_276] : memref<16x128xbf16, #tpu.memory_space<vmem>>, vector<16x128xbf16>
    %dot_general3A_278 = arith.constant dense<0.000000e+00> : vector<1000x128xf32>
    %dot_general3A_279 = tpu.matmul %convert_element_type3A_274, %get3A_277, %dot_general3A_278 {dimension_numbers = #tpu.dot_dimension_numbers<[1], [0], [0], [1], [0, 0, 1, 1], [], []>, transpose_lhs_hint = false} : vector<1000x16xbf16>, vector<16x128xbf16>, vector<1000x128xf32> -> vector<1000x128xf32>
    %get3A_280 = arith.constant 0 : index
    %get3A_281 = arith.constant 192 : index
    %get3A_282 = vector.load %arg2[%get3A_280, %get3A_281] : memref<1000x512xbf16, #tpu.memory_space<vmem>>, vector<1000x32xbf16>
    %get3A_283 = arith.constant 0 : index
    %get3A_284 = arith.constant 0 : index
    %get3A_285 = vector.load %arg8[%get3A_283, %get3A_284] : memref<32x384xbf16, #tpu.memory_space<vmem>>, vector<32x384xbf16>
    %dot_general3A_286 = arith.constant dense<0.000000e+00> : vector<1000x384xf32>
    %dot_general3A_287 = tpu.matmul %get3A_282, %get3A_285, %dot_general3A_286 {dimension_numbers = #tpu.dot_dimension_numbers<[1], [0], [0], [1], [0, 0, 1, 1], [], []>, transpose_lhs_hint = false} : vector<1000x32xbf16>, vector<32x384xbf16>, vector<1000x384xf32> -> vector<1000x384xf32>
    %get3A_288 = arith.constant 0 : index
    %get3A_289 = arith.constant 0 : index
    %get3A_290 = vector.load %arg10[%get3A_288, %get3A_289] : memref<1000x128xf32, #tpu.memory_space<vmem>>, vector<1000x128xf32>
    %slice3A_291 = vector.extract_strided_slice %dot_general3A_287 {offsets = [0, 0], sizes = [1000, 128], strides = [1, 1]} : vector<1000x384xf32> to vector<1000x128xf32>
    %mul3A_292 = arith.mulf %dot_general3A_279, %slice3A_291 : vector<1000x128xf32>
    %add3A_293 = arith.addf %get3A_290, %mul3A_292 : vector<1000x128xf32>
    %swap3A_294 = arith.constant 0 : index
    %swap3A_295 = arith.constant 0 : index
    %swap3A_296 = vector.load %arg10[%swap3A_294, %swap3A_295] : memref<1000x128xf32, #tpu.memory_space<vmem>>, vector<1000x128xf32>
    tpu.vector_store %arg10[%swap3A_294, %swap3A_295], %add3A_293 {strides = array<i32>} : memref<1000x128xf32, #tpu.memory_space<vmem>>, vector<1000x128xf32>,
    %get3A_297 = arith.constant 0 : index
    %get3A_298 = arith.constant 0 : index
    %get3A_299 = vector.load %arg11[%get3A_297, %get3A_298] : memref<1000x128xf32, #tpu.memory_space<vmem>>, vector<1000x128xf32>
    %slice3A_300 = vector.extract_strided_slice %dot_general3A_287 {offsets = [0, 128], sizes = [1000, 128], strides = [1, 1]} : vector<1000x384xf32> to vector<1000x128xf32>
    %mul3A_301 = arith.mulf %dot_general3A_279, %slice3A_300 : vector<1000x128xf32>
    %add3A_302 = arith.addf %get3A_299, %mul3A_301 : vector<1000x128xf32>
    %swap3A_303 = arith.constant 0 : index
    %swap3A_304 = arith.constant 0 : index
    %swap3A_305 = vector.load %arg11[%swap3A_303, %swap3A_304] : memref<1000x128xf32, #tpu.memory_space<vmem>>, vector<1000x128xf32>
    tpu.vector_store %arg11[%swap3A_303, %swap3A_304], %add3A_302 {strides = array<i32>} : memref<1000x128xf32, #tpu.memory_space<vmem>>, vector<1000x128xf32>,
    %get3A_306 = arith.constant 0 : index
    %get3A_307 = arith.constant 0 : index
    %get3A_308 = vector.load %arg12[%get3A_306, %get3A_307] : memref<1000x128xf32, #tpu.memory_space<vmem>>, vector<1000x128xf32>
    %slice3A_309 = vector.extract_strided_slice %dot_general3A_287 {offsets = [0, 256], sizes = [1000, 128], strides = [1, 1]} : vector<1000x384xf32> to vector<1000x128xf32>
    %mul3A_310 = arith.mulf %dot_general3A_279, %slice3A_309 : vector<1000x128xf32>
    %add3A_311 = arith.addf %get3A_308, %mul3A_310 : vector<1000x128xf32>
    %swap3A_312 = arith.constant 0 : index
    %swap3A_313 = arith.constant 0 : index
    %swap3A_314 = vector.load %arg12[%swap3A_312, %swap3A_313] : memref<1000x128xf32, #tpu.memory_space<vmem>>, vector<1000x128xf32>
    tpu.vector_store %arg12[%swap3A_312, %swap3A_313], %add3A_311 {strides = array<i32>} : memref<1000x128xf32, #tpu.memory_space<vmem>>, vector<1000x128xf32>,
    %get3A_315 = arith.constant 0 : index
    %get3A_316 = arith.constant 112 : index
    %get3A_317 = vector.load %arg1[%get3A_315, %get3A_316] : memref<1000x256xf32, #tpu.memory_space<vmem>>, vector<1000x16xf32>
    %convert_element_type3A_318 = arith.truncf %get3A_317 : vector<1000x16xf32> to vector<1000x16xbf16>
    %get3A_319 = arith.constant 0 : index
    %get3A_320 = arith.constant 0 : index
    %get3A_321 = vector.load %arg7[%get3A_319, %get3A_320] : memref<16x128xbf16, #tpu.memory_space<vmem>>, vector<16x128xbf16>
    %dot_general3A_322 = arith.constant dense<0.000000e+00> : vector<1000x128xf32>
    %dot_general3A_323 = tpu.matmul %convert_element_type3A_318, %get3A_321, %dot_general3A_322 {dimension_numbers = #tpu.dot_dimension_numbers<[1], [0], [0], [1], [0, 0, 1, 1], [], []>, transpose_lhs_hint = false} : vector<1000x16xbf16>, vector<16x128xbf16>, vector<1000x128xf32> -> vector<1000x128xf32>
    %get3A_324 = arith.constant 0 : index
    %get3A_325 = arith.constant 224 : index
    %get3A_326 = vector.load %arg2[%get3A_324, %get3A_325] : memref<1000x512xbf16, #tpu.memory_space<vmem>>, vector<1000x32xbf16>
    %get3A_327 = arith.constant 0 : index
    %get3A_328 = arith.constant 0 : index
    %get3A_329 = vector.load %arg8[%get3A_327, %get3A_328] : memref<32x384xbf16, #tpu.memory_space<vmem>>, vector<32x384xbf16>
    %dot_general3A_330 = arith.constant dense<0.000000e+00> : vector<1000x384xf32>
    %dot_general3A_331 = tpu.matmul %get3A_326, %get3A_329, %dot_general3A_330 {dimension_numbers = #tpu.dot_dimension_numbers<[1], [0], [0], [1], [0, 0, 1, 1], [], []>, transpose_lhs_hint = false} : vector<1000x32xbf16>, vector<32x384xbf16>, vector<1000x384xf32> -> vector<1000x384xf32>
    %get3A_332 = arith.constant 0 : index
    %get3A_333 = arith.constant 0 : index
    %get3A_334 = vector.load %arg10[%get3A_332, %get3A_333] : memref<1000x128xf32, #tpu.memory_space<vmem>>, vector<1000x128xf32>
    %slice3A_335 = vector.extract_strided_slice %dot_general3A_331 {offsets = [0, 0], sizes = [1000, 128], strides = [1, 1]} : vector<1000x384xf32> to vector<1000x128xf32>
    %mul3A_336 = arith.mulf %dot_general3A_323, %slice3A_335 : vector<1000x128xf32>
    %add3A_337 = arith.addf %get3A_334, %mul3A_336 : vector<1000x128xf32>
    %swap3A_338 = arith.constant 0 : index
    %swap3A_339 = arith.constant 0 : index
    %swap3A_340 = vector.load %arg10[%swap3A_338, %swap3A_339] : memref<1000x128xf32, #tpu.memory_space<vmem>>, vector<1000x128xf32>
    tpu.vector_store %arg10[%swap3A_338, %swap3A_339], %add3A_337 {strides = array<i32>} : memref<1000x128xf32, #tpu.memory_space<vmem>>, vector<1000x128xf32>,
    %get3A_341 = arith.constant 0 : index
    %get3A_342 = arith.constant 0 : index
    %get3A_343 = vector.load %arg11[%get3A_341, %get3A_342] : memref<1000x128xf32, #tpu.memory_space<vmem>>, vector<1000x128xf32>
    %slice3A_344 = vector.extract_strided_slice %dot_general3A_331 {offsets = [0, 128], sizes = [1000, 128], strides = [1, 1]} : vector<1000x384xf32> to vector<1000x128xf32>
    %mul3A_345 = arith.mulf %dot_general3A_323, %slice3A_344 : vector<1000x128xf32>
    %add3A_346 = arith.addf %get3A_343, %mul3A_345 : vector<1000x128xf32>
    %swap3A_347 = arith.constant 0 : index
    %swap3A_348 = arith.constant 0 : index
    %swap3A_349 = vector.load %arg11[%swap3A_347, %swap3A_348] : memref<1000x128xf32, #tpu.memory_space<vmem>>, vector<1000x128xf32>
    tpu.vector_store %arg11[%swap3A_347, %swap3A_348], %add3A_346 {strides = array<i32>} : memref<1000x128xf32, #tpu.memory_space<vmem>>, vector<1000x128xf32>,
    %get3A_350 = arith.constant 0 : index
    %get3A_351 = arith.constant 0 : index
    %get3A_352 = vector.load %arg12[%get3A_350, %get3A_351] : memref<1000x128xf32, #tpu.memory_space<vmem>>, vector<1000x128xf32>
    %slice3A_353 = vector.extract_strided_slice %dot_general3A_331 {offsets = [0, 256], sizes = [1000, 128], strides = [1, 1]} : vector<1000x384xf32> to vector<1000x128xf32>
    %mul3A_354 = arith.mulf %dot_general3A_323, %slice3A_353 : vector<1000x128xf32>
    %add3A_355 = arith.addf %get3A_352, %mul3A_354 : vector<1000x128xf32>
    %swap3A_356 = arith.constant 0 : index
    %swap3A_357 = arith.constant 0 : index
    %swap3A_358 = vector.load %arg12[%swap3A_356, %swap3A_357] : memref<1000x128xf32, #tpu.memory_space<vmem>>, vector<1000x128xf32>
    tpu.vector_store %arg12[%swap3A_356, %swap3A_357], %add3A_355 {strides = array<i32>} : memref<1000x128xf32, #tpu.memory_space<vmem>>, vector<1000x128xf32>,
    %get3A_359 = arith.constant 0 : index
    %get3A_360 = arith.constant 128 : index
    %get3A_361 = vector.load %arg1[%get3A_359, %get3A_360] : memref<1000x256xf32, #tpu.memory_space<vmem>>, vector<1000x16xf32>
    %convert_element_type3A_362 = arith.truncf %get3A_361 : vector<1000x16xf32> to vector<1000x16xbf16>
    %get3A_363 = arith.constant 0 : index
    %get3A_364 = arith.constant 0 : index
    %get3A_365 = vector.load %arg7[%get3A_363, %get3A_364] : memref<16x128xbf16, #tpu.memory_space<vmem>>, vector<16x128xbf16>
    %dot_general3A_366 = arith.constant dense<0.000000e+00> : vector<1000x128xf32>
    %dot_general3A_367 = tpu.matmul %convert_element_type3A_362, %get3A_365, %dot_general3A_366 {dimension_numbers = #tpu.dot_dimension_numbers<[1], [0], [0], [1], [0, 0, 1, 1], [], []>, transpose_lhs_hint = false} : vector<1000x16xbf16>, vector<16x128xbf16>, vector<1000x128xf32> -> vector<1000x128xf32>
    %get3A_368 = arith.constant 0 : index
    %get3A_369 = arith.constant 256 : index
    %get3A_370 = vector.load %arg2[%get3A_368, %get3A_369] : memref<1000x512xbf16, #tpu.memory_space<vmem>>, vector<1000x32xbf16>
    %get3A_371 = arith.constant 0 : index
    %get3A_372 = arith.constant 0 : index
    %get3A_373 = vector.load %arg8[%get3A_371, %get3A_372] : memref<32x384xbf16, #tpu.memory_space<vmem>>, vector<32x384xbf16>
    %dot_general3A_374 = arith.constant dense<0.000000e+00> : vector<1000x384xf32>
    %dot_general3A_375 = tpu.matmul %get3A_370, %get3A_373, %dot_general3A_374 {dimension_numbers = #tpu.dot_dimension_numbers<[1], [0], [0], [1], [0, 0, 1, 1], [], []>, transpose_lhs_hint = false} : vector<1000x32xbf16>, vector<32x384xbf16>, vector<1000x384xf32> -> vector<1000x384xf32>
    %get3A_376 = arith.constant 0 : index
    %get3A_377 = arith.constant 0 : index
    %get3A_378 = vector.load %arg10[%get3A_376, %get3A_377] : memref<1000x128xf32, #tpu.memory_space<vmem>>, vector<1000x128xf32>
    %slice3A_379 = vector.extract_strided_slice %dot_general3A_375 {offsets = [0, 0], sizes = [1000, 128], strides = [1, 1]} : vector<1000x384xf32> to vector<1000x128xf32>
    %mul3A_380 = arith.mulf %dot_general3A_367, %slice3A_379 : vector<1000x128xf32>
    %add3A_381 = arith.addf %get3A_378, %mul3A_380 : vector<1000x128xf32>
    %swap3A_382 = arith.constant 0 : index
    %swap3A_383 = arith.constant 0 : index
    %swap3A_384 = vector.load %arg10[%swap3A_382, %swap3A_383] : memref<1000x128xf32, #tpu.memory_space<vmem>>, vector<1000x128xf32>
    tpu.vector_store %arg10[%swap3A_382, %swap3A_383], %add3A_381 {strides = array<i32>} : memref<1000x128xf32, #tpu.memory_space<vmem>>, vector<1000x128xf32>,
    %get3A_385 = arith.constant 0 : index
    %get3A_386 = arith.constant 0 : index
    %get3A_387 = vector.load %arg11[%get3A_385, %get3A_386] : memref<1000x128xf32, #tpu.memory_space<vmem>>, vector<1000x128xf32>
    %slice3A_388 = vector.extract_strided_slice %dot_general3A_375 {offsets = [0, 128], sizes = [1000, 128], strides = [1, 1]} : vector<1000x384xf32> to vector<1000x128xf32>
    %mul3A_389 = arith.mulf %dot_general3A_367, %slice3A_388 : vector<1000x128xf32>
    %add3A_390 = arith.addf %get3A_387, %mul3A_389 : vector<1000x128xf32>
    %swap3A_391 = arith.constant 0 : index
    %swap3A_392 = arith.constant 0 : index
    %swap3A_393 = vector.load %arg11[%swap3A_391, %swap3A_392] : memref<1000x128xf32, #tpu.memory_space<vmem>>, vector<1000x128xf32>
    tpu.vector_store %arg11[%swap3A_391, %swap3A_392], %add3A_390 {strides = array<i32>} : memref<1000x128xf32, #tpu.memory_space<vmem>>, vector<1000x128xf32>,
    %get3A_394 = arith.constant 0 : index
    %get3A_395 = arith.constant 0 : index
    %get3A_396 = vector.load %arg12[%get3A_394, %get3A_395] : memref<1000x128xf32, #tpu.memory_space<vmem>>, vector<1000x128xf32>
    %slice3A_397 = vector.extract_strided_slice %dot_general3A_375 {offsets = [0, 256], sizes = [1000, 128], strides = [1, 1]} : vector<1000x384xf32> to vector<1000x128xf32>
    %mul3A_398 = arith.mulf %dot_general3A_367, %slice3A_397 : vector<1000x128xf32>
    %add3A_399 = arith.addf %get3A_396, %mul3A_398 : vector<1000x128xf32>
    %swap3A_400 = arith.constant 0 : index
    %swap3A_401 = arith.constant 0 : index
    %swap3A_402 = vector.load %arg12[%swap3A_400, %swap3A_401] : memref<1000x128xf32, #tpu.memory_space<vmem>>, vector<1000x128xf32>
    tpu.vector_store %arg12[%swap3A_400, %swap3A_401], %add3A_399 {strides = array<i32>} : memref<1000x128xf32, #tpu.memory_space<vmem>>, vector<1000x128xf32>,
    %get3A_403 = arith.constant 0 : index
    %get3A_404 = arith.constant 144 : index
    %get3A_405 = vector.load %arg1[%get3A_403, %get3A_404] : memref<1000x256xf32, #tpu.memory_space<vmem>>, vector<1000x16xf32>
    %convert_element_type3A_406 = arith.truncf %get3A_405 : vector<1000x16xf32> to vector<1000x16xbf16>
    %get3A_407 = arith.constant 0 : index
    %get3A_408 = arith.constant 0 : index
    %get3A_409 = vector.load %arg7[%get3A_407, %get3A_408] : memref<16x128xbf16, #tpu.memory_space<vmem>>, vector<16x128xbf16>
    %dot_general3A_410 = arith.constant dense<0.000000e+00> : vector<1000x128xf32>
    %dot_general3A_411 = tpu.matmul %convert_element_type3A_406, %get3A_409, %dot_general3A_410 {dimension_numbers = #tpu.dot_dimension_numbers<[1], [0], [0], [1], [0, 0, 1, 1], [], []>, transpose_lhs_hint = false} : vector<1000x16xbf16>, vector<16x128xbf16>, vector<1000x128xf32> -> vector<1000x128xf32>
    %get3A_412 = arith.constant 0 : index
    %get3A_413 = arith.constant 288 : index
    %get3A_414 = vector.load %arg2[%get3A_412, %get3A_413] : memref<1000x512xbf16, #tpu.memory_space<vmem>>, vector<1000x32xbf16>
    %get3A_415 = arith.constant 0 : index
    %get3A_416 = arith.constant 0 : index
    %get3A_417 = vector.load %arg8[%get3A_415, %get3A_416] : memref<32x384xbf16, #tpu.memory_space<vmem>>, vector<32x384xbf16>
    %dot_general3A_418 = arith.constant dense<0.000000e+00> : vector<1000x384xf32>
    %dot_general3A_419 = tpu.matmul %get3A_414, %get3A_417, %dot_general3A_418 {dimension_numbers = #tpu.dot_dimension_numbers<[1], [0], [0], [1], [0, 0, 1, 1], [], []>, transpose_lhs_hint = false} : vector<1000x32xbf16>, vector<32x384xbf16>, vector<1000x384xf32> -> vector<1000x384xf32>
    %get3A_420 = arith.constant 0 : index
    %get3A_421 = arith.constant 0 : index
    %get3A_422 = vector.load %arg10[%get3A_420, %get3A_421] : memref<1000x128xf32, #tpu.memory_space<vmem>>, vector<1000x128xf32>
    %slice3A_423 = vector.extract_strided_slice %dot_general3A_419 {offsets = [0, 0], sizes = [1000, 128], strides = [1, 1]} : vector<1000x384xf32> to vector<1000x128xf32>
    %mul3A_424 = arith.mulf %dot_general3A_411, %slice3A_423 : vector<1000x128xf32>
    %add3A_425 = arith.addf %get3A_422, %mul3A_424 : vector<1000x128xf32>
    %swap3A_426 = arith.constant 0 : index
    %swap3A_427 = arith.constant 0 : index
    %swap3A_428 = vector.load %arg10[%swap3A_426, %swap3A_427] : memref<1000x128xf32, #tpu.memory_space<vmem>>, vector<1000x128xf32>
    tpu.vector_store %arg10[%swap3A_426, %swap3A_427], %add3A_425 {strides = array<i32>} : memref<1000x128xf32, #tpu.memory_space<vmem>>, vector<1000x128xf32>,
    %get3A_429 = arith.constant 0 : index
    %get3A_430 = arith.constant 0 : index
    %get3A_431 = vector.load %arg11[%get3A_429, %get3A_430] : memref<1000x128xf32, #tpu.memory_space<vmem>>, vector<1000x128xf32>
    %slice3A_432 = vector.extract_strided_slice %dot_general3A_419 {offsets = [0, 128], sizes = [1000, 128], strides = [1, 1]} : vector<1000x384xf32> to vector<1000x128xf32>
    %mul3A_433 = arith.mulf %dot_general3A_411, %slice3A_432 : vector<1000x128xf32>
    %add3A_434 = arith.addf %get3A_431, %mul3A_433 : vector<1000x128xf32>
    %swap3A_435 = arith.constant 0 : index
    %swap3A_436 = arith.constant 0 : index
    %swap3A_437 = vector.load %arg11[%swap3A_435, %swap3A_436] : memref<1000x128xf32, #tpu.memory_space<vmem>>, vector<1000x128xf32>
    tpu.vector_store %arg11[%swap3A_435, %swap3A_436], %add3A_434 {strides = array<i32>} : memref<1000x128xf32, #tpu.memory_space<vmem>>, vector<1000x128xf32>,
    %get3A_438 = arith.constant 0 : index
    %get3A_439 = arith.constant 0 : index
    %get3A_440 = vector.load %arg12[%get3A_438, %get3A_439] : memref<1000x128xf32, #tpu.memory_space<vmem>>, vector<1000x128xf32>
    %slice3A_441 = vector.extract_strided_slice %dot_general3A_419 {offsets = [0, 256], sizes = [1000, 128], strides = [1, 1]} : vector<1000x384xf32> to vector<1000x128xf32>
    %mul3A_442 = arith.mulf %dot_general3A_411, %slice3A_441 : vector<1000x128xf32>
    %add3A_443 = arith.addf %get3A_440, %mul3A_442 : vector<1000x128xf32>
    %swap3A_444 = arith.constant 0 : index
    %swap3A_445 = arith.constant 0 : index
    %swap3A_446 = vector.load %arg12[%swap3A_444, %swap3A_445] : memref<1000x128xf32, #tpu.memory_space<vmem>>, vector<1000x128xf32>
    tpu.vector_store %arg12[%swap3A_444, %swap3A_445], %add3A_443 {strides = array<i32>} : memref<1000x128xf32, #tpu.memory_space<vmem>>, vector<1000x128xf32>,
    %get3A_447 = arith.constant 0 : index
    %get3A_448 = arith.constant 160 : index
    %get3A_449 = vector.load %arg1[%get3A_447, %get3A_448] : memref<1000x256xf32, #tpu.memory_space<vmem>>, vector<1000x16xf32>
    %convert_element_type3A_450 = arith.truncf %get3A_449 : vector<1000x16xf32> to vector<1000x16xbf16>
    %get3A_451 = arith.constant 0 : index
    %get3A_452 = arith.constant 0 : index
    %get3A_453 = vector.load %arg7[%get3A_451, %get3A_452] : memref<16x128xbf16, #tpu.memory_space<vmem>>, vector<16x128xbf16>
    %dot_general3A_454 = arith.constant dense<0.000000e+00> : vector<1000x128xf32>
    %dot_general3A_455 = tpu.matmul %convert_element_type3A_450, %get3A_453, %dot_general3A_454 {dimension_numbers = #tpu.dot_dimension_numbers<[1], [0], [0], [1], [0, 0, 1, 1], [], []>, transpose_lhs_hint = false} : vector<1000x16xbf16>, vector<16x128xbf16>, vector<1000x128xf32> -> vector<1000x128xf32>
    %get3A_456 = arith.constant 0 : index
    %get3A_457 = arith.constant 320 : index
    %get3A_458 = vector.load %arg2[%get3A_456, %get3A_457] : memref<1000x512xbf16, #tpu.memory_space<vmem>>, vector<1000x32xbf16>
    %get3A_459 = arith.constant 0 : index
    %get3A_460 = arith.constant 0 : index
    %get3A_461 = vector.load %arg8[%get3A_459, %get3A_460] : memref<32x384xbf16, #tpu.memory_space<vmem>>, vector<32x384xbf16>
    %dot_general3A_462 = arith.constant dense<0.000000e+00> : vector<1000x384xf32>
    %dot_general3A_463 = tpu.matmul %get3A_458, %get3A_461, %dot_general3A_462 {dimension_numbers = #tpu.dot_dimension_numbers<[1], [0], [0], [1], [0, 0, 1, 1], [], []>, transpose_lhs_hint = false} : vector<1000x32xbf16>, vector<32x384xbf16>, vector<1000x384xf32> -> vector<1000x384xf32>
    %get3A_464 = arith.constant 0 : index
    %get3A_465 = arith.constant 0 : index
    %get3A_466 = vector.load %arg10[%get3A_464, %get3A_465] : memref<1000x128xf32, #tpu.memory_space<vmem>>, vector<1000x128xf32>
    %slice3A_467 = vector.extract_strided_slice %dot_general3A_463 {offsets = [0, 0], sizes = [1000, 128], strides = [1, 1]} : vector<1000x384xf32> to vector<1000x128xf32>
    %mul3A_468 = arith.mulf %dot_general3A_455, %slice3A_467 : vector<1000x128xf32>
    %add3A_469 = arith.addf %get3A_466, %mul3A_468 : vector<1000x128xf32>
    %swap3A_470 = arith.constant 0 : index
    %swap3A_471 = arith.constant 0 : index
    %swap3A_472 = vector.load %arg10[%swap3A_470, %swap3A_471] : memref<1000x128xf32, #tpu.memory_space<vmem>>, vector<1000x128xf32>
    tpu.vector_store %arg10[%swap3A_470, %swap3A_471], %add3A_469 {strides = array<i32>} : memref<1000x128xf32, #tpu.memory_space<vmem>>, vector<1000x128xf32>,
    %get3A_473 = arith.constant 0 : index
    %get3A_474 = arith.constant 0 : index
    %get3A_475 = vector.load %arg11[%get3A_473, %get3A_474] : memref<1000x128xf32, #tpu.memory_space<vmem>>, vector<1000x128xf32>
    %slice3A_476 = vector.extract_strided_slice %dot_general3A_463 {offsets = [0, 128], sizes = [1000, 128], strides = [1, 1]} : vector<1000x384xf32> to vector<1000x128xf32>
    %mul3A_477 = arith.mulf %dot_general3A_455, %slice3A_476 : vector<1000x128xf32>
    %add3A_478 = arith.addf %get3A_475, %mul3A_477 : vector<1000x128xf32>
    %swap3A_479 = arith.constant 0 : index
    %swap3A_480 = arith.constant 0 : index
    %swap3A_481 = vector.load %arg11[%swap3A_479, %swap3A_480] : memref<1000x128xf32, #tpu.memory_space<vmem>>, vector<1000x128xf32>
    tpu.vector_store %arg11[%swap3A_479, %swap3A_480], %add3A_478 {strides = array<i32>} : memref<1000x128xf32, #tpu.memory_space<vmem>>, vector<1000x128xf32>,
    %get3A_482 = arith.constant 0 : index
    %get3A_483 = arith.constant 0 : index
    %get3A_484 = vector.load %arg12[%get3A_482, %get3A_483] : memref<1000x128xf32, #tpu.memory_space<vmem>>, vector<1000x128xf32>
    %slice3A_485 = vector.extract_strided_slice %dot_general3A_463 {offsets = [0, 256], sizes = [1000, 128], strides = [1, 1]} : vector<1000x384xf32> to vector<1000x128xf32>
    %mul3A_486 = arith.mulf %dot_general3A_455, %slice3A_485 : vector<1000x128xf32>
    %add3A_487 = arith.addf %get3A_484, %mul3A_486 : vector<1000x128xf32>
    %swap3A_488 = arith.constant 0 : index
    %swap3A_489 = arith.constant 0 : index
    %swap3A_490 = vector.load %arg12[%swap3A_488, %swap3A_489] : memref<1000x128xf32, #tpu.memory_space<vmem>>, vector<1000x128xf32>
    tpu.vector_store %arg12[%swap3A_488, %swap3A_489], %add3A_487 {strides = array<i32>} : memref<1000x128xf32, #tpu.memory_space<vmem>>, vector<1000x128xf32>,
    %get3A_491 = arith.constant 0 : index
    %get3A_492 = arith.constant 176 : index
    %get3A_493 = vector.load %arg1[%get3A_491, %get3A_492] : memref<1000x256xf32, #tpu.memory_space<vmem>>, vector<1000x16xf32>
    %convert_element_type3A_494 = arith.truncf %get3A_493 : vector<1000x16xf32> to vector<1000x16xbf16>
    %get3A_495 = arith.constant 0 : index
    %get3A_496 = arith.constant 0 : index
    %get3A_497 = vector.load %arg7[%get3A_495, %get3A_496] : memref<16x128xbf16, #tpu.memory_space<vmem>>, vector<16x128xbf16>
    %dot_general3A_498 = arith.constant dense<0.000000e+00> : vector<1000x128xf32>
    %dot_general3A_499 = tpu.matmul %convert_element_type3A_494, %get3A_497, %dot_general3A_498 {dimension_numbers = #tpu.dot_dimension_numbers<[1], [0], [0], [1], [0, 0, 1, 1], [], []>, transpose_lhs_hint = false} : vector<1000x16xbf16>, vector<16x128xbf16>, vector<1000x128xf32> -> vector<1000x128xf32>
    %get3A_500 = arith.constant 0 : index
    %get3A_501 = arith.constant 352 : index
    %get3A_502 = vector.load %arg2[%get3A_500, %get3A_501] : memref<1000x512xbf16, #tpu.memory_space<vmem>>, vector<1000x32xbf16>
    %get3A_503 = arith.constant 0 : index
    %get3A_504 = arith.constant 0 : index
    %get3A_505 = vector.load %arg8[%get3A_503, %get3A_504] : memref<32x384xbf16, #tpu.memory_space<vmem>>, vector<32x384xbf16>
    %dot_general3A_506 = arith.constant dense<0.000000e+00> : vector<1000x384xf32>
    %dot_general3A_507 = tpu.matmul %get3A_502, %get3A_505, %dot_general3A_506 {dimension_numbers = #tpu.dot_dimension_numbers<[1], [0], [0], [1], [0, 0, 1, 1], [], []>, transpose_lhs_hint = false} : vector<1000x32xbf16>, vector<32x384xbf16>, vector<1000x384xf32> -> vector<1000x384xf32>
    %get3A_508 = arith.constant 0 : index
    %get3A_509 = arith.constant 0 : index
    %get3A_510 = vector.load %arg10[%get3A_508, %get3A_509] : memref<1000x128xf32, #tpu.memory_space<vmem>>, vector<1000x128xf32>
    %slice3A_511 = vector.extract_strided_slice %dot_general3A_507 {offsets = [0, 0], sizes = [1000, 128], strides = [1, 1]} : vector<1000x384xf32> to vector<1000x128xf32>
    %mul3A_512 = arith.mulf %dot_general3A_499, %slice3A_511 : vector<1000x128xf32>
    %add3A_513 = arith.addf %get3A_510, %mul3A_512 : vector<1000x128xf32>
    %swap3A_514 = arith.constant 0 : index
    %swap3A_515 = arith.constant 0 : index
    %swap3A_516 = vector.load %arg10[%swap3A_514, %swap3A_515] : memref<1000x128xf32, #tpu.memory_space<vmem>>, vector<1000x128xf32>
    tpu.vector_store %arg10[%swap3A_514, %swap3A_515], %add3A_513 {strides = array<i32>} : memref<1000x128xf32, #tpu.memory_space<vmem>>, vector<1000x128xf32>,
    %get3A_517 = arith.constant 0 : index
    %get3A_518 = arith.constant 0 : index
    %get3A_519 = vector.load %arg11[%get3A_517, %get3A_518] : memref<1000x128xf32, #tpu.memory_space<vmem>>, vector<1000x128xf32>
    %slice3A_520 = vector.extract_strided_slice %dot_general3A_507 {offsets = [0, 128], sizes = [1000, 128], strides = [1, 1]} : vector<1000x384xf32> to vector<1000x128xf32>
    %mul3A_521 = arith.mulf %dot_general3A_499, %slice3A_520 : vector<1000x128xf32>
    %add3A_522 = arith.addf %get3A_519, %mul3A_521 : vector<1000x128xf32>
    %swap3A_523 = arith.constant 0 : index
    %swap3A_524 = arith.constant 0 : index
    %swap3A_525 = vector.load %arg11[%swap3A_523, %swap3A_524] : memref<1000x128xf32, #tpu.memory_space<vmem>>, vector<1000x128xf32>
    tpu.vector_store %arg11[%swap3A_523, %swap3A_524], %add3A_522 {strides = array<i32>} : memref<1000x128xf32, #tpu.memory_space<vmem>>, vector<1000x128xf32>,
    %get3A_526 = arith.constant 0 : index
    %get3A_527 = arith.constant 0 : index
    %get3A_528 = vector.load %arg12[%get3A_526, %get3A_527] : memref<1000x128xf32, #tpu.memory_space<vmem>>, vector<1000x128xf32>
    %slice3A_529 = vector.extract_strided_slice %dot_general3A_507 {offsets = [0, 256], sizes = [1000, 128], strides = [1, 1]} : vector<1000x384xf32> to vector<1000x128xf32>
    %mul3A_530 = arith.mulf %dot_general3A_499, %slice3A_529 : vector<1000x128xf32>
    %add3A_531 = arith.addf %get3A_528, %mul3A_530 : vector<1000x128xf32>
    %swap3A_532 = arith.constant 0 : index
    %swap3A_533 = arith.constant 0 : index
    %swap3A_534 = vector.load %arg12[%swap3A_532, %swap3A_533] : memref<1000x128xf32, #tpu.memory_space<vmem>>, vector<1000x128xf32>
    tpu.vector_store %arg12[%swap3A_532, %swap3A_533], %add3A_531 {strides = array<i32>} : memref<1000x128xf32, #tpu.memory_space<vmem>>, vector<1000x128xf32>,
    %get3A_535 = arith.constant 0 : index
    %get3A_536 = arith.constant 192 : index
    %get3A_537 = vector.load %arg1[%get3A_535, %get3A_536] : memref<1000x256xf32, #tpu.memory_space<vmem>>, vector<1000x16xf32>
    %convert_element_type3A_538 = arith.truncf %get3A_537 : vector<1000x16xf32> to vector<1000x16xbf16>
    %get3A_539 = arith.constant 0 : index
    %get3A_540 = arith.constant 0 : index
    %get3A_541 = vector.load %arg7[%get3A_539, %get3A_540] : memref<16x128xbf16, #tpu.memory_space<vmem>>, vector<16x128xbf16>
    %dot_general3A_542 = arith.constant dense<0.000000e+00> : vector<1000x128xf32>
    %dot_general3A_543 = tpu.matmul %convert_element_type3A_538, %get3A_541, %dot_general3A_542 {dimension_numbers = #tpu.dot_dimension_numbers<[1], [0], [0], [1], [0, 0, 1, 1], [], []>, transpose_lhs_hint = false} : vector<1000x16xbf16>, vector<16x128xbf16>, vector<1000x128xf32> -> vector<1000x128xf32>
    %get3A_544 = arith.constant 0 : index
    %get3A_545 = arith.constant 384 : index
    %get3A_546 = vector.load %arg2[%get3A_544, %get3A_545] : memref<1000x512xbf16, #tpu.memory_space<vmem>>, vector<1000x32xbf16>
    %get3A_547 = arith.constant 0 : index
    %get3A_548 = arith.constant 0 : index
    %get3A_549 = vector.load %arg8[%get3A_547, %get3A_548] : memref<32x384xbf16, #tpu.memory_space<vmem>>, vector<32x384xbf16>
    %dot_general3A_550 = arith.constant dense<0.000000e+00> : vector<1000x384xf32>
    %dot_general3A_551 = tpu.matmul %get3A_546, %get3A_549, %dot_general3A_550 {dimension_numbers = #tpu.dot_dimension_numbers<[1], [0], [0], [1], [0, 0, 1, 1], [], []>, transpose_lhs_hint = false} : vector<1000x32xbf16>, vector<32x384xbf16>, vector<1000x384xf32> -> vector<1000x384xf32>
    %get3A_552 = arith.constant 0 : index
    %get3A_553 = arith.constant 0 : index
    %get3A_554 = vector.load %arg10[%get3A_552, %get3A_553] : memref<1000x128xf32, #tpu.memory_space<vmem>>, vector<1000x128xf32>
    %slice3A_555 = vector.extract_strided_slice %dot_general3A_551 {offsets = [0, 0], sizes = [1000, 128], strides = [1, 1]} : vector<1000x384xf32> to vector<1000x128xf32>
    %mul3A_556 = arith.mulf %dot_general3A_543, %slice3A_555 : vector<1000x128xf32>
    %add3A_557 = arith.addf %get3A_554, %mul3A_556 : vector<1000x128xf32>
    %swap3A_558 = arith.constant 0 : index
    %swap3A_559 = arith.constant 0 : index
    %swap3A_560 = vector.load %arg10[%swap3A_558, %swap3A_559] : memref<1000x128xf32, #tpu.memory_space<vmem>>, vector<1000x128xf32>
    tpu.vector_store %arg10[%swap3A_558, %swap3A_559], %add3A_557 {strides = array<i32>} : memref<1000x128xf32, #tpu.memory_space<vmem>>, vector<1000x128xf32>,
    %get3A_561 = arith.constant 0 : index
    %get3A_562 = arith.constant 0 : index
    %get3A_563 = vector.load %arg11[%get3A_561, %get3A_562] : memref<1000x128xf32, #tpu.memory_space<vmem>>, vector<1000x128xf32>
    %slice3A_564 = vector.extract_strided_slice %dot_general3A_551 {offsets = [0, 128], sizes = [1000, 128], strides = [1, 1]} : vector<1000x384xf32> to vector<1000x128xf32>
    %mul3A_565 = arith.mulf %dot_general3A_543, %slice3A_564 : vector<1000x128xf32>
    %add3A_566 = arith.addf %get3A_563, %mul3A_565 : vector<1000x128xf32>
    %swap3A_567 = arith.constant 0 : index
    %swap3A_568 = arith.constant 0 : index
    %swap3A_569 = vector.load %arg11[%swap3A_567, %swap3A_568] : memref<1000x128xf32, #tpu.memory_space<vmem>>, vector<1000x128xf32>
    tpu.vector_store %arg11[%swap3A_567, %swap3A_568], %add3A_566 {strides = array<i32>} : memref<1000x128xf32, #tpu.memory_space<vmem>>, vector<1000x128xf32>,
    %get3A_570 = arith.constant 0 : index
    %get3A_571 = arith.constant 0 : index
    %get3A_572 = vector.load %arg12[%get3A_570, %get3A_571] : memref<1000x128xf32, #tpu.memory_space<vmem>>, vector<1000x128xf32>
    %slice3A_573 = vector.extract_strided_slice %dot_general3A_551 {offsets = [0, 256], sizes = [1000, 128], strides = [1, 1]} : vector<1000x384xf32> to vector<1000x128xf32>
    %mul3A_574 = arith.mulf %dot_general3A_543, %slice3A_573 : vector<1000x128xf32>
    %add3A_575 = arith.addf %get3A_572, %mul3A_574 : vector<1000x128xf32>
    %swap3A_576 = arith.constant 0 : index
    %swap3A_577 = arith.constant 0 : index
    %swap3A_578 = vector.load %arg12[%swap3A_576, %swap3A_577] : memref<1000x128xf32, #tpu.memory_space<vmem>>, vector<1000x128xf32>
    tpu.vector_store %arg12[%swap3A_576, %swap3A_577], %add3A_575 {strides = array<i32>} : memref<1000x128xf32, #tpu.memory_space<vmem>>, vector<1000x128xf32>,
    %get3A_579 = arith.constant 0 : index
    %get3A_580 = arith.constant 208 : index
    %get3A_581 = vector.load %arg1[%get3A_579, %get3A_580] : memref<1000x256xf32, #tpu.memory_space<vmem>>, vector<1000x16xf32>
    %convert_element_type3A_582 = arith.truncf %get3A_581 : vector<1000x16xf32> to vector<1000x16xbf16>
    %get3A_583 = arith.constant 0 : index
    %get3A_584 = arith.constant 0 : index
    %get3A_585 = vector.load %arg7[%get3A_583, %get3A_584] : memref<16x128xbf16, #tpu.memory_space<vmem>>, vector<16x128xbf16>
    %dot_general3A_586 = arith.constant dense<0.000000e+00> : vector<1000x128xf32>
    %dot_general3A_587 = tpu.matmul %convert_element_type3A_582, %get3A_585, %dot_general3A_586 {dimension_numbers = #tpu.dot_dimension_numbers<[1], [0], [0], [1], [0, 0, 1, 1], [], []>, transpose_lhs_hint = false} : vector<1000x16xbf16>, vector<16x128xbf16>, vector<1000x128xf32> -> vector<1000x128xf32>
    %get3A_588 = arith.constant 0 : index
    %get3A_589 = arith.constant 416 : index
    %get3A_590 = vector.load %arg2[%get3A_588, %get3A_589] : memref<1000x512xbf16, #tpu.memory_space<vmem>>, vector<1000x32xbf16>
    %get3A_591 = arith.constant 0 : index
    %get3A_592 = arith.constant 0 : index
    %get3A_593 = vector.load %arg8[%get3A_591, %get3A_592] : memref<32x384xbf16, #tpu.memory_space<vmem>>, vector<32x384xbf16>
    %dot_general3A_594 = arith.constant dense<0.000000e+00> : vector<1000x384xf32>
    %dot_general3A_595 = tpu.matmul %get3A_590, %get3A_593, %dot_general3A_594 {dimension_numbers = #tpu.dot_dimension_numbers<[1], [0], [0], [1], [0, 0, 1, 1], [], []>, transpose_lhs_hint = false} : vector<1000x32xbf16>, vector<32x384xbf16>, vector<1000x384xf32> -> vector<1000x384xf32>
    %get3A_596 = arith.constant 0 : index
    %get3A_597 = arith.constant 0 : index
    %get3A_598 = vector.load %arg10[%get3A_596, %get3A_597] : memref<1000x128xf32, #tpu.memory_space<vmem>>, vector<1000x128xf32>
    %slice3A_599 = vector.extract_strided_slice %dot_general3A_595 {offsets = [0, 0], sizes = [1000, 128], strides = [1, 1]} : vector<1000x384xf32> to vector<1000x128xf32>
    %mul3A_600 = arith.mulf %dot_general3A_587, %slice3A_599 : vector<1000x128xf32>
    %add3A_601 = arith.addf %get3A_598, %mul3A_600 : vector<1000x128xf32>
    %swap3A_602 = arith.constant 0 : index
    %swap3A_603 = arith.constant 0 : index
    %swap3A_604 = vector.load %arg10[%swap3A_602, %swap3A_603] : memref<1000x128xf32, #tpu.memory_space<vmem>>, vector<1000x128xf32>
    tpu.vector_store %arg10[%swap3A_602, %swap3A_603], %add3A_601 {strides = array<i32>} : memref<1000x128xf32, #tpu.memory_space<vmem>>, vector<1000x128xf32>,
    %get3A_605 = arith.constant 0 : index
    %get3A_606 = arith.constant 0 : index
    %get3A_607 = vector.load %arg11[%get3A_605, %get3A_606] : memref<1000x128xf32, #tpu.memory_space<vmem>>, vector<1000x128xf32>
    %slice3A_608 = vector.extract_strided_slice %dot_general3A_595 {offsets = [0, 128], sizes = [1000, 128], strides = [1, 1]} : vector<1000x384xf32> to vector<1000x128xf32>
    %mul3A_609 = arith.mulf %dot_general3A_587, %slice3A_608 : vector<1000x128xf32>
    %add3A_610 = arith.addf %get3A_607, %mul3A_609 : vector<1000x128xf32>
    %swap3A_611 = arith.constant 0 : index
    %swap3A_612 = arith.constant 0 : index
    %swap3A_613 = vector.load %arg11[%swap3A_611, %swap3A_612] : memref<1000x128xf32, #tpu.memory_space<vmem>>, vector<1000x128xf32>
    tpu.vector_store %arg11[%swap3A_611, %swap3A_612], %add3A_610 {strides = array<i32>} : memref<1000x128xf32, #tpu.memory_space<vmem>>, vector<1000x128xf32>,
    %get3A_614 = arith.constant 0 : index
    %get3A_615 = arith.constant 0 : index
    %get3A_616 = vector.load %arg12[%get3A_614, %get3A_615] : memref<1000x128xf32, #tpu.memory_space<vmem>>, vector<1000x128xf32>
    %slice3A_617 = vector.extract_strided_slice %dot_general3A_595 {offsets = [0, 256], sizes = [1000, 128], strides = [1, 1]} : vector<1000x384xf32> to vector<1000x128xf32>
    %mul3A_618 = arith.mulf %dot_general3A_587, %slice3A_617 : vector<1000x128xf32>
    %add3A_619 = arith.addf %get3A_616, %mul3A_618 : vector<1000x128xf32>
    %swap3A_620 = arith.constant 0 : index
    %swap3A_621 = arith.constant 0 : index
    %swap3A_622 = vector.load %arg12[%swap3A_620, %swap3A_621] : memref<1000x128xf32, #tpu.memory_space<vmem>>, vector<1000x128xf32>
    tpu.vector_store %arg12[%swap3A_620, %swap3A_621], %add3A_619 {strides = array<i32>} : memref<1000x128xf32, #tpu.memory_space<vmem>>, vector<1000x128xf32>,
    %get3A_623 = arith.constant 0 : index
    %get3A_624 = arith.constant 224 : index
    %get3A_625 = vector.load %arg1[%get3A_623, %get3A_624] : memref<1000x256xf32, #tpu.memory_space<vmem>>, vector<1000x16xf32>
    %convert_element_type3A_626 = arith.truncf %get3A_625 : vector<1000x16xf32> to vector<1000x16xbf16>
    %get3A_627 = arith.constant 0 : index
    %get3A_628 = arith.constant 0 : index
    %get3A_629 = vector.load %arg7[%get3A_627, %get3A_628] : memref<16x128xbf16, #tpu.memory_space<vmem>>, vector<16x128xbf16>
    %dot_general3A_630 = arith.constant dense<0.000000e+00> : vector<1000x128xf32>
    %dot_general3A_631 = tpu.matmul %convert_element_type3A_626, %get3A_629, %dot_general3A_630 {dimension_numbers = #tpu.dot_dimension_numbers<[1], [0], [0], [1], [0, 0, 1, 1], [], []>, transpose_lhs_hint = false} : vector<1000x16xbf16>, vector<16x128xbf16>, vector<1000x128xf32> -> vector<1000x128xf32>
    %get3A_632 = arith.constant 0 : index
    %get3A_633 = arith.constant 448 : index
    %get3A_634 = vector.load %arg2[%get3A_632, %get3A_633] : memref<1000x512xbf16, #tpu.memory_space<vmem>>, vector<1000x32xbf16>
    %get3A_635 = arith.constant 0 : index
    %get3A_636 = arith.constant 0 : index
    %get3A_637 = vector.load %arg8[%get3A_635, %get3A_636] : memref<32x384xbf16, #tpu.memory_space<vmem>>, vector<32x384xbf16>
    %dot_general3A_638 = arith.constant dense<0.000000e+00> : vector<1000x384xf32>
    %dot_general3A_639 = tpu.matmul %get3A_634, %get3A_637, %dot_general3A_638 {dimension_numbers = #tpu.dot_dimension_numbers<[1], [0], [0], [1], [0, 0, 1, 1], [], []>, transpose_lhs_hint = false} : vector<1000x32xbf16>, vector<32x384xbf16>, vector<1000x384xf32> -> vector<1000x384xf32>
    %get3A_640 = arith.constant 0 : index
    %get3A_641 = arith.constant 0 : index
    %get3A_642 = vector.load %arg10[%get3A_640, %get3A_641] : memref<1000x128xf32, #tpu.memory_space<vmem>>, vector<1000x128xf32>
    %slice3A_643 = vector.extract_strided_slice %dot_general3A_639 {offsets = [0, 0], sizes = [1000, 128], strides = [1, 1]} : vector<1000x384xf32> to vector<1000x128xf32>
    %mul3A_644 = arith.mulf %dot_general3A_631, %slice3A_643 : vector<1000x128xf32>
    %add3A_645 = arith.addf %get3A_642, %mul3A_644 : vector<1000x128xf32>
    %swap3A_646 = arith.constant 0 : index
    %swap3A_647 = arith.constant 0 : index
    %swap3A_648 = vector.load %arg10[%swap3A_646, %swap3A_647] : memref<1000x128xf32, #tpu.memory_space<vmem>>, vector<1000x128xf32>
    tpu.vector_store %arg10[%swap3A_646, %swap3A_647], %add3A_645 {strides = array<i32>} : memref<1000x128xf32, #tpu.memory_space<vmem>>, vector<1000x128xf32>,
    %get3A_649 = arith.constant 0 : index
    %get3A_650 = arith.constant 0 : index
    %get3A_651 = vector.load %arg11[%get3A_649, %get3A_650] : memref<1000x128xf32, #tpu.memory_space<vmem>>, vector<1000x128xf32>
    %slice3A_652 = vector.extract_strided_slice %dot_general3A_639 {offsets = [0, 128], sizes = [1000, 128], strides = [1, 1]} : vector<1000x384xf32> to vector<1000x128xf32>
    %mul3A_653 = arith.mulf %dot_general3A_631, %slice3A_652 : vector<1000x128xf32>
    %add3A_654 = arith.addf %get3A_651, %mul3A_653 : vector<1000x128xf32>
    %swap3A_655 = arith.constant 0 : index
    %swap3A_656 = arith.constant 0 : index
    %swap3A_657 = vector.load %arg11[%swap3A_655, %swap3A_656] : memref<1000x128xf32, #tpu.memory_space<vmem>>, vector<1000x128xf32>
    tpu.vector_store %arg11[%swap3A_655, %swap3A_656], %add3A_654 {strides = array<i32>} : memref<1000x128xf32, #tpu.memory_space<vmem>>, vector<1000x128xf32>,
    %get3A_658 = arith.constant 0 : index
    %get3A_659 = arith.constant 0 : index
    %get3A_660 = vector.load %arg12[%get3A_658, %get3A_659] : memref<1000x128xf32, #tpu.memory_space<vmem>>, vector<1000x128xf32>
    %slice3A_661 = vector.extract_strided_slice %dot_general3A_639 {offsets = [0, 256], sizes = [1000, 128], strides = [1, 1]} : vector<1000x384xf32> to vector<1000x128xf32>
    %mul3A_662 = arith.mulf %dot_general3A_631, %slice3A_661 : vector<1000x128xf32>
    %add3A_663 = arith.addf %get3A_660, %mul3A_662 : vector<1000x128xf32>
    %swap3A_664 = arith.constant 0 : index
    %swap3A_665 = arith.constant 0 : index
    %swap3A_666 = vector.load %arg12[%swap3A_664, %swap3A_665] : memref<1000x128xf32, #tpu.memory_space<vmem>>, vector<1000x128xf32>
    tpu.vector_store %arg12[%swap3A_664, %swap3A_665], %add3A_663 {strides = array<i32>} : memref<1000x128xf32, #tpu.memory_space<vmem>>, vector<1000x128xf32>,
    %get3A_667 = arith.constant 0 : index
    %get3A_668 = arith.constant 240 : index
    %get3A_669 = vector.load %arg1[%get3A_667, %get3A_668] : memref<1000x256xf32, #tpu.memory_space<vmem>>, vector<1000x16xf32>
    %convert_element_type3A_670 = arith.truncf %get3A_669 : vector<1000x16xf32> to vector<1000x16xbf16>
    %get3A_671 = arith.constant 0 : index
    %get3A_672 = arith.constant 0 : index
    %get3A_673 = vector.load %arg7[%get3A_671, %get3A_672] : memref<16x128xbf16, #tpu.memory_space<vmem>>, vector<16x128xbf16>
    %dot_general3A_674 = arith.constant dense<0.000000e+00> : vector<1000x128xf32>
    %dot_general3A_675 = tpu.matmul %convert_element_type3A_670, %get3A_673, %dot_general3A_674 {dimension_numbers = #tpu.dot_dimension_numbers<[1], [0], [0], [1], [0, 0, 1, 1], [], []>, transpose_lhs_hint = false} : vector<1000x16xbf16>, vector<16x128xbf16>, vector<1000x128xf32> -> vector<1000x128xf32>
    %get3A_676 = arith.constant 0 : index
    %get3A_677 = arith.constant 480 : index
    %get3A_678 = vector.load %arg2[%get3A_676, %get3A_677] : memref<1000x512xbf16, #tpu.memory_space<vmem>>, vector<1000x32xbf16>
    %get3A_679 = arith.constant 0 : index
    %get3A_680 = arith.constant 0 : index
    %get3A_681 = vector.load %arg8[%get3A_679, %get3A_680] : memref<32x384xbf16, #tpu.memory_space<vmem>>, vector<32x384xbf16>
    %dot_general3A_682 = arith.constant dense<0.000000e+00> : vector<1000x384xf32>
    %dot_general3A_683 = tpu.matmul %get3A_678, %get3A_681, %dot_general3A_682 {dimension_numbers = #tpu.dot_dimension_numbers<[1], [0], [0], [1], [0, 0, 1, 1], [], []>, transpose_lhs_hint = false} : vector<1000x32xbf16>, vector<32x384xbf16>, vector<1000x384xf32> -> vector<1000x384xf32>
    %get3A_684 = arith.constant 0 : index
    %get3A_685 = arith.constant 0 : index
    %get3A_686 = vector.load %arg10[%get3A_684, %get3A_685] : memref<1000x128xf32, #tpu.memory_space<vmem>>, vector<1000x128xf32>
    %slice3A_687 = vector.extract_strided_slice %dot_general3A_683 {offsets = [0, 0], sizes = [1000, 128], strides = [1, 1]} : vector<1000x384xf32> to vector<1000x128xf32>
    %mul3A_688 = arith.mulf %dot_general3A_675, %slice3A_687 : vector<1000x128xf32>
    %add3A_689 = arith.addf %get3A_686, %mul3A_688 : vector<1000x128xf32>
    %swap3A_690 = arith.constant 0 : index
    %swap3A_691 = arith.constant 0 : index
    %swap3A_692 = vector.load %arg10[%swap3A_690, %swap3A_691] : memref<1000x128xf32, #tpu.memory_space<vmem>>, vector<1000x128xf32>
    tpu.vector_store %arg10[%swap3A_690, %swap3A_691], %add3A_689 {strides = array<i32>} : memref<1000x128xf32, #tpu.memory_space<vmem>>, vector<1000x128xf32>,
    %get3A_693 = arith.constant 0 : index
    %get3A_694 = arith.constant 0 : index
    %get3A_695 = vector.load %arg11[%get3A_693, %get3A_694] : memref<1000x128xf32, #tpu.memory_space<vmem>>, vector<1000x128xf32>
    %slice3A_696 = vector.extract_strided_slice %dot_general3A_683 {offsets = [0, 128], sizes = [1000, 128], strides = [1, 1]} : vector<1000x384xf32> to vector<1000x128xf32>
    %mul3A_697 = arith.mulf %dot_general3A_675, %slice3A_696 : vector<1000x128xf32>
    %add3A_698 = arith.addf %get3A_695, %mul3A_697 : vector<1000x128xf32>
    %swap3A_699 = arith.constant 0 : index
    %swap3A_700 = arith.constant 0 : index
    %swap3A_701 = vector.load %arg11[%swap3A_699, %swap3A_700] : memref<1000x128xf32, #tpu.memory_space<vmem>>, vector<1000x128xf32>
    tpu.vector_store %arg11[%swap3A_699, %swap3A_700], %add3A_698 {strides = array<i32>} : memref<1000x128xf32, #tpu.memory_space<vmem>>, vector<1000x128xf32>,
    %get3A_702 = arith.constant 0 : index
    %get3A_703 = arith.constant 0 : index
    %get3A_704 = vector.load %arg12[%get3A_702, %get3A_703] : memref<1000x128xf32, #tpu.memory_space<vmem>>, vector<1000x128xf32>
    %slice3A_705 = vector.extract_strided_slice %dot_general3A_683 {offsets = [0, 256], sizes = [1000, 128], strides = [1, 1]} : vector<1000x384xf32> to vector<1000x128xf32>
    %mul3A_706 = arith.mulf %dot_general3A_675, %slice3A_705 : vector<1000x128xf32>
    %add3A_707 = arith.addf %get3A_704, %mul3A_706 : vector<1000x128xf32>
    %swap3A_708 = arith.constant 0 : index
    %swap3A_709 = arith.constant 0 : index
    %swap3A_710 = vector.load %arg12[%swap3A_708, %swap3A_709] : memref<1000x128xf32, #tpu.memory_space<vmem>>, vector<1000x128xf32>
    tpu.vector_store %arg12[%swap3A_708, %swap3A_709], %add3A_707 {strides = array<i32>} : memref<1000x128xf32, #tpu.memory_space<vmem>>, vector<1000x128xf32>,
    %get3A_711 = arith.constant 0 : index
    %get3A_712 = arith.constant 0 : index
    %get3A_713 = vector.load %arg10[%get3A_711, %get3A_712] : memref<1000x128xf32, #tpu.memory_space<vmem>>, vector<1000x128xf32>
    %convert_element_type3A_714 = arith.truncf %get3A_713 : vector<1000x128xf32> to vector<1000x128xbf16>
    %get3A_715 = arith.constant 0 : index
    %get3A_716 = arith.constant 0 : index
    %get3A_717 = arith.constant 0 : index
    %get3A_718 = vector.load %arg5[%get3A_715, %get3A_716, %get3A_717] : memref<3x128x128xbf16, #tpu.memory_space<vmem>>, vector<1x128x128xbf16>
    %get3A_719 = vector.shape_cast %get3A_718 : vector<1x128x128xbf16> to vector<128x128xbf16>
    %dot_general3A_720 = arith.constant dense<0.000000e+00> : vector<1000x128xf32>
    %dot_general3A_721 = tpu.matmul %convert_element_type3A_714, %get3A_719, %dot_general3A_720 {dimension_numbers = #tpu.dot_dimension_numbers<[1], [0], [0], [1], [0, 0, 1, 1], [], []>, transpose_lhs_hint = false} : vector<1000x128xbf16>, vector<128x128xbf16>, vector<1000x128xf32> -> vector<1000x128xf32>
    %get3A_722 = arith.constant 0 : index
    %get3A_723 = arith.constant 0 : index
    %get3A_724 = vector.load %arg11[%get3A_722, %get3A_723] : memref<1000x128xf32, #tpu.memory_space<vmem>>, vector<1000x128xf32>
    %convert_element_type3A_725 = arith.truncf %get3A_724 : vector<1000x128xf32> to vector<1000x128xbf16>
    %get3A_726 = arith.constant 1 : index
    %get3A_727 = arith.constant 0 : index
    %get3A_728 = arith.constant 0 : index
    %get3A_729 = vector.load %arg5[%get3A_726, %get3A_727, %get3A_728] : memref<3x128x128xbf16, #tpu.memory_space<vmem>>, vector<1x128x128xbf16>
    %get3A_730 = vector.shape_cast %get3A_729 : vector<1x128x128xbf16> to vector<128x128xbf16>
    %dot_general3A_731 = arith.constant dense<0.000000e+00> : vector<1000x128xf32>
    %dot_general3A_732 = tpu.matmul %convert_element_type3A_725, %get3A_730, %dot_general3A_731 {dimension_numbers = #tpu.dot_dimension_numbers<[1], [0], [0], [1], [0, 0, 1, 1], [], []>, transpose_lhs_hint = false} : vector<1000x128xbf16>, vector<128x128xbf16>, vector<1000x128xf32> -> vector<1000x128xf32>
    %add3A_733 = arith.addf %dot_general3A_721, %dot_general3A_732 : vector<1000x128xf32>
    %get3A_734 = arith.constant 0 : index
    %get3A_735 = arith.constant 0 : index
    %get3A_736 = vector.load %arg12[%get3A_734, %get3A_735] : memref<1000x128xf32, #tpu.memory_space<vmem>>, vector<1000x128xf32>
    %convert_element_type3A_737 = arith.truncf %get3A_736 : vector<1000x128xf32> to vector<1000x128xbf16>
    %get3A_738 = arith.constant 2 : index
    %get3A_739 = arith.constant 0 : index
    %get3A_740 = arith.constant 0 : index
    %get3A_741 = vector.load %arg5[%get3A_738, %get3A_739, %get3A_740] : memref<3x128x128xbf16, #tpu.memory_space<vmem>>, vector<1x128x128xbf16>
    %get3A_742 = vector.shape_cast %get3A_741 : vector<1x128x128xbf16> to vector<128x128xbf16>
    %dot_general3A_743 = arith.constant dense<0.000000e+00> : vector<1000x128xf32>
    %dot_general3A_744 = tpu.matmul %convert_element_type3A_737, %get3A_742, %dot_general3A_743 {dimension_numbers = #tpu.dot_dimension_numbers<[1], [0], [0], [1], [0, 0, 1, 1], [], []>, transpose_lhs_hint = false} : vector<1000x128xbf16>, vector<128x128xbf16>, vector<1000x128xf32> -> vector<1000x128xf32>
    %add3A_745 = arith.addf %add3A_733, %dot_general3A_744 : vector<1000x128xf32>
    %get3A_746 = arith.constant 0 : index
    %get3A_747 = arith.constant 0 : index
    %get3A_748 = vector.load %arg4[%get3A_746, %get3A_747] : memref<1000x16xf32, #tpu.memory_space<vmem>>, vector<1000x16xf32>
    %tile3A = tpu.concatenate %get3A_748, %get3A_748, %get3A_748, %get3A_748, %get3A_748, %get3A_748, %get3A_748, %get3A_748 in 1 : vector<1000x16xf32>, vector<1000x16xf32>, vector<1000x16xf32>, vector<1000x16xf32>, vector<1000x16xf32>, vector<1000x16xf32>, vector<1000x16xf32>, vector<1000x16xf32> -> vector<1000x128xf32>
    %add3A_749 = arith.addf %add3A_745, %tile3A : vector<1000x128xf32>
    %gt3A = arith.constant 0.000000e+00 : f32
    %gt3A_750 = vector.broadcast %gt3A : f32 to vector<1000x128xf32>
    %gt3A_751 = arith.cmpf ogt, %add3A_749, %gt3A_750 : vector<1000x128xf32>
    %exp3A = math.exp %add3A_749 : vector<1000x128xf32>
    %sub3A = arith.constant 1.000000e+00 : f32
    %sub3A_752 = vector.broadcast %sub3A : f32 to vector<1000x128xf32>
    %sub3A_753 = arith.subf %exp3A, %sub3A_752 : vector<1000x128xf32>
    %select_n3A = arith.select %gt3A_751, %add3A_749, %sub3A_753 : vector<1000x128xi1>, vector<1000x128xf32>
    %get3A_754 = arith.constant 0 : index
    %get3A_755 = arith.constant 0 : index
    %get3A_756 = vector.load %arg3[%get3A_754, %get3A_755] : memref<1000x32xf32, #tpu.memory_space<vmem>>, vector<1000x32xf32>
    %get3A_757 = arith.constant 0 : index
    %get3A_758 = arith.constant 0 : index
    %get3A_759 = vector.load %arg6[%get3A_757, %get3A_758] : memref<32x128xf32, #tpu.memory_space<vmem>>, vector<32x128xf32>
    %dot_general3A_760 = arith.constant dense<0.000000e+00> : vector<1000x128xf32>
    %dot_general3A_761 = tpu.matmul %get3A_756, %get3A_759, %dot_general3A_760 {dimension_numbers = #tpu.dot_dimension_numbers<[1], [0], [0], [1], [0, 0, 1, 1], [], []>, transpose_lhs_hint = false} : vector<1000x32xf32>, vector<32x128xf32>, vector<1000x128xf32> -> vector<1000x128xf32>
    %mul3A_762 = arith.constant 0.707106769 : f32
    %mul3A_763 = vector.broadcast %mul3A_762 : f32 to vector<1000x128xf32>
    %mul3A_764 = arith.mulf %select_n3A, %mul3A_763 : vector<1000x128xf32>
    %mul3A_765 = arith.constant 0.707106769 : f32
    %mul3A_766 = vector.broadcast %mul3A_765 : f32 to vector<1000x128xf32>
    %mul3A_767 = arith.mulf %dot_general3A_761, %mul3A_766 : vector<1000x128xf32>
    %add3A_768 = arith.addf %mul3A_764, %mul3A_767 : vector<1000x128xf32>
    %slice3A_769 = vector.extract_strided_slice %add3A_768 {offsets = [0, 0], sizes = [1000, 16], strides = [1, 1]} : vector<1000x128xf32> to vector<1000x16xf32>
    %swap3A_770 = arith.constant 0 : index
    %swap3A_771 = arith.constant 0 : index
    %swap3A_772 = arith.constant 0 : index
    %swap3A_773 = vector.load %arg9[%swap3A_770, %swap3A_771, %swap3A_772] : memref<8x1000x16xf32, #tpu.memory_space<vmem>>, vector<1x1000x16xf32>
    %swap3A_774 = vector.shape_cast %swap3A_773 : vector<1x1000x16xf32> to vector<1000x16xf32>
    %swap3A_775 = vector.shape_cast %slice3A_769 : vector<1000x16xf32> to vector<1x1000x16xf32>
    tpu.vector_store %arg9[%swap3A_770, %swap3A_771, %swap3A_772], %swap3A_775 {strides = array<i32>} : memref<8x1000x16xf32, #tpu.memory_space<vmem>>, vector<1x1000x16xf32>,
    %slice3A_776 = vector.extract_strided_slice %add3A_768 {offsets = [0, 16], sizes = [1000, 16], strides = [1, 1]} : vector<1000x128xf32> to vector<1000x16xf32>
    %swap3A_777 = arith.constant 1 : index
    %swap3A_778 = arith.constant 0 : index
    %swap3A_779 = arith.constant 0 : index
    %swap3A_780 = vector.load %arg9[%swap3A_777, %swap3A_778, %swap3A_779] : memref<8x1000x16xf32, #tpu.memory_space<vmem>>, vector<1x1000x16xf32>
    %swap3A_781 = vector.shape_cast %swap3A_780 : vector<1x1000x16xf32> to vector<1000x16xf32>
    %swap3A_782 = vector.shape_cast %slice3A_776 : vector<1000x16xf32> to vector<1x1000x16xf32>
    tpu.vector_store %arg9[%swap3A_777, %swap3A_778, %swap3A_779], %swap3A_782 {strides = array<i32>} : memref<8x1000x16xf32, #tpu.memory_space<vmem>>, vector<1x1000x16xf32>,
    %slice3A_783 = vector.extract_strided_slice %add3A_768 {offsets = [0, 32], sizes = [1000, 16], strides = [1, 1]} : vector<1000x128xf32> to vector<1000x16xf32>
    %swap3A_784 = arith.constant 2 : index
    %swap3A_785 = arith.constant 0 : index
    %swap3A_786 = arith.constant 0 : index
    %swap3A_787 = vector.load %arg9[%swap3A_784, %swap3A_785, %swap3A_786] : memref<8x1000x16xf32, #tpu.memory_space<vmem>>, vector<1x1000x16xf32>
    %swap3A_788 = vector.shape_cast %swap3A_787 : vector<1x1000x16xf32> to vector<1000x16xf32>
    %swap3A_789 = vector.shape_cast %slice3A_783 : vector<1000x16xf32> to vector<1x1000x16xf32>
    tpu.vector_store %arg9[%swap3A_784, %swap3A_785, %swap3A_786], %swap3A_789 {strides = array<i32>} : memref<8x1000x16xf32, #tpu.memory_space<vmem>>, vector<1x1000x16xf32>,
    %slice3A_790 = vector.extract_strided_slice %add3A_768 {offsets = [0, 48], sizes = [1000, 16], strides = [1, 1]} : vector<1000x128xf32> to vector<1000x16xf32>
    %swap3A_791 = arith.constant 3 : index
    %swap3A_792 = arith.constant 0 : index
    %swap3A_793 = arith.constant 0 : index
    %swap3A_794 = vector.load %arg9[%swap3A_791, %swap3A_792, %swap3A_793] : memref<8x1000x16xf32, #tpu.memory_space<vmem>>, vector<1x1000x16xf32>
    %swap3A_795 = vector.shape_cast %swap3A_794 : vector<1x1000x16xf32> to vector<1000x16xf32>
    %swap3A_796 = vector.shape_cast %slice3A_790 : vector<1000x16xf32> to vector<1x1000x16xf32>
    tpu.vector_store %arg9[%swap3A_791, %swap3A_792, %swap3A_793], %swap3A_796 {strides = array<i32>} : memref<8x1000x16xf32, #tpu.memory_space<vmem>>, vector<1x1000x16xf32>,
    %slice3A_797 = vector.extract_strided_slice %add3A_768 {offsets = [0, 64], sizes = [1000, 16], strides = [1, 1]} : vector<1000x128xf32> to vector<1000x16xf32>
    %swap3A_798 = arith.constant 4 : index
    %swap3A_799 = arith.constant 0 : index
    %swap3A_800 = arith.constant 0 : index
    %swap3A_801 = vector.load %arg9[%swap3A_798, %swap3A_799, %swap3A_800] : memref<8x1000x16xf32, #tpu.memory_space<vmem>>, vector<1x1000x16xf32>
    %swap3A_802 = vector.shape_cast %swap3A_801 : vector<1x1000x16xf32> to vector<1000x16xf32>
    %swap3A_803 = vector.shape_cast %slice3A_797 : vector<1000x16xf32> to vector<1x1000x16xf32>
    tpu.vector_store %arg9[%swap3A_798, %swap3A_799, %swap3A_800], %swap3A_803 {strides = array<i32>} : memref<8x1000x16xf32, #tpu.memory_space<vmem>>, vector<1x1000x16xf32>,
    %slice3A_804 = vector.extract_strided_slice %add3A_768 {offsets = [0, 80], sizes = [1000, 16], strides = [1, 1]} : vector<1000x128xf32> to vector<1000x16xf32>
    %swap3A_805 = arith.constant 5 : index
    %swap3A_806 = arith.constant 0 : index
    %swap3A_807 = arith.constant 0 : index
    %swap3A_808 = vector.load %arg9[%swap3A_805, %swap3A_806, %swap3A_807] : memref<8x1000x16xf32, #tpu.memory_space<vmem>>, vector<1x1000x16xf32>
    %swap3A_809 = vector.shape_cast %swap3A_808 : vector<1x1000x16xf32> to vector<1000x16xf32>
    %swap3A_810 = vector.shape_cast %slice3A_804 : vector<1000x16xf32> to vector<1x1000x16xf32>
    tpu.vector_store %arg9[%swap3A_805, %swap3A_806, %swap3A_807], %swap3A_810 {strides = array<i32>} : memref<8x1000x16xf32, #tpu.memory_space<vmem>>, vector<1x1000x16xf32>,
    %slice3A_811 = vector.extract_strided_slice %add3A_768 {offsets = [0, 96], sizes = [1000, 16], strides = [1, 1]} : vector<1000x128xf32> to vector<1000x16xf32>
    %swap3A_812 = arith.constant 6 : index
    %swap3A_813 = arith.constant 0 : index
    %swap3A_814 = arith.constant 0 : index
    %swap3A_815 = vector.load %arg9[%swap3A_812, %swap3A_813, %swap3A_814] : memref<8x1000x16xf32, #tpu.memory_space<vmem>>, vector<1x1000x16xf32>
    %swap3A_816 = vector.shape_cast %swap3A_815 : vector<1x1000x16xf32> to vector<1000x16xf32>
    %swap3A_817 = vector.shape_cast %slice3A_811 : vector<1000x16xf32> to vector<1x1000x16xf32>
    tpu.vector_store %arg9[%swap3A_812, %swap3A_813, %swap3A_814], %swap3A_817 {strides = array<i32>} : memref<8x1000x16xf32, #tpu.memory_space<vmem>>, vector<1x1000x16xf32>,
    %slice3A_818 = vector.extract_strided_slice %add3A_768 {offsets = [0, 112], sizes = [1000, 16], strides = [1, 1]} : vector<1000x128xf32> to vector<1000x16xf32>
    %swap3A_819 = arith.constant 7 : index
    %swap3A_820 = arith.constant 0 : index
    %swap3A_821 = arith.constant 0 : index
    %swap3A_822 = vector.load %arg9[%swap3A_819, %swap3A_820, %swap3A_821] : memref<8x1000x16xf32, #tpu.memory_space<vmem>>, vector<1x1000x16xf32>
    %swap3A_823 = vector.shape_cast %swap3A_822 : vector<1x1000x16xf32> to vector<1000x16xf32>
    %swap3A_824 = vector.shape_cast %slice3A_818 : vector<1000x16xf32> to vector<1x1000x16xf32>
    tpu.vector_store %arg9[%swap3A_819, %swap3A_820, %swap3A_821], %swap3A_824 {strides = array<i32>} : memref<8x1000x16xf32, #tpu.memory_space<vmem>>, vector<1x1000x16xf32>,
    return
  }
  func.func @transform_0(%arg0: i32) -> (i32, i32) {
    %add3A = arith.constant 0 : i32
    %add3A_0 = arith.addi %arg0, %add3A : i32
    %c0_i32 = arith.constant 0 : i32
    %c0_i32_1 = arith.constant 0 : i32
    return %add3A_0, %c0_i32 : i32, i32
  }
  func.func @transform_1(%arg0: i32) -> (i32, i32) {
    %c0_i32 = arith.constant 0 : i32
    %c0_i32_0 = arith.constant 0 : i32
    return %arg0, %c0_i32 : i32, i32
  }
  func.func @transform_2(%arg0: i32) -> (i32, i32) {
    %add3A = arith.constant 0 : i32
    %add3A_0 = arith.addi %arg0, %add3A : i32
    %c0_i32 = arith.constant 0 : i32
    %c0_i32_1 = arith.constant 0 : i32
    return %add3A_0, %c0_i32 : i32, i32
  }
  func.func @transform_3(%arg0: i32) -> (i32, i32) {
    %add3A = arith.constant 0 : i32
    %add3A_0 = arith.addi %arg0, %add3A : i32
    %c0_i32 = arith.constant 0 : i32
    %c0_i32_1 = arith.constant 0 : i32
    return %add3A_0, %c0_i32 : i32, i32
  }
  func.func @transform_4(%arg0: i32) -> (i32, i32, i32) {
    %c0_i32 = arith.constant 0 : i32
    %c0_i32_0 = arith.constant 0 : i32
    %c0_i32_1 = arith.constant 0 : i32
    %c0_i32_2 = arith.constant 0 : i32
    return %c0_i32, %c0_i32_0, %c0_i32_1 : i32, i32, i32
  }
  func.func @transform_5(%arg0: i32) -> (i32, i32) {
    %c0_i32 = arith.constant 0 : i32
    %c0_i32_0 = arith.constant 0 : i32
    %c0_i32_1 = arith.constant 0 : i32
    return %c0_i32, %c0_i32_0 : i32, i32
  }
  func.func @transform_6(%arg0: i32) -> (i32, i32) {
    %c0_i32 = arith.constant 0 : i32
    %c0_i32_0 = arith.constant 0 : i32
    %c0_i32_1 = arith.constant 0 : i32
    return %c0_i32, %c0_i32_0 : i32, i32
  }
  func.func @transform_7(%arg0: i32) -> (i32, i32) {
    %c0_i32 = arith.constant 0 : i32
    %c0_i32_0 = arith.constant 0 : i32
    %c0_i32_1 = arith.constant 0 : i32
    return %c0_i32, %c0_i32_0 : i32, i32
  }
  func.func @transform_8(%arg0: i32) -> (i32, i32, i32) {
    %c0_i32 = arith.constant 0 : i32
    %c0_i32_0 = arith.constant 0 : i32
    %c0_i32_1 = arith.constant 0 : i32
    return %c0_i32, %arg0, %c0_i32_0 : i32, i32, i32
  }
}

module attributes {stable_mosaic.version = 14 : i64} {
  func.func @_tc_body(%arg0: i32, %arg1: memref<1000x256xf32, #tpu.memory_space<vmem>>, %arg2: memref<1000x512xbf16, #tpu.memory_space<vmem>>, %arg3: memref<1000x32xf32, #tpu.memory_space<vmem>>, %arg4: memref<1000x16xf32, #tpu.memory_space<vmem>>, %arg5: memref<3x128x128xbf16, #tpu.memory_space<vmem>>, %arg6: memref<32x128xf32, #tpu.memory_space<vmem>>, %arg7: memref<16x128xbf16, #tpu.memory_space<vmem>>, %arg8: memref<32x384xbf16, #tpu.memory_space<vmem>>, %arg9: memref<8x1000x16xf32, #tpu.memory_space<vmem>>, %arg10: memref<1000x128xf32, #tpu.memory_space<vmem>>, %arg11: memref<1000x128xf32, #tpu.memory_space<vmem>>, %arg12: memref<1000x128xf32, #tpu.memory_space<vmem>>) attributes {dimension_semantics = [#tpu.dimension_semantics<arbitrary>], iteration_bounds = array<i64: 25>, scalar_prefetch = 0 : i64, scratch_operands = 3 : i64, tpu.core_type = #tpu.core_type<tc>, window_params = [{transform_indices = @transform_0, window_bounds = array<i64: 1000, 256>}, {transform_indices = @transform_1, window_bounds = array<i64: 1000, 512>}, {transform_indices = @transform_2, window_bounds = array<i64: 1000, 32>}, {transform_indices = @transform_3, window_bounds = array<i64: 1000, 16>}, {pipeline_mode = #tpu.pipeline_mode<synchronous>, transform_indices = @transform_4, window_bounds = array<i64: 3, 128, 128>}, {pipeline_mode = #tpu.pipeline_mode<synchronous>, transform_indices = @transform_5, window_bounds = array<i64: 32, 128>}, {pipeline_mode = #tpu.pipeline_mode<synchronous>, transform_indices = @transform_6, window_bounds = array<i64: 16, 128>}, {pipeline_mode = #tpu.pipeline_mode<synchronous>, transform_indices = @transform_7, window_bounds = array<i64: 32, 384>}, {transform_indices = @transform_8, window_bounds = array<i64: 8, 1000, 16>}]} {
    %broadcast_in_dim3A = arith.constant 0.000000e+00 : f32
    %broadcast_in_dim3A_0 = vector.broadcast %broadcast_in_dim3A : f32 to vector<1000x128xf32>
    %swap3A = arith.constant 0 : index
    %swap3A_1 = arith.constant 0 : index
    %swap3A_2 = vector.load %arg10[%swap3A, %swap3A_1] : memref<1000x128xf32, #tpu.memory_space<vmem>>, vector<1000x128xf32>
    tpu.vector_store %arg10[%swap3A, %swap3A_1], %broadcast_in_dim3A_0 {strides = array<i32>} : memref<1000x128xf32, #tpu.memory_space<vmem>>, vector<1000x128xf32>,
    %broadcast_in_dim3A_3 = arith.constant 0.000000e+00 : f32
    %broadcast_in_dim3A_4 = vector.broadcast %broadcast_in_dim3A_3 : f32 to vector<1000x128xf32>
    %swap3A_5 = arith.constant 0 : index
    %swap3A_6 = arith.constant 0 : index
    %swap3A_7 = vector.load %arg11[%swap3A_5, %swap3A_6] : memref<1000x128xf32, #tpu.memory_space<vmem>>, vector<1000x128xf32>
    tpu.vector_store %arg11[%swap3A_5, %swap3A_6], %broadcast_in_dim3A_4 {strides = array<i32>} : memref<1000x128xf32, #tpu.memory_space<vmem>>, vector<1000x128xf32>,
    %broadcast_in_dim3A_8 = arith.constant 0.000000e+00 : f32
    %broadcast_in_dim3A_9 = vector.broadcast %broadcast_in_dim3A_8 : f32 to vector<1000x128xf32>
    %swap3A_10 = arith.constant 0 : index
    %swap3A_11 = arith.constant 0 : index
    %swap3A_12 = vector.load %arg12[%swap3A_10, %swap3A_11] : memref<1000x128xf32, #tpu.memory_space<vmem>>, vector<1000x128xf32>
    tpu.vector_store %arg12[%swap3A_10, %swap3A_11], %broadcast_in_dim3A_9 {strides = array<i32>} : memref<1000x128xf32, #tpu.memory_space<vmem>>, vector<1000x128xf32>,
    %get3A = arith.constant 0 : index
    %get3A_13 = arith.constant 0 : index
    %get3A_14 = vector.load %arg1[%get3A, %get3A_13] : memref<1000x256xf32, #tpu.memory_space<vmem>>, vector<1000x16xf32>
    %convert_element_type3A = arith.truncf %get3A_14 : vector<1000x16xf32> to vector<1000x16xbf16>
    %get3A_15 = arith.constant 0 : index
    %get3A_16 = arith.constant 0 : index
    %get3A_17 = vector.load %arg7[%get3A_15, %get3A_16] : memref<16x128xbf16, #tpu.memory_space<vmem>>, vector<16x128xbf16>
    %dot_general3A = arith.constant dense<0.000000e+00> : vector<1000x128xf32>
    %dot_general3A_18 = tpu.matmul %convert_element_type3A, %get3A_17, %dot_general3A {dimension_numbers = #tpu.dot_dimension_numbers<[1], [0], [0], [1], [0, 0, 1, 1], [], []>, transpose_lhs_hint = false} : vector<1000x16xbf16>, vector<16x128xbf16>, vector<1000x128xf32> -> vector<1000x128xf32>
    %get3A_19 = arith.constant 0 : index
    %get3A_20 = arith.constant 0 : index
    %get3A_21 = vector.load %arg2[%get3A_19, %get3A_20] : memref<1000x512xbf16, #tpu.memory_space<vmem>>, vector<1000x32xbf16>
    %get3A_22 = arith.constant 0 : index
    %get3A_23 = arith.constant 0 : index
    %get3A_24 = vector.load %arg8[%get3A_22, %get3A_23] : memref<32x384xbf16, #tpu.memory_space<vmem>>, vector<32x384xbf16>
    %dot_general3A_25 = arith.constant dense<0.000000e+00> : vector<1000x384xf32>
    %dot_general3A_26 = tpu.matmul %get3A_21, %get3A_24, %dot_general3A_25 {dimension_numbers = #tpu.dot_dimension_numbers<[1], [0], [0], [1], [0, 0, 1, 1], [], []>, transpose_lhs_hint = false} : vector<1000x32xbf16>, vector<32x384xbf16>, vector<1000x384xf32> -> vector<1000x384xf32>
    %get3A_27 = arith.constant 0 : index
    %get3A_28 = arith.constant 0 : index
    %get3A_29 = vector.load %arg10[%get3A_27, %get3A_28] : memref<1000x128xf32, #tpu.memory_space<vmem>>, vector<1000x128xf32>
    %slice3A = vector.extract_strided_slice %dot_general3A_26 {offsets = [0, 0], sizes = [1000, 128], strides = [1, 1]} : vector<1000x384xf32> to vector<1000x128xf32>
    %mul3A = arith.mulf %dot_general3A_18, %slice3A : vector<1000x128xf32>
    %add3A = arith.addf %get3A_29, %mul3A : vector<1000x128xf32>
    %swap3A_30 = arith.constant 0 : index
    %swap3A_31 = arith.constant 0 : index
    %swap3A_32 = vector.load %arg10[%swap3A_30, %swap3A_31] : memref<1000x128xf32, #tpu.memory_space<vmem>>, vector<1000x128xf32>
    tpu.vector_store %arg10[%swap3A_30, %swap3A_31], %add3A {strides = array<i32>} : memref<1000x128xf32, #tpu.memory_space<vmem>>, vector<1000x128xf32>,
    %get3A_33 = arith.constant 0 : index
    %get3A_34 = arith.constant 0 : index
    %get3A_35 = vector.load %arg11[%get3A_33, %get3A_34] : memref<1000x128xf32, #tpu.memory_space<vmem>>, vector<1000x128xf32>
    %slice3A_36 = vector.extract_strided_slice %dot_general3A_26 {offsets = [0, 128], sizes = [1000, 128], strides = [1, 1]} : vector<1000x384xf32> to vector<1000x128xf32>
    %mul3A_37 = arith.mulf %dot_general3A_18, %slice3A_36 : vector<1000x128xf32>
    %add3A_38 = arith.addf %get3A_35, %mul3A_37 : vector<1000x128xf32>
    %swap3A_39 = arith.constant 0 : index
    %swap3A_40 = arith.constant 0 : index
    %swap3A_41 = vector.load %arg11[%swap3A_39, %swap3A_40] : memref<1000x128xf32, #tpu.memory_space<vmem>>, vector<1000x128xf32>
    tpu.vector_store %arg11[%swap3A_39, %swap3A_40], %add3A_38 {strides = array<i32>} : memref<1000x128xf32, #tpu.memory_space<vmem>>, vector<1000x128xf32>,
    %get3A_42 = arith.constant 0 : index
    %get3A_43 = arith.constant 0 : index
    %get3A_44 = vector.load %arg12[%get3A_42, %get3A_43] : memref<1000x128xf32, #tpu.memory_space<vmem>>, vector<1000x128xf32>
    %slice3A_45 = vector.extract_strided_slice %dot_general3A_26 {offsets = [0, 256], sizes = [1000, 128], strides = [1, 1]} : vector<1000x384xf32> to vector<1000x128xf32>
    %mul3A_46 = arith.mulf %dot_general3A_18, %slice3A_45 : vector<1000x128xf32>
    %add3A_47 = arith.addf %get3A_44, %mul3A_46 : vector<1000x128xf32>
    %swap3A_48 = arith.constant 0 : index
    %swap3A_49 = arith.constant 0 : index
    %swap3A_50 = vector.load %arg12[%swap3A_48, %swap3A_49] : memref<1000x128xf32, #tpu.memory_space<vmem>>, vector<1000x128xf32>
    tpu.vector_store %arg12[%swap3A_48, %swap3A_49], %add3A_47 {strides = array<i32>} : memref<1000x128xf32, #tpu.memory_space<vmem>>, vector<1000x128xf32>,
    %get3A_51 = arith.constant 0 : index
    %get3A_52 = arith.constant 16 : index
    %get3A_53 = vector.load %arg1[%get3A_51, %get3A_52] : memref<1000x256xf32, #tpu.memory_space<vmem>>, vector<1000x16xf32>
    %convert_element_type3A_54 = arith.truncf %get3A_53 : vector<1000x16xf32> to vector<1000x16xbf16>
    %get3A_55 = arith.constant 0 : index
    %get3A_56 = arith.constant 0 : index
    %get3A_57 = vector.load %arg7[%get3A_55, %get3A_56] : memref<16x128xbf16, #tpu.memory_space<vmem>>, vector<16x128xbf16>
    %dot_general3A_58 = arith.constant dense<0.000000e+00> : vector<1000x128xf32>
    %dot_general3A_59 = tpu.matmul %convert_element_type3A_54, %get3A_57, %dot_general3A_58 {dimension_numbers = #tpu.dot_dimension_numbers<[1], [0], [0], [1], [0, 0, 1, 1], [], []>, transpose_lhs_hint = false} : vector<1000x16xbf16>, vector<16x128xbf16>, vector<1000x128xf32> -> vector<1000x128xf32>
    %get3A_60 = arith.constant 0 : index
    %get3A_61 = arith.constant 32 : index
    %get3A_62 = vector.load %arg2[%get3A_60, %get3A_61] : memref<1000x512xbf16, #tpu.memory_space<vmem>>, vector<1000x32xbf16>
    %get3A_63 = arith.constant 0 : index
    %get3A_64 = arith.constant 0 : index
    %get3A_65 = vector.load %arg8[%get3A_63, %get3A_64] : memref<32x384xbf16, #tpu.memory_space<vmem>>, vector<32x384xbf16>
    %dot_general3A_66 = arith.constant dense<0.000000e+00> : vector<1000x384xf32>
    %dot_general3A_67 = tpu.matmul %get3A_62, %get3A_65, %dot_general3A_66 {dimension_numbers = #tpu.dot_dimension_numbers<[1], [0], [0], [1], [0, 0, 1, 1], [], []>, transpose_lhs_hint = false} : vector<1000x32xbf16>, vector<32x384xbf16>, vector<1000x384xf32> -> vector<1000x384xf32>
    %get3A_68 = arith.constant 0 : index
    %get3A_69 = arith.constant 0 : index
    %get3A_70 = vector.load %arg10[%get3A_68, %get3A_69] : memref<1000x128xf32, #tpu.memory_space<vmem>>, vector<1000x128xf32>
    %slice3A_71 = vector.extract_strided_slice %dot_general3A_67 {offsets = [0, 0], sizes = [1000, 128], strides = [1, 1]} : vector<1000x384xf32> to vector<1000x128xf32>
    %mul3A_72 = arith.mulf %dot_general3A_59, %slice3A_71 : vector<1000x128xf32>
    %add3A_73 = arith.addf %get3A_70, %mul3A_72 : vector<1000x128xf32>
    %swap3A_74 = arith.constant 0 : index
    %swap3A_75 = arith.constant 0 : index
    %swap3A_76 = vector.load %arg10[%swap3A_74, %swap3A_75] : memref<1000x128xf32, #tpu.memory_space<vmem>>, vector<1000x128xf32>
    tpu.vector_store %arg10[%swap3A_74, %swap3A_75], %add3A_73 {strides = array<i32>} : memref<1000x128xf32, #tpu.memory_space<vmem>>, vector<1000x128xf32>,
    %get3A_77 = arith.constant 0 : index
    %get3A_78 = arith.constant 0 : index
    %get3A_79 = vector.load %arg11[%get3A_77, %get3A_78] : memref<1000x128xf32, #tpu.memory_space<vmem>>, vector<1000x128xf32>
    %slice3A_80 = vector.extract_strided_slice %dot_general3A_67 {offsets = [0, 128], sizes = [1000, 128], strides = [1, 1]} : vector<1000x384xf32> to vector<1000x128xf32>
    %mul3A_81 = arith.mulf %dot_general3A_59, %slice3A_80 : vector<1000x128xf32>
    %add3A_82 = arith.addf %get3A_79, %mul3A_81 : vector<1000x128xf32>
    %swap3A_83 = arith.constant 0 : index
    %swap3A_84 = arith.constant 0 : index
    %swap3A_85 = vector.load %arg11[%swap3A_83, %swap3A_84] : memref<1000x128xf32, #tpu.memory_space<vmem>>, vector<1000x128xf32>
    tpu.vector_store %arg11[%swap3A_83, %swap3A_84], %add3A_82 {strides = array<i32>} : memref<1000x128xf32, #tpu.memory_space<vmem>>, vector<1000x128xf32>,
    %get3A_86 = arith.constant 0 : index
    %get3A_87 = arith.constant 0 : index
    %get3A_88 = vector.load %arg12[%get3A_86, %get3A_87] : memref<1000x128xf32, #tpu.memory_space<vmem>>, vector<1000x128xf32>
    %slice3A_89 = vector.extract_strided_slice %dot_general3A_67 {offsets = [0, 256], sizes = [1000, 128], strides = [1, 1]} : vector<1000x384xf32> to vector<1000x128xf32>
    %mul3A_90 = arith.mulf %dot_general3A_59, %slice3A_89 : vector<1000x128xf32>
    %add3A_91 = arith.addf %get3A_88, %mul3A_90 : vector<1000x128xf32>
    %swap3A_92 = arith.constant 0 : index
    %swap3A_93 = arith.constant 0 : index
    %swap3A_94 = vector.load %arg12[%swap3A_92, %swap3A_93] : memref<1000x128xf32, #tpu.memory_space<vmem>>, vector<1000x128xf32>
    tpu.vector_store %arg12[%swap3A_92, %swap3A_93], %add3A_91 {strides = array<i32>} : memref<1000x128xf32, #tpu.memory_space<vmem>>, vector<1000x128xf32>,
    %get3A_95 = arith.constant 0 : index
    %get3A_96 = arith.constant 32 : index
    %get3A_97 = vector.load %arg1[%get3A_95, %get3A_96] : memref<1000x256xf32, #tpu.memory_space<vmem>>, vector<1000x16xf32>
    %convert_element_type3A_98 = arith.truncf %get3A_97 : vector<1000x16xf32> to vector<1000x16xbf16>
    %get3A_99 = arith.constant 0 : index
    %get3A_100 = arith.constant 0 : index
    %get3A_101 = vector.load %arg7[%get3A_99, %get3A_100] : memref<16x128xbf16, #tpu.memory_space<vmem>>, vector<16x128xbf16>
    %dot_general3A_102 = arith.constant dense<0.000000e+00> : vector<1000x128xf32>
    %dot_general3A_103 = tpu.matmul %convert_element_type3A_98, %get3A_101, %dot_general3A_102 {dimension_numbers = #tpu.dot_dimension_numbers<[1], [0], [0], [1], [0, 0, 1, 1], [], []>, transpose_lhs_hint = false} : vector<1000x16xbf16>, vector<16x128xbf16>, vector<1000x128xf32> -> vector<1000x128xf32>
    %get3A_104 = arith.constant 0 : index
    %get3A_105 = arith.constant 64 : index
    %get3A_106 = vector.load %arg2[%get3A_104, %get3A_105] : memref<1000x512xbf16, #tpu.memory_space<vmem>>, vector<1000x32xbf16>
    %get3A_107 = arith.constant 0 : index
    %get3A_108 = arith.constant 0 : index
    %get3A_109 = vector.load %arg8[%get3A_107, %get3A_108] : memref<32x384xbf16, #tpu.memory_space<vmem>>, vector<32x384xbf16>
    %dot_general3A_110 = arith.constant dense<0.000000e+00> : vector<1000x384xf32>
    %dot_general3A_111 = tpu.matmul %get3A_106, %get3A_109, %dot_general3A_110 {dimension_numbers = #tpu.dot_dimension_numbers<[1], [0], [0], [1], [0, 0, 1, 1], [], []>, transpose_lhs_hint = false} : vector<1000x32xbf16>, vector<32x384xbf16>, vector<1000x384xf32> -> vector<1000x384xf32>
    %get3A_112 = arith.constant 0 : index
    %get3A_113 = arith.constant 0 : index
    %get3A_114 = vector.load %arg10[%get3A_112, %get3A_113] : memref<1000x128xf32, #tpu.memory_space<vmem>>, vector<1000x128xf32>
    %slice3A_115 = vector.extract_strided_slice %dot_general3A_111 {offsets = [0, 0], sizes = [1000, 128], strides = [1, 1]} : vector<1000x384xf32> to vector<1000x128xf32>
    %mul3A_116 = arith.mulf %dot_general3A_103, %slice3A_115 : vector<1000x128xf32>
    %add3A_117 = arith.addf %get3A_114, %mul3A_116 : vector<1000x128xf32>
    %swap3A_118 = arith.constant 0 : index
    %swap3A_119 = arith.constant 0 : index
    %swap3A_120 = vector.load %arg10[%swap3A_118, %swap3A_119] : memref<1000x128xf32, #tpu.memory_space<vmem>>, vector<1000x128xf32>
    tpu.vector_store %arg10[%swap3A_118, %swap3A_119], %add3A_117 {strides = array<i32>} : memref<1000x128xf32, #tpu.memory_space<vmem>>, vector<1000x128xf32>,
    %get3A_121 = arith.constant 0 : index
    %get3A_122 = arith.constant 0 : index
    %get3A_123 = vector.load %arg11[%get3A_121, %get3A_122] : memref<1000x128xf32, #tpu.memory_space<vmem>>, vector<1000x128xf32>
    %slice3A_124 = vector.extract_strided_slice %dot_general3A_111 {offsets = [0, 128], sizes = [1000, 128], strides = [1, 1]} : vector<1000x384xf32> to vector<1000x128xf32>
    %mul3A_125 = arith.mulf %dot_general3A_103, %slice3A_124 : vector<1000x128xf32>
    %add3A_126 = arith.addf %get3A_123, %mul3A_125 : vector<1000x128xf32>
    %swap3A_127 = arith.constant 0 : index
    %swap3A_128 = arith.constant 0 : index
    %swap3A_129 = vector.load %arg11[%swap3A_127, %swap3A_128] : memref<1000x128xf32, #tpu.memory_space<vmem>>, vector<1000x128xf32>
    tpu.vector_store %arg11[%swap3A_127, %swap3A_128], %add3A_126 {strides = array<i32>} : memref<1000x128xf32, #tpu.memory_space<vmem>>, vector<1000x128xf32>,
    %get3A_130 = arith.constant 0 : index
    %get3A_131 = arith.constant 0 : index
    %get3A_132 = vector.load %arg12[%get3A_130, %get3A_131] : memref<1000x128xf32, #tpu.memory_space<vmem>>, vector<1000x128xf32>
    %slice3A_133 = vector.extract_strided_slice %dot_general3A_111 {offsets = [0, 256], sizes = [1000, 128], strides = [1, 1]} : vector<1000x384xf32> to vector<1000x128xf32>
    %mul3A_134 = arith.mulf %dot_general3A_103, %slice3A_133 : vector<1000x128xf32>
    %add3A_135 = arith.addf %get3A_132, %mul3A_134 : vector<1000x128xf32>
    %swap3A_136 = arith.constant 0 : index
    %swap3A_137 = arith.constant 0 : index
    %swap3A_138 = vector.load %arg12[%swap3A_136, %swap3A_137] : memref<1000x128xf32, #tpu.memory_space<vmem>>, vector<1000x128xf32>
    tpu.vector_store %arg12[%swap3A_136, %swap3A_137], %add3A_135 {strides = array<i32>} : memref<1000x128xf32, #tpu.memory_space<vmem>>, vector<1000x128xf32>,
    %get3A_139 = arith.constant 0 : index
    %get3A_140 = arith.constant 48 : index
    %get3A_141 = vector.load %arg1[%get3A_139, %get3A_140] : memref<1000x256xf32, #tpu.memory_space<vmem>>, vector<1000x16xf32>
    %convert_element_type3A_142 = arith.truncf %get3A_141 : vector<1000x16xf32> to vector<1000x16xbf16>
    %get3A_143 = arith.constant 0 : index
    %get3A_144 = arith.constant 0 : index
    %get3A_145 = vector.load %arg7[%get3A_143, %get3A_144] : memref<16x128xbf16, #tpu.memory_space<vmem>>, vector<16x128xbf16>
    %dot_general3A_146 = arith.constant dense<0.000000e+00> : vector<1000x128xf32>
    %dot_general3A_147 = tpu.matmul %convert_element_type3A_142, %get3A_145, %dot_general3A_146 {dimension_numbers = #tpu.dot_dimension_numbers<[1], [0], [0], [1], [0, 0, 1, 1], [], []>, transpose_lhs_hint = false} : vector<1000x16xbf16>, vector<16x128xbf16>, vector<1000x128xf32> -> vector<1000x128xf32>
    %get3A_148 = arith.constant 0 : index
    %get3A_149 = arith.constant 96 : index
    %get3A_150 = vector.load %arg2[%get3A_148, %get3A_149] : memref<1000x512xbf16, #tpu.memory_space<vmem>>, vector<1000x32xbf16>
    %get3A_151 = arith.constant 0 : index
    %get3A_152 = arith.constant 0 : index
    %get3A_153 = vector.load %arg8[%get3A_151, %get3A_152] : memref<32x384xbf16, #tpu.memory_space<vmem>>, vector<32x384xbf16>
    %dot_general3A_154 = arith.constant dense<0.000000e+00> : vector<1000x384xf32>
    %dot_general3A_155 = tpu.matmul %get3A_150, %get3A_153, %dot_general3A_154 {dimension_numbers = #tpu.dot_dimension_numbers<[1], [0], [0], [1], [0, 0, 1, 1], [], []>, transpose_lhs_hint = false} : vector<1000x32xbf16>, vector<32x384xbf16>, vector<1000x384xf32> -> vector<1000x384xf32>
    %get3A_156 = arith.constant 0 : index
    %get3A_157 = arith.constant 0 : index
    %get3A_158 = vector.load %arg10[%get3A_156, %get3A_157] : memref<1000x128xf32, #tpu.memory_space<vmem>>, vector<1000x128xf32>
    %slice3A_159 = vector.extract_strided_slice %dot_general3A_155 {offsets = [0, 0], sizes = [1000, 128], strides = [1, 1]} : vector<1000x384xf32> to vector<1000x128xf32>
    %mul3A_160 = arith.mulf %dot_general3A_147, %slice3A_159 : vector<1000x128xf32>
    %add3A_161 = arith.addf %get3A_158, %mul3A_160 : vector<1000x128xf32>
    %swap3A_162 = arith.constant 0 : index
    %swap3A_163 = arith.constant 0 : index
    %swap3A_164 = vector.load %arg10[%swap3A_162, %swap3A_163] : memref<1000x128xf32, #tpu.memory_space<vmem>>, vector<1000x128xf32>
    tpu.vector_store %arg10[%swap3A_162, %swap3A_163], %add3A_161 {strides = array<i32>} : memref<1000x128xf32, #tpu.memory_space<vmem>>, vector<1000x128xf32>,
    %get3A_165 = arith.constant 0 : index
    %get3A_166 = arith.constant 0 : index
    %get3A_167 = vector.load %arg11[%get3A_165, %get3A_166] : memref<1000x128xf32, #tpu.memory_space<vmem>>, vector<1000x128xf32>
    %slice3A_168 = vector.extract_strided_slice %dot_general3A_155 {offsets = [0, 128], sizes = [1000, 128], strides = [1, 1]} : vector<1000x384xf32> to vector<1000x128xf32>
    %mul3A_169 = arith.mulf %dot_general3A_147, %slice3A_168 : vector<1000x128xf32>
    %add3A_170 = arith.addf %get3A_167, %mul3A_169 : vector<1000x128xf32>
    %swap3A_171 = arith.constant 0 : index
    %swap3A_172 = arith.constant 0 : index
    %swap3A_173 = vector.load %arg11[%swap3A_171, %swap3A_172] : memref<1000x128xf32, #tpu.memory_space<vmem>>, vector<1000x128xf32>
    tpu.vector_store %arg11[%swap3A_171, %swap3A_172], %add3A_170 {strides = array<i32>} : memref<1000x128xf32, #tpu.memory_space<vmem>>, vector<1000x128xf32>,
    %get3A_174 = arith.constant 0 : index
    %get3A_175 = arith.constant 0 : index
    %get3A_176 = vector.load %arg12[%get3A_174, %get3A_175] : memref<1000x128xf32, #tpu.memory_space<vmem>>, vector<1000x128xf32>
    %slice3A_177 = vector.extract_strided_slice %dot_general3A_155 {offsets = [0, 256], sizes = [1000, 128], strides = [1, 1]} : vector<1000x384xf32> to vector<1000x128xf32>
    %mul3A_178 = arith.mulf %dot_general3A_147, %slice3A_177 : vector<1000x128xf32>
    %add3A_179 = arith.addf %get3A_176, %mul3A_178 : vector<1000x128xf32>
    %swap3A_180 = arith.constant 0 : index
    %swap3A_181 = arith.constant 0 : index
    %swap3A_182 = vector.load %arg12[%swap3A_180, %swap3A_181] : memref<1000x128xf32, #tpu.memory_space<vmem>>, vector<1000x128xf32>
    tpu.vector_store %arg12[%swap3A_180, %swap3A_181], %add3A_179 {strides = array<i32>} : memref<1000x128xf32, #tpu.memory_space<vmem>>, vector<1000x128xf32>,
    %get3A_183 = arith.constant 0 : index
    %get3A_184 = arith.constant 64 : index
    %get3A_185 = vector.load %arg1[%get3A_183, %get3A_184] : memref<1000x256xf32, #tpu.memory_space<vmem>>, vector<1000x16xf32>
    %convert_element_type3A_186 = arith.truncf %get3A_185 : vector<1000x16xf32> to vector<1000x16xbf16>
    %get3A_187 = arith.constant 0 : index
    %get3A_188 = arith.constant 0 : index
    %get3A_189 = vector.load %arg7[%get3A_187, %get3A_188] : memref<16x128xbf16, #tpu.memory_space<vmem>>, vector<16x128xbf16>
    %dot_general3A_190 = arith.constant dense<0.000000e+00> : vector<1000x128xf32>
    %dot_general3A_191 = tpu.matmul %convert_element_type3A_186, %get3A_189, %dot_general3A_190 {dimension_numbers = #tpu.dot_dimension_numbers<[1], [0], [0], [1], [0, 0, 1, 1], [], []>, transpose_lhs_hint = false} : vector<1000x16xbf16>, vector<16x128xbf16>, vector<1000x128xf32> -> vector<1000x128xf32>
    %get3A_192 = arith.constant 0 : index
    %get3A_193 = arith.constant 128 : index
    %get3A_194 = vector.load %arg2[%get3A_192, %get3A_193] : memref<1000x512xbf16, #tpu.memory_space<vmem>>, vector<1000x32xbf16>
    %get3A_195 = arith.constant 0 : index
    %get3A_196 = arith.constant 0 : index
    %get3A_197 = vector.load %arg8[%get3A_195, %get3A_196] : memref<32x384xbf16, #tpu.memory_space<vmem>>, vector<32x384xbf16>
    %dot_general3A_198 = arith.constant dense<0.000000e+00> : vector<1000x384xf32>
    %dot_general3A_199 = tpu.matmul %get3A_194, %get3A_197, %dot_general3A_198 {dimension_numbers = #tpu.dot_dimension_numbers<[1], [0], [0], [1], [0, 0, 1, 1], [], []>, transpose_lhs_hint = false} : vector<1000x32xbf16>, vector<32x384xbf16>, vector<1000x384xf32> -> vector<1000x384xf32>
    %get3A_200 = arith.constant 0 : index
    %get3A_201 = arith.constant 0 : index
    %get3A_202 = vector.load %arg10[%get3A_200, %get3A_201] : memref<1000x128xf32, #tpu.memory_space<vmem>>, vector<1000x128xf32>
    %slice3A_203 = vector.extract_strided_slice %dot_general3A_199 {offsets = [0, 0], sizes = [1000, 128], strides = [1, 1]} : vector<1000x384xf32> to vector<1000x128xf32>
    %mul3A_204 = arith.mulf %dot_general3A_191, %slice3A_203 : vector<1000x128xf32>
    %add3A_205 = arith.addf %get3A_202, %mul3A_204 : vector<1000x128xf32>
    %swap3A_206 = arith.constant 0 : index
    %swap3A_207 = arith.constant 0 : index
    %swap3A_208 = vector.load %arg10[%swap3A_206, %swap3A_207] : memref<1000x128xf32, #tpu.memory_space<vmem>>, vector<1000x128xf32>
    tpu.vector_store %arg10[%swap3A_206, %swap3A_207], %add3A_205 {strides = array<i32>} : memref<1000x128xf32, #tpu.memory_space<vmem>>, vector<1000x128xf32>,
    %get3A_209 = arith.constant 0 : index
    %get3A_210 = arith.constant 0 : index
    %get3A_211 = vector.load %arg11[%get3A_209, %get3A_210] : memref<1000x128xf32, #tpu.memory_space<vmem>>, vector<1000x128xf32>
    %slice3A_212 = vector.extract_strided_slice %dot_general3A_199 {offsets = [0, 128], sizes = [1000, 128], strides = [1, 1]} : vector<1000x384xf32> to vector<1000x128xf32>
    %mul3A_213 = arith.mulf %dot_general3A_191, %slice3A_212 : vector<1000x128xf32>
    %add3A_214 = arith.addf %get3A_211, %mul3A_213 : vector<1000x128xf32>
    %swap3A_215 = arith.constant 0 : index
    %swap3A_216 = arith.constant 0 : index
    %swap3A_217 = vector.load %arg11[%swap3A_215, %swap3A_216] : memref<1000x128xf32, #tpu.memory_space<vmem>>, vector<1000x128xf32>
    tpu.vector_store %arg11[%swap3A_215, %swap3A_216], %add3A_214 {strides = array<i32>} : memref<1000x128xf32, #tpu.memory_space<vmem>>, vector<1000x128xf32>,
    %get3A_218 = arith.constant 0 : index
    %get3A_219 = arith.constant 0 : index
    %get3A_220 = vector.load %arg12[%get3A_218, %get3A_219] : memref<1000x128xf32, #tpu.memory_space<vmem>>, vector<1000x128xf32>
    %slice3A_221 = vector.extract_strided_slice %dot_general3A_199 {offsets = [0, 256], sizes = [1000, 128], strides = [1, 1]} : vector<1000x384xf32> to vector<1000x128xf32>
    %mul3A_222 = arith.mulf %dot_general3A_191, %slice3A_221 : vector<1000x128xf32>
    %add3A_223 = arith.addf %get3A_220, %mul3A_222 : vector<1000x128xf32>
    %swap3A_224 = arith.constant 0 : index
    %swap3A_225 = arith.constant 0 : index
    %swap3A_226 = vector.load %arg12[%swap3A_224, %swap3A_225] : memref<1000x128xf32, #tpu.memory_space<vmem>>, vector<1000x128xf32>
    tpu.vector_store %arg12[%swap3A_224, %swap3A_225], %add3A_223 {strides = array<i32>} : memref<1000x128xf32, #tpu.memory_space<vmem>>, vector<1000x128xf32>,
    %get3A_227 = arith.constant 0 : index
    %get3A_228 = arith.constant 80 : index
    %get3A_229 = vector.load %arg1[%get3A_227, %get3A_228] : memref<1000x256xf32, #tpu.memory_space<vmem>>, vector<1000x16xf32>
    %convert_element_type3A_230 = arith.truncf %get3A_229 : vector<1000x16xf32> to vector<1000x16xbf16>
    %get3A_231 = arith.constant 0 : index
    %get3A_232 = arith.constant 0 : index
    %get3A_233 = vector.load %arg7[%get3A_231, %get3A_232] : memref<16x128xbf16, #tpu.memory_space<vmem>>, vector<16x128xbf16>
    %dot_general3A_234 = arith.constant dense<0.000000e+00> : vector<1000x128xf32>
    %dot_general3A_235 = tpu.matmul %convert_element_type3A_230, %get3A_233, %dot_general3A_234 {dimension_numbers = #tpu.dot_dimension_numbers<[1], [0], [0], [1], [0, 0, 1, 1], [], []>, transpose_lhs_hint = false} : vector<1000x16xbf16>, vector<16x128xbf16>, vector<1000x128xf32> -> vector<1000x128xf32>
    %get3A_236 = arith.constant 0 : index
    %get3A_237 = arith.constant 160 : index
    %get3A_238 = vector.load %arg2[%get3A_236, %get3A_237] : memref<1000x512xbf16, #tpu.memory_space<vmem>>, vector<1000x32xbf16>
    %get3A_239 = arith.constant 0 : index
    %get3A_240 = arith.constant 0 : index
    %get3A_241 = vector.load %arg8[%get3A_239, %get3A_240] : memref<32x384xbf16, #tpu.memory_space<vmem>>, vector<32x384xbf16>
    %dot_general3A_242 = arith.constant dense<0.000000e+00> : vector<1000x384xf32>
    %dot_general3A_243 = tpu.matmul %get3A_238, %get3A_241, %dot_general3A_242 {dimension_numbers = #tpu.dot_dimension_numbers<[1], [0], [0], [1], [0, 0, 1, 1], [], []>, transpose_lhs_hint = false} : vector<1000x32xbf16>, vector<32x384xbf16>, vector<1000x384xf32> -> vector<1000x384xf32>
    %get3A_244 = arith.constant 0 : index
    %get3A_245 = arith.constant 0 : index
    %get3A_246 = vector.load %arg10[%get3A_244, %get3A_245] : memref<1000x128xf32, #tpu.memory_space<vmem>>, vector<1000x128xf32>
    %slice3A_247 = vector.extract_strided_slice %dot_general3A_243 {offsets = [0, 0], sizes = [1000, 128], strides = [1, 1]} : vector<1000x384xf32> to vector<1000x128xf32>
    %mul3A_248 = arith.mulf %dot_general3A_235, %slice3A_247 : vector<1000x128xf32>
    %add3A_249 = arith.addf %get3A_246, %mul3A_248 : vector<1000x128xf32>
    %swap3A_250 = arith.constant 0 : index
    %swap3A_251 = arith.constant 0 : index
    %swap3A_252 = vector.load %arg10[%swap3A_250, %swap3A_251] : memref<1000x128xf32, #tpu.memory_space<vmem>>, vector<1000x128xf32>
    tpu.vector_store %arg10[%swap3A_250, %swap3A_251], %add3A_249 {strides = array<i32>} : memref<1000x128xf32, #tpu.memory_space<vmem>>, vector<1000x128xf32>,
    %get3A_253 = arith.constant 0 : index
    %get3A_254 = arith.constant 0 : index
    %get3A_255 = vector.load %arg11[%get3A_253, %get3A_254] : memref<1000x128xf32, #tpu.memory_space<vmem>>, vector<1000x128xf32>
    %slice3A_256 = vector.extract_strided_slice %dot_general3A_243 {offsets = [0, 128], sizes = [1000, 128], strides = [1, 1]} : vector<1000x384xf32> to vector<1000x128xf32>
    %mul3A_257 = arith.mulf %dot_general3A_235, %slice3A_256 : vector<1000x128xf32>
    %add3A_258 = arith.addf %get3A_255, %mul3A_257 : vector<1000x128xf32>
    %swap3A_259 = arith.constant 0 : index
    %swap3A_260 = arith.constant 0 : index
    %swap3A_261 = vector.load %arg11[%swap3A_259, %swap3A_260] : memref<1000x128xf32, #tpu.memory_space<vmem>>, vector<1000x128xf32>
    tpu.vector_store %arg11[%swap3A_259, %swap3A_260], %add3A_258 {strides = array<i32>} : memref<1000x128xf32, #tpu.memory_space<vmem>>, vector<1000x128xf32>,
    %get3A_262 = arith.constant 0 : index
    %get3A_263 = arith.constant 0 : index
    %get3A_264 = vector.load %arg12[%get3A_262, %get3A_263] : memref<1000x128xf32, #tpu.memory_space<vmem>>, vector<1000x128xf32>
    %slice3A_265 = vector.extract_strided_slice %dot_general3A_243 {offsets = [0, 256], sizes = [1000, 128], strides = [1, 1]} : vector<1000x384xf32> to vector<1000x128xf32>
    %mul3A_266 = arith.mulf %dot_general3A_235, %slice3A_265 : vector<1000x128xf32>
    %add3A_267 = arith.addf %get3A_264, %mul3A_266 : vector<1000x128xf32>
    %swap3A_268 = arith.constant 0 : index
    %swap3A_269 = arith.constant 0 : index
    %swap3A_270 = vector.load %arg12[%swap3A_268, %swap3A_269] : memref<1000x128xf32, #tpu.memory_space<vmem>>, vector<1000x128xf32>
    tpu.vector_store %arg12[%swap3A_268, %swap3A_269], %add3A_267 {strides = array<i32>} : memref<1000x128xf32, #tpu.memory_space<vmem>>, vector<1000x128xf32>,
    %get3A_271 = arith.constant 0 : index
    %get3A_272 = arith.constant 96 : index
    %get3A_273 = vector.load %arg1[%get3A_271, %get3A_272] : memref<1000x256xf32, #tpu.memory_space<vmem>>, vector<1000x16xf32>
    %convert_element_type3A_274 = arith.truncf %get3A_273 : vector<1000x16xf32> to vector<1000x16xbf16>
    %get3A_275 = arith.constant 0 : index
    %get3A_276 = arith.constant 0 : index
    %get3A_277 = vector.load %arg7[%get3A_275, %get3A_276] : memref<16x128xbf16, #tpu.memory_space<vmem>>, vector<16x128xbf16>
    %dot_general3A_278 = arith.constant dense<0.000000e+00> : vector<1000x128xf32>
    %dot_general3A_279 = tpu.matmul %convert_element_type3A_274, %get3A_277, %dot_general3A_278 {dimension_numbers = #tpu.dot_dimension_numbers<[1], [0], [0], [1], [0, 0, 1, 1], [], []>, transpose_lhs_hint = false} : vector<1000x16xbf16>, vector<16x128xbf16>, vector<1000x128xf32> -> vector<1000x128xf32>
    %get3A_280 = arith.constant 0 : index
    %get3A_281 = arith.constant 192 : index
    %get3A_282 = vector.load %arg2[%get3A_280, %get3A_281] : memref<1000x512xbf16, #tpu.memory_space<vmem>>, vector<1000x32xbf16>
    %get3A_283 = arith.constant 0 : index
    %get3A_284 = arith.constant 0 : index
    %get3A_285 = vector.load %arg8[%get3A_283, %get3A_284] : memref<32x384xbf16, #tpu.memory_space<vmem>>, vector<32x384xbf16>
    %dot_general3A_286 = arith.constant dense<0.000000e+00> : vector<1000x384xf32>
    %dot_general3A_287 = tpu.matmul %get3A_282, %get3A_285, %dot_general3A_286 {dimension_numbers = #tpu.dot_dimension_numbers<[1], [0], [0], [1], [0, 0, 1, 1], [], []>, transpose_lhs_hint = false} : vector<1000x32xbf16>, vector<32x384xbf16>, vector<1000x384xf32> -> vector<1000x384xf32>
    %get3A_288 = arith.constant 0 : index
    %get3A_289 = arith.constant 0 : index
    %get3A_290 = vector.load %arg10[%get3A_288, %get3A_289] : memref<1000x128xf32, #tpu.memory_space<vmem>>, vector<1000x128xf32>
    %slice3A_291 = vector.extract_strided_slice %dot_general3A_287 {offsets = [0, 0], sizes = [1000, 128], strides = [1, 1]} : vector<1000x384xf32> to vector<1000x128xf32>
    %mul3A_292 = arith.mulf %dot_general3A_279, %slice3A_291 : vector<1000x128xf32>
    %add3A_293 = arith.addf %get3A_290, %mul3A_292 : vector<1000x128xf32>
    %swap3A_294 = arith.constant 0 : index
    %swap3A_295 = arith.constant 0 : index
    %swap3A_296 = vector.load %arg10[%swap3A_294, %swap3A_295] : memref<1000x128xf32, #tpu.memory_space<vmem>>, vector<1000x128xf32>
    tpu.vector_store %arg10[%swap3A_294, %swap3A_295], %add3A_293 {strides = array<i32>} : memref<1000x128xf32, #tpu.memory_space<vmem>>, vector<1000x128xf32>,
    %get3A_297 = arith.constant 0 : index
    %get3A_298 = arith.constant 0 : index
    %get3A_299 = vector.load %arg11[%get3A_297, %get3A_298] : memref<1000x128xf32, #tpu.memory_space<vmem>>, vector<1000x128xf32>
    %slice3A_300 = vector.extract_strided_slice %dot_general3A_287 {offsets = [0, 128], sizes = [1000, 128], strides = [1, 1]} : vector<1000x384xf32> to vector<1000x128xf32>
    %mul3A_301 = arith.mulf %dot_general3A_279, %slice3A_300 : vector<1000x128xf32>
    %add3A_302 = arith.addf %get3A_299, %mul3A_301 : vector<1000x128xf32>
    %swap3A_303 = arith.constant 0 : index
    %swap3A_304 = arith.constant 0 : index
    %swap3A_305 = vector.load %arg11[%swap3A_303, %swap3A_304] : memref<1000x128xf32, #tpu.memory_space<vmem>>, vector<1000x128xf32>
    tpu.vector_store %arg11[%swap3A_303, %swap3A_304], %add3A_302 {strides = array<i32>} : memref<1000x128xf32, #tpu.memory_space<vmem>>, vector<1000x128xf32>,
    %get3A_306 = arith.constant 0 : index
    %get3A_307 = arith.constant 0 : index
    %get3A_308 = vector.load %arg12[%get3A_306, %get3A_307] : memref<1000x128xf32, #tpu.memory_space<vmem>>, vector<1000x128xf32>
    %slice3A_309 = vector.extract_strided_slice %dot_general3A_287 {offsets = [0, 256], sizes = [1000, 128], strides = [1, 1]} : vector<1000x384xf32> to vector<1000x128xf32>
    %mul3A_310 = arith.mulf %dot_general3A_279, %slice3A_309 : vector<1000x128xf32>
    %add3A_311 = arith.addf %get3A_308, %mul3A_310 : vector<1000x128xf32>
    %swap3A_312 = arith.constant 0 : index
    %swap3A_313 = arith.constant 0 : index
    %swap3A_314 = vector.load %arg12[%swap3A_312, %swap3A_313] : memref<1000x128xf32, #tpu.memory_space<vmem>>, vector<1000x128xf32>
    tpu.vector_store %arg12[%swap3A_312, %swap3A_313], %add3A_311 {strides = array<i32>} : memref<1000x128xf32, #tpu.memory_space<vmem>>, vector<1000x128xf32>,
    %get3A_315 = arith.constant 0 : index
    %get3A_316 = arith.constant 112 : index
    %get3A_317 = vector.load %arg1[%get3A_315, %get3A_316] : memref<1000x256xf32, #tpu.memory_space<vmem>>, vector<1000x16xf32>
    %convert_element_type3A_318 = arith.truncf %get3A_317 : vector<1000x16xf32> to vector<1000x16xbf16>
    %get3A_319 = arith.constant 0 : index
    %get3A_320 = arith.constant 0 : index
    %get3A_321 = vector.load %arg7[%get3A_319, %get3A_320] : memref<16x128xbf16, #tpu.memory_space<vmem>>, vector<16x128xbf16>
    %dot_general3A_322 = arith.constant dense<0.000000e+00> : vector<1000x128xf32>
    %dot_general3A_323 = tpu.matmul %convert_element_type3A_318, %get3A_321, %dot_general3A_322 {dimension_numbers = #tpu.dot_dimension_numbers<[1], [0], [0], [1], [0, 0, 1, 1], [], []>, transpose_lhs_hint = false} : vector<1000x16xbf16>, vector<16x128xbf16>, vector<1000x128xf32> -> vector<1000x128xf32>
    %get3A_324 = arith.constant 0 : index
    %get3A_325 = arith.constant 224 : index
    %get3A_326 = vector.load %arg2[%get3A_324, %get3A_325] : memref<1000x512xbf16, #tpu.memory_space<vmem>>, vector<1000x32xbf16>
    %get3A_327 = arith.constant 0 : index
    %get3A_328 = arith.constant 0 : index
    %get3A_329 = vector.load %arg8[%get3A_327, %get3A_328] : memref<32x384xbf16, #tpu.memory_space<vmem>>, vector<32x384xbf16>
    %dot_general3A_330 = arith.constant dense<0.000000e+00> : vector<1000x384xf32>
    %dot_general3A_331 = tpu.matmul %get3A_326, %get3A_329, %dot_general3A_330 {dimension_numbers = #tpu.dot_dimension_numbers<[1], [0], [0], [1], [0, 0, 1, 1], [], []>, transpose_lhs_hint = false} : vector<1000x32xbf16>, vector<32x384xbf16>, vector<1000x384xf32> -> vector<1000x384xf32>
    %get3A_332 = arith.constant 0 : index
    %get3A_333 = arith.constant 0 : index
    %get3A_334 = vector.load %arg10[%get3A_332, %get3A_333] : memref<1000x128xf32, #tpu.memory_space<vmem>>, vector<1000x128xf32>
    %slice3A_335 = vector.extract_strided_slice %dot_general3A_331 {offsets = [0, 0], sizes = [1000, 128], strides = [1, 1]} : vector<1000x384xf32> to vector<1000x128xf32>
    %mul3A_336 = arith.mulf %dot_general3A_323, %slice3A_335 : vector<1000x128xf32>
    %add3A_337 = arith.addf %get3A_334, %mul3A_336 : vector<1000x128xf32>
    %swap3A_338 = arith.constant 0 : index
    %swap3A_339 = arith.constant 0 : index
    %swap3A_340 = vector.load %arg10[%swap3A_338, %swap3A_339] : memref<1000x128xf32, #tpu.memory_space<vmem>>, vector<1000x128xf32>
    tpu.vector_store %arg10[%swap3A_338, %swap3A_339], %add3A_337 {strides = array<i32>} : memref<1000x128xf32, #tpu.memory_space<vmem>>, vector<1000x128xf32>,
    %get3A_341 = arith.constant 0 : index
    %get3A_342 = arith.constant 0 : index
    %get3A_343 = vector.load %arg11[%get3A_341, %get3A_342] : memref<1000x128xf32, #tpu.memory_space<vmem>>, vector<1000x128xf32>
    %slice3A_344 = vector.extract_strided_slice %dot_general3A_331 {offsets = [0, 128], sizes = [1000, 128], strides = [1, 1]} : vector<1000x384xf32> to vector<1000x128xf32>
    %mul3A_345 = arith.mulf %dot_general3A_323, %slice3A_344 : vector<1000x128xf32>
    %add3A_346 = arith.addf %get3A_343, %mul3A_345 : vector<1000x128xf32>
    %swap3A_347 = arith.constant 0 : index
    %swap3A_348 = arith.constant 0 : index
    %swap3A_349 = vector.load %arg11[%swap3A_347, %swap3A_348] : memref<1000x128xf32, #tpu.memory_space<vmem>>, vector<1000x128xf32>
    tpu.vector_store %arg11[%swap3A_347, %swap3A_348], %add3A_346 {strides = array<i32>} : memref<1000x128xf32, #tpu.memory_space<vmem>>, vector<1000x128xf32>,
    %get3A_350 = arith.constant 0 : index
    %get3A_351 = arith.constant 0 : index
    %get3A_352 = vector.load %arg12[%get3A_350, %get3A_351] : memref<1000x128xf32, #tpu.memory_space<vmem>>, vector<1000x128xf32>
    %slice3A_353 = vector.extract_strided_slice %dot_general3A_331 {offsets = [0, 256], sizes = [1000, 128], strides = [1, 1]} : vector<1000x384xf32> to vector<1000x128xf32>
    %mul3A_354 = arith.mulf %dot_general3A_323, %slice3A_353 : vector<1000x128xf32>
    %add3A_355 = arith.addf %get3A_352, %mul3A_354 : vector<1000x128xf32>
    %swap3A_356 = arith.constant 0 : index
    %swap3A_357 = arith.constant 0 : index
    %swap3A_358 = vector.load %arg12[%swap3A_356, %swap3A_357] : memref<1000x128xf32, #tpu.memory_space<vmem>>, vector<1000x128xf32>
    tpu.vector_store %arg12[%swap3A_356, %swap3A_357], %add3A_355 {strides = array<i32>} : memref<1000x128xf32, #tpu.memory_space<vmem>>, vector<1000x128xf32>,
    %get3A_359 = arith.constant 0 : index
    %get3A_360 = arith.constant 128 : index
    %get3A_361 = vector.load %arg1[%get3A_359, %get3A_360] : memref<1000x256xf32, #tpu.memory_space<vmem>>, vector<1000x16xf32>
    %convert_element_type3A_362 = arith.truncf %get3A_361 : vector<1000x16xf32> to vector<1000x16xbf16>
    %get3A_363 = arith.constant 0 : index
    %get3A_364 = arith.constant 0 : index
    %get3A_365 = vector.load %arg7[%get3A_363, %get3A_364] : memref<16x128xbf16, #tpu.memory_space<vmem>>, vector<16x128xbf16>
    %dot_general3A_366 = arith.constant dense<0.000000e+00> : vector<1000x128xf32>
    %dot_general3A_367 = tpu.matmul %convert_element_type3A_362, %get3A_365, %dot_general3A_366 {dimension_numbers = #tpu.dot_dimension_numbers<[1], [0], [0], [1], [0, 0, 1, 1], [], []>, transpose_lhs_hint = false} : vector<1000x16xbf16>, vector<16x128xbf16>, vector<1000x128xf32> -> vector<1000x128xf32>
    %get3A_368 = arith.constant 0 : index
    %get3A_369 = arith.constant 256 : index
    %get3A_370 = vector.load %arg2[%get3A_368, %get3A_369] : memref<1000x512xbf16, #tpu.memory_space<vmem>>, vector<1000x32xbf16>
    %get3A_371 = arith.constant 0 : index
    %get3A_372 = arith.constant 0 : index
    %get3A_373 = vector.load %arg8[%get3A_371, %get3A_372] : memref<32x384xbf16, #tpu.memory_space<vmem>>, vector<32x384xbf16>
    %dot_general3A_374 = arith.constant dense<0.000000e+00> : vector<1000x384xf32>
    %dot_general3A_375 = tpu.matmul %get3A_370, %get3A_373, %dot_general3A_374 {dimension_numbers = #tpu.dot_dimension_numbers<[1], [0], [0], [1], [0, 0, 1, 1], [], []>, transpose_lhs_hint = false} : vector<1000x32xbf16>, vector<32x384xbf16>, vector<1000x384xf32> -> vector<1000x384xf32>
    %get3A_376 = arith.constant 0 : index
    %get3A_377 = arith.constant 0 : index
    %get3A_378 = vector.load %arg10[%get3A_376, %get3A_377] : memref<1000x128xf32, #tpu.memory_space<vmem>>, vector<1000x128xf32>
    %slice3A_379 = vector.extract_strided_slice %dot_general3A_375 {offsets = [0, 0], sizes = [1000, 128], strides = [1, 1]} : vector<1000x384xf32> to vector<1000x128xf32>
    %mul3A_380 = arith.mulf %dot_general3A_367, %slice3A_379 : vector<1000x128xf32>
    %add3A_381 = arith.addf %get3A_378, %mul3A_380 : vector<1000x128xf32>
    %swap3A_382 = arith.constant 0 : index
    %swap3A_383 = arith.constant 0 : index
    %swap3A_384 = vector.load %arg10[%swap3A_382, %swap3A_383] : memref<1000x128xf32, #tpu.memory_space<vmem>>, vector<1000x128xf32>
    tpu.vector_store %arg10[%swap3A_382, %swap3A_383], %add3A_381 {strides = array<i32>} : memref<1000x128xf32, #tpu.memory_space<vmem>>, vector<1000x128xf32>,
    %get3A_385 = arith.constant 0 : index
    %get3A_386 = arith.constant 0 : index
    %get3A_387 = vector.load %arg11[%get3A_385, %get3A_386] : memref<1000x128xf32, #tpu.memory_space<vmem>>, vector<1000x128xf32>
    %slice3A_388 = vector.extract_strided_slice %dot_general3A_375 {offsets = [0, 128], sizes = [1000, 128], strides = [1, 1]} : vector<1000x384xf32> to vector<1000x128xf32>
    %mul3A_389 = arith.mulf %dot_general3A_367, %slice3A_388 : vector<1000x128xf32>
    %add3A_390 = arith.addf %get3A_387, %mul3A_389 : vector<1000x128xf32>
    %swap3A_391 = arith.constant 0 : index
    %swap3A_392 = arith.constant 0 : index
    %swap3A_393 = vector.load %arg11[%swap3A_391, %swap3A_392] : memref<1000x128xf32, #tpu.memory_space<vmem>>, vector<1000x128xf32>
    tpu.vector_store %arg11[%swap3A_391, %swap3A_392], %add3A_390 {strides = array<i32>} : memref<1000x128xf32, #tpu.memory_space<vmem>>, vector<1000x128xf32>,
    %get3A_394 = arith.constant 0 : index
    %get3A_395 = arith.constant 0 : index
    %get3A_396 = vector.load %arg12[%get3A_394, %get3A_395] : memref<1000x128xf32, #tpu.memory_space<vmem>>, vector<1000x128xf32>
    %slice3A_397 = vector.extract_strided_slice %dot_general3A_375 {offsets = [0, 256], sizes = [1000, 128], strides = [1, 1]} : vector<1000x384xf32> to vector<1000x128xf32>
    %mul3A_398 = arith.mulf %dot_general3A_367, %slice3A_397 : vector<1000x128xf32>
    %add3A_399 = arith.addf %get3A_396, %mul3A_398 : vector<1000x128xf32>
    %swap3A_400 = arith.constant 0 : index
    %swap3A_401 = arith.constant 0 : index
    %swap3A_402 = vector.load %arg12[%swap3A_400, %swap3A_401] : memref<1000x128xf32, #tpu.memory_space<vmem>>, vector<1000x128xf32>
    tpu.vector_store %arg12[%swap3A_400, %swap3A_401], %add3A_399 {strides = array<i32>} : memref<1000x128xf32, #tpu.memory_space<vmem>>, vector<1000x128xf32>,
    %get3A_403 = arith.constant 0 : index
    %get3A_404 = arith.constant 144 : index
    %get3A_405 = vector.load %arg1[%get3A_403, %get3A_404] : memref<1000x256xf32, #tpu.memory_space<vmem>>, vector<1000x16xf32>
    %convert_element_type3A_406 = arith.truncf %get3A_405 : vector<1000x16xf32> to vector<1000x16xbf16>
    %get3A_407 = arith.constant 0 : index
    %get3A_408 = arith.constant 0 : index
    %get3A_409 = vector.load %arg7[%get3A_407, %get3A_408] : memref<16x128xbf16, #tpu.memory_space<vmem>>, vector<16x128xbf16>
    %dot_general3A_410 = arith.constant dense<0.000000e+00> : vector<1000x128xf32>
    %dot_general3A_411 = tpu.matmul %convert_element_type3A_406, %get3A_409, %dot_general3A_410 {dimension_numbers = #tpu.dot_dimension_numbers<[1], [0], [0], [1], [0, 0, 1, 1], [], []>, transpose_lhs_hint = false} : vector<1000x16xbf16>, vector<16x128xbf16>, vector<1000x128xf32> -> vector<1000x128xf32>
    %get3A_412 = arith.constant 0 : index
    %get3A_413 = arith.constant 288 : index
    %get3A_414 = vector.load %arg2[%get3A_412, %get3A_413] : memref<1000x512xbf16, #tpu.memory_space<vmem>>, vector<1000x32xbf16>
    %get3A_415 = arith.constant 0 : index
    %get3A_416 = arith.constant 0 : index
    %get3A_417 = vector.load %arg8[%get3A_415, %get3A_416] : memref<32x384xbf16, #tpu.memory_space<vmem>>, vector<32x384xbf16>
    %dot_general3A_418 = arith.constant dense<0.000000e+00> : vector<1000x384xf32>
    %dot_general3A_419 = tpu.matmul %get3A_414, %get3A_417, %dot_general3A_418 {dimension_numbers = #tpu.dot_dimension_numbers<[1], [0], [0], [1], [0, 0, 1, 1], [], []>, transpose_lhs_hint = false} : vector<1000x32xbf16>, vector<32x384xbf16>, vector<1000x384xf32> -> vector<1000x384xf32>
    %get3A_420 = arith.constant 0 : index
    %get3A_421 = arith.constant 0 : index
    %get3A_422 = vector.load %arg10[%get3A_420, %get3A_421] : memref<1000x128xf32, #tpu.memory_space<vmem>>, vector<1000x128xf32>
    %slice3A_423 = vector.extract_strided_slice %dot_general3A_419 {offsets = [0, 0], sizes = [1000, 128], strides = [1, 1]} : vector<1000x384xf32> to vector<1000x128xf32>
    %mul3A_424 = arith.mulf %dot_general3A_411, %slice3A_423 : vector<1000x128xf32>
    %add3A_425 = arith.addf %get3A_422, %mul3A_424 : vector<1000x128xf32>
    %swap3A_426 = arith.constant 0 : index
    %swap3A_427 = arith.constant 0 : index
    %swap3A_428 = vector.load %arg10[%swap3A_426, %swap3A_427] : memref<1000x128xf32, #tpu.memory_space<vmem>>, vector<1000x128xf32>
    tpu.vector_store %arg10[%swap3A_426, %swap3A_427], %add3A_425 {strides = array<i32>} : memref<1000x128xf32, #tpu.memory_space<vmem>>, vector<1000x128xf32>,
    %get3A_429 = arith.constant 0 : index
    %get3A_430 = arith.constant 0 : index
    %get3A_431 = vector.load %arg11[%get3A_429, %get3A_430] : memref<1000x128xf32, #tpu.memory_space<vmem>>, vector<1000x128xf32>
    %slice3A_432 = vector.extract_strided_slice %dot_general3A_419 {offsets = [0, 128], sizes = [1000, 128], strides = [1, 1]} : vector<1000x384xf32> to vector<1000x128xf32>
    %mul3A_433 = arith.mulf %dot_general3A_411, %slice3A_432 : vector<1000x128xf32>
    %add3A_434 = arith.addf %get3A_431, %mul3A_433 : vector<1000x128xf32>
    %swap3A_435 = arith.constant 0 : index
    %swap3A_436 = arith.constant 0 : index
    %swap3A_437 = vector.load %arg11[%swap3A_435, %swap3A_436] : memref<1000x128xf32, #tpu.memory_space<vmem>>, vector<1000x128xf32>
    tpu.vector_store %arg11[%swap3A_435, %swap3A_436], %add3A_434 {strides = array<i32>} : memref<1000x128xf32, #tpu.memory_space<vmem>>, vector<1000x128xf32>,
    %get3A_438 = arith.constant 0 : index
    %get3A_439 = arith.constant 0 : index
    %get3A_440 = vector.load %arg12[%get3A_438, %get3A_439] : memref<1000x128xf32, #tpu.memory_space<vmem>>, vector<1000x128xf32>
    %slice3A_441 = vector.extract_strided_slice %dot_general3A_419 {offsets = [0, 256], sizes = [1000, 128], strides = [1, 1]} : vector<1000x384xf32> to vector<1000x128xf32>
    %mul3A_442 = arith.mulf %dot_general3A_411, %slice3A_441 : vector<1000x128xf32>
    %add3A_443 = arith.addf %get3A_440, %mul3A_442 : vector<1000x128xf32>
    %swap3A_444 = arith.constant 0 : index
    %swap3A_445 = arith.constant 0 : index
    %swap3A_446 = vector.load %arg12[%swap3A_444, %swap3A_445] : memref<1000x128xf32, #tpu.memory_space<vmem>>, vector<1000x128xf32>
    tpu.vector_store %arg12[%swap3A_444, %swap3A_445], %add3A_443 {strides = array<i32>} : memref<1000x128xf32, #tpu.memory_space<vmem>>, vector<1000x128xf32>,
    %get3A_447 = arith.constant 0 : index
    %get3A_448 = arith.constant 160 : index
    %get3A_449 = vector.load %arg1[%get3A_447, %get3A_448] : memref<1000x256xf32, #tpu.memory_space<vmem>>, vector<1000x16xf32>
    %convert_element_type3A_450 = arith.truncf %get3A_449 : vector<1000x16xf32> to vector<1000x16xbf16>
    %get3A_451 = arith.constant 0 : index
    %get3A_452 = arith.constant 0 : index
    %get3A_453 = vector.load %arg7[%get3A_451, %get3A_452] : memref<16x128xbf16, #tpu.memory_space<vmem>>, vector<16x128xbf16>
    %dot_general3A_454 = arith.constant dense<0.000000e+00> : vector<1000x128xf32>
    %dot_general3A_455 = tpu.matmul %convert_element_type3A_450, %get3A_453, %dot_general3A_454 {dimension_numbers = #tpu.dot_dimension_numbers<[1], [0], [0], [1], [0, 0, 1, 1], [], []>, transpose_lhs_hint = false} : vector<1000x16xbf16>, vector<16x128xbf16>, vector<1000x128xf32> -> vector<1000x128xf32>
    %get3A_456 = arith.constant 0 : index
    %get3A_457 = arith.constant 320 : index
    %get3A_458 = vector.load %arg2[%get3A_456, %get3A_457] : memref<1000x512xbf16, #tpu.memory_space<vmem>>, vector<1000x32xbf16>
    %get3A_459 = arith.constant 0 : index
    %get3A_460 = arith.constant 0 : index
    %get3A_461 = vector.load %arg8[%get3A_459, %get3A_460] : memref<32x384xbf16, #tpu.memory_space<vmem>>, vector<32x384xbf16>
    %dot_general3A_462 = arith.constant dense<0.000000e+00> : vector<1000x384xf32>
    %dot_general3A_463 = tpu.matmul %get3A_458, %get3A_461, %dot_general3A_462 {dimension_numbers = #tpu.dot_dimension_numbers<[1], [0], [0], [1], [0, 0, 1, 1], [], []>, transpose_lhs_hint = false} : vector<1000x32xbf16>, vector<32x384xbf16>, vector<1000x384xf32> -> vector<1000x384xf32>
    %get3A_464 = arith.constant 0 : index
    %get3A_465 = arith.constant 0 : index
    %get3A_466 = vector.load %arg10[%get3A_464, %get3A_465] : memref<1000x128xf32, #tpu.memory_space<vmem>>, vector<1000x128xf32>
    %slice3A_467 = vector.extract_strided_slice %dot_general3A_463 {offsets = [0, 0], sizes = [1000, 128], strides = [1, 1]} : vector<1000x384xf32> to vector<1000x128xf32>
    %mul3A_468 = arith.mulf %dot_general3A_455, %slice3A_467 : vector<1000x128xf32>
    %add3A_469 = arith.addf %get3A_466, %mul3A_468 : vector<1000x128xf32>
    %swap3A_470 = arith.constant 0 : index
    %swap3A_471 = arith.constant 0 : index
    %swap3A_472 = vector.load %arg10[%swap3A_470, %swap3A_471] : memref<1000x128xf32, #tpu.memory_space<vmem>>, vector<1000x128xf32>
    tpu.vector_store %arg10[%swap3A_470, %swap3A_471], %add3A_469 {strides = array<i32>} : memref<1000x128xf32, #tpu.memory_space<vmem>>, vector<1000x128xf32>,
    %get3A_473 = arith.constant 0 : index
    %get3A_474 = arith.constant 0 : index
    %get3A_475 = vector.load %arg11[%get3A_473, %get3A_474] : memref<1000x128xf32, #tpu.memory_space<vmem>>, vector<1000x128xf32>
    %slice3A_476 = vector.extract_strided_slice %dot_general3A_463 {offsets = [0, 128], sizes = [1000, 128], strides = [1, 1]} : vector<1000x384xf32> to vector<1000x128xf32>
    %mul3A_477 = arith.mulf %dot_general3A_455, %slice3A_476 : vector<1000x128xf32>
    %add3A_478 = arith.addf %get3A_475, %mul3A_477 : vector<1000x128xf32>
    %swap3A_479 = arith.constant 0 : index
    %swap3A_480 = arith.constant 0 : index
    %swap3A_481 = vector.load %arg11[%swap3A_479, %swap3A_480] : memref<1000x128xf32, #tpu.memory_space<vmem>>, vector<1000x128xf32>
    tpu.vector_store %arg11[%swap3A_479, %swap3A_480], %add3A_478 {strides = array<i32>} : memref<1000x128xf32, #tpu.memory_space<vmem>>, vector<1000x128xf32>,
    %get3A_482 = arith.constant 0 : index
    %get3A_483 = arith.constant 0 : index
    %get3A_484 = vector.load %arg12[%get3A_482, %get3A_483] : memref<1000x128xf32, #tpu.memory_space<vmem>>, vector<1000x128xf32>
    %slice3A_485 = vector.extract_strided_slice %dot_general3A_463 {offsets = [0, 256], sizes = [1000, 128], strides = [1, 1]} : vector<1000x384xf32> to vector<1000x128xf32>
    %mul3A_486 = arith.mulf %dot_general3A_455, %slice3A_485 : vector<1000x128xf32>
    %add3A_487 = arith.addf %get3A_484, %mul3A_486 : vector<1000x128xf32>
    %swap3A_488 = arith.constant 0 : index
    %swap3A_489 = arith.constant 0 : index
    %swap3A_490 = vector.load %arg12[%swap3A_488, %swap3A_489] : memref<1000x128xf32, #tpu.memory_space<vmem>>, vector<1000x128xf32>
    tpu.vector_store %arg12[%swap3A_488, %swap3A_489], %add3A_487 {strides = array<i32>} : memref<1000x128xf32, #tpu.memory_space<vmem>>, vector<1000x128xf32>,
    %get3A_491 = arith.constant 0 : index
    %get3A_492 = arith.constant 176 : index
    %get3A_493 = vector.load %arg1[%get3A_491, %get3A_492] : memref<1000x256xf32, #tpu.memory_space<vmem>>, vector<1000x16xf32>
    %convert_element_type3A_494 = arith.truncf %get3A_493 : vector<1000x16xf32> to vector<1000x16xbf16>
    %get3A_495 = arith.constant 0 : index
    %get3A_496 = arith.constant 0 : index
    %get3A_497 = vector.load %arg7[%get3A_495, %get3A_496] : memref<16x128xbf16, #tpu.memory_space<vmem>>, vector<16x128xbf16>
    %dot_general3A_498 = arith.constant dense<0.000000e+00> : vector<1000x128xf32>
    %dot_general3A_499 = tpu.matmul %convert_element_type3A_494, %get3A_497, %dot_general3A_498 {dimension_numbers = #tpu.dot_dimension_numbers<[1], [0], [0], [1], [0, 0, 1, 1], [], []>, transpose_lhs_hint = false} : vector<1000x16xbf16>, vector<16x128xbf16>, vector<1000x128xf32> -> vector<1000x128xf32>
    %get3A_500 = arith.constant 0 : index
    %get3A_501 = arith.constant 352 : index
    %get3A_502 = vector.load %arg2[%get3A_500, %get3A_501] : memref<1000x512xbf16, #tpu.memory_space<vmem>>, vector<1000x32xbf16>
    %get3A_503 = arith.constant 0 : index
    %get3A_504 = arith.constant 0 : index
    %get3A_505 = vector.load %arg8[%get3A_503, %get3A_504] : memref<32x384xbf16, #tpu.memory_space<vmem>>, vector<32x384xbf16>
    %dot_general3A_506 = arith.constant dense<0.000000e+00> : vector<1000x384xf32>
    %dot_general3A_507 = tpu.matmul %get3A_502, %get3A_505, %dot_general3A_506 {dimension_numbers = #tpu.dot_dimension_numbers<[1], [0], [0], [1], [0, 0, 1, 1], [], []>, transpose_lhs_hint = false} : vector<1000x32xbf16>, vector<32x384xbf16>, vector<1000x384xf32> -> vector<1000x384xf32>
    %get3A_508 = arith.constant 0 : index
    %get3A_509 = arith.constant 0 : index
    %get3A_510 = vector.load %arg10[%get3A_508, %get3A_509] : memref<1000x128xf32, #tpu.memory_space<vmem>>, vector<1000x128xf32>
    %slice3A_511 = vector.extract_strided_slice %dot_general3A_507 {offsets = [0, 0], sizes = [1000, 128], strides = [1, 1]} : vector<1000x384xf32> to vector<1000x128xf32>
    %mul3A_512 = arith.mulf %dot_general3A_499, %slice3A_511 : vector<1000x128xf32>
    %add3A_513 = arith.addf %get3A_510, %mul3A_512 : vector<1000x128xf32>
    %swap3A_514 = arith.constant 0 : index
    %swap3A_515 = arith.constant 0 : index
    %swap3A_516 = vector.load %arg10[%swap3A_514, %swap3A_515] : memref<1000x128xf32, #tpu.memory_space<vmem>>, vector<1000x128xf32>
    tpu.vector_store %arg10[%swap3A_514, %swap3A_515], %add3A_513 {strides = array<i32>} : memref<1000x128xf32, #tpu.memory_space<vmem>>, vector<1000x128xf32>,
    %get3A_517 = arith.constant 0 : index
    %get3A_518 = arith.constant 0 : index
    %get3A_519 = vector.load %arg11[%get3A_517, %get3A_518] : memref<1000x128xf32, #tpu.memory_space<vmem>>, vector<1000x128xf32>
    %slice3A_520 = vector.extract_strided_slice %dot_general3A_507 {offsets = [0, 128], sizes = [1000, 128], strides = [1, 1]} : vector<1000x384xf32> to vector<1000x128xf32>
    %mul3A_521 = arith.mulf %dot_general3A_499, %slice3A_520 : vector<1000x128xf32>
    %add3A_522 = arith.addf %get3A_519, %mul3A_521 : vector<1000x128xf32>
    %swap3A_523 = arith.constant 0 : index
    %swap3A_524 = arith.constant 0 : index
    %swap3A_525 = vector.load %arg11[%swap3A_523, %swap3A_524] : memref<1000x128xf32, #tpu.memory_space<vmem>>, vector<1000x128xf32>
    tpu.vector_store %arg11[%swap3A_523, %swap3A_524], %add3A_522 {strides = array<i32>} : memref<1000x128xf32, #tpu.memory_space<vmem>>, vector<1000x128xf32>,
    %get3A_526 = arith.constant 0 : index
    %get3A_527 = arith.constant 0 : index
    %get3A_528 = vector.load %arg12[%get3A_526, %get3A_527] : memref<1000x128xf32, #tpu.memory_space<vmem>>, vector<1000x128xf32>
    %slice3A_529 = vector.extract_strided_slice %dot_general3A_507 {offsets = [0, 256], sizes = [1000, 128], strides = [1, 1]} : vector<1000x384xf32> to vector<1000x128xf32>
    %mul3A_530 = arith.mulf %dot_general3A_499, %slice3A_529 : vector<1000x128xf32>
    %add3A_531 = arith.addf %get3A_528, %mul3A_530 : vector<1000x128xf32>
    %swap3A_532 = arith.constant 0 : index
    %swap3A_533 = arith.constant 0 : index
    %swap3A_534 = vector.load %arg12[%swap3A_532, %swap3A_533] : memref<1000x128xf32, #tpu.memory_space<vmem>>, vector<1000x128xf32>
    tpu.vector_store %arg12[%swap3A_532, %swap3A_533], %add3A_531 {strides = array<i32>} : memref<1000x128xf32, #tpu.memory_space<vmem>>, vector<1000x128xf32>,
    %get3A_535 = arith.constant 0 : index
    %get3A_536 = arith.constant 192 : index
    %get3A_537 = vector.load %arg1[%get3A_535, %get3A_536] : memref<1000x256xf32, #tpu.memory_space<vmem>>, vector<1000x16xf32>
    %convert_element_type3A_538 = arith.truncf %get3A_537 : vector<1000x16xf32> to vector<1000x16xbf16>
    %get3A_539 = arith.constant 0 : index
    %get3A_540 = arith.constant 0 : index
    %get3A_541 = vector.load %arg7[%get3A_539, %get3A_540] : memref<16x128xbf16, #tpu.memory_space<vmem>>, vector<16x128xbf16>
    %dot_general3A_542 = arith.constant dense<0.000000e+00> : vector<1000x128xf32>
    %dot_general3A_543 = tpu.matmul %convert_element_type3A_538, %get3A_541, %dot_general3A_542 {dimension_numbers = #tpu.dot_dimension_numbers<[1], [0], [0], [1], [0, 0, 1, 1], [], []>, transpose_lhs_hint = false} : vector<1000x16xbf16>, vector<16x128xbf16>, vector<1000x128xf32> -> vector<1000x128xf32>
    %get3A_544 = arith.constant 0 : index
    %get3A_545 = arith.constant 384 : index
    %get3A_546 = vector.load %arg2[%get3A_544, %get3A_545] : memref<1000x512xbf16, #tpu.memory_space<vmem>>, vector<1000x32xbf16>
    %get3A_547 = arith.constant 0 : index
    %get3A_548 = arith.constant 0 : index
    %get3A_549 = vector.load %arg8[%get3A_547, %get3A_548] : memref<32x384xbf16, #tpu.memory_space<vmem>>, vector<32x384xbf16>
    %dot_general3A_550 = arith.constant dense<0.000000e+00> : vector<1000x384xf32>
    %dot_general3A_551 = tpu.matmul %get3A_546, %get3A_549, %dot_general3A_550 {dimension_numbers = #tpu.dot_dimension_numbers<[1], [0], [0], [1], [0, 0, 1, 1], [], []>, transpose_lhs_hint = false} : vector<1000x32xbf16>, vector<32x384xbf16>, vector<1000x384xf32> -> vector<1000x384xf32>
    %get3A_552 = arith.constant 0 : index
    %get3A_553 = arith.constant 0 : index
    %get3A_554 = vector.load %arg10[%get3A_552, %get3A_553] : memref<1000x128xf32, #tpu.memory_space<vmem>>, vector<1000x128xf32>
    %slice3A_555 = vector.extract_strided_slice %dot_general3A_551 {offsets = [0, 0], sizes = [1000, 128], strides = [1, 1]} : vector<1000x384xf32> to vector<1000x128xf32>
    %mul3A_556 = arith.mulf %dot_general3A_543, %slice3A_555 : vector<1000x128xf32>
    %add3A_557 = arith.addf %get3A_554, %mul3A_556 : vector<1000x128xf32>
    %swap3A_558 = arith.constant 0 : index
    %swap3A_559 = arith.constant 0 : index
    %swap3A_560 = vector.load %arg10[%swap3A_558, %swap3A_559] : memref<1000x128xf32, #tpu.memory_space<vmem>>, vector<1000x128xf32>
    tpu.vector_store %arg10[%swap3A_558, %swap3A_559], %add3A_557 {strides = array<i32>} : memref<1000x128xf32, #tpu.memory_space<vmem>>, vector<1000x128xf32>,
    %get3A_561 = arith.constant 0 : index
    %get3A_562 = arith.constant 0 : index
    %get3A_563 = vector.load %arg11[%get3A_561, %get3A_562] : memref<1000x128xf32, #tpu.memory_space<vmem>>, vector<1000x128xf32>
    %slice3A_564 = vector.extract_strided_slice %dot_general3A_551 {offsets = [0, 128], sizes = [1000, 128], strides = [1, 1]} : vector<1000x384xf32> to vector<1000x128xf32>
    %mul3A_565 = arith.mulf %dot_general3A_543, %slice3A_564 : vector<1000x128xf32>
    %add3A_566 = arith.addf %get3A_563, %mul3A_565 : vector<1000x128xf32>
    %swap3A_567 = arith.constant 0 : index
    %swap3A_568 = arith.constant 0 : index
    %swap3A_569 = vector.load %arg11[%swap3A_567, %swap3A_568] : memref<1000x128xf32, #tpu.memory_space<vmem>>, vector<1000x128xf32>
    tpu.vector_store %arg11[%swap3A_567, %swap3A_568], %add3A_566 {strides = array<i32>} : memref<1000x128xf32, #tpu.memory_space<vmem>>, vector<1000x128xf32>,
    %get3A_570 = arith.constant 0 : index
    %get3A_571 = arith.constant 0 : index
    %get3A_572 = vector.load %arg12[%get3A_570, %get3A_571] : memref<1000x128xf32, #tpu.memory_space<vmem>>, vector<1000x128xf32>
    %slice3A_573 = vector.extract_strided_slice %dot_general3A_551 {offsets = [0, 256], sizes = [1000, 128], strides = [1, 1]} : vector<1000x384xf32> to vector<1000x128xf32>
    %mul3A_574 = arith.mulf %dot_general3A_543, %slice3A_573 : vector<1000x128xf32>
    %add3A_575 = arith.addf %get3A_572, %mul3A_574 : vector<1000x128xf32>
    %swap3A_576 = arith.constant 0 : index
    %swap3A_577 = arith.constant 0 : index
    %swap3A_578 = vector.load %arg12[%swap3A_576, %swap3A_577] : memref<1000x128xf32, #tpu.memory_space<vmem>>, vector<1000x128xf32>
    tpu.vector_store %arg12[%swap3A_576, %swap3A_577], %add3A_575 {strides = array<i32>} : memref<1000x128xf32, #tpu.memory_space<vmem>>, vector<1000x128xf32>,
    %get3A_579 = arith.constant 0 : index
    %get3A_580 = arith.constant 208 : index
    %get3A_581 = vector.load %arg1[%get3A_579, %get3A_580] : memref<1000x256xf32, #tpu.memory_space<vmem>>, vector<1000x16xf32>
    %convert_element_type3A_582 = arith.truncf %get3A_581 : vector<1000x16xf32> to vector<1000x16xbf16>
    %get3A_583 = arith.constant 0 : index
    %get3A_584 = arith.constant 0 : index
    %get3A_585 = vector.load %arg7[%get3A_583, %get3A_584] : memref<16x128xbf16, #tpu.memory_space<vmem>>, vector<16x128xbf16>
    %dot_general3A_586 = arith.constant dense<0.000000e+00> : vector<1000x128xf32>
    %dot_general3A_587 = tpu.matmul %convert_element_type3A_582, %get3A_585, %dot_general3A_586 {dimension_numbers = #tpu.dot_dimension_numbers<[1], [0], [0], [1], [0, 0, 1, 1], [], []>, transpose_lhs_hint = false} : vector<1000x16xbf16>, vector<16x128xbf16>, vector<1000x128xf32> -> vector<1000x128xf32>
    %get3A_588 = arith.constant 0 : index
    %get3A_589 = arith.constant 416 : index
    %get3A_590 = vector.load %arg2[%get3A_588, %get3A_589] : memref<1000x512xbf16, #tpu.memory_space<vmem>>, vector<1000x32xbf16>
    %get3A_591 = arith.constant 0 : index
    %get3A_592 = arith.constant 0 : index
    %get3A_593 = vector.load %arg8[%get3A_591, %get3A_592] : memref<32x384xbf16, #tpu.memory_space<vmem>>, vector<32x384xbf16>
    %dot_general3A_594 = arith.constant dense<0.000000e+00> : vector<1000x384xf32>
    %dot_general3A_595 = tpu.matmul %get3A_590, %get3A_593, %dot_general3A_594 {dimension_numbers = #tpu.dot_dimension_numbers<[1], [0], [0], [1], [0, 0, 1, 1], [], []>, transpose_lhs_hint = false} : vector<1000x32xbf16>, vector<32x384xbf16>, vector<1000x384xf32> -> vector<1000x384xf32>
    %get3A_596 = arith.constant 0 : index
    %get3A_597 = arith.constant 0 : index
    %get3A_598 = vector.load %arg10[%get3A_596, %get3A_597] : memref<1000x128xf32, #tpu.memory_space<vmem>>, vector<1000x128xf32>
    %slice3A_599 = vector.extract_strided_slice %dot_general3A_595 {offsets = [0, 0], sizes = [1000, 128], strides = [1, 1]} : vector<1000x384xf32> to vector<1000x128xf32>
    %mul3A_600 = arith.mulf %dot_general3A_587, %slice3A_599 : vector<1000x128xf32>
    %add3A_601 = arith.addf %get3A_598, %mul3A_600 : vector<1000x128xf32>
    %swap3A_602 = arith.constant 0 : index
    %swap3A_603 = arith.constant 0 : index
    %swap3A_604 = vector.load %arg10[%swap3A_602, %swap3A_603] : memref<1000x128xf32, #tpu.memory_space<vmem>>, vector<1000x128xf32>
    tpu.vector_store %arg10[%swap3A_602, %swap3A_603], %add3A_601 {strides = array<i32>} : memref<1000x128xf32, #tpu.memory_space<vmem>>, vector<1000x128xf32>,
    %get3A_605 = arith.constant 0 : index
    %get3A_606 = arith.constant 0 : index
    %get3A_607 = vector.load %arg11[%get3A_605, %get3A_606] : memref<1000x128xf32, #tpu.memory_space<vmem>>, vector<1000x128xf32>
    %slice3A_608 = vector.extract_strided_slice %dot_general3A_595 {offsets = [0, 128], sizes = [1000, 128], strides = [1, 1]} : vector<1000x384xf32> to vector<1000x128xf32>
    %mul3A_609 = arith.mulf %dot_general3A_587, %slice3A_608 : vector<1000x128xf32>
    %add3A_610 = arith.addf %get3A_607, %mul3A_609 : vector<1000x128xf32>
    %swap3A_611 = arith.constant 0 : index
    %swap3A_612 = arith.constant 0 : index
    %swap3A_613 = vector.load %arg11[%swap3A_611, %swap3A_612] : memref<1000x128xf32, #tpu.memory_space<vmem>>, vector<1000x128xf32>
    tpu.vector_store %arg11[%swap3A_611, %swap3A_612], %add3A_610 {strides = array<i32>} : memref<1000x128xf32, #tpu.memory_space<vmem>>, vector<1000x128xf32>,
    %get3A_614 = arith.constant 0 : index
    %get3A_615 = arith.constant 0 : index
    %get3A_616 = vector.load %arg12[%get3A_614, %get3A_615] : memref<1000x128xf32, #tpu.memory_space<vmem>>, vector<1000x128xf32>
    %slice3A_617 = vector.extract_strided_slice %dot_general3A_595 {offsets = [0, 256], sizes = [1000, 128], strides = [1, 1]} : vector<1000x384xf32> to vector<1000x128xf32>
    %mul3A_618 = arith.mulf %dot_general3A_587, %slice3A_617 : vector<1000x128xf32>
    %add3A_619 = arith.addf %get3A_616, %mul3A_618 : vector<1000x128xf32>
    %swap3A_620 = arith.constant 0 : index
    %swap3A_621 = arith.constant 0 : index
    %swap3A_622 = vector.load %arg12[%swap3A_620, %swap3A_621] : memref<1000x128xf32, #tpu.memory_space<vmem>>, vector<1000x128xf32>
    tpu.vector_store %arg12[%swap3A_620, %swap3A_621], %add3A_619 {strides = array<i32>} : memref<1000x128xf32, #tpu.memory_space<vmem>>, vector<1000x128xf32>,
    %get3A_623 = arith.constant 0 : index
    %get3A_624 = arith.constant 224 : index
    %get3A_625 = vector.load %arg1[%get3A_623, %get3A_624] : memref<1000x256xf32, #tpu.memory_space<vmem>>, vector<1000x16xf32>
    %convert_element_type3A_626 = arith.truncf %get3A_625 : vector<1000x16xf32> to vector<1000x16xbf16>
    %get3A_627 = arith.constant 0 : index
    %get3A_628 = arith.constant 0 : index
    %get3A_629 = vector.load %arg7[%get3A_627, %get3A_628] : memref<16x128xbf16, #tpu.memory_space<vmem>>, vector<16x128xbf16>
    %dot_general3A_630 = arith.constant dense<0.000000e+00> : vector<1000x128xf32>
    %dot_general3A_631 = tpu.matmul %convert_element_type3A_626, %get3A_629, %dot_general3A_630 {dimension_numbers = #tpu.dot_dimension_numbers<[1], [0], [0], [1], [0, 0, 1, 1], [], []>, transpose_lhs_hint = false} : vector<1000x16xbf16>, vector<16x128xbf16>, vector<1000x128xf32> -> vector<1000x128xf32>
    %get3A_632 = arith.constant 0 : index
    %get3A_633 = arith.constant 448 : index
    %get3A_634 = vector.load %arg2[%get3A_632, %get3A_633] : memref<1000x512xbf16, #tpu.memory_space<vmem>>, vector<1000x32xbf16>
    %get3A_635 = arith.constant 0 : index
    %get3A_636 = arith.constant 0 : index
    %get3A_637 = vector.load %arg8[%get3A_635, %get3A_636] : memref<32x384xbf16, #tpu.memory_space<vmem>>, vector<32x384xbf16>
    %dot_general3A_638 = arith.constant dense<0.000000e+00> : vector<1000x384xf32>
    %dot_general3A_639 = tpu.matmul %get3A_634, %get3A_637, %dot_general3A_638 {dimension_numbers = #tpu.dot_dimension_numbers<[1], [0], [0], [1], [0, 0, 1, 1], [], []>, transpose_lhs_hint = false} : vector<1000x32xbf16>, vector<32x384xbf16>, vector<1000x384xf32> -> vector<1000x384xf32>
    %get3A_640 = arith.constant 0 : index
    %get3A_641 = arith.constant 0 : index
    %get3A_642 = vector.load %arg10[%get3A_640, %get3A_641] : memref<1000x128xf32, #tpu.memory_space<vmem>>, vector<1000x128xf32>
    %slice3A_643 = vector.extract_strided_slice %dot_general3A_639 {offsets = [0, 0], sizes = [1000, 128], strides = [1, 1]} : vector<1000x384xf32> to vector<1000x128xf32>
    %mul3A_644 = arith.mulf %dot_general3A_631, %slice3A_643 : vector<1000x128xf32>
    %add3A_645 = arith.addf %get3A_642, %mul3A_644 : vector<1000x128xf32>
    %swap3A_646 = arith.constant 0 : index
    %swap3A_647 = arith.constant 0 : index
    %swap3A_648 = vector.load %arg10[%swap3A_646, %swap3A_647] : memref<1000x128xf32, #tpu.memory_space<vmem>>, vector<1000x128xf32>
    tpu.vector_store %arg10[%swap3A_646, %swap3A_647], %add3A_645 {strides = array<i32>} : memref<1000x128xf32, #tpu.memory_space<vmem>>, vector<1000x128xf32>,
    %get3A_649 = arith.constant 0 : index
    %get3A_650 = arith.constant 0 : index
    %get3A_651 = vector.load %arg11[%get3A_649, %get3A_650] : memref<1000x128xf32, #tpu.memory_space<vmem>>, vector<1000x128xf32>
    %slice3A_652 = vector.extract_strided_slice %dot_general3A_639 {offsets = [0, 128], sizes = [1000, 128], strides = [1, 1]} : vector<1000x384xf32> to vector<1000x128xf32>
    %mul3A_653 = arith.mulf %dot_general3A_631, %slice3A_652 : vector<1000x128xf32>
    %add3A_654 = arith.addf %get3A_651, %mul3A_653 : vector<1000x128xf32>
    %swap3A_655 = arith.constant 0 : index
    %swap3A_656 = arith.constant 0 : index
    %swap3A_657 = vector.load %arg11[%swap3A_655, %swap3A_656] : memref<1000x128xf32, #tpu.memory_space<vmem>>, vector<1000x128xf32>
    tpu.vector_store %arg11[%swap3A_655, %swap3A_656], %add3A_654 {strides = array<i32>} : memref<1000x128xf32, #tpu.memory_space<vmem>>, vector<1000x128xf32>,
    %get3A_658 = arith.constant 0 : index
    %get3A_659 = arith.constant 0 : index
    %get3A_660 = vector.load %arg12[%get3A_658, %get3A_659] : memref<1000x128xf32, #tpu.memory_space<vmem>>, vector<1000x128xf32>
    %slice3A_661 = vector.extract_strided_slice %dot_general3A_639 {offsets = [0, 256], sizes = [1000, 128], strides = [1, 1]} : vector<1000x384xf32> to vector<1000x128xf32>
    %mul3A_662 = arith.mulf %dot_general3A_631, %slice3A_661 : vector<1000x128xf32>
    %add3A_663 = arith.addf %get3A_660, %mul3A_662 : vector<1000x128xf32>
    %swap3A_664 = arith.constant 0 : index
    %swap3A_665 = arith.constant 0 : index
    %swap3A_666 = vector.load %arg12[%swap3A_664, %swap3A_665] : memref<1000x128xf32, #tpu.memory_space<vmem>>, vector<1000x128xf32>
    tpu.vector_store %arg12[%swap3A_664, %swap3A_665], %add3A_663 {strides = array<i32>} : memref<1000x128xf32, #tpu.memory_space<vmem>>, vector<1000x128xf32>,
    %get3A_667 = arith.constant 0 : index
    %get3A_668 = arith.constant 240 : index
    %get3A_669 = vector.load %arg1[%get3A_667, %get3A_668] : memref<1000x256xf32, #tpu.memory_space<vmem>>, vector<1000x16xf32>
    %convert_element_type3A_670 = arith.truncf %get3A_669 : vector<1000x16xf32> to vector<1000x16xbf16>
    %get3A_671 = arith.constant 0 : index
    %get3A_672 = arith.constant 0 : index
    %get3A_673 = vector.load %arg7[%get3A_671, %get3A_672] : memref<16x128xbf16, #tpu.memory_space<vmem>>, vector<16x128xbf16>
    %dot_general3A_674 = arith.constant dense<0.000000e+00> : vector<1000x128xf32>
    %dot_general3A_675 = tpu.matmul %convert_element_type3A_670, %get3A_673, %dot_general3A_674 {dimension_numbers = #tpu.dot_dimension_numbers<[1], [0], [0], [1], [0, 0, 1, 1], [], []>, transpose_lhs_hint = false} : vector<1000x16xbf16>, vector<16x128xbf16>, vector<1000x128xf32> -> vector<1000x128xf32>
    %get3A_676 = arith.constant 0 : index
    %get3A_677 = arith.constant 480 : index
    %get3A_678 = vector.load %arg2[%get3A_676, %get3A_677] : memref<1000x512xbf16, #tpu.memory_space<vmem>>, vector<1000x32xbf16>
    %get3A_679 = arith.constant 0 : index
    %get3A_680 = arith.constant 0 : index
    %get3A_681 = vector.load %arg8[%get3A_679, %get3A_680] : memref<32x384xbf16, #tpu.memory_space<vmem>>, vector<32x384xbf16>
    %dot_general3A_682 = arith.constant dense<0.000000e+00> : vector<1000x384xf32>
    %dot_general3A_683 = tpu.matmul %get3A_678, %get3A_681, %dot_general3A_682 {dimension_numbers = #tpu.dot_dimension_numbers<[1], [0], [0], [1], [0, 0, 1, 1], [], []>, transpose_lhs_hint = false} : vector<1000x32xbf16>, vector<32x384xbf16>, vector<1000x384xf32> -> vector<1000x384xf32>
    %get3A_684 = arith.constant 0 : index
    %get3A_685 = arith.constant 0 : index
    %get3A_686 = vector.load %arg10[%get3A_684, %get3A_685] : memref<1000x128xf32, #tpu.memory_space<vmem>>, vector<1000x128xf32>
    %slice3A_687 = vector.extract_strided_slice %dot_general3A_683 {offsets = [0, 0], sizes = [1000, 128], strides = [1, 1]} : vector<1000x384xf32> to vector<1000x128xf32>
    %mul3A_688 = arith.mulf %dot_general3A_675, %slice3A_687 : vector<1000x128xf32>
    %add3A_689 = arith.addf %get3A_686, %mul3A_688 : vector<1000x128xf32>
    %swap3A_690 = arith.constant 0 : index
    %swap3A_691 = arith.constant 0 : index
    %swap3A_692 = vector.load %arg10[%swap3A_690, %swap3A_691] : memref<1000x128xf32, #tpu.memory_space<vmem>>, vector<1000x128xf32>
    tpu.vector_store %arg10[%swap3A_690, %swap3A_691], %add3A_689 {strides = array<i32>} : memref<1000x128xf32, #tpu.memory_space<vmem>>, vector<1000x128xf32>,
    %get3A_693 = arith.constant 0 : index
    %get3A_694 = arith.constant 0 : index
    %get3A_695 = vector.load %arg11[%get3A_693, %get3A_694] : memref<1000x128xf32, #tpu.memory_space<vmem>>, vector<1000x128xf32>
    %slice3A_696 = vector.extract_strided_slice %dot_general3A_683 {offsets = [0, 128], sizes = [1000, 128], strides = [1, 1]} : vector<1000x384xf32> to vector<1000x128xf32>
    %mul3A_697 = arith.mulf %dot_general3A_675, %slice3A_696 : vector<1000x128xf32>
    %add3A_698 = arith.addf %get3A_695, %mul3A_697 : vector<1000x128xf32>
    %swap3A_699 = arith.constant 0 : index
    %swap3A_700 = arith.constant 0 : index
    %swap3A_701 = vector.load %arg11[%swap3A_699, %swap3A_700] : memref<1000x128xf32, #tpu.memory_space<vmem>>, vector<1000x128xf32>
    tpu.vector_store %arg11[%swap3A_699, %swap3A_700], %add3A_698 {strides = array<i32>} : memref<1000x128xf32, #tpu.memory_space<vmem>>, vector<1000x128xf32>,
    %get3A_702 = arith.constant 0 : index
    %get3A_703 = arith.constant 0 : index
    %get3A_704 = vector.load %arg12[%get3A_702, %get3A_703] : memref<1000x128xf32, #tpu.memory_space<vmem>>, vector<1000x128xf32>
    %slice3A_705 = vector.extract_strided_slice %dot_general3A_683 {offsets = [0, 256], sizes = [1000, 128], strides = [1, 1]} : vector<1000x384xf32> to vector<1000x128xf32>
    %mul3A_706 = arith.mulf %dot_general3A_675, %slice3A_705 : vector<1000x128xf32>
    %add3A_707 = arith.addf %get3A_704, %mul3A_706 : vector<1000x128xf32>
    %swap3A_708 = arith.constant 0 : index
    %swap3A_709 = arith.constant 0 : index
    %swap3A_710 = vector.load %arg12[%swap3A_708, %swap3A_709] : memref<1000x128xf32, #tpu.memory_space<vmem>>, vector<1000x128xf32>
    tpu.vector_store %arg12[%swap3A_708, %swap3A_709], %add3A_707 {strides = array<i32>} : memref<1000x128xf32, #tpu.memory_space<vmem>>, vector<1000x128xf32>,
    %get3A_711 = arith.constant 0 : index
    %get3A_712 = arith.constant 0 : index
    %get3A_713 = vector.load %arg10[%get3A_711, %get3A_712] : memref<1000x128xf32, #tpu.memory_space<vmem>>, vector<1000x128xf32>
    %convert_element_type3A_714 = arith.truncf %get3A_713 : vector<1000x128xf32> to vector<1000x128xbf16>
    %get3A_715 = arith.constant 0 : index
    %get3A_716 = arith.constant 0 : index
    %get3A_717 = arith.constant 0 : index
    %get3A_718 = vector.load %arg5[%get3A_715, %get3A_716, %get3A_717] : memref<3x128x128xbf16, #tpu.memory_space<vmem>>, vector<1x128x128xbf16>
    %get3A_719 = vector.shape_cast %get3A_718 : vector<1x128x128xbf16> to vector<128x128xbf16>
    %dot_general3A_720 = arith.constant dense<0.000000e+00> : vector<1000x128xf32>
    %dot_general3A_721 = tpu.matmul %convert_element_type3A_714, %get3A_719, %dot_general3A_720 {dimension_numbers = #tpu.dot_dimension_numbers<[1], [0], [0], [1], [0, 0, 1, 1], [], []>, transpose_lhs_hint = false} : vector<1000x128xbf16>, vector<128x128xbf16>, vector<1000x128xf32> -> vector<1000x128xf32>
    %get3A_722 = arith.constant 0 : index
    %get3A_723 = arith.constant 0 : index
    %get3A_724 = vector.load %arg11[%get3A_722, %get3A_723] : memref<1000x128xf32, #tpu.memory_space<vmem>>, vector<1000x128xf32>
    %convert_element_type3A_725 = arith.truncf %get3A_724 : vector<1000x128xf32> to vector<1000x128xbf16>
    %get3A_726 = arith.constant 1 : index
    %get3A_727 = arith.constant 0 : index
    %get3A_728 = arith.constant 0 : index
    %get3A_729 = vector.load %arg5[%get3A_726, %get3A_727, %get3A_728] : memref<3x128x128xbf16, #tpu.memory_space<vmem>>, vector<1x128x128xbf16>
    %get3A_730 = vector.shape_cast %get3A_729 : vector<1x128x128xbf16> to vector<128x128xbf16>
    %dot_general3A_731 = arith.constant dense<0.000000e+00> : vector<1000x128xf32>
    %dot_general3A_732 = tpu.matmul %convert_element_type3A_725, %get3A_730, %dot_general3A_731 {dimension_numbers = #tpu.dot_dimension_numbers<[1], [0], [0], [1], [0, 0, 1, 1], [], []>, transpose_lhs_hint = false} : vector<1000x128xbf16>, vector<128x128xbf16>, vector<1000x128xf32> -> vector<1000x128xf32>
    %add3A_733 = arith.addf %dot_general3A_721, %dot_general3A_732 : vector<1000x128xf32>
    %get3A_734 = arith.constant 0 : index
    %get3A_735 = arith.constant 0 : index
    %get3A_736 = vector.load %arg12[%get3A_734, %get3A_735] : memref<1000x128xf32, #tpu.memory_space<vmem>>, vector<1000x128xf32>
    %convert_element_type3A_737 = arith.truncf %get3A_736 : vector<1000x128xf32> to vector<1000x128xbf16>
    %get3A_738 = arith.constant 2 : index
    %get3A_739 = arith.constant 0 : index
    %get3A_740 = arith.constant 0 : index
    %get3A_741 = vector.load %arg5[%get3A_738, %get3A_739, %get3A_740] : memref<3x128x128xbf16, #tpu.memory_space<vmem>>, vector<1x128x128xbf16>
    %get3A_742 = vector.shape_cast %get3A_741 : vector<1x128x128xbf16> to vector<128x128xbf16>
    %dot_general3A_743 = arith.constant dense<0.000000e+00> : vector<1000x128xf32>
    %dot_general3A_744 = tpu.matmul %convert_element_type3A_737, %get3A_742, %dot_general3A_743 {dimension_numbers = #tpu.dot_dimension_numbers<[1], [0], [0], [1], [0, 0, 1, 1], [], []>, transpose_lhs_hint = false} : vector<1000x128xbf16>, vector<128x128xbf16>, vector<1000x128xf32> -> vector<1000x128xf32>
    %add3A_745 = arith.addf %add3A_733, %dot_general3A_744 : vector<1000x128xf32>
    %get3A_746 = arith.constant 0 : index
    %get3A_747 = arith.constant 0 : index
    %get3A_748 = vector.load %arg4[%get3A_746, %get3A_747] : memref<1000x16xf32, #tpu.memory_space<vmem>>, vector<1000x16xf32>
    %tile3A = tpu.concatenate %get3A_748, %get3A_748, %get3A_748, %get3A_748, %get3A_748, %get3A_748, %get3A_748, %get3A_748 in 1 : vector<1000x16xf32>, vector<1000x16xf32>, vector<1000x16xf32>, vector<1000x16xf32>, vector<1000x16xf32>, vector<1000x16xf32>, vector<1000x16xf32>, vector<1000x16xf32> -> vector<1000x128xf32>
    %add3A_749 = arith.addf %add3A_745, %tile3A : vector<1000x128xf32>
    %gt3A = arith.constant 0.000000e+00 : f32
    %gt3A_750 = vector.broadcast %gt3A : f32 to vector<1000x128xf32>
    %gt3A_751 = arith.cmpf ogt, %add3A_749, %gt3A_750 : vector<1000x128xf32>
    %exp3A = math.exp %add3A_749 : vector<1000x128xf32>
    %sub3A = arith.constant 1.000000e+00 : f32
    %sub3A_752 = vector.broadcast %sub3A : f32 to vector<1000x128xf32>
    %sub3A_753 = arith.subf %exp3A, %sub3A_752 : vector<1000x128xf32>
    %select_n3A = arith.select %gt3A_751, %add3A_749, %sub3A_753 : vector<1000x128xi1>, vector<1000x128xf32>
    %get3A_754 = arith.constant 0 : index
    %get3A_755 = arith.constant 0 : index
    %get3A_756 = vector.load %arg3[%get3A_754, %get3A_755] : memref<1000x32xf32, #tpu.memory_space<vmem>>, vector<1000x32xf32>
    %get3A_757 = arith.constant 0 : index
    %get3A_758 = arith.constant 0 : index
    %get3A_759 = vector.load %arg6[%get3A_757, %get3A_758] : memref<32x128xf32, #tpu.memory_space<vmem>>, vector<32x128xf32>
    %dot_general3A_760 = arith.constant dense<0.000000e+00> : vector<1000x128xf32>
    %dot_general3A_761 = tpu.matmul %get3A_756, %get3A_759, %dot_general3A_760 {dimension_numbers = #tpu.dot_dimension_numbers<[1], [0], [0], [1], [0, 0, 1, 1], [], []>, transpose_lhs_hint = false} : vector<1000x32xf32>, vector<32x128xf32>, vector<1000x128xf32> -> vector<1000x128xf32>
    %mul3A_762 = arith.constant 0.707106769 : f32
    %mul3A_763 = vector.broadcast %mul3A_762 : f32 to vector<1000x128xf32>
    %mul3A_764 = arith.mulf %select_n3A, %mul3A_763 : vector<1000x128xf32>
    %mul3A_765 = arith.constant 0.707106769 : f32
    %mul3A_766 = vector.broadcast %mul3A_765 : f32 to vector<1000x128xf32>
    %mul3A_767 = arith.mulf %dot_general3A_761, %mul3A_766 : vector<1000x128xf32>
    %add3A_768 = arith.addf %mul3A_764, %mul3A_767 : vector<1000x128xf32>
    %slice3A_769 = vector.extract_strided_slice %add3A_768 {offsets = [0, 0], sizes = [1000, 16], strides = [1, 1]} : vector<1000x128xf32> to vector<1000x16xf32>
    %swap3A_770 = arith.constant 0 : index
    %swap3A_771 = arith.constant 0 : index
    %swap3A_772 = arith.constant 0 : index
    %swap3A_773 = vector.load %arg9[%swap3A_770, %swap3A_771, %swap3A_772] : memref<8x1000x16xf32, #tpu.memory_space<vmem>>, vector<1x1000x16xf32>
    %swap3A_774 = vector.shape_cast %swap3A_773 : vector<1x1000x16xf32> to vector<1000x16xf32>
    %swap3A_775 = vector.shape_cast %slice3A_769 : vector<1000x16xf32> to vector<1x1000x16xf32>
    tpu.vector_store %arg9[%swap3A_770, %swap3A_771, %swap3A_772], %swap3A_775 {strides = array<i32>} : memref<8x1000x16xf32, #tpu.memory_space<vmem>>, vector<1x1000x16xf32>,
    %slice3A_776 = vector.extract_strided_slice %add3A_768 {offsets = [0, 16], sizes = [1000, 16], strides = [1, 1]} : vector<1000x128xf32> to vector<1000x16xf32>
    %swap3A_777 = arith.constant 1 : index
    %swap3A_778 = arith.constant 0 : index
    %swap3A_779 = arith.constant 0 : index
    %swap3A_780 = vector.load %arg9[%swap3A_777, %swap3A_778, %swap3A_779] : memref<8x1000x16xf32, #tpu.memory_space<vmem>>, vector<1x1000x16xf32>
    %swap3A_781 = vector.shape_cast %swap3A_780 : vector<1x1000x16xf32> to vector<1000x16xf32>
    %swap3A_782 = vector.shape_cast %slice3A_776 : vector<1000x16xf32> to vector<1x1000x16xf32>
    tpu.vector_store %arg9[%swap3A_777, %swap3A_778, %swap3A_779], %swap3A_782 {strides = array<i32>} : memref<8x1000x16xf32, #tpu.memory_space<vmem>>, vector<1x1000x16xf32>,
    %slice3A_783 = vector.extract_strided_slice %add3A_768 {offsets = [0, 32], sizes = [1000, 16], strides = [1, 1]} : vector<1000x128xf32> to vector<1000x16xf32>
    %swap3A_784 = arith.constant 2 : index
    %swap3A_785 = arith.constant 0 : index
    %swap3A_786 = arith.constant 0 : index
    %swap3A_787 = vector.load %arg9[%swap3A_784, %swap3A_785, %swap3A_786] : memref<8x1000x16xf32, #tpu.memory_space<vmem>>, vector<1x1000x16xf32>
    %swap3A_788 = vector.shape_cast %swap3A_787 : vector<1x1000x16xf32> to vector<1000x16xf32>
    %swap3A_789 = vector.shape_cast %slice3A_783 : vector<1000x16xf32> to vector<1x1000x16xf32>
    tpu.vector_store %arg9[%swap3A_784, %swap3A_785, %swap3A_786], %swap3A_789 {strides = array<i32>} : memref<8x1000x16xf32, #tpu.memory_space<vmem>>, vector<1x1000x16xf32>,
    %slice3A_790 = vector.extract_strided_slice %add3A_768 {offsets = [0, 48], sizes = [1000, 16], strides = [1, 1]} : vector<1000x128xf32> to vector<1000x16xf32>
    %swap3A_791 = arith.constant 3 : index
    %swap3A_792 = arith.constant 0 : index
    %swap3A_793 = arith.constant 0 : index
    %swap3A_794 = vector.load %arg9[%swap3A_791, %swap3A_792, %swap3A_793] : memref<8x1000x16xf32, #tpu.memory_space<vmem>>, vector<1x1000x16xf32>
    %swap3A_795 = vector.shape_cast %swap3A_794 : vector<1x1000x16xf32> to vector<1000x16xf32>
    %swap3A_796 = vector.shape_cast %slice3A_790 : vector<1000x16xf32> to vector<1x1000x16xf32>
    tpu.vector_store %arg9[%swap3A_791, %swap3A_792, %swap3A_793], %swap3A_796 {strides = array<i32>} : memref<8x1000x16xf32, #tpu.memory_space<vmem>>, vector<1x1000x16xf32>,
    %slice3A_797 = vector.extract_strided_slice %add3A_768 {offsets = [0, 64], sizes = [1000, 16], strides = [1, 1]} : vector<1000x128xf32> to vector<1000x16xf32>
    %swap3A_798 = arith.constant 4 : index
    %swap3A_799 = arith.constant 0 : index
    %swap3A_800 = arith.constant 0 : index
    %swap3A_801 = vector.load %arg9[%swap3A_798, %swap3A_799, %swap3A_800] : memref<8x1000x16xf32, #tpu.memory_space<vmem>>, vector<1x1000x16xf32>
    %swap3A_802 = vector.shape_cast %swap3A_801 : vector<1x1000x16xf32> to vector<1000x16xf32>
    %swap3A_803 = vector.shape_cast %slice3A_797 : vector<1000x16xf32> to vector<1x1000x16xf32>
    tpu.vector_store %arg9[%swap3A_798, %swap3A_799, %swap3A_800], %swap3A_803 {strides = array<i32>} : memref<8x1000x16xf32, #tpu.memory_space<vmem>>, vector<1x1000x16xf32>,
    %slice3A_804 = vector.extract_strided_slice %add3A_768 {offsets = [0, 80], sizes = [1000, 16], strides = [1, 1]} : vector<1000x128xf32> to vector<1000x16xf32>
    %swap3A_805 = arith.constant 5 : index
    %swap3A_806 = arith.constant 0 : index
    %swap3A_807 = arith.constant 0 : index
    %swap3A_808 = vector.load %arg9[%swap3A_805, %swap3A_806, %swap3A_807] : memref<8x1000x16xf32, #tpu.memory_space<vmem>>, vector<1x1000x16xf32>
    %swap3A_809 = vector.shape_cast %swap3A_808 : vector<1x1000x16xf32> to vector<1000x16xf32>
    %swap3A_810 = vector.shape_cast %slice3A_804 : vector<1000x16xf32> to vector<1x1000x16xf32>
    tpu.vector_store %arg9[%swap3A_805, %swap3A_806, %swap3A_807], %swap3A_810 {strides = array<i32>} : memref<8x1000x16xf32, #tpu.memory_space<vmem>>, vector<1x1000x16xf32>,
    %slice3A_811 = vector.extract_strided_slice %add3A_768 {offsets = [0, 96], sizes = [1000, 16], strides = [1, 1]} : vector<1000x128xf32> to vector<1000x16xf32>
    %swap3A_812 = arith.constant 6 : index
    %swap3A_813 = arith.constant 0 : index
    %swap3A_814 = arith.constant 0 : index
    %swap3A_815 = vector.load %arg9[%swap3A_812, %swap3A_813, %swap3A_814] : memref<8x1000x16xf32, #tpu.memory_space<vmem>>, vector<1x1000x16xf32>
    %swap3A_816 = vector.shape_cast %swap3A_815 : vector<1x1000x16xf32> to vector<1000x16xf32>
    %swap3A_817 = vector.shape_cast %slice3A_811 : vector<1000x16xf32> to vector<1x1000x16xf32>
    tpu.vector_store %arg9[%swap3A_812, %swap3A_813, %swap3A_814], %swap3A_817 {strides = array<i32>} : memref<8x1000x16xf32, #tpu.memory_space<vmem>>, vector<1x1000x16xf32>,
    %slice3A_818 = vector.extract_strided_slice %add3A_768 {offsets = [0, 112], sizes = [1000, 16], strides = [1, 1]} : vector<1000x128xf32> to vector<1000x16xf32>
    %swap3A_819 = arith.constant 7 : index
    %swap3A_820 = arith.constant 0 : index
    %swap3A_821 = arith.constant 0 : index
    %swap3A_822 = vector.load %arg9[%swap3A_819, %swap3A_820, %swap3A_821] : memref<8x1000x16xf32, #tpu.memory_space<vmem>>, vector<1x1000x16xf32>
    %swap3A_823 = vector.shape_cast %swap3A_822 : vector<1x1000x16xf32> to vector<1000x16xf32>
    %swap3A_824 = vector.shape_cast %slice3A_818 : vector<1000x16xf32> to vector<1x1000x16xf32>
    tpu.vector_store %arg9[%swap3A_819, %swap3A_820, %swap3A_821], %swap3A_824 {strides = array<i32>} : memref<8x1000x16xf32, #tpu.memory_space<vmem>>, vector<1x1000x16xf32>,
    return
  }
  func.func @transform_0(%arg0: i32) -> (i32, i32) {
    %add3A = arith.constant 25 : i32
    %add3A_0 = arith.addi %arg0, %add3A : i32
    %c0_i32 = arith.constant 0 : i32
    %c0_i32_1 = arith.constant 0 : i32
    return %add3A_0, %c0_i32 : i32, i32
  }
  func.func @transform_1(%arg0: i32) -> (i32, i32) {
    %c0_i32 = arith.constant 0 : i32
    %c0_i32_0 = arith.constant 0 : i32
    return %arg0, %c0_i32 : i32, i32
  }
  func.func @transform_2(%arg0: i32) -> (i32, i32) {
    %add3A = arith.constant 25 : i32
    %add3A_0 = arith.addi %arg0, %add3A : i32
    %c0_i32 = arith.constant 0 : i32
    %c0_i32_1 = arith.constant 0 : i32
    return %add3A_0, %c0_i32 : i32, i32
  }
  func.func @transform_3(%arg0: i32) -> (i32, i32) {
    %add3A = arith.constant 25 : i32
    %add3A_0 = arith.addi %arg0, %add3A : i32
    %c0_i32 = arith.constant 0 : i32
    %c0_i32_1 = arith.constant 0 : i32
    return %add3A_0, %c0_i32 : i32, i32
  }
  func.func @transform_4(%arg0: i32) -> (i32, i32, i32) {
    %c0_i32 = arith.constant 0 : i32
    %c0_i32_0 = arith.constant 0 : i32
    %c0_i32_1 = arith.constant 0 : i32
    %c0_i32_2 = arith.constant 0 : i32
    return %c0_i32, %c0_i32_0, %c0_i32_1 : i32, i32, i32
  }
  func.func @transform_5(%arg0: i32) -> (i32, i32) {
    %c0_i32 = arith.constant 0 : i32
    %c0_i32_0 = arith.constant 0 : i32
    %c0_i32_1 = arith.constant 0 : i32
    return %c0_i32, %c0_i32_0 : i32, i32
  }
  func.func @transform_6(%arg0: i32) -> (i32, i32) {
    %c0_i32 = arith.constant 0 : i32
    %c0_i32_0 = arith.constant 0 : i32
    %c0_i32_1 = arith.constant 0 : i32
    return %c0_i32, %c0_i32_0 : i32, i32
  }
  func.func @transform_7(%arg0: i32) -> (i32, i32) {
    %c0_i32 = arith.constant 0 : i32
    %c0_i32_0 = arith.constant 0 : i32
    %c0_i32_1 = arith.constant 0 : i32
    return %c0_i32, %c0_i32_0 : i32, i32
  }
  func.func @transform_8(%arg0: i32) -> (i32, i32, i32) {
    %c0_i32 = arith.constant 0 : i32
    %c0_i32_0 = arith.constant 0 : i32
    %c0_i32_1 = arith.constant 0 : i32
    return %c0_i32, %arg0, %c0_i32_0 : i32, i32, i32
  }
}

</mosaic_0001>

<sc_bundles>
// kernel: kernel.10.cloned.1.call-start
scs
__scs_entry_jumppad:
0x0: {  	(pc) =	sbr.rel $0x88, $3  }
0x1: {  	(tag) =	ssettag $0x0;
	lr =	simm.s32 $0x1  }
0x2: {  	[smem:$0x3F9B] =	sst lr;
	_ =	strace $0xD0000000  }
0x3: {  	_ = 	snop  }
0x4: {  	_ = 	snop  }
0x5: {  	_ = 	snop  }
0x6: {  	_ = 	snop  }
0x7: {  	_ = 	snop  }
__scs_overlays_trampoline_lowered:
0x8: {  	[smem:$0x3FAA] =	sst s0  }
0x9: {  	[smem:$0x3FAB] =	sst s1  }
0xa: {  	[smem:$0x3FAC] =	sst s2  }
0xb: {  	[smem:$0x3FAD] =	sst s3  }
0xc: {  	[smem:$0x3FAE] =	sst s4  }
0xd: {  	[smem:$0x3FAF] =	sst s5  }
0xe: {  	[smem:$0x3FB0] =	sst s6  }
0xf: {  	[smem:$0x3FB1] =	sst s7  }
0x10: {  	[smem:$0x3FB2] =	sst s8  }
0x11: {  	[smem:$0x3FB3] =	sst s9;
	s0 =	simm.s32 @!p0 $0x0  }
0x12: {  	s1 =	sld [smem:$0x3F99];
	s0 =	simm.s32 @p0 $0x1  }
0x13: {  	[smem:$0x3FB4] =	sst s0;
	s0 =	simm.s32 @!p1 $0x0  }
0x14: {  	s2 =	sld [smem:$0x3F98];
	s0 =	simm.s32 @p1 $0x1  }
0x15: {  	[smem:$0x3FB5] =	sst s0;
	s0 =	simm.s32 @!p2 $0x0  }
0x16: {  	s3 =	sld [smem:$0x3FDB];
	s0 =	simm.s32 @p2 $0x1  }
0x17: {  	s4 =	simm.s32 $0x1BF5;
	[smem:$0x3FB7] =	sst s0  }
0x18: {  	s0 =	sld [smem:$0x3F9A];
	_ =	swait.ge [sflag:s4], $0x0  }
0x19: {  	s7 =	sld [smem:$0x3F9B]  }
0x1a: {  	s8 =	sadd.s32 $0xFFFFE003, lr  }
0x1b: {  	s9 =	sadd.s32 $0xFFFFFEF7, lr;
	s5 =	simm.s32 $0xFFFFFFFF;
	p2 =	slt.u32 s8, $0xFFFFF086  }
0x1c: {  	p1 =	slt.u32 s9, $0xF7A;
	s5 =	simm.s32 @!p2 $0x0  }
0x1d: {  	s5 =	simm.s32 @p1 $0x1;
	p0 =	seq.s32 s7, s2  }
0x1e: {  	s7 =	smul.u32 @!p0 $0xF7A, s2;
	p2 =	seq.s32 @!p0 s5, $0x0  }
0x1f: {  	s9 =	smul.u32 $0xF7A, s1;
	s8 =	simm.s32 @!p0 $0x1BF5;
	p2 =	por !p2, p0  }
0x20: {  	[sflag:s8] =	ssyncset.s32 @!p0 $0xFFFFF086;
	s6 =	sadd.s32 @!p0 s3, s7;
	s7 =	simm.s32 @!p0 $0x108  }
0x21: {  	s3 =	sadd.s32 s3, s9;
	s6 =	sadd.s32 @!p0 $0x88, s6;
	s7 =	simm.s32 @p2 $0x1082  }
0x22: {  	[simem:s7], [sflag:s8] =	dma.local @!p0 [hbm:s6], $0xF7A  }
0x23: {  	s9 =	sor.u32 $0xD0000000, s2;
	s6 =	simm.s32 $0x108;
	_ =	swait.ge @!p0 [sflag:s8], $0x0  }
0x24: {  	s3 =	sadd.s32 $0x88, s3;
	s6 =	simm.s32 @!p1 $0x1082;
	[sflag:s4] =	ssyncset.s32 $0xFFFFF086  }
0x25: {  	[simem:s6], [sflag:s4] =	dma.local [hbm:s3], $0xF7A  }
0x26: {  	[smem:$0x3F9B] =	sst s1;
	(tag) =	ssettag s2;
	_ =	strace s9  }
0x27: {  	s1 =	sld [smem:$0x3FAB]  }
0x28: {  	s2 =	sld [smem:$0x3FAC]  }
0x29: {  	s4 =	sld [smem:$0x3FAE]  }
0x2a: {  	p0 =	seq.s32 s5, $0x0;
	s5 =	sld [smem:$0x3FAF]  }
0x2b: {  	s6 =	sld [smem:$0x3FB0]  }
0x2c: {  	s7 =	sld [smem:$0x3FB1]  }
0x2d: {  	s3 =	simm.s32 $0x108;
	s8 =	sld [smem:$0x3FB2]  }
0x2e: {  	s3 =	simm.s32 @!p0 $0x1082;
	s9 =	sld [smem:$0x3FB3]  }
0x2f: {  	lr =	sadd.s32 s0, s3;
	s0 =	sld [smem:$0x3FAA]  }
0x30: {  	s3 =	sld [smem:$0x3FAD]  }
0x31: {  	[smem:$0x3FB6] =	sst s10  }
0x32: {  	s10 =	sld [smem:$0x3FB4];
	_ =	sdelay $0x3  }
0x33: {  	p0 =	seq.s32 s10, $0x1;
	s10 =	sld [smem:$0x3FB6];
	_ =	sdelay $0x3  }
0x34: {  	[smem:$0x3FB6] =	sst s10  }
0x35: {  	s10 =	sld [smem:$0x3FB5];
	_ =	sdelay $0x3  }
0x36: {  	p1 =	seq.s32 s10, $0x1;
	s10 =	sld [smem:$0x3FB6];
	_ =	sdelay $0x3  }
0x37: {  	[smem:$0x3FB6] =	sst s10  }
0x38: {  	s10 =	sld [smem:$0x3FB7]  }
0x39: {  	_ = 	snop;
	(pc) =	sbr.ind lr, $3  }
0x3a: {  	_ = 	snop  }
0x3b: {  	_ = 	snop  }
0x3c: {  	p2 =	seq.s32 s10, $0x1;
	s10 =	sld [smem:$0x3FB6]  }
0x3d: {  	_ =	shalt  }
0x3e: {  	_ =	shalt  }
0x3f: {  	_ =	shalt  }
0x40: {  	_ =	shalt  }
0x41: {  	_ =	shalt  }
0x42: {  	_ =	shalt  }
0x43: {  	_ =	shalt  }
0x44: {  	_ =	shalt  }
0x45: {  	_ =	shalt  }
0x46: {  	_ =	shalt  }
0x47: {  	_ =	shalt  }
0x48: {  	_ =	shalt  }
0x49: {  	_ =	shalt  }
0x4a: {  	_ =	shalt  }
0x4b: {  	_ =	shalt  }
0x4c: {  	_ =	shalt  }
0x4d: {  	_ =	shalt  }
0x4e: {  	_ =	shalt  }
0x4f: {  	_ =	shalt  }
0x50: {  	_ =	shalt  }
0x51: {  	_ =	shalt  }
0x52: {  	_ =	shalt  }
0x53: {  	_ =	shalt  }
0x54: {  	_ =	shalt  }
0x55: {  	_ =	shalt  }
0x56: {  	_ =	shalt  }
0x57: {  	_ =	shalt  }
0x58: {  	_ =	shalt  }
0x59: {  	_ =	shalt  }
0x5a: {  	_ =	shalt  }
0x5b: {  	_ =	shalt  }
0x5c: {  	_ =	shalt  }
0x5d: {  	_ =	shalt  }
0x5e: {  	_ =	shalt  }
0x5f: {  	_ =	shalt  }
0x60: {  	_ =	shalt  }
0x61: {  	_ =	shalt  }
0x62: {  	_ =	shalt  }
0x63: {  	_ =	shalt  }
0x64: {  	_ =	shalt  }
0x65: {  	_ =	shalt  }
0x66: {  	_ =	shalt  }
0x67: {  	_ =	shalt  }
0x68: {  	_ =	shalt  }
0x69: {  	_ =	shalt  }
0x6a: {  	_ =	shalt  }
0x6b: {  	_ =	shalt  }
0x6c: {  	_ =	shalt  }
0x6d: {  	_ =	shalt  }
0x6e: {  	_ =	shalt  }
0x6f: {  	_ =	shalt  }
0x70: {  	_ =	shalt  }
0x71: {  	_ =	shalt  }
0x72: {  	_ =	shalt  }
0x73: {  	_ =	shalt  }
0x74: {  	_ =	shalt  }
0x75: {  	_ =	shalt  }
0x76: {  	_ =	shalt  }
0x77: {  	_ =	shalt  }
0x78: {  	_ =	shalt  }
0x79: {  	_ =	shalt  }
0x7a: {  	_ =	shalt  }
0x7b: {  	_ =	shalt  }
0x7c: {  	_ =	shalt  }
0x7d: {  	_ =	shalt  }
0x7e: {  	_ =	shalt  }
0x7f: {  	_ =	shalt  }
0x80: {  	_ =	shalt  }
0x81: {  	_ =	shalt  }
0x82: {  	_ =	shalt  }
0x83: {  	_ =	shalt  }
0x84: {  	_ =	shalt  }
0x85: {  	_ =	shalt  }
0x86: {  	_ =	shalt  }
0x87: {  	_ =	shalt  }
.Lfunc_end0:
.L_simem_size_0:
called_computation.1_lowered:
.L_overlay_start_0:
0x88: {  	s2 =	sld [smem:$0x3FD9]  }
0x89: {  	s3 =	sld [smem:$0x3FFE];
	_ =	sdelay $0x1  }
0x8a: {  	s1 =	srdreg.scid  }
0x8b: {  	s0 =	sand.u32 $0x1, s1  }
0x8c: {  	s17 =	sshll.u32 s0, $0xA;
	s2 =	sadd.s32 s3, s2  }
0x8d: {  	s2 =	sadd.s32 s2, s17  }
0x8e: {  	[smem:$0x3FC2] =	sst s2  }
0x8f: {  	_ = 	snop  }
0x90: {  	(tm) =	ssettm $0x1  }
0x91: {  	s18 =	sld [smem:$0x3FFB];
	_ =	sdelay $0x3  }
0x92: {  	_ =	strace s18  }
0x93: {  	s2 =	sld [smem:$0x3FFC];
	_ =	sdelay $0x3  }
0x94: {  	_ =	strace s2  }
0x95: {  	s2 =	sld [smem:$0x3FFD];
	_ =	sdelay $0x3  }
0x96: {  	_ =	strace s2  }
0x97: {  	_ =	strace $0x8FFFFFFF  }
0x98: {  	s19 =	sld [smem:$0x3FDB];
	_ =	sdelay $0x1  }
0x99: {  	s20 =	simm.s32 $_scs_section_size  }
0x9a: {  	s4 =	simm.s32 $_size__tile_overlayer_lowered;
	s5 =	simm.s32 $_tile_overlayer_lowered  }
0x9b: {  	s6 =	simm.s32 $0x1BFF;
	s21 =	sshll.u32 s5, $0x1;
	s3 =	sadd.s32 s20, s19  }
0x9c: {  	s22 =	simm.s32 $0x0;
	s4 =	sshll.u32 s4, $0x1;
	s5 =	sadd.s32 s21, s3  }
0x9d: {  	[timem:s22], [sflag:s6] =	dma.local [hbm:s5], s4  }
0x9e: {  	_ =	swait.ge [sflag:s6], s4  }
0x9f: {  	s4 =	ssub.s32 $0x0, s4;
	[sflag:s6] =	ssyncset.done $0x0  }
0xa0: {  	[sflag:s6] =	ssyncadd.s32 s4;
	_ =	sdelay $0x1  }
0xa1: {  	s23 =	simm.s32 $0x1B8B  }
0xa2: {  	_ =	swait.ge [sflag:s23], $0x1  }
0xa3: {  	[sflag:s23] =	ssyncset.done $0x0  }
0xa4: {  	[sflag:s23] =	ssyncadd.s32 $0xFFFFFFFF  }
0xa5: {  	s4 =	sld [smem:$0x0]  }
0xa6: {  	s5 =	sand.u32 $0xFFFFFFFE, s1  }
0xa7: {  	p0 =	sne.s32 s1, s5  }
0xa8: {  	s5 =	sshll.u32 @p0 s5, $0xE  }
0xa9: {  	s5 =	sadd.s32 @p0 $0x11B8D, s5;
	s6 =	sshll.u32 @p0 s4, $0x11  }
0xaa: {  	s5 =	sor.u32 @p0 s6, s5  }
0xab: {  	[sflag:s5] =	ssyncadd.remote.s32 @p0 $0x1;
	_ =	sdelay $0x1  }
0xac: {  	s5 =	simm.s32 @p0 $0x1B8D  }
0xad: {  	_ =	swait.eq @p0 [sflag:s5], $0x1  }
0xae: {  	[sflag:s5] =	ssyncadd.s32 @p0 $0xFFFFFFFF  }
0xaf: {  	s6 =	sshll.u32 @!p0 s1, $0xE  }
0xb0: {  	s6 =	sor.u32 @!p0 $0x4000, s6;
	s5 =	simm.s32 @!p0 $0x1B8D  }
0xb1: {  	s4 =	sshll.u32 @!p0 s4, $0x11;
	s6 =	sadd.s32 @!p0 $0x11B8D, s6;
	_ =	swait.eq @!p0 [sflag:s5], $0x1  }
0xb2: {  	s4 =	sor.u32 @!p0 s4, s6;
	[sflag:s5] =	ssyncadd.s32 @!p0 $0xFFFFFFFF  }
0xb3: {  	s25 =	simm.s32 $0x1B8E;
	s24 =	sld [smem:$0x3FFE];
	[sflag:s4] =	ssyncadd.remote.s32 @!p0 $0x1  }
0xb4: {  	s26 =	simm.s32 $execute0_lowered;
	[smem:$0x3FD2] =	sst s25  }
0xb5: {  	s5 =	sshll.u32 s26, $0x1;
	_ =	strace $0x80000049;
	[dreg:$0x1] =	wrdreg $0xFFFFFFFF  }
0xb6: {  	s28 =	simm.s32 $_size_execute0_lowered;
	s3 =	sadd.s32 s3, s5;
	[dreg:$0x0] =	wrdreg $0x0  }
0xb7: {  	s5 =	sshll.u32 s28, $0x1;
	[dreg:$0x2] =	wrdreg s3  }
0xb8: {  	[dreg:$0x3] =	wrdreg s5  }
0xb9: {  	[dreg:$0x4] =	wrdreg $0xC0  }
0xba: {  	_ =	task [dreg:s22], $0x5FFFF  }
0xbb: {  	[dreg:$0x1] =	wrdreg $0xFFFFFFFF  }
0xbc: {  	[dreg:$0x0] =	wrdreg $0x60  }
0xbd: {  	[dreg:$0x2] =	wrdreg s24  }
0xbe: {  	[dreg:$0x3] =	wrdreg $0xA  }
0xbf: {  	_ =	task.clear_ibuf [dreg:s22], $0x4FFFF;
	_ =	strace $0x90000049  }
0xc0: {  	s29 =	simm.s32 $0xA;
	_ =	strace $0x8000004B  }
0xc1: {  	_ =	swait.ge [sflag:s29], $0x1  }
0xc2: {  	[sflag:s29] =	ssyncadd.s32 $0xFFFFFFFF  }
0xc3: {  	_ =	strace $0x9000004B  }
0xc4: {  	_ =	sfence  }
0xc5: {  	s30 =	sld [smem:$0x0];
	_ =	sdelay $0x2  }
0xc6: {  	s31 =	sshll.u32 s1, $0xD;
	s1 =	sshrl.u32 s1, $0x2  }
0xc7: {  	s4 =	sand.u32 $0x4000, s31;
	s1 =	sadd.s32 s1, s30  }
0xc8: {  	s0 =	sor.u32 s4, s0;
	s1 =	sshll.u32 s1, $0x11  }
0xc9: {  	s0 =	sor.u32 s1, s0  }
0xca: {  	s0 =	sadd.s32 $0x8F2B, s0  }
0xcb: {  	[sflag:s0] =	ssyncadd.remote.s32 $0x1  }
0xcc: {  	_ =	sfence.sel $0xFFFF  }
0xcd: {  	[dreg:$0x0] =	wrdreg $0xFFFFFFFF;
	(pc) =	sbr.abs _section_cstart, $3  }
0xce: {  	[dreg:$0x1] =	wrdreg $0xFFFFFFFF  }
0xcf: {  	_ =	task.clear_ibuf [dreg:s22], $0x2FFFF;
	_ =	strace $0x9FFFFFFF  }
0xd0: {  	(tm) =	ssettm $0x7FFFFFFF  }
0xd1: {  	_ =	shalt  }
tec
execute0_lowered:
.L_overlay_start_1:
0x0: {  	(tag) =	ssettag $0x1  }
0x1: {  	s4 =	rddreg [dreg:$0x0];
	s2 =	simm.s32 $0x0  }
0x2: {  	s30 =	simm.s32 $0x1200;
	[smem:$0x7FF] =	sst s2  }
0x3: {  	s31 =	simm.s32 $0x100;
	_ =	strace $0x8000004A;
	[dreg:$0x4] =	wrdreg s30  }
0x4: {  	s7 =	simm.s32 $0x2200;
	[dreg:$0x5] =	wrdreg s31  }
0x5: {  	s0 =	srdreg.scid;
	s9 =	simm.s32 $0x200;
	[dreg:$0x8] =	wrdreg s7  }
0x6: {  	s8 =	stileid.u32;
	s10 =	simm.s32 $0x2A00;
	[dreg:$0x9] =	wrdreg s9  }
0x7: {  	s12 =	simm.s32 $0x280;
	s13 =	simm.s32 $0x3200;
	[dreg:$0xa] =	wrdreg s10  }
0x8: {  	s14 =	simm.s32 $0x300;
	s15 =	simm.s32 $0x3A00;
	[dreg:$0xb] =	wrdreg s12  }
0x9: {  	s17 =	simm.s32 $0x380;
	s18 =	simm.s32 $0x4200;
	[dreg:$0xc] =	wrdreg s13  }
0xa: {  	s19 =	simm.s32 $0x400;
	s20 =	simm.s32 $0x4A00;
	[dreg:$0xd] =	wrdreg s14  }
0xb: {  	s22 =	simm.s32 $0x480;
	s28 =	simm.s32 $0x3;
	[dreg:$0xe] =	wrdreg s15  }
0xc: {  	s0 =	sand.u32 $0x1, s0;
	s1 =	smul.u32 $0x6400, s8;
	[dreg:$0xf] =	wrdreg s17  }
0xd: {  	s24 =	sadd.s32 $0xF0200, s4;
	s16 =	smul.u32 $0xC800, s8;
	[dreg:$0x10] =	wrdreg s18  }
0xe: {  	s8 =	simm.s32 $0x80;
	s3 =	smul.u32 $0x3200, s0;
	[dreg:$0x11] =	wrdreg s19  }
0xf: {  	s11 =	ssub.s32 $0x2, s0;
	s0 =	smul.u32 $0x6400, s0;
	[dreg:$0x12] =	wrdreg s20  }
0x10: {  	[dreg:$0x13] =	wrdreg s22;
	s9 =	simm.s32 $0xA00;
	s10 =	simm.s32 $0x500  }
0x11: {  	s30 =	simm.s32 $0x6A00;
	s31 =	simm.s32 $0x680;
	s12 =	simm.s32 $0x700  }
0x12: {  	s13 =	simm.s32 $0x7A00;
	s14 =	simm.s32 $0x780;
	s15 =	simm.s32 $0x8200  }
0x13: {  	s17 =	simm.s32 $0x8A00;
	s18 =	simm.s32 $0x880;
	s20 =	simm.s32 $0x9200  }
0x14: {  	s22 =	simm.s32 $0x9A00;
	s7 =	sshrl.u32 s11, $0x1;
	[dreg:$0x18] =	wrdreg s30  }
0x15: {  	[dreg:$0x19] =	wrdreg s31;
	s1 =	sadd.s32 s3, s1;
	s3 =	simm.s32 $0x1A00  }
0x16: {  	s5 =	sshrl.u32 s1, $0x3;
	s6 =	sadd.s32 $0x500, s1;
	[dreg:$0x6] =	wrdreg s3  }
0x17: {  	s3 =	sadd.s32 $0x3200, s4;
	s4 =	sadd.s32 $0xFCA00, s4;
	s25 =	sadd.s32 s5, s24  }
0x18: {  	s26 =	sshrl.u32 s6, $0x3;
	s5 =	simm.s32 $0x180;
	[dreg:$0x2] =	wrdreg s25  }
0x19: {  	s21 =	sshll.u32 s6, $0x1;
	s29 =	sadd.s32 s26, s24;
	[dreg:$0x7] =	wrdreg s5  }
0x1a: {  	s1 =	simm.s32 $0x7200;
	s23 =	sadd.s32 s21, s4;
	[dreg:$0x3] =	wrdreg s29  }
0x1b: {  	s5 =	ssub.s32 s11, s7;
	s24 =	simm.s32 $0x5200;
	[dreg:$0x1c] =	wrdreg s23  }
0x1c: {  	s7 =	simm.s32 $0x4;
	s25 =	simm.s32 $0x580;
	[dreg:$0x14] =	wrdreg s24  }
0x1d: {  	s26 =	simm.s32 $0x6200;
	s11 =	simm.s32 $0x5A00;
	[dreg:$0x15] =	wrdreg s25  }
0x1e: {  	s21 =	simm.s32 $0x900;
	s5 =	smax.u32 s5, $0x1;
	[dreg:$0x16] =	wrdreg s26  }
0x1f: {  	s29 =	simm.s32 $0x600;
	s23 =	simm.s32 $0x980;
	s24 =	simm.s32 $0xA200  }
0x20: {  	s25 =	simm.s32 $0x1;
	[dreg:$0x1a] =	wrdreg s5;
	s5 =	sadd.s32 s16, s4  }
0x21: {  	s26 =	simm.s32 $0x2;
	[dreg:$0x17] =	wrdreg s29;
	s0 =	sadd.s32 s0, s5  }
0x22: {  	s16 =	simm.s32 $0x800;
	s4 =	simm.s32 $0x0;
	[dreg:$0x1b] =	wrdreg s0  }
.LBB2_1:
0x23: {  	s6 =	rddreg [dreg:$0x2]  }
0x24: {  	[dreg:$0x1d] =	wrdreg s4;
	s4 =	sadd.s32 $0x0, s6  }
0x25: {  	[tilespmem:s2], [sflag:$0x4] =	stream.linear.gather [hbm4b:s4+s2], $0x500, $0x38;
	[tilespmem:$0xAA00] =	vst v63  }
0x26: {  	_ =	swait.ge [sflag:s7], $0x500  }
0x27: {  	s19 =	rddreg [dreg:$0x7]  }
0x28: {  	s5 =	rddreg [dreg:$0x5]  }
0x29: {  	[sflag:s7] =	ssyncset.done $0x0;
	s6 =	rddreg [dreg:$0x4]  }
0x2a: {  	s30 =	rddreg [dreg:$0x6];
	[sflag:s7] =	ssyncadd.s32 $0xFFFFFB00  }
0x2b: {  	[tilespmem:s9], [sflag:$0x1] =	stream.indirect.gather [hbm4b:s3+s8], $0x10, s2, s8, $0xb8;
	[tilespmem:$0xAA00] =	vst v63  }
0x2c: {  	s29 =	rddreg [dreg:$0x8]  }
0x2d: {  	[tilespmem:s6], [sflag:$0x1] =	stream.indirect.gather [hbm4b:s3+s8], $0x10, s8, s8, $0xb8;
	[tilespmem:$0xAA00] =	vst v63  }
0x2e: {  	s0 =	rddreg [dreg:$0xa]  }
0x2f: {  	[tilespmem:s30], [sflag:$0x1] =	stream.indirect.gather [hbm4b:s3+s8], $0x10, s5, s8, $0xb8;
	[tilespmem:$0xAA00] =	vst v63  }
0x30: {  	s30 =	rddreg [dreg:$0x9]  }
0x31: {  	[tilespmem:s29], [sflag:$0x1] =	stream.indirect.gather [hbm4b:s3+s8], $0x10, s19, s8, $0xb8;
	[tilespmem:$0xAA00] =	vst v63  }
0x32: {  	s19 =	rddreg [dreg:$0xc]  }
0x33: {  	s29 =	rddreg [dreg:$0xb]  }
0x34: {  	[tilespmem:s0], [sflag:$0x1] =	stream.indirect.gather [hbm4b:s3+s8], $0x10, s30, s8, $0xb8;
	[tilespmem:$0xAA00] =	vst v63  }
0x35: {  	s0 =	rddreg [dreg:$0xe]  }
0x36: {  	s30 =	rddreg [dreg:$0xd]  }
0x37: {  	[tilespmem:s19], [sflag:$0x1] =	stream.indirect.gather [hbm4b:s3+s8], $0x10, s29, s8, $0xb8;
	[tilespmem:$0xAA00] =	vst v63  }
0x38: {  	s19 =	rddreg [dreg:$0x10]  }
0x39: {  	s29 =	rddreg [dreg:$0xf]  }
0x3a: {  	[tilespmem:s0], [sflag:$0x1] =	stream.indirect.gather [hbm4b:s3+s8], $0x10, s30, s8, $0xb8;
	[tilespmem:$0xAA00] =	vst v63  }
0x3b: {  	s0 =	rddreg [dreg:$0x12]  }
0x3c: {  	s30 =	rddreg [dreg:$0x11]  }
0x3d: {  	[tilespmem:s19], [sflag:$0x1] =	stream.indirect.gather [hbm4b:s3+s8], $0x10, s29, s8, $0xb8;
	[tilespmem:$0xAA00] =	vst v63  }
0x3e: {  	s19 =	rddreg [dreg:$0x14]  }
0x3f: {  	s29 =	rddreg [dreg:$0x13]  }
0x40: {  	[tilespmem:s0], [sflag:$0x1] =	stream.indirect.gather [hbm4b:s3+s8], $0x10, s30, s8, $0xb8;
	[tilespmem:$0xAA00] =	vst v63  }
0x41: {  	s0 =	rddreg [dreg:$0x3]  }
0x42: {  	[tilespmem:s19], [sflag:$0x1] =	stream.indirect.gather [hbm4b:s3+s8], $0x10, s29, s8, $0xb8;
	[tilespmem:$0xAA00] =	vst v63  }
0x43: {  	s19 =	sadd.s32 $0x0, s0  }
0x44: {  	[tilespmem:s10], [sflag:$0x4] =	stream.linear.gather [hbm4b:s19+s2], $0x500, $0x38;
	[tilespmem:$0xAA00] =	vst v63  }
0x45: {  	_ =	swait.ge [sflag:s7], $0x500  }
0x46: {  	s29 =	rddreg [dreg:$0x15];
	[sflag:s7] =	ssyncset.done $0x0  }
0x47: {  	s0 =	rddreg [dreg:$0x18];
	[sflag:s7] =	ssyncadd.s32 $0xFFFFFB00  }
0x48: {  	[tilespmem:s11], [sflag:$0x2] =	stream.indirect.gather [hbm4b:s3+s8], $0x10, s10, s8, $0xb8;
	[tilespmem:$0xAA00] =	vst v63  }
0x49: {  	s19 =	rddreg [dreg:$0x16]  }
0x4a: {  	[tilespmem:s19], [sflag:$0x2] =	stream.indirect.gather [hbm4b:s3+s8], $0x10, s29, s8, $0xb8;
	[tilespmem:$0xAA00] =	vst v63  }
0x4b: {  	s30 =	rddreg [dreg:$0x17]  }
0x4c: {  	[tilespmem:s0], [sflag:$0x2] =	stream.indirect.gather [hbm4b:s3+s8], $0x10, s30, s8, $0xb8;
	[tilespmem:$0xAA00] =	vst v63  }
0x4d: {  	s29 =	rddreg [dreg:$0x19]  }
0x4e: {  	[tilespmem:s1], [sflag:$0x2] =	stream.indirect.gather [hbm4b:s3+s8], $0x10, s29, s8, $0xb8;
	[tilespmem:$0xAA00] =	vst v63  }
0x4f: {  	_ = 	snop  }
0x50: {  	[tilespmem:s13], [sflag:$0x2] =	stream.indirect.gather [hbm4b:s3+s8], $0x10, s12, s8, $0xb8;
	[tilespmem:$0xAA00] =	vst v63  }
0x51: {  	_ = 	snop  }
0x52: {  	[tilespmem:s15], [sflag:$0x2] =	stream.indirect.gather [hbm4b:s3+s8], $0x10, s14, s8, $0xb8;
	[tilespmem:$0xAA00] =	vst v63  }
0x53: {  	_ = 	snop  }
0x54: {  	[tilespmem:s17], [sflag:$0x2] =	stream.indirect.gather [hbm4b:s3+s8], $0x10, s16, s8, $0xb8;
	[tilespmem:$0xAA00] =	vst v63  }
0x55: {  	_ = 	snop  }
0x56: {  	[tilespmem:s20], [sflag:$0x2] =	stream.indirect.gather [hbm4b:s3+s8], $0x10, s18, s8, $0xb8;
	[tilespmem:$0xAA00] =	vst v63  }
0x57: {  	_ = 	snop  }
0x58: {  	[tilespmem:s22], [sflag:$0x2] =	stream.indirect.gather [hbm4b:s3+s8], $0x10, s21, s8, $0xb8;
	[tilespmem:$0xAA00] =	vst v63  }
0x59: {  	_ = 	snop  }
0x5a: {  	[tilespmem:s24], [sflag:$0x2] =	stream.indirect.gather [hbm4b:s3+s8], $0x10, s23, s8, $0xb8;
	[tilespmem:$0xAA00] =	vst v63  }
0x5b: {  	_ =	swait.ge [sflag:s25], $0x800  }
0x5c: {  	[sflag:s25] =	ssyncset.done $0x0  }
0x5d: {  	[sflag:s25] =	ssyncadd.s32 $0xFFFFF800  }
0x5e: {  	_ =	swait.ge [sflag:s25], $0x800  }
0x5f: {  	[sflag:s25] =	ssyncset.done $0x0  }
0x60: {  	[sflag:s25] =	ssyncadd.s32 $0xFFFFF800  }
0x61: {  	_ =	swait.ge [sflag:s25], $0x800  }
0x62: {  	[sflag:s25] =	ssyncset.done $0x0  }
0x63: {  	[sflag:s25] =	ssyncadd.s32 $0xFFFFF800  }
0x64: {  	_ =	swait.ge [sflag:s25], $0x800  }
0x65: {  	[sflag:s25] =	ssyncset.done $0x0  }
0x66: {  	[sflag:s25] =	ssyncadd.s32 $0xFFFFF800  }
0x67: {  	_ =	swait.ge [sflag:s25], $0x800  }
0x68: {  	[sflag:s25] =	ssyncset.done $0x0  }
0x69: {  	[sflag:s25] =	ssyncadd.s32 $0xFFFFF800  }
0x6a: {  	_ =	swait.ge [sflag:s25], $0x800  }
0x6b: {  	[sflag:s25] =	ssyncset.done $0x0  }
0x6c: {  	[sflag:s25] =	ssyncadd.s32 $0xFFFFF800  }
0x6d: {  	_ =	swait.ge [sflag:s25], $0x800  }
0x6e: {  	[sflag:s25] =	ssyncset.done $0x0  }
0x6f: {  	[sflag:s25] =	ssyncadd.s32 $0xFFFFF800  }
0x70: {  	_ =	swait.ge [sflag:s25], $0x800  }
0x71: {  	[sflag:s25] =	ssyncset.done $0x0  }
0x72: {  	[sflag:s25] =	ssyncadd.s32 $0xFFFFF800  }
0x73: {  	_ =	swait.ge [sflag:s25], $0x800  }
0x74: {  	[sflag:s25] =	ssyncset.done $0x0  }
0x75: {  	[sflag:s25] =	ssyncadd.s32 $0xFFFFF800  }
0x76: {  	_ =	swait.ge [sflag:s25], $0x800  }
0x77: {  	[sflag:s25] =	ssyncset.done $0x0  }
0x78: {  	s5 =	rddreg [dreg:$0x1b];
	[sflag:s25] =	ssyncadd.s32 $0xFFFFF800  }
0x79: {  	[hbm4b:s5+s2] =	stream.linear.scatter [tilespmem:s9], [sflag:$0x3], $0x5000, $0x38;
	[tilespmem:$0xAA00] =	vst v63  }
0x7a: {  	_ =	swait.ge [sflag:s26], $0x800  }
0x7b: {  	[sflag:s26] =	ssyncset.done $0x0  }
0x7c: {  	[sflag:s26] =	ssyncadd.s32 $0xFFFFF800  }
0x7d: {  	_ =	swait.ge [sflag:s26], $0x800  }
0x7e: {  	[sflag:s26] =	ssyncset.done $0x0  }
0x7f: {  	[sflag:s26] =	ssyncadd.s32 $0xFFFFF800  }
0x80: {  	_ =	swait.ge [sflag:s26], $0x800  }
0x81: {  	[sflag:s26] =	ssyncset.done $0x0  }
0x82: {  	[sflag:s26] =	ssyncadd.s32 $0xFFFFF800  }
0x83: {  	_ =	swait.ge [sflag:s26], $0x800  }
0x84: {  	[sflag:s26] =	ssyncset.done $0x0  }
0x85: {  	[sflag:s26] =	ssyncadd.s32 $0xFFFFF800  }
0x86: {  	_ =	swait.ge [sflag:s26], $0x800  }
0x87: {  	[sflag:s26] =	ssyncset.done $0x0  }
0x88: {  	[sflag:s26] =	ssyncadd.s32 $0xFFFFF800  }
0x89: {  	_ =	swait.ge [sflag:s26], $0x800  }
0x8a: {  	[sflag:s26] =	ssyncset.done $0x0  }
0x8b: {  	[sflag:s26] =	ssyncadd.s32 $0xFFFFF800  }
0x8c: {  	_ =	swait.ge [sflag:s26], $0x800  }
0x8d: {  	[sflag:s26] =	ssyncset.done $0x0  }
0x8e: {  	[sflag:s26] =	ssyncadd.s32 $0xFFFFF800  }
0x8f: {  	_ =	swait.ge [sflag:s26], $0x800  }
0x90: {  	[sflag:s26] =	ssyncset.done $0x0  }
0x91: {  	[sflag:s26] =	ssyncadd.s32 $0xFFFFF800  }
0x92: {  	_ =	swait.ge [sflag:s26], $0x800  }
0x93: {  	s31 =	rddreg [dreg:$0x1c]  }
0x94: {  	s30 =	simm.s32 $0x140;
	s6 =	smov.u32 s31  }
.LBB2_2:
0x95: {  	[sflag:s26] =	ssyncset.done $0x0  }
0x96: {  	[sflag:s26] =	ssyncadd.s32 $0xFFFFF800  }
0x97: {  	_ =	swait.ge [sflag:s26], $0x800  }
0x98: {  	[sflag:s26] =	ssyncset.done $0x0  }
0x99: {  	[sflag:s26] =	ssyncadd.s32 $0xFFFFF800  }
0x9a: {  	[hbm4b:s31+s2] =	stream.linear.scatter [tilespmem:s11], [sflag:$0x3], $0x5000, $0x38;
	[tilespmem:$0xAA00] =	vst v63  }
0x9b: {  	_ =	swait.ge [sflag:s28], $0x5000  }
0x9c: {  	[sflag:s28] =	ssyncset.done $0x0  }
0x9d: {  	[sflag:s28] =	ssyncadd.s32 $0xFFFFB000  }
0x9e: {  	_ =	swait.ge [sflag:s28], $0x5000  }
0x9f: {  	s4 =	smov.u32 s30;
	s1 =	rddreg [dreg:$0x2];
	[sflag:s28] =	ssyncset.done $0x0  }
0xa0: {  	[sflag:s28] =	ssyncadd.s32 $0xFFFFB000;
	s1 =	sadd.s32 s4, s1  }
0xa1: {  	[tilespmem:s2], [sflag:$0x4] =	stream.linear.gather [hbm4b:s1+s2], $0x500, $0x38;
	[tilespmem:$0xAA00] =	vst v63  }
0xa2: {  	_ =	swait.ge [sflag:s7], $0x500  }
0xa3: {  	s1 =	rddreg [dreg:$0xc]  }
0xa4: {  	s0 =	rddreg [dreg:$0x7]  }
0xa5: {  	s29 =	rddreg [dreg:$0x12]  }
0xa6: {  	s12 =	rddreg [dreg:$0xe]  }
0xa7: {  	s13 =	rddreg [dreg:$0xa]  }
0xa8: {  	s14 =	rddreg [dreg:$0x5]  }
0xa9: {  	s15 =	rddreg [dreg:$0x4]  }
0xaa: {  	[sflag:s7] =	ssyncset.done $0x0;
	s16 =	rddreg [dreg:$0x8]  }
0xab: {  	s17 =	rddreg [dreg:$0x6];
	[sflag:s7] =	ssyncadd.s32 $0xFFFFFB00  }
0xac: {  	[tilespmem:s9], [sflag:$0x1] =	stream.indirect.gather [hbm4b:s3+s8], $0x10, s2, s8, $0xb8;
	[tilespmem:$0xAA00] =	vst v63  }
0xad: {  	s18 =	rddreg [dreg:$0x9]  }
0xae: {  	[tilespmem:s15], [sflag:$0x1] =	stream.indirect.gather [hbm4b:s3+s8], $0x10, s8, s8, $0xb8;
	[tilespmem:$0xAA00] =	vst v63  }
0xaf: {  	s19 =	rddreg [dreg:$0xb]  }
0xb0: {  	[tilespmem:s17], [sflag:$0x1] =	stream.indirect.gather [hbm4b:s3+s8], $0x10, s14, s8, $0xb8;
	[tilespmem:$0xAA00] =	vst v63  }
0xb1: {  	s15 =	rddreg [dreg:$0xd]  }
0xb2: {  	[tilespmem:s16], [sflag:$0x1] =	stream.indirect.gather [hbm4b:s3+s8], $0x10, s0, s8, $0xb8;
	[tilespmem:$0xAA00] =	vst v63  }
0xb3: {  	s14 =	rddreg [dreg:$0x10]  }
0xb4: {  	[tilespmem:s13], [sflag:$0x1] =	stream.indirect.gather [hbm4b:s3+s8], $0x10, s18, s8, $0xb8;
	[tilespmem:$0xAA00] =	vst v63  }
0xb5: {  	s0 =	rddreg [dreg:$0xf]  }
0xb6: {  	[tilespmem:s1], [sflag:$0x1] =	stream.indirect.gather [hbm4b:s3+s8], $0x10, s19, s8, $0xb8;
	[tilespmem:$0xAA00] =	vst v63  }
0xb7: {  	s13 =	rddreg [dreg:$0x11]  }
0xb8: {  	[tilespmem:s12], [sflag:$0x1] =	stream.indirect.gather [hbm4b:s3+s8], $0x10, s15, s8, $0xb8;
	[tilespmem:$0xAA00] =	vst v63  }
0xb9: {  	s1 =	rddreg [dreg:$0x14]  }
0xba: {  	[tilespmem:s14], [sflag:$0x1] =	stream.indirect.gather [hbm4b:s3+s8], $0x10, s0, s8, $0xb8;
	[tilespmem:$0xAA00] =	vst v63  }
0xbb: {  	s19 =	rddreg [dreg:$0x3]  }
0xbc: {  	[tilespmem:s29], [sflag:$0x1] =	stream.indirect.gather [hbm4b:s3+s8], $0x10, s13, s8, $0xb8;
	[tilespmem:$0xAA00] =	vst v63  }
0xbd: {  	s12 =	rddreg [dreg:$0x13]  }
0xbe: {  	[tilespmem:s1], [sflag:$0x1] =	stream.indirect.gather [hbm4b:s3+s8], $0x10, s12, s8, $0xb8;
	[tilespmem:$0xAA00] =	vst v63  }
0xbf: {  	s0 =	sadd.s32 s4, s19  }
0xc0: {  	[tilespmem:s10], [sflag:$0x4] =	stream.linear.gather [hbm4b:s0+s2], $0x500, $0x38;
	[tilespmem:$0xAA00] =	vst v63  }
0xc1: {  	_ =	swait.ge [sflag:s7], $0x500  }
0xc2: {  	[sflag:s7] =	ssyncset.done $0x0;
	s12 =	rddreg [dreg:$0x15]  }
0xc3: {  	s13 =	rddreg [dreg:$0x18];
	[sflag:s7] =	ssyncadd.s32 $0xFFFFFB00  }
0xc4: {  	[tilespmem:s11], [sflag:$0x2] =	stream.indirect.gather [hbm4b:s3+s8], $0x10, s10, s8, $0xb8;
	[tilespmem:$0xAA00] =	vst v63  }
0xc5: {  	s19 =	rddreg [dreg:$0x16]  }
0xc6: {  	[tilespmem:s19], [sflag:$0x2] =	stream.indirect.gather [hbm4b:s3+s8], $0x10, s12, s8, $0xb8;
	[tilespmem:$0xAA00] =	vst v63  }
0xc7: {  	s29 =	rddreg [dreg:$0x17]  }
0xc8: {  	[tilespmem:s13], [sflag:$0x2] =	stream.indirect.gather [hbm4b:s3+s8], $0x10, s29, s8, $0xb8;
	[tilespmem:$0xAA00] =	vst v63  }
0xc9: {  	s1 =	simm.s32 $0x7200;
	s0 =	rddreg [dreg:$0x19]  }
0xca: {  	[tilespmem:s1], [sflag:$0x2] =	stream.indirect.gather [hbm4b:s3+s8], $0x10, s0, s8, $0xb8;
	[tilespmem:$0xAA00] =	vst v63  }
0xcb: {  	s12 =	simm.s32 $0x700;
	s13 =	simm.s32 $0x7A00  }
0xcc: {  	[tilespmem:s13], [sflag:$0x2] =	stream.indirect.gather [hbm4b:s3+s8], $0x10, s12, s8, $0xb8;
	[tilespmem:$0xAA00] =	vst v63  }
0xcd: {  	s15 =	simm.s32 $0x8200;
	s14 =	simm.s32 $0x780  }
0xce: {  	[tilespmem:s15], [sflag:$0x2] =	stream.indirect.gather [hbm4b:s3+s8], $0x10, s14, s8, $0xb8;
	[tilespmem:$0xAA00] =	vst v63  }
0xcf: {  	s17 =	simm.s32 $0x8A00;
	s16 =	simm.s32 $0x800  }
0xd0: {  	[tilespmem:s17], [sflag:$0x2] =	stream.indirect.gather [hbm4b:s3+s8], $0x10, s16, s8, $0xb8;
	[tilespmem:$0xAA00] =	vst v63  }
0xd1: {  	s18 =	simm.s32 $0x880  }
0xd2: {  	[tilespmem:s20], [sflag:$0x2] =	stream.indirect.gather [hbm4b:s3+s8], $0x10, s18, s8, $0xb8;
	[tilespmem:$0xAA00] =	vst v63  }
0xd3: {  	_ = 	snop  }
0xd4: {  	[tilespmem:s22], [sflag:$0x2] =	stream.indirect.gather [hbm4b:s3+s8], $0x10, s21, s8, $0xb8;
	[tilespmem:$0xAA00] =	vst v63  }
0xd5: {  	_ = 	snop  }
0xd6: {  	[tilespmem:s24], [sflag:$0x2] =	stream.indirect.gather [hbm4b:s3+s8], $0x10, s23, s8, $0xb8;
	[tilespmem:$0xAA00] =	vst v63  }
0xd7: {  	_ =	swait.ge [sflag:s25], $0x800  }
0xd8: {  	[sflag:s25] =	ssyncset.done $0x0  }
0xd9: {  	[sflag:s25] =	ssyncadd.s32 $0xFFFFF800  }
0xda: {  	_ =	swait.ge [sflag:s25], $0x800  }
0xdb: {  	[sflag:s25] =	ssyncset.done $0x0  }
0xdc: {  	[sflag:s25] =	ssyncadd.s32 $0xFFFFF800  }
0xdd: {  	_ =	swait.ge [sflag:s25], $0x800  }
0xde: {  	[sflag:s25] =	ssyncset.done $0x0  }
0xdf: {  	[sflag:s25] =	ssyncadd.s32 $0xFFFFF800  }
0xe0: {  	_ =	swait.ge [sflag:s25], $0x800  }
0xe1: {  	[sflag:s25] =	ssyncset.done $0x0  }
0xe2: {  	[sflag:s25] =	ssyncadd.s32 $0xFFFFF800  }
0xe3: {  	_ =	swait.ge [sflag:s25], $0x800  }
0xe4: {  	[sflag:s25] =	ssyncset.done $0x0  }
0xe5: {  	[sflag:s25] =	ssyncadd.s32 $0xFFFFF800  }
0xe6: {  	_ =	swait.ge [sflag:s25], $0x800  }
0xe7: {  	[sflag:s25] =	ssyncset.done $0x0  }
0xe8: {  	[sflag:s25] =	ssyncadd.s32 $0xFFFFF800  }
0xe9: {  	_ =	swait.ge [sflag:s25], $0x800  }
0xea: {  	[sflag:s25] =	ssyncset.done $0x0  }
0xeb: {  	[sflag:s25] =	ssyncadd.s32 $0xFFFFF800  }
0xec: {  	_ =	swait.ge [sflag:s25], $0x800  }
0xed: {  	[sflag:s25] =	ssyncset.done $0x0  }
0xee: {  	[sflag:s25] =	ssyncadd.s32 $0xFFFFF800  }
0xef: {  	_ =	swait.ge [sflag:s25], $0x800  }
0xf0: {  	[sflag:s25] =	ssyncset.done $0x0  }
0xf1: {  	[sflag:s25] =	ssyncadd.s32 $0xFFFFF800  }
0xf2: {  	_ =	swait.ge [sflag:s25], $0x800  }
0xf3: {  	[sflag:s25] =	ssyncset.done $0x0  }
0xf4: {  	s5 =	sadd.s32 $0x1400, s5;
	[sflag:s25] =	ssyncadd.s32 $0xFFFFF800  }
0xf5: {  	[hbm4b:s5+s2] =	stream.linear.scatter [tilespmem:s9], [sflag:$0x3], $0x5000, $0x38;
	[tilespmem:$0xAA00] =	vst v63  }
0xf6: {  	_ =	swait.ge [sflag:s26], $0x800  }
0xf7: {  	[sflag:s26] =	ssyncset.done $0x0  }
0xf8: {  	[sflag:s26] =	ssyncadd.s32 $0xFFFFF800  }
0xf9: {  	_ =	swait.ge [sflag:s26], $0x800  }
0xfa: {  	[sflag:s26] =	ssyncset.done $0x0  }
0xfb: {  	[sflag:s26] =	ssyncadd.s32 $0xFFFFF800  }
0xfc: {  	_ =	swait.ge [sflag:s26], $0x800  }
0xfd: {  	[sflag:s26] =	ssyncset.done $0x0  }
0xfe: {  	[sflag:s26] =	ssyncadd.s32 $0xFFFFF800  }
0xff: {  	_ =	swait.ge [sflag:s26], $0x800  }
0x100: {  	[sflag:s26] =	ssyncset.done $0x0  }
0x101: {  	[sflag:s26] =	ssyncadd.s32 $0xFFFFF800  }
0x102: {  	_ =	swait.ge [sflag:s26], $0x800  }
0x103: {  	[sflag:s26] =	ssyncset.done $0x0  }
0x104: {  	[sflag:s26] =	ssyncadd.s32 $0xFFFFF800  }
0x105: {  	_ =	swait.ge [sflag:s26], $0x800  }
0x106: {  	[sflag:s26] =	ssyncset.done $0x0  }
0x107: {  	[sflag:s26] =	ssyncadd.s32 $0xFFFFF800  }
0x108: {  	_ =	swait.ge [sflag:s26], $0x800  }
0x109: {  	p0 =	sne.s32 s30, $0x500;
	[sflag:s26] =	ssyncset.done $0x0  }
.Ltmp0:
0x10a: {  	[sflag:s26] =	ssyncadd.s32 $0xFFFFF800;
	(pc) =	sbr.rel @p0 .LBB2_2-.Ltmp0, $4  }
0x10b: {  	_ =	swait.ge [sflag:s26], $0x800  }
0x10c: {  	[sflag:s26] =	ssyncset.done $0x0  }
0x10d: {  	s6 =	sadd.s32 $0x1400, s6;
	[sflag:s26] =	ssyncadd.s32 $0xFFFFF800  }
0x10e: {  	s30 =	sadd.s32 $0x140, s30;
	s31 =	smov.u32 s6;
	_ =	swait.ge [sflag:s26], $0x800  }
0x10f: {  	[sflag:s26] =	ssyncset.done $0x0  }
0x110: {  	[sflag:s26] =	ssyncadd.s32 $0xFFFFF800  }
0x111: {  	_ =	swait.ge [sflag:s26], $0x800  }
0x112: {  	[sflag:s26] =	ssyncset.done $0x0  }
0x113: {  	[sflag:s26] =	ssyncadd.s32 $0xFFFFF800  }
0x114: {  	[hbm4b:s31+s2] =	stream.linear.scatter [tilespmem:s11], [sflag:$0x3], $0x5000, $0x38;
	[tilespmem:$0xAA00] =	vst v63  }
0x115: {  	_ =	swait.ge [sflag:s28], $0x5000  }
0x116: {  	[sflag:s28] =	ssyncset.done $0x0  }
0x117: {  	[sflag:s28] =	ssyncadd.s32 $0xFFFFB000  }
0x118: {  	_ =	swait.ge [sflag:s28], $0x5000  }
0x119: {  	s4 =	rddreg [dreg:$0x1d]  }
0x11a: {  	s0 =	rddreg [dreg:$0x1a];
	s4 =	sadd.s32 $0x1, s4  }
0x11b: {  	p0 =	sne.s32 s4, s0  }
.Ltmp1:
0x11c: {  	_ = 	snop;
	(pc) =	sbr.rel @p0 .LBB2_1-.Ltmp1, $3  }
0x11d: {  	_ =	sdelay $0x1  }
0x11e: {  	[sflag:s28] =	ssyncset.done $0x0  }
0x11f: {  	[sflag:s28] =	ssyncadd.s32 $0xFFFFB000  }
0x120: {  	_ =	sfence.sel $0x180000  }
0x121: {  	[bflag:$0x0] =	sbarrier.arrive $0xFFFF  }
0x122: {  	_ =	strace $0x9000004A  }
0x123: {  	s0 =	stileid.u32;
	[bflag:$0x2] =	sbarrier.arrive $0xFFFF  }
0x124: {  	p0 =	sne.s32 s0, $0x0;
	s0 =	rddreg [dreg:$0x1]  }
0x125: {  	s0 =	sadd.s32 @!p0 $0x100000, s0  }
0x126: {  	[sflag:s0] =	ssyncadd.tile.s32 @!p0 $0x1;
	_ =	shalt  }
.Lfunc_end2:
_tile_overlayer_lowered:
.L_overlay_start_2:
0x127: {  	(tag) =	ssettag $0x2  }
0x128: {  	s0 =	rddreg [dreg:$0x0];
	s2 =	stileid.u32  }
0x129: {  	s1 =	rddreg [dreg:$0x1];
	p0 =	sne.s32 s2, $0x0  }
0x12a: {  	s3 =	rddreg [dreg:$0x2];
	[bflag:$0x3] =	sbarrier.arrive $0xFFFF;
	s2 =	simm.s32 @!p0 $0x1C04  }
0x12b: {  	[timem:s3], [sflag:s2] =	dma.local @!p0 [hbm:s0], s1  }
0x12c: {  	s0 =	simm.s32 @!p0 $0x4  }
0x12d: {  	_ =	swait.ge @!p0 [sflag:s0], s1  }
0x12e: {  	s1 =	ssub.s32 @!p0 $0x0, s1;
	[sflag:s0] =	ssyncset.done @!p0 $0x0  }
0x12f: {  	[sflag:s0] =	ssyncadd.s32 @!p0 s1  }
0x130: {  	[bflag:$0x3] =	sbarrier.arrive $0xFFFF  }
0x131: {  	_ =	shalt  }

// kernel: kernel.7.cloned.1.call-start
scs
__scs_entry_jumppad:
0x0: {  	(pc) =	sbr.rel $0x88, $3  }
0x1: {  	(tag) =	ssettag $0x0;
	lr =	simm.s32 $0x1  }
0x2: {  	[smem:$0x3F9B] =	sst lr;
	_ =	strace $0xD0000000  }
0x3: {  	_ = 	snop  }
0x4: {  	_ = 	snop  }
0x5: {  	_ = 	snop  }
0x6: {  	_ = 	snop  }
0x7: {  	_ = 	snop  }
__scs_overlays_trampoline_lowered:
0x8: {  	[smem:$0x3FAA] =	sst s0  }
0x9: {  	[smem:$0x3FAB] =	sst s1  }
0xa: {  	[smem:$0x3FAC] =	sst s2  }
0xb: {  	[smem:$0x3FAD] =	sst s3  }
0xc: {  	[smem:$0x3FAE] =	sst s4  }
0xd: {  	[smem:$0x3FAF] =	sst s5  }
0xe: {  	[smem:$0x3FB0] =	sst s6  }
0xf: {  	[smem:$0x3FB1] =	sst s7  }
0x10: {  	[smem:$0x3FB2] =	sst s8  }
0x11: {  	[smem:$0x3FB3] =	sst s9;
	s0 =	simm.s32 @!p0 $0x0  }
0x12: {  	s1 =	sld [smem:$0x3F99];
	s0 =	simm.s32 @p0 $0x1  }
0x13: {  	[smem:$0x3FB4] =	sst s0;
	s0 =	simm.s32 @!p1 $0x0  }
0x14: {  	s2 =	sld [smem:$0x3F98];
	s0 =	simm.s32 @p1 $0x1  }
0x15: {  	[smem:$0x3FB5] =	sst s0;
	s0 =	simm.s32 @!p2 $0x0  }
0x16: {  	s3 =	sld [smem:$0x3FDB];
	s0 =	simm.s32 @p2 $0x1  }
0x17: {  	s4 =	simm.s32 $0x1BF5;
	[smem:$0x3FB7] =	sst s0  }
0x18: {  	s0 =	sld [smem:$0x3F9A];
	_ =	swait.ge [sflag:s4], $0x0  }
0x19: {  	s7 =	sld [smem:$0x3F9B]  }
0x1a: {  	s8 =	sadd.s32 $0xFFFFE003, lr  }
0x1b: {  	s9 =	sadd.s32 $0xFFFFFEF7, lr;
	s5 =	simm.s32 $0xFFFFFFFF;
	p2 =	slt.u32 s8, $0xFFFFF086  }
0x1c: {  	p1 =	slt.u32 s9, $0xF7A;
	s5 =	simm.s32 @!p2 $0x0  }
0x1d: {  	s5 =	simm.s32 @p1 $0x1;
	p0 =	seq.s32 s7, s2  }
0x1e: {  	s7 =	smul.u32 @!p0 $0xF7A, s2;
	p2 =	seq.s32 @!p0 s5, $0x0  }
0x1f: {  	s9 =	smul.u32 $0xF7A, s1;
	s8 =	simm.s32 @!p0 $0x1BF5;
	p2 =	por !p2, p0  }
0x20: {  	[sflag:s8] =	ssyncset.s32 @!p0 $0xFFFFF086;
	s6 =	sadd.s32 @!p0 s3, s7;
	s7 =	simm.s32 @!p0 $0x108  }
0x21: {  	s3 =	sadd.s32 s3, s9;
	s6 =	sadd.s32 @!p0 $0x88, s6;
	s7 =	simm.s32 @p2 $0x1082  }
0x22: {  	[simem:s7], [sflag:s8] =	dma.local @!p0 [hbm:s6], $0xF7A  }
0x23: {  	s9 =	sor.u32 $0xD0000000, s2;
	s6 =	simm.s32 $0x108;
	_ =	swait.ge @!p0 [sflag:s8], $0x0  }
0x24: {  	s3 =	sadd.s32 $0x88, s3;
	s6 =	simm.s32 @!p1 $0x1082;
	[sflag:s4] =	ssyncset.s32 $0xFFFFF086  }
0x25: {  	[simem:s6], [sflag:s4] =	dma.local [hbm:s3], $0xF7A  }
0x26: {  	[smem:$0x3F9B] =	sst s1;
	(tag) =	ssettag s2;
	_ =	strace s9  }
0x27: {  	s1 =	sld [smem:$0x3FAB]  }
0x28: {  	s2 =	sld [smem:$0x3FAC]  }
0x29: {  	s4 =	sld [smem:$0x3FAE]  }
0x2a: {  	p0 =	seq.s32 s5, $0x0;
	s5 =	sld [smem:$0x3FAF]  }
0x2b: {  	s6 =	sld [smem:$0x3FB0]  }
0x2c: {  	s7 =	sld [smem:$0x3FB1]  }
0x2d: {  	s3 =	simm.s32 $0x108;
	s8 =	sld [smem:$0x3FB2]  }
0x2e: {  	s3 =	simm.s32 @!p0 $0x1082;
	s9 =	sld [smem:$0x3FB3]  }
0x2f: {  	lr =	sadd.s32 s0, s3;
	s0 =	sld [smem:$0x3FAA]  }
0x30: {  	s3 =	sld [smem:$0x3FAD]  }
0x31: {  	[smem:$0x3FB6] =	sst s10  }
0x32: {  	s10 =	sld [smem:$0x3FB4];
	_ =	sdelay $0x3  }
0x33: {  	p0 =	seq.s32 s10, $0x1;
	s10 =	sld [smem:$0x3FB6];
	_ =	sdelay $0x3  }
0x34: {  	[smem:$0x3FB6] =	sst s10  }
0x35: {  	s10 =	sld [smem:$0x3FB5];
	_ =	sdelay $0x3  }
0x36: {  	p1 =	seq.s32 s10, $0x1;
	s10 =	sld [smem:$0x3FB6];
	_ =	sdelay $0x3  }
0x37: {  	[smem:$0x3FB6] =	sst s10  }
0x38: {  	s10 =	sld [smem:$0x3FB7]  }
0x39: {  	_ = 	snop;
	(pc) =	sbr.ind lr, $3  }
0x3a: {  	_ = 	snop  }
0x3b: {  	_ = 	snop  }
0x3c: {  	p2 =	seq.s32 s10, $0x1;
	s10 =	sld [smem:$0x3FB6]  }
0x3d: {  	_ =	shalt  }
0x3e: {  	_ =	shalt  }
0x3f: {  	_ =	shalt  }
0x40: {  	_ =	shalt  }
0x41: {  	_ =	shalt  }
0x42: {  	_ =	shalt  }
0x43: {  	_ =	shalt  }
0x44: {  	_ =	shalt  }
0x45: {  	_ =	shalt  }
0x46: {  	_ =	shalt  }
0x47: {  	_ =	shalt  }
0x48: {  	_ =	shalt  }
0x49: {  	_ =	shalt  }
0x4a: {  	_ =	shalt  }
0x4b: {  	_ =	shalt  }
0x4c: {  	_ =	shalt  }
0x4d: {  	_ =	shalt  }
0x4e: {  	_ =	shalt  }
0x4f: {  	_ =	shalt  }
0x50: {  	_ =	shalt  }
0x51: {  	_ =	shalt  }
0x52: {  	_ =	shalt  }
0x53: {  	_ =	shalt  }
0x54: {  	_ =	shalt  }
0x55: {  	_ =	shalt  }
0x56: {  	_ =	shalt  }
0x57: {  	_ =	shalt  }
0x58: {  	_ =	shalt  }
0x59: {  	_ =	shalt  }
0x5a: {  	_ =	shalt  }
0x5b: {  	_ =	shalt  }
0x5c: {  	_ =	shalt  }
0x5d: {  	_ =	shalt  }
0x5e: {  	_ =	shalt  }
0x5f: {  	_ =	shalt  }
0x60: {  	_ =	shalt  }
0x61: {  	_ =	shalt  }
0x62: {  	_ =	shalt  }
0x63: {  	_ =	shalt  }
0x64: {  	_ =	shalt  }
0x65: {  	_ =	shalt  }
0x66: {  	_ =	shalt  }
0x67: {  	_ =	shalt  }
0x68: {  	_ =	shalt  }
0x69: {  	_ =	shalt  }
0x6a: {  	_ =	shalt  }
0x6b: {  	_ =	shalt  }
0x6c: {  	_ =	shalt  }
0x6d: {  	_ =	shalt  }
0x6e: {  	_ =	shalt  }
0x6f: {  	_ =	shalt  }
0x70: {  	_ =	shalt  }
0x71: {  	_ =	shalt  }
0x72: {  	_ =	shalt  }
0x73: {  	_ =	shalt  }
0x74: {  	_ =	shalt  }
0x75: {  	_ =	shalt  }
0x76: {  	_ =	shalt  }
0x77: {  	_ =	shalt  }
0x78: {  	_ =	shalt  }
0x79: {  	_ =	shalt  }
0x7a: {  	_ =	shalt  }
0x7b: {  	_ =	shalt  }
0x7c: {  	_ =	shalt  }
0x7d: {  	_ =	shalt  }
0x7e: {  	_ =	shalt  }
0x7f: {  	_ =	shalt  }
0x80: {  	_ =	shalt  }
0x81: {  	_ =	shalt  }
0x82: {  	_ =	shalt  }
0x83: {  	_ =	shalt  }
0x84: {  	_ =	shalt  }
0x85: {  	_ =	shalt  }
0x86: {  	_ =	shalt  }
0x87: {  	_ =	shalt  }
.Lfunc_end0:
.L_simem_size_0:
called_computation_lowered:
.L_overlay_start_0:
0x88: {  	s2 =	sld [smem:$0x3FD9]  }
0x89: {  	s3 =	sld [smem:$0x3FFE];
	_ =	sdelay $0x1  }
0x8a: {  	s1 =	srdreg.scid  }
0x8b: {  	s0 =	sand.u32 $0x1, s1  }
0x8c: {  	s16 =	sshll.u32 s0, $0xA;
	s2 =	sadd.s32 s3, s2  }
0x8d: {  	s2 =	sadd.s32 s2, s16  }
0x8e: {  	[smem:$0x3FC2] =	sst s2  }
0x8f: {  	_ = 	snop  }
0x90: {  	(tm) =	ssettm $0x1  }
0x91: {  	s17 =	sld [smem:$0x3FFB];
	_ =	sdelay $0x3  }
0x92: {  	_ =	strace s17  }
0x93: {  	s2 =	sld [smem:$0x3FFC];
	_ =	sdelay $0x3  }
0x94: {  	_ =	strace s2  }
0x95: {  	s2 =	sld [smem:$0x3FFD];
	_ =	sdelay $0x3  }
0x96: {  	_ =	strace s2  }
0x97: {  	_ =	strace $0x8FFFFFFF  }
0x98: {  	s18 =	sld [smem:$0x3FDB];
	_ =	sdelay $0x1  }
0x99: {  	s19 =	simm.s32 $_scs_section_size  }
0x9a: {  	s4 =	simm.s32 $_size__tile_overlayer_lowered;
	s5 =	simm.s32 $_tile_overlayer_lowered  }
0x9b: {  	s22 =	simm.s32 $0x1BFF;
	s21 =	sshll.u32 s5, $0x1;
	s2 =	sadd.s32 s19, s18  }
0x9c: {  	s6 =	simm.s32 $0x0;
	s20 =	sshll.u32 s4, $0x1;
	s4 =	sadd.s32 s21, s2  }
0x9d: {  	[timem:s6], [sflag:s22] =	dma.local [hbm:s4], s20  }
0x9e: {  	_ =	swait.ge [sflag:s22], s20  }
0x9f: {  	s3 =	ssub.s32 $0x0, s20;
	[sflag:s22] =	ssyncset.done $0x0  }
0xa0: {  	[sflag:s22] =	ssyncadd.s32 s3;
	_ =	sdelay $0x1  }
0xa1: {  	s23 =	simm.s32 $0x1B8B  }
0xa2: {  	_ =	swait.ge [sflag:s23], $0x1  }
0xa3: {  	[sflag:s23] =	ssyncset.done $0x0  }
0xa4: {  	s25 =	simm.s32 $0x1B8E;
	s24 =	sld [smem:$0x3FFE];
	[sflag:s23] =	ssyncadd.s32 $0xFFFFFFFF  }
0xa5: {  	s26 =	simm.s32 $execute0_lowered;
	[smem:$0x3FD2] =	sst s25  }
0xa6: {  	s4 =	sshll.u32 s26, $0x1;
	_ =	strace $0x80000046;
	[dreg:$0x1] =	wrdreg $0xFFFFFFFF  }
0xa7: {  	s28 =	simm.s32 $_size_execute0_lowered;
	s2 =	sadd.s32 s2, s4;
	[dreg:$0x0] =	wrdreg $0x0  }
0xa8: {  	s4 =	sshll.u32 s28, $0x1;
	[dreg:$0x2] =	wrdreg s2  }
0xa9: {  	[dreg:$0x3] =	wrdreg s4  }
0xaa: {  	[dreg:$0x4] =	wrdreg $0xC0  }
0xab: {  	_ =	task [dreg:s6], $0x5FFFF  }
0xac: {  	[dreg:$0x1] =	wrdreg $0xFFFFFFFF  }
0xad: {  	[dreg:$0x0] =	wrdreg $0x60  }
0xae: {  	[dreg:$0x2] =	wrdreg s24  }
0xaf: {  	[dreg:$0x3] =	wrdreg $0x9  }
0xb0: {  	_ =	task.clear_ibuf [dreg:s6], $0x4FFFF;
	_ =	strace $0x90000046  }
0xb1: {  	s29 =	simm.s32 $0x9;
	_ =	strace $0x80000048  }
0xb2: {  	_ =	swait.ge [sflag:s29], $0x1  }
0xb3: {  	[sflag:s29] =	ssyncadd.s32 $0xFFFFFFFF  }
0xb4: {  	_ =	strace $0x90000048  }
0xb5: {  	_ =	sfence  }
0xb6: {  	s30 =	sld [smem:$0x0];
	_ =	sdelay $0x2  }
0xb7: {  	s31 =	sshll.u32 s1, $0xD;
	s1 =	sshrl.u32 s1, $0x2  }
0xb8: {  	s3 =	sand.u32 $0x4000, s31;
	s1 =	sadd.s32 s1, s30  }
0xb9: {  	s0 =	sor.u32 s3, s0;
	s1 =	sshll.u32 s1, $0x11  }
0xba: {  	s0 =	sor.u32 s1, s0  }
0xbb: {  	s0 =	sadd.s32 $0x8F2B, s0  }
0xbc: {  	[sflag:s0] =	ssyncadd.remote.s32 $0x1  }
0xbd: {  	_ =	sfence.sel $0xFFFF  }
0xbe: {  	[dreg:$0x0] =	wrdreg $0xFFFFFFFF;
	(pc) =	sbr.abs _section_cstart, $3  }
0xbf: {  	[dreg:$0x1] =	wrdreg $0xFFFFFFFF  }
0xc0: {  	_ =	task.clear_ibuf [dreg:s6], $0x2FFFF;
	_ =	strace $0x9FFFFFFF  }
0xc1: {  	(tm) =	ssettm $0x7FFFFFFF  }
tec
execute0_lowered:
.L_overlay_start_1:
0x0: {  	(tag) =	ssettag $0x1  }
0x1: {  	s4 =	rddreg [dreg:$0x0];
	s2 =	simm.s32 $0x0  }
0x2: {  	s30 =	simm.s32 $0x1200;
	[smem:$0x7FF] =	sst s2  }
0x3: {  	s31 =	simm.s32 $0x100;
	_ =	strace $0x80000047;
	[dreg:$0x4] =	wrdreg s30  }
0x4: {  	s7 =	simm.s32 $0x2200;
	[dreg:$0x5] =	wrdreg s31  }
0x5: {  	s0 =	srdreg.scid;
	s9 =	simm.s32 $0x200;
	[dreg:$0x8] =	wrdreg s7  }
0x6: {  	s8 =	stileid.u32;
	s10 =	simm.s32 $0x2A00;
	[dreg:$0x9] =	wrdreg s9  }
0x7: {  	s12 =	simm.s32 $0x280;
	s13 =	simm.s32 $0x3200;
	[dreg:$0xa] =	wrdreg s10  }
0x8: {  	s14 =	simm.s32 $0x300;
	s15 =	simm.s32 $0x3A00;
	[dreg:$0xb] =	wrdreg s12  }
0x9: {  	s17 =	simm.s32 $0x380;
	s18 =	simm.s32 $0x4200;
	[dreg:$0xc] =	wrdreg s13  }
0xa: {  	s19 =	simm.s32 $0x400;
	s20 =	simm.s32 $0x4A00;
	[dreg:$0xd] =	wrdreg s14  }
0xb: {  	s22 =	simm.s32 $0x480;
	s28 =	simm.s32 $0x3;
	[dreg:$0xe] =	wrdreg s15  }
0xc: {  	s0 =	sand.u32 $0x1, s0;
	s1 =	smul.u32 $0x6400, s8;
	[dreg:$0xf] =	wrdreg s17  }
0xd: {  	s24 =	sadd.s32 $0x1BA00, s4;
	s16 =	smul.u32 $0xC800, s8;
	[dreg:$0x10] =	wrdreg s18  }
0xe: {  	s8 =	simm.s32 $0x80;
	s3 =	smul.u32 $0x3200, s0;
	[dreg:$0x11] =	wrdreg s19  }
0xf: {  	s11 =	ssub.s32 $0x2, s0;
	s0 =	smul.u32 $0x6400, s0;
	[dreg:$0x12] =	wrdreg s20  }
0x10: {  	[dreg:$0x13] =	wrdreg s22;
	s9 =	simm.s32 $0xA00;
	s10 =	simm.s32 $0x500  }
0x11: {  	s30 =	simm.s32 $0x6A00;
	s31 =	simm.s32 $0x680;
	s12 =	simm.s32 $0x700  }
0x12: {  	s13 =	simm.s32 $0x7A00;
	s14 =	simm.s32 $0x780;
	s15 =	simm.s32 $0x8200  }
0x13: {  	s17 =	simm.s32 $0x8A00;
	s18 =	simm.s32 $0x880;
	s20 =	simm.s32 $0x9200  }
0x14: {  	s22 =	simm.s32 $0x9A00;
	s7 =	sshrl.u32 s11, $0x1;
	[dreg:$0x18] =	wrdreg s30  }
0x15: {  	[dreg:$0x19] =	wrdreg s31;
	s1 =	sadd.s32 s3, s1;
	s3 =	simm.s32 $0x1A00  }
0x16: {  	s5 =	sshrl.u32 s1, $0x3;
	s6 =	sadd.s32 $0x500, s1;
	[dreg:$0x6] =	wrdreg s3  }
0x17: {  	s3 =	sadd.s32 $0x3200, s4;
	s4 =	sadd.s32 $0x28200, s4;
	s25 =	sadd.s32 s5, s24  }
0x18: {  	s26 =	sshrl.u32 s6, $0x3;
	s5 =	simm.s32 $0x180;
	[dreg:$0x2] =	wrdreg s25  }
0x19: {  	s21 =	sshll.u32 s6, $0x1;
	s29 =	sadd.s32 s26, s24;
	[dreg:$0x7] =	wrdreg s5  }
0x1a: {  	s1 =	simm.s32 $0x7200;
	s23 =	sadd.s32 s21, s4;
	[dreg:$0x3] =	wrdreg s29  }
0x1b: {  	s5 =	ssub.s32 s11, s7;
	s24 =	simm.s32 $0x5200;
	[dreg:$0x1c] =	wrdreg s23  }
0x1c: {  	s7 =	simm.s32 $0x4;
	s25 =	simm.s32 $0x580;
	[dreg:$0x14] =	wrdreg s24  }
0x1d: {  	s26 =	simm.s32 $0x6200;
	s11 =	simm.s32 $0x5A00;
	[dreg:$0x15] =	wrdreg s25  }
0x1e: {  	s21 =	simm.s32 $0x900;
	s5 =	smax.u32 s5, $0x1;
	[dreg:$0x16] =	wrdreg s26  }
0x1f: {  	s29 =	simm.s32 $0x600;
	s23 =	simm.s32 $0x980;
	s24 =	simm.s32 $0xA200  }
0x20: {  	s25 =	simm.s32 $0x1;
	[dreg:$0x1a] =	wrdreg s5;
	s5 =	sadd.s32 s16, s4  }
0x21: {  	s26 =	simm.s32 $0x2;
	[dreg:$0x17] =	wrdreg s29;
	s0 =	sadd.s32 s0, s5  }
0x22: {  	s16 =	simm.s32 $0x800;
	s4 =	simm.s32 $0x0;
	[dreg:$0x1b] =	wrdreg s0  }
.LBB2_1:
0x23: {  	s6 =	rddreg [dreg:$0x2]  }
0x24: {  	[dreg:$0x1d] =	wrdreg s4;
	s4 =	sadd.s32 $0x0, s6  }
0x25: {  	[tilespmem:s2], [sflag:$0x4] =	stream.linear.gather [hbm4b:s4+s2], $0x500, $0x38;
	[tilespmem:$0xAA00] =	vst v63  }
0x26: {  	_ =	swait.ge [sflag:s7], $0x500  }
0x27: {  	s19 =	rddreg [dreg:$0x7]  }
0x28: {  	s5 =	rddreg [dreg:$0x5]  }
0x29: {  	[sflag:s7] =	ssyncset.done $0x0;
	s6 =	rddreg [dreg:$0x4]  }
0x2a: {  	s30 =	rddreg [dreg:$0x6];
	[sflag:s7] =	ssyncadd.s32 $0xFFFFFB00  }
0x2b: {  	[tilespmem:s9], [sflag:$0x1] =	stream.indirect.gather [hbm4b:s3+s8], $0x10, s2, s8, $0xb8;
	[tilespmem:$0xAA00] =	vst v63  }
0x2c: {  	s29 =	rddreg [dreg:$0x8]  }
0x2d: {  	[tilespmem:s6], [sflag:$0x1] =	stream.indirect.gather [hbm4b:s3+s8], $0x10, s8, s8, $0xb8;
	[tilespmem:$0xAA00] =	vst v63  }
0x2e: {  	s0 =	rddreg [dreg:$0xa]  }
0x2f: {  	[tilespmem:s30], [sflag:$0x1] =	stream.indirect.gather [hbm4b:s3+s8], $0x10, s5, s8, $0xb8;
	[tilespmem:$0xAA00] =	vst v63  }
0x30: {  	s30 =	rddreg [dreg:$0x9]  }
0x31: {  	[tilespmem:s29], [sflag:$0x1] =	stream.indirect.gather [hbm4b:s3+s8], $0x10, s19, s8, $0xb8;
	[tilespmem:$0xAA00] =	vst v63  }
0x32: {  	s19 =	rddreg [dreg:$0xc]  }
0x33: {  	s29 =	rddreg [dreg:$0xb]  }
0x34: {  	[tilespmem:s0], [sflag:$0x1] =	stream.indirect.gather [hbm4b:s3+s8], $0x10, s30, s8, $0xb8;
	[tilespmem:$0xAA00] =	vst v63  }
0x35: {  	s0 =	rddreg [dreg:$0xe]  }
0x36: {  	s30 =	rddreg [dreg:$0xd]  }
0x37: {  	[tilespmem:s19], [sflag:$0x1] =	stream.indirect.gather [hbm4b:s3+s8], $0x10, s29, s8, $0xb8;
	[tilespmem:$0xAA00] =	vst v63  }
0x38: {  	s19 =	rddreg [dreg:$0x10]  }
0x39: {  	s29 =	rddreg [dreg:$0xf]  }
0x3a: {  	[tilespmem:s0], [sflag:$0x1] =	stream.indirect.gather [hbm4b:s3+s8], $0x10, s30, s8, $0xb8;
	[tilespmem:$0xAA00] =	vst v63  }
0x3b: {  	s0 =	rddreg [dreg:$0x12]  }
0x3c: {  	s30 =	rddreg [dreg:$0x11]  }
0x3d: {  	[tilespmem:s19], [sflag:$0x1] =	stream.indirect.gather [hbm4b:s3+s8], $0x10, s29, s8, $0xb8;
	[tilespmem:$0xAA00] =	vst v63  }
0x3e: {  	s19 =	rddreg [dreg:$0x14]  }
0x3f: {  	s29 =	rddreg [dreg:$0x13]  }
0x40: {  	[tilespmem:s0], [sflag:$0x1] =	stream.indirect.gather [hbm4b:s3+s8], $0x10, s30, s8, $0xb8;
	[tilespmem:$0xAA00] =	vst v63  }
0x41: {  	s0 =	rddreg [dreg:$0x3]  }
0x42: {  	[tilespmem:s19], [sflag:$0x1] =	stream.indirect.gather [hbm4b:s3+s8], $0x10, s29, s8, $0xb8;
	[tilespmem:$0xAA00] =	vst v63  }
0x43: {  	s19 =	sadd.s32 $0x0, s0  }
0x44: {  	[tilespmem:s10], [sflag:$0x4] =	stream.linear.gather [hbm4b:s19+s2], $0x500, $0x38;
	[tilespmem:$0xAA00] =	vst v63  }
0x45: {  	_ =	swait.ge [sflag:s7], $0x500  }
0x46: {  	s29 =	rddreg [dreg:$0x15];
	[sflag:s7] =	ssyncset.done $0x0  }
0x47: {  	s0 =	rddreg [dreg:$0x18];
	[sflag:s7] =	ssyncadd.s32 $0xFFFFFB00  }
0x48: {  	[tilespmem:s11], [sflag:$0x2] =	stream.indirect.gather [hbm4b:s3+s8], $0x10, s10, s8, $0xb8;
	[tilespmem:$0xAA00] =	vst v63  }
0x49: {  	s19 =	rddreg [dreg:$0x16]  }
0x4a: {  	[tilespmem:s19], [sflag:$0x2] =	stream.indirect.gather [hbm4b:s3+s8], $0x10, s29, s8, $0xb8;
	[tilespmem:$0xAA00] =	vst v63  }
0x4b: {  	s30 =	rddreg [dreg:$0x17]  }
0x4c: {  	[tilespmem:s0], [sflag:$0x2] =	stream.indirect.gather [hbm4b:s3+s8], $0x10, s30, s8, $0xb8;
	[tilespmem:$0xAA00] =	vst v63  }
0x4d: {  	s29 =	rddreg [dreg:$0x19]  }
0x4e: {  	[tilespmem:s1], [sflag:$0x2] =	stream.indirect.gather [hbm4b:s3+s8], $0x10, s29, s8, $0xb8;
	[tilespmem:$0xAA00] =	vst v63  }
0x4f: {  	_ = 	snop  }
0x50: {  	[tilespmem:s13], [sflag:$0x2] =	stream.indirect.gather [hbm4b:s3+s8], $0x10, s12, s8, $0xb8;
	[tilespmem:$0xAA00] =	vst v63  }
0x51: {  	_ = 	snop  }
0x52: {  	[tilespmem:s15], [sflag:$0x2] =	stream.indirect.gather [hbm4b:s3+s8], $0x10, s14, s8, $0xb8;
	[tilespmem:$0xAA00] =	vst v63  }
0x53: {  	_ = 	snop  }
0x54: {  	[tilespmem:s17], [sflag:$0x2] =	stream.indirect.gather [hbm4b:s3+s8], $0x10, s16, s8, $0xb8;
	[tilespmem:$0xAA00] =	vst v63  }
0x55: {  	_ = 	snop  }
0x56: {  	[tilespmem:s20], [sflag:$0x2] =	stream.indirect.gather [hbm4b:s3+s8], $0x10, s18, s8, $0xb8;
	[tilespmem:$0xAA00] =	vst v63  }
0x57: {  	_ = 	snop  }
0x58: {  	[tilespmem:s22], [sflag:$0x2] =	stream.indirect.gather [hbm4b:s3+s8], $0x10, s21, s8, $0xb8;
	[tilespmem:$0xAA00] =	vst v63  }
0x59: {  	_ = 	snop  }
0x5a: {  	[tilespmem:s24], [sflag:$0x2] =	stream.indirect.gather [hbm4b:s3+s8], $0x10, s23, s8, $0xb8;
	[tilespmem:$0xAA00] =	vst v63  }
0x5b: {  	_ =	swait.ge [sflag:s25], $0x800  }
0x5c: {  	[sflag:s25] =	ssyncset.done $0x0  }
0x5d: {  	[sflag:s25] =	ssyncadd.s32 $0xFFFFF800  }
0x5e: {  	_ =	swait.ge [sflag:s25], $0x800  }
0x5f: {  	[sflag:s25] =	ssyncset.done $0x0  }
0x60: {  	[sflag:s25] =	ssyncadd.s32 $0xFFFFF800  }
0x61: {  	_ =	swait.ge [sflag:s25], $0x800  }
0x62: {  	[sflag:s25] =	ssyncset.done $0x0  }
0x63: {  	[sflag:s25] =	ssyncadd.s32 $0xFFFFF800  }
0x64: {  	_ =	swait.ge [sflag:s25], $0x800  }
0x65: {  	[sflag:s25] =	ssyncset.done $0x0  }
0x66: {  	[sflag:s25] =	ssyncadd.s32 $0xFFFFF800  }
0x67: {  	_ =	swait.ge [sflag:s25], $0x800  }
0x68: {  	[sflag:s25] =	ssyncset.done $0x0  }
0x69: {  	[sflag:s25] =	ssyncadd.s32 $0xFFFFF800  }
0x6a: {  	_ =	swait.ge [sflag:s25], $0x800  }
0x6b: {  	[sflag:s25] =	ssyncset.done $0x0  }
0x6c: {  	[sflag:s25] =	ssyncadd.s32 $0xFFFFF800  }
0x6d: {  	_ =	swait.ge [sflag:s25], $0x800  }
0x6e: {  	[sflag:s25] =	ssyncset.done $0x0  }
0x6f: {  	[sflag:s25] =	ssyncadd.s32 $0xFFFFF800  }
0x70: {  	_ =	swait.ge [sflag:s25], $0x800  }
0x71: {  	[sflag:s25] =	ssyncset.done $0x0  }
0x72: {  	[sflag:s25] =	ssyncadd.s32 $0xFFFFF800  }
0x73: {  	_ =	swait.ge [sflag:s25], $0x800  }
0x74: {  	[sflag:s25] =	ssyncset.done $0x0  }
0x75: {  	[sflag:s25] =	ssyncadd.s32 $0xFFFFF800  }
0x76: {  	_ =	swait.ge [sflag:s25], $0x800  }
0x77: {  	[sflag:s25] =	ssyncset.done $0x0  }
0x78: {  	s5 =	rddreg [dreg:$0x1b];
	[sflag:s25] =	ssyncadd.s32 $0xFFFFF800  }
0x79: {  	[hbm4b:s5+s2] =	stream.linear.scatter [tilespmem:s9], [sflag:$0x3], $0x5000, $0x38;
	[tilespmem:$0xAA00] =	vst v63  }
0x7a: {  	_ =	swait.ge [sflag:s26], $0x800  }
0x7b: {  	[sflag:s26] =	ssyncset.done $0x0  }
0x7c: {  	[sflag:s26] =	ssyncadd.s32 $0xFFFFF800  }
0x7d: {  	_ =	swait.ge [sflag:s26], $0x800  }
0x7e: {  	[sflag:s26] =	ssyncset.done $0x0  }
0x7f: {  	[sflag:s26] =	ssyncadd.s32 $0xFFFFF800  }
0x80: {  	_ =	swait.ge [sflag:s26], $0x800  }
0x81: {  	[sflag:s26] =	ssyncset.done $0x0  }
0x82: {  	[sflag:s26] =	ssyncadd.s32 $0xFFFFF800  }
0x83: {  	_ =	swait.ge [sflag:s26], $0x800  }
0x84: {  	[sflag:s26] =	ssyncset.done $0x0  }
0x85: {  	[sflag:s26] =	ssyncadd.s32 $0xFFFFF800  }
0x86: {  	_ =	swait.ge [sflag:s26], $0x800  }
0x87: {  	[sflag:s26] =	ssyncset.done $0x0  }
0x88: {  	[sflag:s26] =	ssyncadd.s32 $0xFFFFF800  }
0x89: {  	_ =	swait.ge [sflag:s26], $0x800  }
0x8a: {  	[sflag:s26] =	ssyncset.done $0x0  }
0x8b: {  	[sflag:s26] =	ssyncadd.s32 $0xFFFFF800  }
0x8c: {  	_ =	swait.ge [sflag:s26], $0x800  }
0x8d: {  	[sflag:s26] =	ssyncset.done $0x0  }
0x8e: {  	[sflag:s26] =	ssyncadd.s32 $0xFFFFF800  }
0x8f: {  	_ =	swait.ge [sflag:s26], $0x800  }
0x90: {  	[sflag:s26] =	ssyncset.done $0x0  }
0x91: {  	[sflag:s26] =	ssyncadd.s32 $0xFFFFF800  }
0x92: {  	_ =	swait.ge [sflag:s26], $0x800  }
0x93: {  	s31 =	rddreg [dreg:$0x1c]  }
0x94: {  	s30 =	simm.s32 $0x140;
	s6 =	smov.u32 s31  }
.LBB2_2:
0x95: {  	[sflag:s26] =	ssyncset.done $0x0  }
0x96: {  	[sflag:s26] =	ssyncadd.s32 $0xFFFFF800  }
0x97: {  	_ =	swait.ge [sflag:s26], $0x800  }
0x98: {  	[sflag:s26] =	ssyncset.done $0x0  }
0x99: {  	[sflag:s26] =	ssyncadd.s32 $0xFFFFF800  }
0x9a: {  	[hbm4b:s31+s2] =	stream.linear.scatter [tilespmem:s11], [sflag:$0x3], $0x5000, $0x38;
	[tilespmem:$0xAA00] =	vst v63  }
0x9b: {  	_ =	swait.ge [sflag:s28], $0x5000  }
0x9c: {  	[sflag:s28] =	ssyncset.done $0x0  }
0x9d: {  	[sflag:s28] =	ssyncadd.s32 $0xFFFFB000  }
0x9e: {  	_ =	swait.ge [sflag:s28], $0x5000  }
0x9f: {  	s4 =	smov.u32 s30;
	s1 =	rddreg [dreg:$0x2];
	[sflag:s28] =	ssyncset.done $0x0  }
0xa0: {  	[sflag:s28] =	ssyncadd.s32 $0xFFFFB000;
	s1 =	sadd.s32 s4, s1  }
0xa1: {  	[tilespmem:s2], [sflag:$0x4] =	stream.linear.gather [hbm4b:s1+s2], $0x500, $0x38;
	[tilespmem:$0xAA00] =	vst v63  }
0xa2: {  	_ =	swait.ge [sflag:s7], $0x500  }
0xa3: {  	s1 =	rddreg [dreg:$0xc]  }
0xa4: {  	s0 =	rddreg [dreg:$0x7]  }
0xa5: {  	s29 =	rddreg [dreg:$0x12]  }
0xa6: {  	s12 =	rddreg [dreg:$0xe]  }
0xa7: {  	s13 =	rddreg [dreg:$0xa]  }
0xa8: {  	s14 =	rddreg [dreg:$0x5]  }
0xa9: {  	s15 =	rddreg [dreg:$0x4]  }
0xaa: {  	[sflag:s7] =	ssyncset.done $0x0;
	s16 =	rddreg [dreg:$0x8]  }
0xab: {  	s17 =	rddreg [dreg:$0x6];
	[sflag:s7] =	ssyncadd.s32 $0xFFFFFB00  }
0xac: {  	[tilespmem:s9], [sflag:$0x1] =	stream.indirect.gather [hbm4b:s3+s8], $0x10, s2, s8, $0xb8;
	[tilespmem:$0xAA00] =	vst v63  }
0xad: {  	s18 =	rddreg [dreg:$0x9]  }
0xae: {  	[tilespmem:s15], [sflag:$0x1] =	stream.indirect.gather [hbm4b:s3+s8], $0x10, s8, s8, $0xb8;
	[tilespmem:$0xAA00] =	vst v63  }
0xaf: {  	s19 =	rddreg [dreg:$0xb]  }
0xb0: {  	[tilespmem:s17], [sflag:$0x1] =	stream.indirect.gather [hbm4b:s3+s8], $0x10, s14, s8, $0xb8;
	[tilespmem:$0xAA00] =	vst v63  }
0xb1: {  	s15 =	rddreg [dreg:$0xd]  }
0xb2: {  	[tilespmem:s16], [sflag:$0x1] =	stream.indirect.gather [hbm4b:s3+s8], $0x10, s0, s8, $0xb8;
	[tilespmem:$0xAA00] =	vst v63  }
0xb3: {  	s14 =	rddreg [dreg:$0x10]  }
0xb4: {  	[tilespmem:s13], [sflag:$0x1] =	stream.indirect.gather [hbm4b:s3+s8], $0x10, s18, s8, $0xb8;
	[tilespmem:$0xAA00] =	vst v63  }
0xb5: {  	s0 =	rddreg [dreg:$0xf]  }
0xb6: {  	[tilespmem:s1], [sflag:$0x1] =	stream.indirect.gather [hbm4b:s3+s8], $0x10, s19, s8, $0xb8;
	[tilespmem:$0xAA00] =	vst v63  }
0xb7: {  	s13 =	rddreg [dreg:$0x11]  }
0xb8: {  	[tilespmem:s12], [sflag:$0x1] =	stream.indirect.gather [hbm4b:s3+s8], $0x10, s15, s8, $0xb8;
	[tilespmem:$0xAA00] =	vst v63  }
0xb9: {  	s1 =	rddreg [dreg:$0x14]  }
0xba: {  	[tilespmem:s14], [sflag:$0x1] =	stream.indirect.gather [hbm4b:s3+s8], $0x10, s0, s8, $0xb8;
	[tilespmem:$0xAA00] =	vst v63  }
0xbb: {  	s19 =	rddreg [dreg:$0x3]  }
0xbc: {  	[tilespmem:s29], [sflag:$0x1] =	stream.indirect.gather [hbm4b:s3+s8], $0x10, s13, s8, $0xb8;
	[tilespmem:$0xAA00] =	vst v63  }
0xbd: {  	s12 =	rddreg [dreg:$0x13]  }
0xbe: {  	[tilespmem:s1], [sflag:$0x1] =	stream.indirect.gather [hbm4b:s3+s8], $0x10, s12, s8, $0xb8;
	[tilespmem:$0xAA00] =	vst v63  }
0xbf: {  	s0 =	sadd.s32 s4, s19  }
0xc0: {  	[tilespmem:s10], [sflag:$0x4] =	stream.linear.gather [hbm4b:s0+s2], $0x500, $0x38;
	[tilespmem:$0xAA00] =	vst v63  }
0xc1: {  	_ =	swait.ge [sflag:s7], $0x500  }
0xc2: {  	[sflag:s7] =	ssyncset.done $0x0;
	s12 =	rddreg [dreg:$0x15]  }
0xc3: {  	s13 =	rddreg [dreg:$0x18];
	[sflag:s7] =	ssyncadd.s32 $0xFFFFFB00  }
0xc4: {  	[tilespmem:s11], [sflag:$0x2] =	stream.indirect.gather [hbm4b:s3+s8], $0x10, s10, s8, $0xb8;
	[tilespmem:$0xAA00] =	vst v63  }
0xc5: {  	s19 =	rddreg [dreg:$0x16]  }
0xc6: {  	[tilespmem:s19], [sflag:$0x2] =	stream.indirect.gather [hbm4b:s3+s8], $0x10, s12, s8, $0xb8;
	[tilespmem:$0xAA00] =	vst v63  }
0xc7: {  	s29 =	rddreg [dreg:$0x17]  }
0xc8: {  	[tilespmem:s13], [sflag:$0x2] =	stream.indirect.gather [hbm4b:s3+s8], $0x10, s29, s8, $0xb8;
	[tilespmem:$0xAA00] =	vst v63  }
0xc9: {  	s1 =	simm.s32 $0x7200;
	s0 =	rddreg [dreg:$0x19]  }
0xca: {  	[tilespmem:s1], [sflag:$0x2] =	stream.indirect.gather [hbm4b:s3+s8], $0x10, s0, s8, $0xb8;
	[tilespmem:$0xAA00] =	vst v63  }
0xcb: {  	s12 =	simm.s32 $0x700;
	s13 =	simm.s32 $0x7A00  }
0xcc: {  	[tilespmem:s13], [sflag:$0x2] =	stream.indirect.gather [hbm4b:s3+s8], $0x10, s12, s8, $0xb8;
	[tilespmem:$0xAA00] =	vst v63  }
0xcd: {  	s15 =	simm.s32 $0x8200;
	s14 =	simm.s32 $0x780  }
0xce: {  	[tilespmem:s15], [sflag:$0x2] =	stream.indirect.gather [hbm4b:s3+s8], $0x10, s14, s8, $0xb8;
	[tilespmem:$0xAA00] =	vst v63  }
0xcf: {  	s17 =	simm.s32 $0x8A00;
	s16 =	simm.s32 $0x800  }
0xd0: {  	[tilespmem:s17], [sflag:$0x2] =	stream.indirect.gather [hbm4b:s3+s8], $0x10, s16, s8, $0xb8;
	[tilespmem:$0xAA00] =	vst v63  }
0xd1: {  	s18 =	simm.s32 $0x880  }
0xd2: {  	[tilespmem:s20], [sflag:$0x2] =	stream.indirect.gather [hbm4b:s3+s8], $0x10, s18, s8, $0xb8;
	[tilespmem:$0xAA00] =	vst v63  }
0xd3: {  	_ = 	snop  }
0xd4: {  	[tilespmem:s22], [sflag:$0x2] =	stream.indirect.gather [hbm4b:s3+s8], $0x10, s21, s8, $0xb8;
	[tilespmem:$0xAA00] =	vst v63  }
0xd5: {  	_ = 	snop  }
0xd6: {  	[tilespmem:s24], [sflag:$0x2] =	stream.indirect.gather [hbm4b:s3+s8], $0x10, s23, s8, $0xb8;
	[tilespmem:$0xAA00] =	vst v63  }
0xd7: {  	_ =	swait.ge [sflag:s25], $0x800  }
0xd8: {  	[sflag:s25] =	ssyncset.done $0x0  }
0xd9: {  	[sflag:s25] =	ssyncadd.s32 $0xFFFFF800  }
0xda: {  	_ =	swait.ge [sflag:s25], $0x800  }
0xdb: {  	[sflag:s25] =	ssyncset.done $0x0  }
0xdc: {  	[sflag:s25] =	ssyncadd.s32 $0xFFFFF800  }
0xdd: {  	_ =	swait.ge [sflag:s25], $0x800  }
0xde: {  	[sflag:s25] =	ssyncset.done $0x0  }
0xdf: {  	[sflag:s25] =	ssyncadd.s32 $0xFFFFF800  }
0xe0: {  	_ =	swait.ge [sflag:s25], $0x800  }
0xe1: {  	[sflag:s25] =	ssyncset.done $0x0  }
0xe2: {  	[sflag:s25] =	ssyncadd.s32 $0xFFFFF800  }
0xe3: {  	_ =	swait.ge [sflag:s25], $0x800  }
0xe4: {  	[sflag:s25] =	ssyncset.done $0x0  }
0xe5: {  	[sflag:s25] =	ssyncadd.s32 $0xFFFFF800  }
0xe6: {  	_ =	swait.ge [sflag:s25], $0x800  }
0xe7: {  	[sflag:s25] =	ssyncset.done $0x0  }
0xe8: {  	[sflag:s25] =	ssyncadd.s32 $0xFFFFF800  }
0xe9: {  	_ =	swait.ge [sflag:s25], $0x800  }
0xea: {  	[sflag:s25] =	ssyncset.done $0x0  }
0xeb: {  	[sflag:s25] =	ssyncadd.s32 $0xFFFFF800  }
0xec: {  	_ =	swait.ge [sflag:s25], $0x800  }
0xed: {  	[sflag:s25] =	ssyncset.done $0x0  }
0xee: {  	[sflag:s25] =	ssyncadd.s32 $0xFFFFF800  }
0xef: {  	_ =	swait.ge [sflag:s25], $0x800  }
0xf0: {  	[sflag:s25] =	ssyncset.done $0x0  }
0xf1: {  	[sflag:s25] =	ssyncadd.s32 $0xFFFFF800  }
0xf2: {  	_ =	swait.ge [sflag:s25], $0x800  }
0xf3: {  	[sflag:s25] =	ssyncset.done $0x0  }
0xf4: {  	s5 =	sadd.s32 $0x1400, s5;
	[sflag:s25] =	ssyncadd.s32 $0xFFFFF800  }
0xf5: {  	[hbm4b:s5+s2] =	stream.linear.scatter [tilespmem:s9], [sflag:$0x3], $0x5000, $0x38;
	[tilespmem:$0xAA00] =	vst v63  }
0xf6: {  	_ =	swait.ge [sflag:s26], $0x800  }
0xf7: {  	[sflag:s26] =	ssyncset.done $0x0  }
0xf8: {  	[sflag:s26] =	ssyncadd.s32 $0xFFFFF800  }
0xf9: {  	_ =	swait.ge [sflag:s26], $0x800  }
0xfa: {  	[sflag:s26] =	ssyncset.done $0x0  }
0xfb: {  	[sflag:s26] =	ssyncadd.s32 $0xFFFFF800  }
0xfc: {  	_ =	swait.ge [sflag:s26], $0x800  }
0xfd: {  	[sflag:s26] =	ssyncset.done $0x0  }
0xfe: {  	[sflag:s26] =	ssyncadd.s32 $0xFFFFF800  }
0xff: {  	_ =	swait.ge [sflag:s26], $0x800  }
0x100: {  	[sflag:s26] =	ssyncset.done $0x0  }
0x101: {  	[sflag:s26] =	ssyncadd.s32 $0xFFFFF800  }
0x102: {  	_ =	swait.ge [sflag:s26], $0x800  }
0x103: {  	[sflag:s26] =	ssyncset.done $0x0  }
0x104: {  	[sflag:s26] =	ssyncadd.s32 $0xFFFFF800  }
0x105: {  	_ =	swait.ge [sflag:s26], $0x800  }
0x106: {  	[sflag:s26] =	ssyncset.done $0x0  }
0x107: {  	[sflag:s26] =	ssyncadd.s32 $0xFFFFF800  }
0x108: {  	_ =	swait.ge [sflag:s26], $0x800  }
0x109: {  	p0 =	sne.s32 s30, $0x500;
	[sflag:s26] =	ssyncset.done $0x0  }
.Ltmp0:
0x10a: {  	[sflag:s26] =	ssyncadd.s32 $0xFFFFF800;
	(pc) =	sbr.rel @p0 .LBB2_2-.Ltmp0, $4  }
0x10b: {  	_ =	swait.ge [sflag:s26], $0x800  }
0x10c: {  	[sflag:s26] =	ssyncset.done $0x0  }
0x10d: {  	s6 =	sadd.s32 $0x1400, s6;
	[sflag:s26] =	ssyncadd.s32 $0xFFFFF800  }
0x10e: {  	s30 =	sadd.s32 $0x140, s30;
	s31 =	smov.u32 s6;
	_ =	swait.ge [sflag:s26], $0x800  }
0x10f: {  	[sflag:s26] =	ssyncset.done $0x0  }
0x110: {  	[sflag:s26] =	ssyncadd.s32 $0xFFFFF800  }
0x111: {  	_ =	swait.ge [sflag:s26], $0x800  }
0x112: {  	[sflag:s26] =	ssyncset.done $0x0  }
0x113: {  	[sflag:s26] =	ssyncadd.s32 $0xFFFFF800  }
0x114: {  	[hbm4b:s31+s2] =	stream.linear.scatter [tilespmem:s11], [sflag:$0x3], $0x5000, $0x38;
	[tilespmem:$0xAA00] =	vst v63  }
0x115: {  	_ =	swait.ge [sflag:s28], $0x5000  }
0x116: {  	[sflag:s28] =	ssyncset.done $0x0  }
0x117: {  	[sflag:s28] =	ssyncadd.s32 $0xFFFFB000  }
0x118: {  	_ =	swait.ge [sflag:s28], $0x5000  }
0x119: {  	s4 =	rddreg [dreg:$0x1d]  }
0x11a: {  	s0 =	rddreg [dreg:$0x1a];
	s4 =	sadd.s32 $0x1, s4  }
0x11b: {  	p0 =	sne.s32 s4, s0  }
.Ltmp1:
0x11c: {  	_ = 	snop;
	(pc) =	sbr.rel @p0 .LBB2_1-.Ltmp1, $3  }
0x11d: {  	_ =	sdelay $0x1  }
0x11e: {  	[sflag:s28] =	ssyncset.done $0x0  }
0x11f: {  	[sflag:s28] =	ssyncadd.s32 $0xFFFFB000  }
0x120: {  	_ =	sfence.sel $0x180000  }
0x121: {  	[bflag:$0x0] =	sbarrier.arrive $0xFFFF  }
0x122: {  	_ =	strace $0x90000047  }
0x123: {  	s0 =	stileid.u32;
	[bflag:$0x2] =	sbarrier.arrive $0xFFFF  }
0x124: {  	p0 =	sne.s32 s0, $0x0;
	s0 =	rddreg [dreg:$0x1]  }
0x125: {  	s0 =	sadd.s32 @!p0 $0x100000, s0  }
0x126: {  	[sflag:s0] =	ssyncadd.tile.s32 @!p0 $0x1;
	_ =	shalt  }
.Lfunc_end2:
_tile_overlayer_lowered:
.L_overlay_start_2:
0x127: {  	(tag) =	ssettag $0x2  }
0x128: {  	s0 =	rddreg [dreg:$0x0];
	s2 =	stileid.u32  }
0x129: {  	s1 =	rddreg [dreg:$0x1];
	p0 =	sne.s32 s2, $0x0  }
0x12a: {  	s3 =	rddreg [dreg:$0x2];
	[bflag:$0x3] =	sbarrier.arrive $0xFFFF;
	s2 =	simm.s32 @!p0 $0x1C04  }
0x12b: {  	[timem:s3], [sflag:s2] =	dma.local @!p0 [hbm:s0], s1  }
0x12c: {  	s0 =	simm.s32 @!p0 $0x4  }
0x12d: {  	_ =	swait.ge @!p0 [sflag:s0], s1  }
0x12e: {  	s1 =	ssub.s32 @!p0 $0x0, s1;
	[sflag:s0] =	ssyncset.done @!p0 $0x0  }
0x12f: {  	[sflag:s0] =	ssyncadd.s32 @!p0 s1  }
0x130: {  	[bflag:$0x3] =	sbarrier.arrive $0xFFFF  }
0x131: {  	_ =	shalt  }

</sc_bundles>
